<compile_context>
chip_gen: v7x
topology: tpu7x:2x2x1
jax: 0.10.2.dev20260603
libtpu: 0.0.44.dev20260713+nightly
codegen_flags: <defaults>
</compile_context>

<pallas_src>
import functools

import jax
import jax.numpy as jnp
from jax import lax
from jax.experimental import pallas as pl
from jax.experimental.pallas import tpu as pltpu
from jax.experimental.pallas import tpu_sc as plsc

N = 10000
E = 320000
HID = 128
HALF = N // 2
NC = 2
NS = 16
L = 16
EC = E // NS
SUB = 2000
BATCH = 64
CAP = SUB + 2 * BATCH
CROWS = CAP // BATCH + 1
CNT_SEG = 5120
ACC_ROWS = 2 * HALF + 16
OUT_ROWS = 48

_mesh = plsc.VectorSubcoreMesh(
    core_axis_name="c", subcore_axis_name="s", num_cores=NC, num_subcores=NS)
_sc_params = pltpu.CompilerParams(needs_layout_passes=False)


def _phase_a_body(src_hbm, dst_hbm, xnt_hbm, emb_hbm,
                  sums_hbm, cntp_hbm, h_hbm,
                  xnt_v, src_v, dst_v, cxs_v, crow_v, cnt_v, gbuf,
                  acc_sh, sem0, sem1):
    c = lax.axis_index("c")
    s = lax.axis_index("s")
    cN = c * HALF
    iota = lax.iota(jnp.int32, L)
    zf = jnp.zeros((L,), jnp.float32)
    ones = jnp.ones((L,), jnp.float32)

    pltpu.sync_copy(xnt_hbm, xnt_v)

    def _zcnt(i, carry):
        for j in range(HID // L):
            cnt_v[i, pl.ds(j * L, L)] = zf
        return carry
    lax.fori_loop(0, CNT_SEG // 64, _zcnt, 0)

    def _zg(i, carry):
        for j in range(HID // L):
            gbuf[0, i, pl.ds(j * L, L)] = zf
        return carry
    lax.fori_loop(0, BATCH, _zg, 0)

    zbase = jnp.minimum(s * 632, ACC_ROWS - 640)

    def _zacc(i, carry):
        pltpu.async_copy(gbuf.at[0],
                         acc_sh.at[pl.ds(zbase + i * BATCH, BATCH)], sem1)
        return carry
    lax.fori_loop(0, 640 // BATCH, _zacc, 0)

    def _zdrain(i, carry):
        pltpu.make_async_copy(
            gbuf.at[0], acc_sh.at[pl.ds(zbase, BATCH)], sem1).wait()
        return carry
    lax.fori_loop(0, 640 // BATCH, _zdrain, 0)

    hstart = cN + jnp.minimum(s * 312, HALF - 320)

    def _hstage(g, carry):
        v = xnt_v[pl.ds(hstart + g * L, L)]
        cxs_v[pl.ds(g * L, L)] = lax.bitwise_and(v, 0x3FFF)
        return carry
    lax.fori_loop(0, 320 // L, _hstage, 0)
    for hk in range(5):
        pltpu.async_copy(emb_hbm.at[cxs_v.at[pl.ds(hk * BATCH, BATCH)]],
                         gbuf.at[hk % 2], sem0 if hk % 2 == 0 else sem1)
        if hk > 0:
            pltpu.make_async_copy(
                emb_hbm.at[pl.ds(0, BATCH)], gbuf.at[(hk - 1) % 2],
                sem0 if (hk - 1) % 2 == 0 else sem1).wait()
            pltpu.sync_copy(
                gbuf.at[(hk - 1) % 2],
                h_hbm.at[pl.ds(hstart + (hk - 1) * BATCH, BATCH)])
    pltpu.make_async_copy(emb_hbm.at[pl.ds(0, BATCH)], gbuf.at[0],
                          sem0).wait()
    pltpu.sync_copy(gbuf.at[0], h_hbm.at[pl.ds(hstart + 4 * BATCH, BATCH)])

    plsc.subcore_barrier()

    eb = s * EC

    def _segment(seg, carry):
        sub_base = eb + seg * SUB
        pltpu.sync_copy(src_hbm.at[pl.ds(sub_base, SUB)], src_v)
        pltpu.sync_copy(dst_hbm.at[pl.ds(sub_base, SUB)], dst_v)

        def _grp(g, off):
            sg = src_v[pl.ds(g * L, L)]
            dg = dst_v[pl.ds(g * L, L)]
            vs = plsc.load_gather(xnt_v, [sg])
            vd = plsc.load_gather(xnt_v, [dg])
            ts = lax.shift_right_logical(vs, 30)
            td = lax.shift_right_logical(vd, 30)
            xs = lax.bitwise_and(vs, 0x3FFF)
            et = jnp.where(ts == td, 1, 0)
            owned = jnp.where(dg >= HALF, 1, 0) == c
            dl = dg - cN
            row = et * HALF + dl
            cf = et * CNT_SEG + dl
            plsc.addupdate_scatter(
                cnt_v,
                [lax.shift_right_logical(cf, 7), lax.bitwise_and(cf, 127)],
                ones, mask=owned)
            pos = off + plsc.cumsum(owned.astype(jnp.int32)) - 1
            plsc.store_scatter(cxs_v, [pos], xs, mask=owned)
            plsc.store_scatter(
                crow_v,
                [lax.shift_right_logical(pos, 6),
                 lax.bitwise_and(pos, BATCH - 1)],
                row, mask=owned)
            return off + plsc.all_reduce_population_count(owned)

        off = plsc.parallel_loop(
            0, SUB // L, carry=jnp.zeros((L,), jnp.int32), unroll=8)(_grp)

        for pg in range(BATCH // L):
            ppos = off + pg * L + iota
            plsc.store_scatter(cxs_v, [ppos], jnp.zeros((L,), jnp.int32))
            plsc.store_scatter(
                crow_v,
                [lax.shift_right_logical(ppos, 6),
                 lax.bitwise_and(ppos, BATCH - 1)],
                2 * HALF + iota)

        ntot = jnp.max(off)
        nbk = lax.div(ntot + (BATCH - 1), BATCH)

        @pl.when(nbk > 0)
        def _():
            pltpu.async_copy(emb_hbm.at[cxs_v.at[pl.ds(0, BATCH)]],
                             gbuf.at[0], sem0)

        @pl.when(nbk > 1)
        def _():
            pltpu.async_copy(emb_hbm.at[cxs_v.at[pl.ds(BATCH, BATCH)]],
                             gbuf.at[1], sem1)

        def _fire(k, carry):
            @pl.when(lax.rem(k, 2) == 0)
            def _():
                pltpu.make_async_copy(
                    emb_hbm.at[pl.ds(0, BATCH)], gbuf.at[0], sem0).wait()
                pltpu.sync_copy(gbuf.at[0], acc_sh.at[crow_v.at[k]], add=True)

                @pl.when(k + 2 < nbk)
                def _():
                    pltpu.async_copy(
                        emb_hbm.at[cxs_v.at[pl.ds((k + 2) * BATCH, BATCH)]],
                        gbuf.at[0], sem0)

            @pl.when(lax.rem(k, 2) == 1)
            def _():
                pltpu.make_async_copy(
                    emb_hbm.at[pl.ds(0, BATCH)], gbuf.at[1], sem1).wait()
                pltpu.sync_copy(gbuf.at[1], acc_sh.at[crow_v.at[k]], add=True)

                @pl.when(k + 2 < nbk)
                def _():
                    pltpu.async_copy(
                        emb_hbm.at[cxs_v.at[pl.ds((k + 2) * BATCH, BATCH)]],
                        gbuf.at[1], sem1)
            return carry

        lax.fori_loop(0, nbk, _fire, 0)
        return carry

    lax.fori_loop(0, EC // SUB, _segment, 0)

    plsc.subcore_barrier()

    pltpu.sync_copy(cnt_v, cntp_hbm.at[pl.ds((c * NS + s) * 80, 80)])
    et_s = lax.div(s, 8)
    jj = lax.rem(s, 8)
    dl0 = jnp.minimum(jj * 632, HALF - 632)
    pltpu.sync_copy(acc_sh.at[pl.ds(et_s * HALF + dl0, 632)],
                    sums_hbm.at[pl.ds(et_s * N + cN + dl0, 632)])


_phase_a = functools.partial(
    pl.kernel,
    out_type=(
        jax.ShapeDtypeStruct((2 * N, HID), jnp.float32),
        jax.ShapeDtypeStruct((NC * NS * 80, HID), jnp.float32),
        jax.ShapeDtypeStruct((N, HID), jnp.float32),
    ),
    mesh=_mesh,
    scratch_types=[
        pltpu.VMEM((N,), jnp.int32),
        pltpu.VMEM((SUB,), jnp.int32),
        pltpu.VMEM((SUB,), jnp.int32),
        pltpu.VMEM((CAP,), jnp.int32),
        pltpu.VMEM((CROWS, BATCH), jnp.int32),
        pltpu.VMEM((40 * 2, HID), jnp.float32),
        pltpu.VMEM((2, BATCH, HID), jnp.float32),
        pltpu.VMEM_SHARED((ACC_ROWS, HID), jnp.float32),
        pltpu.SemaphoreType.DMA,
        pltpu.SemaphoreType.DMA,
    ],
    compiler_params=_sc_params,
)(_phase_a_body)


def _cnt_reduce_body(c0_ref, c1_ref, o_ref):
    o_ref[0] = jnp.sum(c0_ref[...], axis=0)
    o_ref[1] = jnp.sum(c1_ref[...], axis=0)


def _cnt_reduce(c0p, c1p):
    return pl.pallas_call(
        _cnt_reduce_body,
        out_shape=jax.ShapeDtypeStruct((2, 2 * CNT_SEG), jnp.float32),
    )(c0p, c1p)


def _phase_b_body(sums_ref, cnt_ref, h_ref, ntf_ref, w0_ref, root0_ref,
                  b0_ref, wcat_ref, badd_ref, zpack_ref):
    c0 = cnt_ref[0]
    c1 = cnt_ref[1]
    r0 = 1.0 / jnp.maximum(c0, 1.0)
    r1 = 1.0 / jnp.maximum(c1, 1.0)
    m0 = sums_ref[0] * r0
    m1 = sums_ref[1] * r1
    h = h_ref[...]
    acc = jnp.dot(m0, w0_ref[0], preferred_element_type=jnp.float32)
    acc += jnp.dot(m1, w0_ref[1], preferred_element_type=jnp.float32)
    acc += jnp.dot(h, root0_ref[...], preferred_element_type=jnp.float32)
    h1 = jnp.maximum(acc + b0_ref[...], 0.0)
    zz = jnp.dot(h1, wcat_ref[...], preferred_element_type=jnp.float32)
    col = lax.broadcasted_iota(jnp.int32, (1, 8), 1)
    e3 = (col == 3).astype(jnp.float32)
    e4 = (col == 4).astype(jnp.float32)
    e5 = (col == 5).astype(jnp.float32)
    zpack_ref[...] = (zz + badd_ref[...] + r0 * e3 + r1 * e4
                      + ntf_ref[...] * e5)


def _phase_b(sums, cnt, h, ntf, w0, root0, b0, wcat, badd):
    bn = 1000
    return pl.pallas_call(
        _phase_b_body,
        grid=(N // bn,),
        in_specs=[
            pl.BlockSpec((2, bn, HID), lambda i: (0, i, 0)),
            pl.BlockSpec((2, bn, 1), lambda i: (0, i, 0)),
            pl.BlockSpec((bn, HID), lambda i: (i, 0)),
            pl.BlockSpec((bn, 1), lambda i: (i, 0)),
            pl.BlockSpec((2, HID, HID), lambda i: (0, 0, 0)),
            pl.BlockSpec((HID, HID), lambda i: (0, 0)),
            pl.BlockSpec((1, HID), lambda i: (0, 0)),
            pl.BlockSpec((HID, 8), lambda i: (0, 0)),
            pl.BlockSpec((1, 8), lambda i: (0, 0)),
        ],
        out_specs=pl.BlockSpec((bn, 8), lambda i: (i, 0)),
        out_shape=jax.ShapeDtypeStruct((N, 8), jnp.float32),
    )(sums, cnt, h, ntf, w0, root0, b0, wcat, badd)


def _phase_c_body(src_hbm, dst_hbm, zp_hbm, outp_hbm,
                  zp_v, src_v, dst_v, out_v, oiota_v, fbuf, out_sh):
    c = lax.axis_index("c")
    s = lax.axis_index("s")
    cN = c * HALF
    iota = lax.iota(jnp.int32, L)
    zf = jnp.zeros((L,), jnp.float32)

    pltpu.sync_copy(zp_hbm, zp_v)

    def _zo(i, carry):
        for j in range(HID // L):
            out_v[i, pl.ds(j * L, L)] = zf
        return carry
    lax.fori_loop(0, OUT_ROWS, _zo, 0)

    def _oiota(i, carry):
        oiota_v[pl.ds(i * L, L)] = i * L + iota
        return carry
    lax.fori_loop(0, OUT_ROWS // L, _oiota, 0)

    @pl.when(s == 0)
    def _():
        pltpu.sync_copy(out_v, out_sh)

    plsc.subcore_barrier()

    eb = s * EC

    def _segment(seg, carry):
        sub_base = eb + seg * SUB
        pltpu.sync_copy(src_hbm.at[pl.ds(sub_base, SUB)], src_v)
        pltpu.sync_copy(dst_hbm.at[pl.ds(sub_base, SUB)], dst_v)

        def _grp(g, carry2):
            sg = src_v[pl.ds(g * L, L)]
            dg = dst_v[pl.ds(g * L, L)]
            s8 = sg * 8
            d8 = dg * 8
            ts = plsc.load_gather(zp_v, [s8 + 5])
            td = plsc.load_gather(zp_v, [d8 + 5])
            et = jnp.where(ts == td, 1, 0)
            owned = jnp.where(dg >= HALF, 1, 0) == c
            dl = dg - cN
            zsrc = plsc.load_gather(zp_v, [s8 + et])
            rdst = plsc.load_gather(
                zp_v, [jnp.where(owned, d8, 0) + 3 + et])
            val = zsrc * rdst
            plsc.addupdate_scatter(
                out_v,
                [lax.shift_right_logical(dl, 7), lax.bitwise_and(dl, 127)],
                val, mask=owned)
            return carry2

        plsc.parallel_loop(0, SUB // L, carry=jnp.int32(0), unroll=8)(_grp)
        return carry

    lax.fori_loop(0, EC // SUB, _segment, 0)

    pltpu.sync_copy(out_v, out_sh.at[oiota_v], add=True)

    plsc.subcore_barrier()

    rb = jnp.minimum(s, 4) * 8
    pltpu.sync_copy(out_sh.at[pl.ds(rb, 8)], fbuf)
    for r in range(8):
        for j in range(HID // L):
            dl = (rb + r) * HID + j * L + iota
            valid = dl < HALF
            nsafe = jnp.where(valid, cN + dl, 0)
            zb = plsc.load_gather(zp_v, [nsafe * 8 + 2])
            fbuf[r, pl.ds(j * L, L)] = (
                fbuf[r, pl.ds(j * L, L)] + jnp.where(valid, zb, 0.0))
    pltpu.sync_copy(fbuf, outp_hbm.at[pl.ds(c * OUT_ROWS + rb, 8)])


_phase_c = functools.partial(
    pl.kernel,
    out_type=jax.ShapeDtypeStruct((NC * OUT_ROWS, HID), jnp.float32),
    mesh=_mesh,
    scratch_types=[
        pltpu.VMEM((N * 8,), jnp.float32),
        pltpu.VMEM((SUB,), jnp.int32),
        pltpu.VMEM((SUB,), jnp.int32),
        pltpu.VMEM((OUT_ROWS, HID), jnp.float32),
        pltpu.VMEM((OUT_ROWS,), jnp.int32),
        pltpu.VMEM((8, HID), jnp.float32),
        pltpu.VMEM_SHARED((OUT_ROWS, HID), jnp.float32),
    ],
    compiler_params=_sc_params,
)(_phase_c_body)


def kernel(x, edge_index, node_type, emb, w0, root0, b0, w1, root1, b1):
    x = x.astype(jnp.int32)
    src = edge_index[0].astype(jnp.int32)
    dst = edge_index[1].astype(jnp.int32)
    node_type = node_type.astype(jnp.int32)
    xnt = jnp.bitwise_or(x, jnp.left_shift(node_type, 30))

    sums_flat, cntp, h = _phase_a(src, dst, xnt, emb)
    sums = sums_flat.reshape(2, N, HID)

    cp = cntp.reshape(NC, NS, 2 * CNT_SEG)
    cnt2 = _cnt_reduce(cp[0], cp[1])
    cnt0 = jnp.concatenate([cnt2[0, :HALF], cnt2[1, :HALF]])
    cnt1 = jnp.concatenate([cnt2[0, CNT_SEG:CNT_SEG + HALF],
                            cnt2[1, CNT_SEG:CNT_SEG + HALF]])
    cnt = jnp.stack([cnt0, cnt1])[:, :, None]

    wcat = jnp.concatenate(
        [w1[0], w1[1], root1, jnp.zeros((HID, 5), jnp.float32)], axis=1)
    badd = (b1[0] * (jnp.arange(8) == 2).astype(jnp.float32))[None, :]
    ntf = node_type.astype(jnp.float32)[:, None]

    zpack = _phase_b(sums, cnt, h, ntf, w0, root0, b0.reshape(1, HID),
                     wcat, badd)

    outp = _phase_c(src, dst, zpack.reshape(-1))
    o = outp.reshape(NC, OUT_ROWS * HID)
    out = jnp.concatenate([o[0, :HALF], o[1, :HALF]])[:, None]
    return out

# --- scband reference (transcript-rebuilt; emitter-appended) ---
"""Pipeline reference for scband-rgcn-26963804684788 (READ-ONLY COPY).

The authoritative reference and input builder live on the scoring server;
editing this copy changes nothing except your own understanding.
"""

import jax, jax.numpy as jnp
import numpy as np

N = 10000
E = 320000
HID = 128
R = 2
OUT = 1


def setup_inputs(seed: int = 0) -> dict:
    key = jax.random.key(seed)
    ks = jax.random.split(key, 10)
    x = jax.random.randint(ks[0], (N,), 0, N, dtype=jnp.int64) if jax.config.jax_enable_x64 else jax.random.randint(ks[0], (N,), 0, N, dtype=jnp.int32)
    edge_index = jax.random.randint(ks[1], (2, E), 0, N, dtype=jnp.int32)
    node_type = jax.random.randint(ks[2], (N,), 0, 2, dtype=jnp.int32)
    emb = jax.random.normal(ks[3], (N, HID), dtype=jnp.float32) * 0.02
    w0 = jax.random.normal(ks[4], (R, HID, HID), dtype=jnp.float32) * 0.05
    root0 = jax.random.normal(ks[5], (HID, HID), dtype=jnp.float32) * 0.05
    b0 = jnp.zeros((HID,), dtype=jnp.float32)
    w1 = jax.random.normal(ks[6], (R, HID, OUT), dtype=jnp.float32) * 0.05
    root1 = jax.random.normal(ks[7], (HID, OUT), dtype=jnp.float32) * 0.05
    b1 = jnp.zeros((OUT,), dtype=jnp.float32)
    return {"x": x, "edge_index": edge_index, "node_type": node_type,
            "emb": emb, "w0": w0, "root0": root0, "b0": b0,
            "w1": w1, "root1": root1, "b1": b1}


def _fast_rgcn_conv(h, edge_index, edge_type, weight, root, bias):
    # FastRGCNConv (PyG) with aggr='mean': per-(dst, relation) mean aggregation
    src = edge_index[0]
    dst = edge_index[1]
    x_j = h[src]                                   # [E, in] gather
    # relation-specific transform: equivalent to weight[edge_type] bmm, computed
    # for all relations then selected per edge (avoids [E,in,out] materialization)
    all_msg = jnp.einsum('ei,rio->ero', x_j, weight)  # [E, R, out]
    msg = jnp.take_along_axis(all_msg, edge_type[:, None, None], axis=1)[:, 0, :]  # [E, out]
    # mean normalization: 1 / |N_r(i)| per (dst node, relation)
    one_hot = jax.nn.one_hot(edge_type, weight.shape[0], dtype=jnp.float32)  # [E, R]
    count = jnp.zeros((h.shape[0], weight.shape[0]), dtype=jnp.float32).at[dst].add(one_hot)  # [N, R]
    norm = jnp.take_along_axis(count[dst], edge_type[:, None], axis=1)  # [E, 1]
    norm = 1.0 / jnp.maximum(norm, 1.0)
    out = jnp.zeros((h.shape[0], weight.shape[2]), dtype=jnp.float32).at[dst].add(msg * norm)  # scatter-add
    out = out + h @ root + bias
    return out


def reference(x, edge_index, node_type, emb, w0, root0, b0, w1, root1, b1):
    src = edge_index[0]
    dst = edge_index[1]
    # get_edge_type: same-type edge -> 1, else 0
    edge_type = (node_type[src] == node_type[dst]).astype(jnp.int32)
    h = emb[x]                      # nn.Embedding lookup
    h = _fast_rgcn_conv(h, edge_index, edge_type, w0, root0, b0)
    h = jax.nn.relu(h)
    h = _fast_rgcn_conv(h, edge_index, edge_type, w1, root1, b1)
    return h

if __name__ == "__main__":
    import jax
    _d = setup_inputs()
    print(jax.jit(kernel)(*tuple(_d.values())))

</pallas_src>

<mosaic_0001>
#map = affine_map<(d0, d1) -> (0)>
#map1 = affine_map<(d0, d1) -> (0, 0)>
module attributes {stable_mosaic.version = 14 : i64} {
  func.func @_phase_a_body(%arg0: i32, %arg1: i32, %arg2: memref<320000xi32, #tpu.memory_space<hbm>>, %arg3: memref<320000xi32, #tpu.memory_space<hbm>>, %arg4: memref<10000xi32, #tpu.memory_space<hbm>>, %arg5: memref<10000x128xf32, #tpu.memory_space<hbm>>, %arg6: memref<20000x128xf32, #tpu.memory_space<hbm>>, %arg7: memref<2560x128xf32, #tpu.memory_space<hbm>>, %arg8: memref<10000x128xf32, #tpu.memory_space<hbm>>, %arg9: memref<10000xi32, #tpu.memory_space<vmem>>, %arg10: memref<2000xi32, #tpu.memory_space<vmem>>, %arg11: memref<2000xi32, #tpu.memory_space<vmem>>, %arg12: memref<2128xi32, #tpu.memory_space<vmem>>, %arg13: memref<34x64xi32, #tpu.memory_space<vmem>>, %arg14: memref<80x128xf32, #tpu.memory_space<vmem>>, %arg15: memref<2x64x128xf32, #tpu.memory_space<vmem>>, %arg16: memref<10016x128xf32, #tpu.memory_space<vmem_shared>>, %arg17: memref<!tpu.dma_semaphore, #tpu.memory_space<semaphore_mem>>, %arg18: memref<!tpu.dma_semaphore, #tpu.memory_space<semaphore_mem>>) attributes {dimension_semantics = [#tpu.dimension_semantics<core_parallel>, #tpu.dimension_semantics<subcore_parallel>], iteration_bounds = array<i64: 2, 16>, scalar_prefetch = 0 : i64, scratch_operands = 10 : i64, tpu.core_type = #tpu.core_type<sc_vector_subcore>, window_params = [{transform_indices = #map}, {transform_indices = #map}, {transform_indices = #map}, {transform_indices = #map1}, {transform_indices = #map1}, {transform_indices = #map1}, {transform_indices = #map1}]} {
    %mul3A = arith.constant 5000 : i32
    %mul3A_0 = arith.muli %arg0, %mul3A : i32
    %iota3A = tpu.iota {dimensions = array<i32: 0>} : vector<16xi32>
    %broadcast_in_dim3A = arith.constant 0.000000e+00 : f32
    %broadcast_in_dim3A_1 = vector.broadcast %broadcast_in_dim3A : f32 to vector<16xf32>
    %broadcast_in_dim3A_2 = arith.constant 1.000000e+00 : f32
    %broadcast_in_dim3A_3 = vector.broadcast %broadcast_in_dim3A_2 : f32 to vector<16xf32>
    "tpu.region"() ({
      %run_scoped3A_204 = tpu.sem_alloc : memref<!tpu.dma_semaphore, #tpu.memory_space<semaphore_mem>>
      tpu.enqueue_dma source(%arg4 : memref<10000xi32, #tpu.memory_space<hbm>>) target(%arg9 : memref<10000xi32, #tpu.memory_space<vmem>>) target_semaphore(%run_scoped3A_204 : memref<!tpu.dma_semaphore, #tpu.memory_space<semaphore_mem>>)
      tpu.wait_dma2 semaphore(%run_scoped3A_204 : memref<!tpu.dma_semaphore, #tpu.memory_space<semaphore_mem>>) src(%arg4 : memref<10000xi32, #tpu.memory_space<hbm>>) dst(%arg9 : memref<10000xi32, #tpu.memory_space<vmem>>)
      tpu.yield
    }) : () -> ()
    %scan3A = arith.constant 0 : i32
    %scan3A_4 = arith.constant 0 : i32
    %scan3A_5 = arith.constant 80 : i32
    %scan3A_6 = arith.addi %scan3A_4, %scan3A_5 : i32
    %scan3A_7 = arith.constant 1 : i32
    scf.for %scan3A_204 = %scan3A_4 to %scan3A_6 step %scan3A_7  : i32 {
      %swap3A = arith.index_cast %scan3A_204 : i32 to index
      %swap3A_205 = arith.constant 0 : index
      %swap3A_206 = tpu.vector_load %arg14[%swap3A, %swap3A_205] {strides = array<i32>} : memref<80x128xf32, #tpu.memory_space<vmem>>, vector<16xf32>,
      tpu.vector_store %arg14[%swap3A, %swap3A_205], %broadcast_in_dim3A_1 {strides = array<i32>} : memref<80x128xf32, #tpu.memory_space<vmem>>, vector<16xf32>,
      %swap3A_207 = arith.index_cast %scan3A_204 : i32 to index
      %swap3A_208 = arith.constant 16 : index
      %swap3A_209 = tpu.vector_load %arg14[%swap3A_207, %swap3A_208] {strides = array<i32>} : memref<80x128xf32, #tpu.memory_space<vmem>>, vector<16xf32>,
      tpu.vector_store %arg14[%swap3A_207, %swap3A_208], %broadcast_in_dim3A_1 {strides = array<i32>} : memref<80x128xf32, #tpu.memory_space<vmem>>, vector<16xf32>,
      %swap3A_210 = arith.index_cast %scan3A_204 : i32 to index
      %swap3A_211 = arith.constant 32 : index
      %swap3A_212 = tpu.vector_load %arg14[%swap3A_210, %swap3A_211] {strides = array<i32>} : memref<80x128xf32, #tpu.memory_space<vmem>>, vector<16xf32>,
      tpu.vector_store %arg14[%swap3A_210, %swap3A_211], %broadcast_in_dim3A_1 {strides = array<i32>} : memref<80x128xf32, #tpu.memory_space<vmem>>, vector<16xf32>,
      %swap3A_213 = arith.index_cast %scan3A_204 : i32 to index
      %swap3A_214 = arith.constant 48 : index
      %swap3A_215 = tpu.vector_load %arg14[%swap3A_213, %swap3A_214] {strides = array<i32>} : memref<80x128xf32, #tpu.memory_space<vmem>>, vector<16xf32>,
      tpu.vector_store %arg14[%swap3A_213, %swap3A_214], %broadcast_in_dim3A_1 {strides = array<i32>} : memref<80x128xf32, #tpu.memory_space<vmem>>, vector<16xf32>,
      %swap3A_216 = arith.index_cast %scan3A_204 : i32 to index
      %swap3A_217 = arith.constant 64 : index
      %swap3A_218 = tpu.vector_load %arg14[%swap3A_216, %swap3A_217] {strides = array<i32>} : memref<80x128xf32, #tpu.memory_space<vmem>>, vector<16xf32>,
      tpu.vector_store %arg14[%swap3A_216, %swap3A_217], %broadcast_in_dim3A_1 {strides = array<i32>} : memref<80x128xf32, #tpu.memory_space<vmem>>, vector<16xf32>,
      %swap3A_219 = arith.index_cast %scan3A_204 : i32 to index
      %swap3A_220 = arith.constant 80 : index
      %swap3A_221 = tpu.vector_load %arg14[%swap3A_219, %swap3A_220] {strides = array<i32>} : memref<80x128xf32, #tpu.memory_space<vmem>>, vector<16xf32>,
      tpu.vector_store %arg14[%swap3A_219, %swap3A_220], %broadcast_in_dim3A_1 {strides = array<i32>} : memref<80x128xf32, #tpu.memory_space<vmem>>, vector<16xf32>,
      %swap3A_222 = arith.index_cast %scan3A_204 : i32 to index
      %swap3A_223 = arith.constant 96 : index
      %swap3A_224 = tpu.vector_load %arg14[%swap3A_222, %swap3A_223] {strides = array<i32>} : memref<80x128xf32, #tpu.memory_space<vmem>>, vector<16xf32>,
      tpu.vector_store %arg14[%swap3A_222, %swap3A_223], %broadcast_in_dim3A_1 {strides = array<i32>} : memref<80x128xf32, #tpu.memory_space<vmem>>, vector<16xf32>,
      %swap3A_225 = arith.index_cast %scan3A_204 : i32 to index
      %swap3A_226 = arith.constant 112 : index
      %swap3A_227 = tpu.vector_load %arg14[%swap3A_225, %swap3A_226] {strides = array<i32>} : memref<80x128xf32, #tpu.memory_space<vmem>>, vector<16xf32>,
      tpu.vector_store %arg14[%swap3A_225, %swap3A_226], %broadcast_in_dim3A_1 {strides = array<i32>} : memref<80x128xf32, #tpu.memory_space<vmem>>, vector<16xf32>,
    }
    %scan3A_8 = arith.constant 80 : i32
    %scan3A_9 = arith.constant 0 : i32
    %scan3A_10 = arith.constant 0 : i32
    %scan3A_11 = arith.constant 64 : i32
    %scan3A_12 = arith.addi %scan3A_10, %scan3A_11 : i32
    %scan3A_13 = arith.constant 1 : i32
    scf.for %scan3A_204 = %scan3A_10 to %scan3A_12 step %scan3A_13  : i32 {
      %swap3A = arith.constant 0 : i32
      %swap3A_205 = arith.index_cast %swap3A : i32 to index
      %swap3A_206 = arith.index_cast %scan3A_204 : i32 to index
      %swap3A_207 = arith.constant 0 : index
      %swap3A_208 = tpu.vector_load %arg15[%swap3A_205, %swap3A_206, %swap3A_207] {strides = array<i32>} : memref<2x64x128xf32, #tpu.memory_space<vmem>>, vector<16xf32>,
      tpu.vector_store %arg15[%swap3A_205, %swap3A_206, %swap3A_207], %broadcast_in_dim3A_1 {strides = array<i32>} : memref<2x64x128xf32, #tpu.memory_space<vmem>>, vector<16xf32>,
      %swap3A_209 = arith.constant 0 : i32
      %swap3A_210 = arith.index_cast %swap3A_209 : i32 to index
      %swap3A_211 = arith.index_cast %scan3A_204 : i32 to index
      %swap3A_212 = arith.constant 16 : index
      %swap3A_213 = tpu.vector_load %arg15[%swap3A_210, %swap3A_211, %swap3A_212] {strides = array<i32>} : memref<2x64x128xf32, #tpu.memory_space<vmem>>, vector<16xf32>,
      tpu.vector_store %arg15[%swap3A_210, %swap3A_211, %swap3A_212], %broadcast_in_dim3A_1 {strides = array<i32>} : memref<2x64x128xf32, #tpu.memory_space<vmem>>, vector<16xf32>,
      %swap3A_214 = arith.constant 0 : i32
      %swap3A_215 = arith.index_cast %swap3A_214 : i32 to index
      %swap3A_216 = arith.index_cast %scan3A_204 : i32 to index
      %swap3A_217 = arith.constant 32 : index
      %swap3A_218 = tpu.vector_load %arg15[%swap3A_215, %swap3A_216, %swap3A_217] {strides = array<i32>} : memref<2x64x128xf32, #tpu.memory_space<vmem>>, vector<16xf32>,
      tpu.vector_store %arg15[%swap3A_215, %swap3A_216, %swap3A_217], %broadcast_in_dim3A_1 {strides = array<i32>} : memref<2x64x128xf32, #tpu.memory_space<vmem>>, vector<16xf32>,
      %swap3A_219 = arith.constant 0 : i32
      %swap3A_220 = arith.index_cast %swap3A_219 : i32 to index
      %swap3A_221 = arith.index_cast %scan3A_204 : i32 to index
      %swap3A_222 = arith.constant 48 : index
      %swap3A_223 = tpu.vector_load %arg15[%swap3A_220, %swap3A_221, %swap3A_222] {strides = array<i32>} : memref<2x64x128xf32, #tpu.memory_space<vmem>>, vector<16xf32>,
      tpu.vector_store %arg15[%swap3A_220, %swap3A_221, %swap3A_222], %broadcast_in_dim3A_1 {strides = array<i32>} : memref<2x64x128xf32, #tpu.memory_space<vmem>>, vector<16xf32>,
      %swap3A_224 = arith.constant 0 : i32
      %swap3A_225 = arith.index_cast %swap3A_224 : i32 to index
      %swap3A_226 = arith.index_cast %scan3A_204 : i32 to index
      %swap3A_227 = arith.constant 64 : index
      %swap3A_228 = tpu.vector_load %arg15[%swap3A_225, %swap3A_226, %swap3A_227] {strides = array<i32>} : memref<2x64x128xf32, #tpu.memory_space<vmem>>, vector<16xf32>,
      tpu.vector_store %arg15[%swap3A_225, %swap3A_226, %swap3A_227], %broadcast_in_dim3A_1 {strides = array<i32>} : memref<2x64x128xf32, #tpu.memory_space<vmem>>, vector<16xf32>,
      %swap3A_229 = arith.constant 0 : i32
      %swap3A_230 = arith.index_cast %swap3A_229 : i32 to index
      %swap3A_231 = arith.index_cast %scan3A_204 : i32 to index
      %swap3A_232 = arith.constant 80 : index
      %swap3A_233 = tpu.vector_load %arg15[%swap3A_230, %swap3A_231, %swap3A_232] {strides = array<i32>} : memref<2x64x128xf32, #tpu.memory_space<vmem>>, vector<16xf32>,
      tpu.vector_store %arg15[%swap3A_230, %swap3A_231, %swap3A_232], %broadcast_in_dim3A_1 {strides = array<i32>} : memref<2x64x128xf32, #tpu.memory_space<vmem>>, vector<16xf32>,
      %swap3A_234 = arith.constant 0 : i32
      %swap3A_235 = arith.index_cast %swap3A_234 : i32 to index
      %swap3A_236 = arith.index_cast %scan3A_204 : i32 to index
      %swap3A_237 = arith.constant 96 : index
      %swap3A_238 = tpu.vector_load %arg15[%swap3A_235, %swap3A_236, %swap3A_237] {strides = array<i32>} : memref<2x64x128xf32, #tpu.memory_space<vmem>>, vector<16xf32>,
      tpu.vector_store %arg15[%swap3A_235, %swap3A_236, %swap3A_237], %broadcast_in_dim3A_1 {strides = array<i32>} : memref<2x64x128xf32, #tpu.memory_space<vmem>>, vector<16xf32>,
      %swap3A_239 = arith.constant 0 : i32
      %swap3A_240 = arith.index_cast %swap3A_239 : i32 to index
      %swap3A_241 = arith.index_cast %scan3A_204 : i32 to index
      %swap3A_242 = arith.constant 112 : index
      %swap3A_243 = tpu.vector_load %arg15[%swap3A_240, %swap3A_241, %swap3A_242] {strides = array<i32>} : memref<2x64x128xf32, #tpu.memory_space<vmem>>, vector<16xf32>,
      tpu.vector_store %arg15[%swap3A_240, %swap3A_241, %swap3A_242], %broadcast_in_dim3A_1 {strides = array<i32>} : memref<2x64x128xf32, #tpu.memory_space<vmem>>, vector<16xf32>,
    }
    %scan3A_14 = arith.constant 64 : i32
    %mul3A_15 = arith.constant 632 : i32
    %mul3A_16 = arith.muli %arg1, %mul3A_15 : i32
    %min3A = arith.constant 9376 : i32
    %min3A_17 = arith.minsi %mul3A_16, %min3A : i32
    %scan3A_18 = arith.constant 0 : i32
    %scan3A_19 = arith.constant 0 : i32
    %scan3A_20 = arith.constant 10 : i32
    %scan3A_21 = arith.addi %scan3A_19, %scan3A_20 : i32
    %scan3A_22 = arith.constant 1 : i32
    scf.for %scan3A_204 = %scan3A_19 to %scan3A_21 step %scan3A_22  : i32 {
      %mul3A_205 = arith.constant 64 : i32
      %mul3A_206 = arith.muli %scan3A_204, %mul3A_205 : i32
      %add3A_207 = arith.addi %min3A_17, %mul3A_206 : i32
      %dma_start3A_208 = arith.constant 0 : i32
      %dma_start3A_209 = arith.constant 0 : i32
      %dma_start3A_210 = arith.constant 0 : i32
      %dma_start3A_211 = tpu.memref_slice %arg15[%dma_start3A_208, %dma_start3A_209, %dma_start3A_210] : memref<2x64x128xf32, #tpu.memory_space<vmem>> -> memref<1x64x128xf32, #tpu.memory_space<vmem>>
      %dma_start3A_212 = tpu.memref_squeeze %dma_start3A_211 : memref<1x64x128xf32, #tpu.memory_space<vmem>> -> memref<64x128xf32, #tpu.memory_space<vmem>>
      %dma_start3A_213 = arith.constant 0 : i32
      %dma_start3A_214 = tpu.memref_slice %arg16[%add3A_207, %dma_start3A_213] : memref<10016x128xf32, #tpu.memory_space<vmem_shared>> -> memref<64x128xf32, #tpu.memory_space<vmem_shared>>
      %dma_start3A_215 = arith.constant 0 : i32
      %dma_start3A_216 = tpu.memref_slice %arg16[%add3A_207, %dma_start3A_215] : memref<10016x128xf32, #tpu.memory_space<vmem_shared>> -> memref<64x128xf32, #tpu.memory_space<vmem_shared>>
      %dma_start3A_217 = arith.constant 0 : i32
      %dma_start3A_218 = arith.constant 0 : i32
      %dma_start3A_219 = tpu.memref_slice %arg15[%dma_start3A_208, %dma_start3A_217, %dma_start3A_218] : memref<2x64x128xf32, #tpu.memory_space<vmem>> -> memref<1x64x128xf32, #tpu.memory_space<vmem>>
      %dma_start3A_220 = tpu.memref_squeeze %dma_start3A_219 : memref<1x64x128xf32, #tpu.memory_space<vmem>> -> memref<64x128xf32, #tpu.memory_space<vmem>>
      tpu.enqueue_dma source(%dma_start3A_220 : memref<64x128xf32, #tpu.memory_space<vmem>>) target(%dma_start3A_216 : memref<64x128xf32, #tpu.memory_space<vmem_shared>>) target_semaphore(%arg18 : memref<!tpu.dma_semaphore, #tpu.memory_space<semaphore_mem>>)
    }
    %scan3A_23 = arith.constant 10 : i32
    %scan3A_24 = arith.constant 0 : i32
    %scan3A_25 = arith.constant 0 : i32
    %scan3A_26 = arith.constant 10 : i32
    %scan3A_27 = arith.addi %scan3A_25, %scan3A_26 : i32
    %scan3A_28 = arith.constant 1 : i32
    scf.for %scan3A_204 = %scan3A_25 to %scan3A_27 step %scan3A_28  : i32 {
      %dma_wait3A_205 = arith.constant 0 : i32
      %dma_wait3A_206 = arith.constant 0 : i32
      %dma_wait3A_207 = arith.constant 0 : i32
      %dma_wait3A_208 = tpu.memref_slice %arg15[%dma_wait3A_205, %dma_wait3A_206, %dma_wait3A_207] : memref<2x64x128xf32, #tpu.memory_space<vmem>> -> memref<1x64x128xf32, #tpu.memory_space<vmem>>
      %dma_wait3A_209 = tpu.memref_squeeze %dma_wait3A_208 : memref<1x64x128xf32, #tpu.memory_space<vmem>> -> memref<64x128xf32, #tpu.memory_space<vmem>>
      %dma_wait3A_210 = arith.constant 0 : i32
      %dma_wait3A_211 = tpu.memref_slice %arg16[%min3A_17, %dma_wait3A_210] : memref<10016x128xf32, #tpu.memory_space<vmem_shared>> -> memref<64x128xf32, #tpu.memory_space<vmem_shared>>
      %dma_wait3A_212 = arith.constant 0 : i32
      %dma_wait3A_213 = tpu.memref_slice %arg16[%min3A_17, %dma_wait3A_212] : memref<10016x128xf32, #tpu.memory_space<vmem_shared>> -> memref<64x128xf32, #tpu.memory_space<vmem_shared>>
      %dma_wait3A_214 = arith.constant 0 : i32
      %dma_wait3A_215 = arith.constant 0 : i32
      %dma_wait3A_216 = tpu.memref_slice %arg15[%dma_wait3A_205, %dma_wait3A_214, %dma_wait3A_215] : memref<2x64x128xf32, #tpu.memory_space<vmem>> -> memref<1x64x128xf32, #tpu.memory_space<vmem>>
      %dma_wait3A_217 = tpu.memref_squeeze %dma_wait3A_216 : memref<1x64x128xf32, #tpu.memory_space<vmem>> -> memref<64x128xf32, #tpu.memory_space<vmem>>
      tpu.wait_dma2 semaphore(%arg18 : memref<!tpu.dma_semaphore, #tpu.memory_space<semaphore_mem>>) src(%dma_wait3A_217 : memref<64x128xf32, #tpu.memory_space<vmem>>) dst(%dma_wait3A_213 : memref<64x128xf32, #tpu.memory_space<vmem_shared>>)
    }
    %scan3A_29 = arith.constant 10 : i32
    %mul3A_30 = arith.constant 312 : i32
    %mul3A_31 = arith.muli %arg1, %mul3A_30 : i32
    %min3A_32 = arith.constant 4680 : i32
    %min3A_33 = arith.minsi %mul3A_31, %min3A_32 : i32
    %add3A = arith.addi %mul3A_0, %min3A_33 : i32
    %scan3A_34 = arith.constant 0 : i32
    %scan3A_35 = arith.constant 0 : i32
    %scan3A_36 = arith.constant 20 : i32
    %scan3A_37 = arith.addi %scan3A_35, %scan3A_36 : i32
    %scan3A_38 = arith.constant 1 : i32
    scf.for %scan3A_204 = %scan3A_35 to %scan3A_37 step %scan3A_38  : i32 {
      %mul3A_205 = arith.constant 16 : i32
      %mul3A_206 = arith.muli %scan3A_204, %mul3A_205 : i32
      %add3A_207 = arith.addi %add3A, %mul3A_206 : i32
      %get3A = arith.index_cast %add3A_207 : i32 to index
      %get3A_208 = tpu.vector_load %arg9[%get3A] {strides = array<i32>} : memref<10000xi32, #tpu.memory_space<vmem>>, vector<16xi32>,
      %and3A = arith.constant 16383 : i32
      %and3A_209 = vector.broadcast %and3A : i32 to vector<16xi32>
      %and3A_210 = arith.andi %get3A_208, %and3A_209 : vector<16xi32>
      %mul3A_211 = arith.constant 16 : i32
      %mul3A_212 = arith.muli %scan3A_204, %mul3A_211 : i32
      %swap3A = arith.index_cast %mul3A_212 : i32 to index
      %swap3A_213 = tpu.vector_load %arg12[%swap3A] {strides = array<i32>} : memref<2128xi32, #tpu.memory_space<vmem>>, vector<16xi32>,
      tpu.vector_store %arg12[%swap3A], %and3A_210 {strides = array<i32>} : memref<2128xi32, #tpu.memory_space<vmem>>, vector<16xi32>,
    }
    %scan3A_39 = arith.constant 20 : i32
    %dma_start3A = arith.constant 0 : i32
    %dma_start3A_40 = arith.constant 0 : i32
    %dma_start3A_41 = arith.constant 0 : i32
    %dma_start3A_42 = tpu.memref_slice %arg15[%dma_start3A, %dma_start3A_40, %dma_start3A_41] : memref<2x64x128xf32, #tpu.memory_space<vmem>> -> memref<1x64x128xf32, #tpu.memory_space<vmem>>
    %dma_start3A_43 = tpu.memref_squeeze %dma_start3A_42 : memref<1x64x128xf32, #tpu.memory_space<vmem>> -> memref<64x128xf32, #tpu.memory_space<vmem>>
    %dma_start3A_44 = arith.constant 0 : i32
    %dma_start3A_45 = tpu.memref_slice %arg12[%dma_start3A_44] : memref<2128xi32, #tpu.memory_space<vmem>> -> memref<64xi32, #tpu.memory_space<vmem>>
    %dma_start3A_46 = arith.constant 0 : i32
    %dma_start3A_47 = arith.constant 0 : i32
    %dma_start3A_48 = tpu.memref_slice %arg5[%dma_start3A_46, %dma_start3A_47] : memref<10000x128xf32, #tpu.memory_space<hbm>> -> memref<10000x128xf32, #tpu.memory_space<hbm>>
    tpu.enqueue_indirect_dma source(%dma_start3A_48 : memref<10000x128xf32, #tpu.memory_space<hbm>>) target(%dma_start3A_43 : memref<64x128xf32, #tpu.memory_space<vmem>>) offsets(%dma_start3A_45 : memref<64xi32, #tpu.memory_space<vmem>>) semaphore(%arg17 : memref<!tpu.dma_semaphore, #tpu.memory_space<semaphore_mem>>)
    %dma_start3A_49 = arith.constant 1 : i32
    %dma_start3A_50 = arith.constant 0 : i32
    %dma_start3A_51 = arith.constant 0 : i32
    %dma_start3A_52 = tpu.memref_slice %arg15[%dma_start3A_49, %dma_start3A_50, %dma_start3A_51] : memref<2x64x128xf32, #tpu.memory_space<vmem>> -> memref<1x64x128xf32, #tpu.memory_space<vmem>>
    %dma_start3A_53 = tpu.memref_squeeze %dma_start3A_52 : memref<1x64x128xf32, #tpu.memory_space<vmem>> -> memref<64x128xf32, #tpu.memory_space<vmem>>
    %dma_start3A_54 = arith.constant 64 : i32
    %dma_start3A_55 = tpu.memref_slice %arg12[%dma_start3A_54] : memref<2128xi32, #tpu.memory_space<vmem>> -> memref<64xi32, #tpu.memory_space<vmem>>
    %dma_start3A_56 = arith.constant 0 : i32
    %dma_start3A_57 = arith.constant 0 : i32
    %dma_start3A_58 = tpu.memref_slice %arg5[%dma_start3A_56, %dma_start3A_57] : memref<10000x128xf32, #tpu.memory_space<hbm>> -> memref<10000x128xf32, #tpu.memory_space<hbm>>
    tpu.enqueue_indirect_dma source(%dma_start3A_58 : memref<10000x128xf32, #tpu.memory_space<hbm>>) target(%dma_start3A_53 : memref<64x128xf32, #tpu.memory_space<vmem>>) offsets(%dma_start3A_55 : memref<64xi32, #tpu.memory_space<vmem>>) semaphore(%arg18 : memref<!tpu.dma_semaphore, #tpu.memory_space<semaphore_mem>>)
    %dma_wait3A = arith.constant 0 : i32
    %dma_wait3A_59 = arith.constant 0 : i32
    %dma_wait3A_60 = arith.constant 0 : i32
    %dma_wait3A_61 = tpu.memref_slice %arg15[%dma_wait3A, %dma_wait3A_59, %dma_wait3A_60] : memref<2x64x128xf32, #tpu.memory_space<vmem>> -> memref<1x64x128xf32, #tpu.memory_space<vmem>>
    %dma_wait3A_62 = tpu.memref_squeeze %dma_wait3A_61 : memref<1x64x128xf32, #tpu.memory_space<vmem>> -> memref<64x128xf32, #tpu.memory_space<vmem>>
    %dma_wait3A_63 = arith.constant 0 : i32
    %dma_wait3A_64 = arith.constant 0 : i32
    %dma_wait3A_65 = tpu.memref_slice %arg5[%dma_wait3A_63, %dma_wait3A_64] : memref<10000x128xf32, #tpu.memory_space<hbm>> -> memref<64x128xf32, #tpu.memory_space<hbm>>
    %dma_wait3A_66 = arith.constant 0 : i32
    %dma_wait3A_67 = arith.constant 0 : i32
    %dma_wait3A_68 = tpu.memref_slice %arg15[%dma_wait3A, %dma_wait3A_66, %dma_wait3A_67] : memref<2x64x128xf32, #tpu.memory_space<vmem>> -> memref<1x64x128xf32, #tpu.memory_space<vmem>>
    %dma_wait3A_69 = tpu.memref_squeeze %dma_wait3A_68 : memref<1x64x128xf32, #tpu.memory_space<vmem>> -> memref<64x128xf32, #tpu.memory_space<vmem>>
    %dma_wait3A_70 = arith.constant 0 : i32
    %dma_wait3A_71 = arith.constant 0 : i32
    %dma_wait3A_72 = tpu.memref_slice %arg5[%dma_wait3A_70, %dma_wait3A_71] : memref<10000x128xf32, #tpu.memory_space<hbm>> -> memref<64x128xf32, #tpu.memory_space<hbm>>
    tpu.wait_dma2 semaphore(%arg17 : memref<!tpu.dma_semaphore, #tpu.memory_space<semaphore_mem>>) src(%dma_wait3A_72 : memref<64x128xf32, #tpu.memory_space<hbm>>) dst(%dma_wait3A_69 : memref<64x128xf32, #tpu.memory_space<vmem>>)
    %add3A_73 = arith.constant 0 : i32
    %add3A_74 = arith.addi %add3A, %add3A_73 : i32
    %run_scoped3A = arith.constant 0 : i32
    "tpu.region"() ({
      %run_scoped3A_204 = tpu.sem_alloc : memref<!tpu.dma_semaphore, #tpu.memory_space<semaphore_mem>>
      %dma_start3A_205 = arith.constant 0 : i32
      %dma_start3A_206 = arith.constant 0 : i32
      %dma_start3A_207 = tpu.memref_slice %arg15[%run_scoped3A, %dma_start3A_205, %dma_start3A_206] : memref<2x64x128xf32, #tpu.memory_space<vmem>> -> memref<1x64x128xf32, #tpu.memory_space<vmem>>
      %dma_start3A_208 = tpu.memref_squeeze %dma_start3A_207 : memref<1x64x128xf32, #tpu.memory_space<vmem>> -> memref<64x128xf32, #tpu.memory_space<vmem>>
      %dma_start3A_209 = arith.constant 0 : i32
      %dma_start3A_210 = tpu.memref_slice %arg8[%add3A_74, %dma_start3A_209] : memref<10000x128xf32, #tpu.memory_space<hbm>> -> memref<64x128xf32, #tpu.memory_space<hbm>>
      %dma_start3A_211 = arith.constant 0 : i32
      %dma_start3A_212 = tpu.memref_slice %arg8[%add3A_74, %dma_start3A_211] : memref<10000x128xf32, #tpu.memory_space<hbm>> -> memref<64x128xf32, #tpu.memory_space<hbm>>
      %dma_start3A_213 = arith.constant 0 : i32
      %dma_start3A_214 = arith.constant 0 : i32
      %dma_start3A_215 = tpu.memref_slice %arg15[%run_scoped3A, %dma_start3A_213, %dma_start3A_214] : memref<2x64x128xf32, #tpu.memory_space<vmem>> -> memref<1x64x128xf32, #tpu.memory_space<vmem>>
      %dma_start3A_216 = tpu.memref_squeeze %dma_start3A_215 : memref<1x64x128xf32, #tpu.memory_space<vmem>> -> memref<64x128xf32, #tpu.memory_space<vmem>>
      tpu.enqueue_dma source(%dma_start3A_216 : memref<64x128xf32, #tpu.memory_space<vmem>>) target(%dma_start3A_212 : memref<64x128xf32, #tpu.memory_space<hbm>>) target_semaphore(%run_scoped3A_204 : memref<!tpu.dma_semaphore, #tpu.memory_space<semaphore_mem>>)
      %dma_wait3A_217 = arith.constant 0 : i32
      %dma_wait3A_218 = arith.constant 0 : i32
      %dma_wait3A_219 = tpu.memref_slice %arg15[%run_scoped3A, %dma_wait3A_217, %dma_wait3A_218] : memref<2x64x128xf32, #tpu.memory_space<vmem>> -> memref<1x64x128xf32, #tpu.memory_space<vmem>>
      %dma_wait3A_220 = tpu.memref_squeeze %dma_wait3A_219 : memref<1x64x128xf32, #tpu.memory_space<vmem>> -> memref<64x128xf32, #tpu.memory_space<vmem>>
      %dma_wait3A_221 = arith.constant 0 : i32
      %dma_wait3A_222 = tpu.memref_slice %arg8[%add3A_74, %dma_wait3A_221] : memref<10000x128xf32, #tpu.memory_space<hbm>> -> memref<64x128xf32, #tpu.memory_space<hbm>>
      %dma_wait3A_223 = arith.constant 0 : i32
      %dma_wait3A_224 = tpu.memref_slice %arg8[%add3A_74, %dma_wait3A_223] : memref<10000x128xf32, #tpu.memory_space<hbm>> -> memref<64x128xf32, #tpu.memory_space<hbm>>
      %dma_wait3A_225 = arith.constant 0 : i32
      %dma_wait3A_226 = arith.constant 0 : i32
      %dma_wait3A_227 = tpu.memref_slice %arg15[%run_scoped3A, %dma_wait3A_225, %dma_wait3A_226] : memref<2x64x128xf32, #tpu.memory_space<vmem>> -> memref<1x64x128xf32, #tpu.memory_space<vmem>>
      %dma_wait3A_228 = tpu.memref_squeeze %dma_wait3A_227 : memref<1x64x128xf32, #tpu.memory_space<vmem>> -> memref<64x128xf32, #tpu.memory_space<vmem>>
      tpu.wait_dma2 semaphore(%run_scoped3A_204 : memref<!tpu.dma_semaphore, #tpu.memory_space<semaphore_mem>>) src(%dma_wait3A_228 : memref<64x128xf32, #tpu.memory_space<vmem>>) dst(%dma_wait3A_224 : memref<64x128xf32, #tpu.memory_space<hbm>>)
      tpu.yield
    }) : () -> ()
    %dma_start3A_75 = arith.constant 0 : i32
    %dma_start3A_76 = arith.constant 0 : i32
    %dma_start3A_77 = arith.constant 0 : i32
    %dma_start3A_78 = tpu.memref_slice %arg15[%dma_start3A_75, %dma_start3A_76, %dma_start3A_77] : memref<2x64x128xf32, #tpu.memory_space<vmem>> -> memref<1x64x128xf32, #tpu.memory_space<vmem>>
    %dma_start3A_79 = tpu.memref_squeeze %dma_start3A_78 : memref<1x64x128xf32, #tpu.memory_space<vmem>> -> memref<64x128xf32, #tpu.memory_space<vmem>>
    %dma_start3A_80 = arith.constant 128 : i32
    %dma_start3A_81 = tpu.memref_slice %arg12[%dma_start3A_80] : memref<2128xi32, #tpu.memory_space<vmem>> -> memref<64xi32, #tpu.memory_space<vmem>>
    %dma_start3A_82 = arith.constant 0 : i32
    %dma_start3A_83 = arith.constant 0 : i32
    %dma_start3A_84 = tpu.memref_slice %arg5[%dma_start3A_82, %dma_start3A_83] : memref<10000x128xf32, #tpu.memory_space<hbm>> -> memref<10000x128xf32, #tpu.memory_space<hbm>>
    tpu.enqueue_indirect_dma source(%dma_start3A_84 : memref<10000x128xf32, #tpu.memory_space<hbm>>) target(%dma_start3A_79 : memref<64x128xf32, #tpu.memory_space<vmem>>) offsets(%dma_start3A_81 : memref<64xi32, #tpu.memory_space<vmem>>) semaphore(%arg17 : memref<!tpu.dma_semaphore, #tpu.memory_space<semaphore_mem>>)
    %dma_wait3A_85 = arith.constant 1 : i32
    %dma_wait3A_86 = arith.constant 0 : i32
    %dma_wait3A_87 = arith.constant 0 : i32
    %dma_wait3A_88 = tpu.memref_slice %arg15[%dma_wait3A_85, %dma_wait3A_86, %dma_wait3A_87] : memref<2x64x128xf32, #tpu.memory_space<vmem>> -> memref<1x64x128xf32, #tpu.memory_space<vmem>>
    %dma_wait3A_89 = tpu.memref_squeeze %dma_wait3A_88 : memref<1x64x128xf32, #tpu.memory_space<vmem>> -> memref<64x128xf32, #tpu.memory_space<vmem>>
    %dma_wait3A_90 = arith.constant 0 : i32
    %dma_wait3A_91 = arith.constant 0 : i32
    %dma_wait3A_92 = tpu.memref_slice %arg5[%dma_wait3A_90, %dma_wait3A_91] : memref<10000x128xf32, #tpu.memory_space<hbm>> -> memref<64x128xf32, #tpu.memory_space<hbm>>
    %dma_wait3A_93 = arith.constant 0 : i32
    %dma_wait3A_94 = arith.constant 0 : i32
    %dma_wait3A_95 = tpu.memref_slice %arg15[%dma_wait3A_85, %dma_wait3A_93, %dma_wait3A_94] : memref<2x64x128xf32, #tpu.memory_space<vmem>> -> memref<1x64x128xf32, #tpu.memory_space<vmem>>
    %dma_wait3A_96 = tpu.memref_squeeze %dma_wait3A_95 : memref<1x64x128xf32, #tpu.memory_space<vmem>> -> memref<64x128xf32, #tpu.memory_space<vmem>>
    %dma_wait3A_97 = arith.constant 0 : i32
    %dma_wait3A_98 = arith.constant 0 : i32
    %dma_wait3A_99 = tpu.memref_slice %arg5[%dma_wait3A_97, %dma_wait3A_98] : memref<10000x128xf32, #tpu.memory_space<hbm>> -> memref<64x128xf32, #tpu.memory_space<hbm>>
    tpu.wait_dma2 semaphore(%arg18 : memref<!tpu.dma_semaphore, #tpu.memory_space<semaphore_mem>>) src(%dma_wait3A_99 : memref<64x128xf32, #tpu.memory_space<hbm>>) dst(%dma_wait3A_96 : memref<64x128xf32, #tpu.memory_space<vmem>>)
    %add3A_100 = arith.constant 64 : i32
    %add3A_101 = arith.addi %add3A, %add3A_100 : i32
    %run_scoped3A_102 = arith.constant 1 : i32
    "tpu.region"() ({
      %run_scoped3A_204 = tpu.sem_alloc : memref<!tpu.dma_semaphore, #tpu.memory_space<semaphore_mem>>
      %dma_start3A_205 = arith.constant 0 : i32
      %dma_start3A_206 = arith.constant 0 : i32
      %dma_start3A_207 = tpu.memref_slice %arg15[%run_scoped3A_102, %dma_start3A_205, %dma_start3A_206] : memref<2x64x128xf32, #tpu.memory_space<vmem>> -> memref<1x64x128xf32, #tpu.memory_space<vmem>>
      %dma_start3A_208 = tpu.memref_squeeze %dma_start3A_207 : memref<1x64x128xf32, #tpu.memory_space<vmem>> -> memref<64x128xf32, #tpu.memory_space<vmem>>
      %dma_start3A_209 = arith.constant 0 : i32
      %dma_start3A_210 = tpu.memref_slice %arg8[%add3A_101, %dma_start3A_209] : memref<10000x128xf32, #tpu.memory_space<hbm>> -> memref<64x128xf32, #tpu.memory_space<hbm>>
      %dma_start3A_211 = arith.constant 0 : i32
      %dma_start3A_212 = tpu.memref_slice %arg8[%add3A_101, %dma_start3A_211] : memref<10000x128xf32, #tpu.memory_space<hbm>> -> memref<64x128xf32, #tpu.memory_space<hbm>>
      %dma_start3A_213 = arith.constant 0 : i32
      %dma_start3A_214 = arith.constant 0 : i32
      %dma_start3A_215 = tpu.memref_slice %arg15[%run_scoped3A_102, %dma_start3A_213, %dma_start3A_214] : memref<2x64x128xf32, #tpu.memory_space<vmem>> -> memref<1x64x128xf32, #tpu.memory_space<vmem>>
      %dma_start3A_216 = tpu.memref_squeeze %dma_start3A_215 : memref<1x64x128xf32, #tpu.memory_space<vmem>> -> memref<64x128xf32, #tpu.memory_space<vmem>>
      tpu.enqueue_dma source(%dma_start3A_216 : memref<64x128xf32, #tpu.memory_space<vmem>>) target(%dma_start3A_212 : memref<64x128xf32, #tpu.memory_space<hbm>>) target_semaphore(%run_scoped3A_204 : memref<!tpu.dma_semaphore, #tpu.memory_space<semaphore_mem>>)
      %dma_wait3A_217 = arith.constant 0 : i32
      %dma_wait3A_218 = arith.constant 0 : i32
      %dma_wait3A_219 = tpu.memref_slice %arg15[%run_scoped3A_102, %dma_wait3A_217, %dma_wait3A_218] : memref<2x64x128xf32, #tpu.memory_space<vmem>> -> memref<1x64x128xf32, #tpu.memory_space<vmem>>
      %dma_wait3A_220 = tpu.memref_squeeze %dma_wait3A_219 : memref<1x64x128xf32, #tpu.memory_space<vmem>> -> memref<64x128xf32, #tpu.memory_space<vmem>>
      %dma_wait3A_221 = arith.constant 0 : i32
      %dma_wait3A_222 = tpu.memref_slice %arg8[%add3A_101, %dma_wait3A_221] : memref<10000x128xf32, #tpu.memory_space<hbm>> -> memref<64x128xf32, #tpu.memory_space<hbm>>
      %dma_wait3A_223 = arith.constant 0 : i32
      %dma_wait3A_224 = tpu.memref_slice %arg8[%add3A_101, %dma_wait3A_223] : memref<10000x128xf32, #tpu.memory_space<hbm>> -> memref<64x128xf32, #tpu.memory_space<hbm>>
      %dma_wait3A_225 = arith.constant 0 : i32
      %dma_wait3A_226 = arith.constant 0 : i32
      %dma_wait3A_227 = tpu.memref_slice %arg15[%run_scoped3A_102, %dma_wait3A_225, %dma_wait3A_226] : memref<2x64x128xf32, #tpu.memory_space<vmem>> -> memref<1x64x128xf32, #tpu.memory_space<vmem>>
      %dma_wait3A_228 = tpu.memref_squeeze %dma_wait3A_227 : memref<1x64x128xf32, #tpu.memory_space<vmem>> -> memref<64x128xf32, #tpu.memory_space<vmem>>
      tpu.wait_dma2 semaphore(%run_scoped3A_204 : memref<!tpu.dma_semaphore, #tpu.memory_space<semaphore_mem>>) src(%dma_wait3A_228 : memref<64x128xf32, #tpu.memory_space<vmem>>) dst(%dma_wait3A_224 : memref<64x128xf32, #tpu.memory_space<hbm>>)
      tpu.yield
    }) : () -> ()
    %dma_start3A_103 = arith.constant 1 : i32
    %dma_start3A_104 = arith.constant 0 : i32
    %dma_start3A_105 = arith.constant 0 : i32
    %dma_start3A_106 = tpu.memref_slice %arg15[%dma_start3A_103, %dma_start3A_104, %dma_start3A_105] : memref<2x64x128xf32, #tpu.memory_space<vmem>> -> memref<1x64x128xf32, #tpu.memory_space<vmem>>
    %dma_start3A_107 = tpu.memref_squeeze %dma_start3A_106 : memref<1x64x128xf32, #tpu.memory_space<vmem>> -> memref<64x128xf32, #tpu.memory_space<vmem>>
    %dma_start3A_108 = arith.constant 192 : i32
    %dma_start3A_109 = tpu.memref_slice %arg12[%dma_start3A_108] : memref<2128xi32, #tpu.memory_space<vmem>> -> memref<64xi32, #tpu.memory_space<vmem>>
    %dma_start3A_110 = arith.constant 0 : i32
    %dma_start3A_111 = arith.constant 0 : i32
    %dma_start3A_112 = tpu.memref_slice %arg5[%dma_start3A_110, %dma_start3A_111] : memref<10000x128xf32, #tpu.memory_space<hbm>> -> memref<10000x128xf32, #tpu.memory_space<hbm>>
    tpu.enqueue_indirect_dma source(%dma_start3A_112 : memref<10000x128xf32, #tpu.memory_space<hbm>>) target(%dma_start3A_107 : memref<64x128xf32, #tpu.memory_space<vmem>>) offsets(%dma_start3A_109 : memref<64xi32, #tpu.memory_space<vmem>>) semaphore(%arg18 : memref<!tpu.dma_semaphore, #tpu.memory_space<semaphore_mem>>)
    %dma_wait3A_113 = arith.constant 0 : i32
    %dma_wait3A_114 = arith.constant 0 : i32
    %dma_wait3A_115 = arith.constant 0 : i32
    %dma_wait3A_116 = tpu.memref_slice %arg15[%dma_wait3A_113, %dma_wait3A_114, %dma_wait3A_115] : memref<2x64x128xf32, #tpu.memory_space<vmem>> -> memref<1x64x128xf32, #tpu.memory_space<vmem>>
    %dma_wait3A_117 = tpu.memref_squeeze %dma_wait3A_116 : memref<1x64x128xf32, #tpu.memory_space<vmem>> -> memref<64x128xf32, #tpu.memory_space<vmem>>
    %dma_wait3A_118 = arith.constant 0 : i32
    %dma_wait3A_119 = arith.constant 0 : i32
    %dma_wait3A_120 = tpu.memref_slice %arg5[%dma_wait3A_118, %dma_wait3A_119] : memref<10000x128xf32, #tpu.memory_space<hbm>> -> memref<64x128xf32, #tpu.memory_space<hbm>>
    %dma_wait3A_121 = arith.constant 0 : i32
    %dma_wait3A_122 = arith.constant 0 : i32
    %dma_wait3A_123 = tpu.memref_slice %arg15[%dma_wait3A_113, %dma_wait3A_121, %dma_wait3A_122] : memref<2x64x128xf32, #tpu.memory_space<vmem>> -> memref<1x64x128xf32, #tpu.memory_space<vmem>>
    %dma_wait3A_124 = tpu.memref_squeeze %dma_wait3A_123 : memref<1x64x128xf32, #tpu.memory_space<vmem>> -> memref<64x128xf32, #tpu.memory_space<vmem>>
    %dma_wait3A_125 = arith.constant 0 : i32
    %dma_wait3A_126 = arith.constant 0 : i32
    %dma_wait3A_127 = tpu.memref_slice %arg5[%dma_wait3A_125, %dma_wait3A_126] : memref<10000x128xf32, #tpu.memory_space<hbm>> -> memref<64x128xf32, #tpu.memory_space<hbm>>
    tpu.wait_dma2 semaphore(%arg17 : memref<!tpu.dma_semaphore, #tpu.memory_space<semaphore_mem>>) src(%dma_wait3A_127 : memref<64x128xf32, #tpu.memory_space<hbm>>) dst(%dma_wait3A_124 : memref<64x128xf32, #tpu.memory_space<vmem>>)
    %add3A_128 = arith.constant 128 : i32
    %add3A_129 = arith.addi %add3A, %add3A_128 : i32
    %run_scoped3A_130 = arith.constant 0 : i32
    "tpu.region"() ({
      %run_scoped3A_204 = tpu.sem_alloc : memref<!tpu.dma_semaphore, #tpu.memory_space<semaphore_mem>>
      %dma_start3A_205 = arith.constant 0 : i32
      %dma_start3A_206 = arith.constant 0 : i32
      %dma_start3A_207 = tpu.memref_slice %arg15[%run_scoped3A_130, %dma_start3A_205, %dma_start3A_206] : memref<2x64x128xf32, #tpu.memory_space<vmem>> -> memref<1x64x128xf32, #tpu.memory_space<vmem>>
      %dma_start3A_208 = tpu.memref_squeeze %dma_start3A_207 : memref<1x64x128xf32, #tpu.memory_space<vmem>> -> memref<64x128xf32, #tpu.memory_space<vmem>>
      %dma_start3A_209 = arith.constant 0 : i32
      %dma_start3A_210 = tpu.memref_slice %arg8[%add3A_129, %dma_start3A_209] : memref<10000x128xf32, #tpu.memory_space<hbm>> -> memref<64x128xf32, #tpu.memory_space<hbm>>
      %dma_start3A_211 = arith.constant 0 : i32
      %dma_start3A_212 = tpu.memref_slice %arg8[%add3A_129, %dma_start3A_211] : memref<10000x128xf32, #tpu.memory_space<hbm>> -> memref<64x128xf32, #tpu.memory_space<hbm>>
      %dma_start3A_213 = arith.constant 0 : i32
      %dma_start3A_214 = arith.constant 0 : i32
      %dma_start3A_215 = tpu.memref_slice %arg15[%run_scoped3A_130, %dma_start3A_213, %dma_start3A_214] : memref<2x64x128xf32, #tpu.memory_space<vmem>> -> memref<1x64x128xf32, #tpu.memory_space<vmem>>
      %dma_start3A_216 = tpu.memref_squeeze %dma_start3A_215 : memref<1x64x128xf32, #tpu.memory_space<vmem>> -> memref<64x128xf32, #tpu.memory_space<vmem>>
      tpu.enqueue_dma source(%dma_start3A_216 : memref<64x128xf32, #tpu.memory_space<vmem>>) target(%dma_start3A_212 : memref<64x128xf32, #tpu.memory_space<hbm>>) target_semaphore(%run_scoped3A_204 : memref<!tpu.dma_semaphore, #tpu.memory_space<semaphore_mem>>)
      %dma_wait3A_217 = arith.constant 0 : i32
      %dma_wait3A_218 = arith.constant 0 : i32
      %dma_wait3A_219 = tpu.memref_slice %arg15[%run_scoped3A_130, %dma_wait3A_217, %dma_wait3A_218] : memref<2x64x128xf32, #tpu.memory_space<vmem>> -> memref<1x64x128xf32, #tpu.memory_space<vmem>>
      %dma_wait3A_220 = tpu.memref_squeeze %dma_wait3A_219 : memref<1x64x128xf32, #tpu.memory_space<vmem>> -> memref<64x128xf32, #tpu.memory_space<vmem>>
      %dma_wait3A_221 = arith.constant 0 : i32
      %dma_wait3A_222 = tpu.memref_slice %arg8[%add3A_129, %dma_wait3A_221] : memref<10000x128xf32, #tpu.memory_space<hbm>> -> memref<64x128xf32, #tpu.memory_space<hbm>>
      %dma_wait3A_223 = arith.constant 0 : i32
      %dma_wait3A_224 = tpu.memref_slice %arg8[%add3A_129, %dma_wait3A_223] : memref<10000x128xf32, #tpu.memory_space<hbm>> -> memref<64x128xf32, #tpu.memory_space<hbm>>
      %dma_wait3A_225 = arith.constant 0 : i32
      %dma_wait3A_226 = arith.constant 0 : i32
      %dma_wait3A_227 = tpu.memref_slice %arg15[%run_scoped3A_130, %dma_wait3A_225, %dma_wait3A_226] : memref<2x64x128xf32, #tpu.memory_space<vmem>> -> memref<1x64x128xf32, #tpu.memory_space<vmem>>
      %dma_wait3A_228 = tpu.memref_squeeze %dma_wait3A_227 : memref<1x64x128xf32, #tpu.memory_space<vmem>> -> memref<64x128xf32, #tpu.memory_space<vmem>>
      tpu.wait_dma2 semaphore(%run_scoped3A_204 : memref<!tpu.dma_semaphore, #tpu.memory_space<semaphore_mem>>) src(%dma_wait3A_228 : memref<64x128xf32, #tpu.memory_space<vmem>>) dst(%dma_wait3A_224 : memref<64x128xf32, #tpu.memory_space<hbm>>)
      tpu.yield
    }) : () -> ()
    %dma_start3A_131 = arith.constant 0 : i32
    %dma_start3A_132 = arith.constant 0 : i32
    %dma_start3A_133 = arith.constant 0 : i32
    %dma_start3A_134 = tpu.memref_slice %arg15[%dma_start3A_131, %dma_start3A_132, %dma_start3A_133] : memref<2x64x128xf32, #tpu.memory_space<vmem>> -> memref<1x64x128xf32, #tpu.memory_space<vmem>>
    %dma_start3A_135 = tpu.memref_squeeze %dma_start3A_134 : memref<1x64x128xf32, #tpu.memory_space<vmem>> -> memref<64x128xf32, #tpu.memory_space<vmem>>
    %dma_start3A_136 = arith.constant 256 : i32
    %dma_start3A_137 = tpu.memref_slice %arg12[%dma_start3A_136] : memref<2128xi32, #tpu.memory_space<vmem>> -> memref<64xi32, #tpu.memory_space<vmem>>
    %dma_start3A_138 = arith.constant 0 : i32
    %dma_start3A_139 = arith.constant 0 : i32
    %dma_start3A_140 = tpu.memref_slice %arg5[%dma_start3A_138, %dma_start3A_139] : memref<10000x128xf32, #tpu.memory_space<hbm>> -> memref<10000x128xf32, #tpu.memory_space<hbm>>
    tpu.enqueue_indirect_dma source(%dma_start3A_140 : memref<10000x128xf32, #tpu.memory_space<hbm>>) target(%dma_start3A_135 : memref<64x128xf32, #tpu.memory_space<vmem>>) offsets(%dma_start3A_137 : memref<64xi32, #tpu.memory_space<vmem>>) semaphore(%arg17 : memref<!tpu.dma_semaphore, #tpu.memory_space<semaphore_mem>>)
    %dma_wait3A_141 = arith.constant 1 : i32
    %dma_wait3A_142 = arith.constant 0 : i32
    %dma_wait3A_143 = arith.constant 0 : i32
    %dma_wait3A_144 = tpu.memref_slice %arg15[%dma_wait3A_141, %dma_wait3A_142, %dma_wait3A_143] : memref<2x64x128xf32, #tpu.memory_space<vmem>> -> memref<1x64x128xf32, #tpu.memory_space<vmem>>
    %dma_wait3A_145 = tpu.memref_squeeze %dma_wait3A_144 : memref<1x64x128xf32, #tpu.memory_space<vmem>> -> memref<64x128xf32, #tpu.memory_space<vmem>>
    %dma_wait3A_146 = arith.constant 0 : i32
    %dma_wait3A_147 = arith.constant 0 : i32
    %dma_wait3A_148 = tpu.memref_slice %arg5[%dma_wait3A_146, %dma_wait3A_147] : memref<10000x128xf32, #tpu.memory_space<hbm>> -> memref<64x128xf32, #tpu.memory_space<hbm>>
    %dma_wait3A_149 = arith.constant 0 : i32
    %dma_wait3A_150 = arith.constant 0 : i32
    %dma_wait3A_151 = tpu.memref_slice %arg15[%dma_wait3A_141, %dma_wait3A_149, %dma_wait3A_150] : memref<2x64x128xf32, #tpu.memory_space<vmem>> -> memref<1x64x128xf32, #tpu.memory_space<vmem>>
    %dma_wait3A_152 = tpu.memref_squeeze %dma_wait3A_151 : memref<1x64x128xf32, #tpu.memory_space<vmem>> -> memref<64x128xf32, #tpu.memory_space<vmem>>
    %dma_wait3A_153 = arith.constant 0 : i32
    %dma_wait3A_154 = arith.constant 0 : i32
    %dma_wait3A_155 = tpu.memref_slice %arg5[%dma_wait3A_153, %dma_wait3A_154] : memref<10000x128xf32, #tpu.memory_space<hbm>> -> memref<64x128xf32, #tpu.memory_space<hbm>>
    tpu.wait_dma2 semaphore(%arg18 : memref<!tpu.dma_semaphore, #tpu.memory_space<semaphore_mem>>) src(%dma_wait3A_155 : memref<64x128xf32, #tpu.memory_space<hbm>>) dst(%dma_wait3A_152 : memref<64x128xf32, #tpu.memory_space<vmem>>)
    %add3A_156 = arith.constant 192 : i32
    %add3A_157 = arith.addi %add3A, %add3A_156 : i32
    %run_scoped3A_158 = arith.constant 1 : i32
    "tpu.region"() ({
      %run_scoped3A_204 = tpu.sem_alloc : memref<!tpu.dma_semaphore, #tpu.memory_space<semaphore_mem>>
      %dma_start3A_205 = arith.constant 0 : i32
      %dma_start3A_206 = arith.constant 0 : i32
      %dma_start3A_207 = tpu.memref_slice %arg15[%run_scoped3A_158, %dma_start3A_205, %dma_start3A_206] : memref<2x64x128xf32, #tpu.memory_space<vmem>> -> memref<1x64x128xf32, #tpu.memory_space<vmem>>
      %dma_start3A_208 = tpu.memref_squeeze %dma_start3A_207 : memref<1x64x128xf32, #tpu.memory_space<vmem>> -> memref<64x128xf32, #tpu.memory_space<vmem>>
      %dma_start3A_209 = arith.constant 0 : i32
      %dma_start3A_210 = tpu.memref_slice %arg8[%add3A_157, %dma_start3A_209] : memref<10000x128xf32, #tpu.memory_space<hbm>> -> memref<64x128xf32, #tpu.memory_space<hbm>>
      %dma_start3A_211 = arith.constant 0 : i32
      %dma_start3A_212 = tpu.memref_slice %arg8[%add3A_157, %dma_start3A_211] : memref<10000x128xf32, #tpu.memory_space<hbm>> -> memref<64x128xf32, #tpu.memory_space<hbm>>
      %dma_start3A_213 = arith.constant 0 : i32
      %dma_start3A_214 = arith.constant 0 : i32
      %dma_start3A_215 = tpu.memref_slice %arg15[%run_scoped3A_158, %dma_start3A_213, %dma_start3A_214] : memref<2x64x128xf32, #tpu.memory_space<vmem>> -> memref<1x64x128xf32, #tpu.memory_space<vmem>>
      %dma_start3A_216 = tpu.memref_squeeze %dma_start3A_215 : memref<1x64x128xf32, #tpu.memory_space<vmem>> -> memref<64x128xf32, #tpu.memory_space<vmem>>
      tpu.enqueue_dma source(%dma_start3A_216 : memref<64x128xf32, #tpu.memory_space<vmem>>) target(%dma_start3A_212 : memref<64x128xf32, #tpu.memory_space<hbm>>) target_semaphore(%run_scoped3A_204 : memref<!tpu.dma_semaphore, #tpu.memory_space<semaphore_mem>>)
      %dma_wait3A_217 = arith.constant 0 : i32
      %dma_wait3A_218 = arith.constant 0 : i32
      %dma_wait3A_219 = tpu.memref_slice %arg15[%run_scoped3A_158, %dma_wait3A_217, %dma_wait3A_218] : memref<2x64x128xf32, #tpu.memory_space<vmem>> -> memref<1x64x128xf32, #tpu.memory_space<vmem>>
      %dma_wait3A_220 = tpu.memref_squeeze %dma_wait3A_219 : memref<1x64x128xf32, #tpu.memory_space<vmem>> -> memref<64x128xf32, #tpu.memory_space<vmem>>
      %dma_wait3A_221 = arith.constant 0 : i32
      %dma_wait3A_222 = tpu.memref_slice %arg8[%add3A_157, %dma_wait3A_221] : memref<10000x128xf32, #tpu.memory_space<hbm>> -> memref<64x128xf32, #tpu.memory_space<hbm>>
      %dma_wait3A_223 = arith.constant 0 : i32
      %dma_wait3A_224 = tpu.memref_slice %arg8[%add3A_157, %dma_wait3A_223] : memref<10000x128xf32, #tpu.memory_space<hbm>> -> memref<64x128xf32, #tpu.memory_space<hbm>>
      %dma_wait3A_225 = arith.constant 0 : i32
      %dma_wait3A_226 = arith.constant 0 : i32
      %dma_wait3A_227 = tpu.memref_slice %arg15[%run_scoped3A_158, %dma_wait3A_225, %dma_wait3A_226] : memref<2x64x128xf32, #tpu.memory_space<vmem>> -> memref<1x64x128xf32, #tpu.memory_space<vmem>>
      %dma_wait3A_228 = tpu.memref_squeeze %dma_wait3A_227 : memref<1x64x128xf32, #tpu.memory_space<vmem>> -> memref<64x128xf32, #tpu.memory_space<vmem>>
      tpu.wait_dma2 semaphore(%run_scoped3A_204 : memref<!tpu.dma_semaphore, #tpu.memory_space<semaphore_mem>>) src(%dma_wait3A_228 : memref<64x128xf32, #tpu.memory_space<vmem>>) dst(%dma_wait3A_224 : memref<64x128xf32, #tpu.memory_space<hbm>>)
      tpu.yield
    }) : () -> ()
    %dma_wait3A_159 = arith.constant 0 : i32
    %dma_wait3A_160 = arith.constant 0 : i32
    %dma_wait3A_161 = arith.constant 0 : i32
    %dma_wait3A_162 = tpu.memref_slice %arg15[%dma_wait3A_159, %dma_wait3A_160, %dma_wait3A_161] : memref<2x64x128xf32, #tpu.memory_space<vmem>> -> memref<1x64x128xf32, #tpu.memory_space<vmem>>
    %dma_wait3A_163 = tpu.memref_squeeze %dma_wait3A_162 : memref<1x64x128xf32, #tpu.memory_space<vmem>> -> memref<64x128xf32, #tpu.memory_space<vmem>>
    %dma_wait3A_164 = arith.constant 0 : i32
    %dma_wait3A_165 = arith.constant 0 : i32
    %dma_wait3A_166 = tpu.memref_slice %arg5[%dma_wait3A_164, %dma_wait3A_165] : memref<10000x128xf32, #tpu.memory_space<hbm>> -> memref<64x128xf32, #tpu.memory_space<hbm>>
    %dma_wait3A_167 = arith.constant 0 : i32
    %dma_wait3A_168 = arith.constant 0 : i32
    %dma_wait3A_169 = tpu.memref_slice %arg15[%dma_wait3A_159, %dma_wait3A_167, %dma_wait3A_168] : memref<2x64x128xf32, #tpu.memory_space<vmem>> -> memref<1x64x128xf32, #tpu.memory_space<vmem>>
    %dma_wait3A_170 = tpu.memref_squeeze %dma_wait3A_169 : memref<1x64x128xf32, #tpu.memory_space<vmem>> -> memref<64x128xf32, #tpu.memory_space<vmem>>
    %dma_wait3A_171 = arith.constant 0 : i32
    %dma_wait3A_172 = arith.constant 0 : i32
    %dma_wait3A_173 = tpu.memref_slice %arg5[%dma_wait3A_171, %dma_wait3A_172] : memref<10000x128xf32, #tpu.memory_space<hbm>> -> memref<64x128xf32, #tpu.memory_space<hbm>>
    tpu.wait_dma2 semaphore(%arg17 : memref<!tpu.dma_semaphore, #tpu.memory_space<semaphore_mem>>) src(%dma_wait3A_173 : memref<64x128xf32, #tpu.memory_space<hbm>>) dst(%dma_wait3A_170 : memref<64x128xf32, #tpu.memory_space<vmem>>)
    %add3A_174 = arith.constant 256 : i32
    %add3A_175 = arith.addi %add3A, %add3A_174 : i32
    %run_scoped3A_176 = arith.constant 0 : i32
    "tpu.region"() ({
      %run_scoped3A_204 = tpu.sem_alloc : memref<!tpu.dma_semaphore, #tpu.memory_space<semaphore_mem>>
      %dma_start3A_205 = arith.constant 0 : i32
      %dma_start3A_206 = arith.constant 0 : i32
      %dma_start3A_207 = tpu.memref_slice %arg15[%run_scoped3A_176, %dma_start3A_205, %dma_start3A_206] : memref<2x64x128xf32, #tpu.memory_space<vmem>> -> memref<1x64x128xf32, #tpu.memory_space<vmem>>
      %dma_start3A_208 = tpu.memref_squeeze %dma_start3A_207 : memref<1x64x128xf32, #tpu.memory_space<vmem>> -> memref<64x128xf32, #tpu.memory_space<vmem>>
      %dma_start3A_209 = arith.constant 0 : i32
      %dma_start3A_210 = tpu.memref_slice %arg8[%add3A_175, %dma_start3A_209] : memref<10000x128xf32, #tpu.memory_space<hbm>> -> memref<64x128xf32, #tpu.memory_space<hbm>>
      %dma_start3A_211 = arith.constant 0 : i32
      %dma_start3A_212 = tpu.memref_slice %arg8[%add3A_175, %dma_start3A_211] : memref<10000x128xf32, #tpu.memory_space<hbm>> -> memref<64x128xf32, #tpu.memory_space<hbm>>
      %dma_start3A_213 = arith.constant 0 : i32
      %dma_start3A_214 = arith.constant 0 : i32
      %dma_start3A_215 = tpu.memref_slice %arg15[%run_scoped3A_176, %dma_start3A_213, %dma_start3A_214] : memref<2x64x128xf32, #tpu.memory_space<vmem>> -> memref<1x64x128xf32, #tpu.memory_space<vmem>>
      %dma_start3A_216 = tpu.memref_squeeze %dma_start3A_215 : memref<1x64x128xf32, #tpu.memory_space<vmem>> -> memref<64x128xf32, #tpu.memory_space<vmem>>
      tpu.enqueue_dma source(%dma_start3A_216 : memref<64x128xf32, #tpu.memory_space<vmem>>) target(%dma_start3A_212 : memref<64x128xf32, #tpu.memory_space<hbm>>) target_semaphore(%run_scoped3A_204 : memref<!tpu.dma_semaphore, #tpu.memory_space<semaphore_mem>>)
      %dma_wait3A_217 = arith.constant 0 : i32
      %dma_wait3A_218 = arith.constant 0 : i32
      %dma_wait3A_219 = tpu.memref_slice %arg15[%run_scoped3A_176, %dma_wait3A_217, %dma_wait3A_218] : memref<2x64x128xf32, #tpu.memory_space<vmem>> -> memref<1x64x128xf32, #tpu.memory_space<vmem>>
      %dma_wait3A_220 = tpu.memref_squeeze %dma_wait3A_219 : memref<1x64x128xf32, #tpu.memory_space<vmem>> -> memref<64x128xf32, #tpu.memory_space<vmem>>
      %dma_wait3A_221 = arith.constant 0 : i32
      %dma_wait3A_222 = tpu.memref_slice %arg8[%add3A_175, %dma_wait3A_221] : memref<10000x128xf32, #tpu.memory_space<hbm>> -> memref<64x128xf32, #tpu.memory_space<hbm>>
      %dma_wait3A_223 = arith.constant 0 : i32
      %dma_wait3A_224 = tpu.memref_slice %arg8[%add3A_175, %dma_wait3A_223] : memref<10000x128xf32, #tpu.memory_space<hbm>> -> memref<64x128xf32, #tpu.memory_space<hbm>>
      %dma_wait3A_225 = arith.constant 0 : i32
      %dma_wait3A_226 = arith.constant 0 : i32
      %dma_wait3A_227 = tpu.memref_slice %arg15[%run_scoped3A_176, %dma_wait3A_225, %dma_wait3A_226] : memref<2x64x128xf32, #tpu.memory_space<vmem>> -> memref<1x64x128xf32, #tpu.memory_space<vmem>>
      %dma_wait3A_228 = tpu.memref_squeeze %dma_wait3A_227 : memref<1x64x128xf32, #tpu.memory_space<vmem>> -> memref<64x128xf32, #tpu.memory_space<vmem>>
      tpu.wait_dma2 semaphore(%run_scoped3A_204 : memref<!tpu.dma_semaphore, #tpu.memory_space<semaphore_mem>>) src(%dma_wait3A_228 : memref<64x128xf32, #tpu.memory_space<vmem>>) dst(%dma_wait3A_224 : memref<64x128xf32, #tpu.memory_space<hbm>>)
      tpu.yield
    }) : () -> ()
    %barrier3A = arith.constant 0 : index
    tpu.barrier barrier_id(%barrier3A)
    %mul3A_177 = arith.constant 20000 : i32
    %mul3A_178 = arith.muli %arg1, %mul3A_177 : i32
    %scan3A_179 = arith.constant 0 : i32
    %scan3A_180 = arith.constant 0 : i32
    %scan3A_181 = arith.constant 10 : i32
    %scan3A_182 = arith.addi %scan3A_180, %scan3A_181 : i32
    %scan3A_183 = arith.constant 1 : i32
    scf.for %scan3A_204 = %scan3A_180 to %scan3A_182 step %scan3A_183  : i32 {
      %mul3A_205 = arith.constant 2000 : i32
      %mul3A_206 = arith.muli %scan3A_204, %mul3A_205 : i32
      %add3A_207 = arith.addi %mul3A_178, %mul3A_206 : i32
      "tpu.region"() ({
        %run_scoped3A_298 = tpu.sem_alloc : memref<!tpu.dma_semaphore, #tpu.memory_space<semaphore_mem>>
        %dma_start3A_299 = tpu.memref_slice %arg2[%add3A_207] : memref<320000xi32, #tpu.memory_space<hbm>> -> memref<2000xi32, #tpu.memory_space<hbm>>
        %dma_start3A_300 = tpu.memref_slice %arg2[%add3A_207] : memref<320000xi32, #tpu.memory_space<hbm>> -> memref<2000xi32, #tpu.memory_space<hbm>>
        tpu.enqueue_dma source(%dma_start3A_300 : memref<2000xi32, #tpu.memory_space<hbm>>) target(%arg10 : memref<2000xi32, #tpu.memory_space<vmem>>) target_semaphore(%run_scoped3A_298 : memref<!tpu.dma_semaphore, #tpu.memory_space<semaphore_mem>>)
        %dma_wait3A_301 = tpu.memref_slice %arg2[%add3A_207] : memref<320000xi32, #tpu.memory_space<hbm>> -> memref<2000xi32, #tpu.memory_space<hbm>>
        %dma_wait3A_302 = tpu.memref_slice %arg2[%add3A_207] : memref<320000xi32, #tpu.memory_space<hbm>> -> memref<2000xi32, #tpu.memory_space<hbm>>
        tpu.wait_dma2 semaphore(%run_scoped3A_298 : memref<!tpu.dma_semaphore, #tpu.memory_space<semaphore_mem>>) src(%dma_wait3A_302 : memref<2000xi32, #tpu.memory_space<hbm>>) dst(%arg10 : memref<2000xi32, #tpu.memory_space<vmem>>)
        tpu.yield
      }) : () -> ()
      "tpu.region"() ({
        %run_scoped3A_298 = tpu.sem_alloc : memref<!tpu.dma_semaphore, #tpu.memory_space<semaphore_mem>>
        %dma_start3A_299 = tpu.memref_slice %arg3[%add3A_207] : memref<320000xi32, #tpu.memory_space<hbm>> -> memref<2000xi32, #tpu.memory_space<hbm>>
        %dma_start3A_300 = tpu.memref_slice %arg3[%add3A_207] : memref<320000xi32, #tpu.memory_space<hbm>> -> memref<2000xi32, #tpu.memory_space<hbm>>
        tpu.enqueue_dma source(%dma_start3A_300 : memref<2000xi32, #tpu.memory_space<hbm>>) target(%arg11 : memref<2000xi32, #tpu.memory_space<vmem>>) target_semaphore(%run_scoped3A_298 : memref<!tpu.dma_semaphore, #tpu.memory_space<semaphore_mem>>)
        %dma_wait3A_301 = tpu.memref_slice %arg3[%add3A_207] : memref<320000xi32, #tpu.memory_space<hbm>> -> memref<2000xi32, #tpu.memory_space<hbm>>
        %dma_wait3A_302 = tpu.memref_slice %arg3[%add3A_207] : memref<320000xi32, #tpu.memory_space<hbm>> -> memref<2000xi32, #tpu.memory_space<hbm>>
        tpu.wait_dma2 semaphore(%run_scoped3A_298 : memref<!tpu.dma_semaphore, #tpu.memory_space<semaphore_mem>>) src(%dma_wait3A_302 : memref<2000xi32, #tpu.memory_space<hbm>>) dst(%arg11 : memref<2000xi32, #tpu.memory_space<vmem>>)
        tpu.yield
      }) : () -> ()
      %broadcast_in_dim3A_208 = arith.constant 0 : i32
      %broadcast_in_dim3A_209 = vector.broadcast %broadcast_in_dim3A_208 : i32 to vector<16xi32>
      %parallel_loop3A = arith.constant 0 : i32
      %parallel_loop3A_210 = arith.constant 125 : i32
      %parallel_loop3A_211 = arith.constant 1 : i32
      %parallel_loop3A_212 = scf.for %parallel_loop3A_298 = %parallel_loop3A to %parallel_loop3A_210 step %parallel_loop3A_211 iter_args(%parallel_loop3A_299 = %broadcast_in_dim3A_209) -> (vector<16xi32>)  : i32 {
        %parallel_loop3A_300 = arith.constant 16 : i32
        %parallel_loop3A_301 = arith.muli %parallel_loop3A_298, %parallel_loop3A_300 : i32
        %parallel_loop3A_302 = arith.index_cast %parallel_loop3A_301 : i32 to index
        %parallel_loop3A_303 = tpu.vector_load %arg10[%parallel_loop3A_302] {strides = array<i32>} : memref<2000xi32, #tpu.memory_space<vmem>>, vector<16xi32>,
        %parallel_loop3A_304 = arith.constant 16 : i32
        %parallel_loop3A_305 = arith.muli %parallel_loop3A_298, %parallel_loop3A_304 : i32
        %parallel_loop3A_306 = arith.index_cast %parallel_loop3A_305 : i32 to index
        %parallel_loop3A_307 = tpu.vector_load %arg11[%parallel_loop3A_306] {strides = array<i32>} : memref<2000xi32, #tpu.memory_space<vmem>>, vector<16xi32>,
        %parallel_loop3A_308 = tpu.vector_load_idx %arg9[%parallel_loop3A_303] : memref<10000xi32, #tpu.memory_space<vmem>>[vector<16xi32>], vector<16xi32>,
        %parallel_loop3A_309 = tpu.vector_load_idx %arg9[%parallel_loop3A_307] : memref<10000xi32, #tpu.memory_space<vmem>>[vector<16xi32>], vector<16xi32>,
        %parallel_loop3A_310 = arith.constant 30 : i32
        %parallel_loop3A_311 = vector.broadcast %parallel_loop3A_310 : i32 to vector<16xi32>
        %parallel_loop3A_312 = arith.shrui %parallel_loop3A_308, %parallel_loop3A_311 : vector<16xi32>
        %parallel_loop3A_313 = arith.constant 30 : i32
        %parallel_loop3A_314 = vector.broadcast %parallel_loop3A_313 : i32 to vector<16xi32>
        %parallel_loop3A_315 = arith.shrui %parallel_loop3A_309, %parallel_loop3A_314 : vector<16xi32>
        %parallel_loop3A_316 = arith.constant 16383 : i32
        %parallel_loop3A_317 = vector.broadcast %parallel_loop3A_316 : i32 to vector<16xi32>
        %parallel_loop3A_318 = arith.andi %parallel_loop3A_308, %parallel_loop3A_317 : vector<16xi32>
        %parallel_loop3A_319 = arith.cmpi eq, %parallel_loop3A_312, %parallel_loop3A_315 : vector<16xi32>
        %parallel_loop3A_320 = arith.constant 1 : i32
        %parallel_loop3A_321 = arith.constant 0 : i32
        %parallel_loop3A_322 = vector.broadcast %parallel_loop3A_320 : i32 to vector<16xi32>
        %parallel_loop3A_323 = vector.broadcast %parallel_loop3A_321 : i32 to vector<16xi32>
        %parallel_loop3A_324 = arith.select %parallel_loop3A_319, %parallel_loop3A_322, %parallel_loop3A_323 : vector<16xi1>, vector<16xi32>
        %parallel_loop3A_325 = arith.constant 5000 : i32
        %parallel_loop3A_326 = vector.broadcast %parallel_loop3A_325 : i32 to vector<16xi32>
        %parallel_loop3A_327 = arith.cmpi sge, %parallel_loop3A_307, %parallel_loop3A_326 : vector<16xi32>
        %parallel_loop3A_328 = arith.constant 1 : i32
        %parallel_loop3A_329 = arith.constant 0 : i32
        %parallel_loop3A_330 = vector.broadcast %parallel_loop3A_328 : i32 to vector<16xi32>
        %parallel_loop3A_331 = vector.broadcast %parallel_loop3A_329 : i32 to vector<16xi32>
        %parallel_loop3A_332 = arith.select %parallel_loop3A_327, %parallel_loop3A_330, %parallel_loop3A_331 : vector<16xi1>, vector<16xi32>
        %parallel_loop3A_333 = vector.broadcast %arg0 : i32 to vector<16xi32>
        %parallel_loop3A_334 = arith.cmpi eq, %parallel_loop3A_332, %parallel_loop3A_333 : vector<16xi32>
        %parallel_loop3A_335 = vector.broadcast %mul3A_0 : i32 to vector<16xi32>
        %parallel_loop3A_336 = arith.subi %parallel_loop3A_307, %parallel_loop3A_335 : vector<16xi32>
        %parallel_loop3A_337 = arith.constant 5000 : i32
        %parallel_loop3A_338 = vector.broadcast %parallel_loop3A_337 : i32 to vector<16xi32>
        %parallel_loop3A_339 = arith.muli %parallel_loop3A_324, %parallel_loop3A_338 : vector<16xi32>
        %parallel_loop3A_340 = arith.addi %parallel_loop3A_339, %parallel_loop3A_336 : vector<16xi32>
        %parallel_loop3A_341 = arith.constant 5120 : i32
        %parallel_loop3A_342 = vector.broadcast %parallel_loop3A_341 : i32 to vector<16xi32>
        %parallel_loop3A_343 = arith.muli %parallel_loop3A_324, %parallel_loop3A_342 : vector<16xi32>
        %parallel_loop3A_344 = arith.addi %parallel_loop3A_343, %parallel_loop3A_336 : vector<16xi32>
        %parallel_loop3A_345 = arith.constant 7 : i32
        %parallel_loop3A_346 = vector.broadcast %parallel_loop3A_345 : i32 to vector<16xi32>
        %parallel_loop3A_347 = arith.shrui %parallel_loop3A_344, %parallel_loop3A_346 : vector<16xi32>
        %parallel_loop3A_348 = arith.constant 127 : i32
        %parallel_loop3A_349 = vector.broadcast %parallel_loop3A_348 : i32 to vector<16xi32>
        %parallel_loop3A_350 = arith.andi %parallel_loop3A_344, %parallel_loop3A_349 : vector<16xi32>
        tpu.vector_store_idx %arg14[%parallel_loop3A_347, %parallel_loop3A_350], %broadcast_in_dim3A_3 masked %parallel_loop3A_334 {add = true} : memref<80x128xf32, #tpu.memory_space<vmem>>[vector<16xi32>, vector<16xi32>], vector<16xf32>, vector<16xi1>
        %parallel_loop3A_351 = arith.extui %parallel_loop3A_334 : vector<16xi1> to vector<16xi32>
        %parallel_loop3A_352 = arith.constant true
        %parallel_loop3A_353 = vector.broadcast %parallel_loop3A_352 : i1 to vector<16xi1>
        %parallel_loop3A_354 = tpu.scan <sum>, %parallel_loop3A_351 masked %parallel_loop3A_353 : vector<16xi32>, vector<16xi1> -> vector<16xi32>
        %parallel_loop3A_355 = arith.addi %parallel_loop3A_299, %parallel_loop3A_354 : vector<16xi32>
        %parallel_loop3A_356 = arith.constant 1 : i32
        %parallel_loop3A_357 = vector.broadcast %parallel_loop3A_356 : i32 to vector<16xi32>
        %parallel_loop3A_358 = arith.subi %parallel_loop3A_355, %parallel_loop3A_357 : vector<16xi32>
        tpu.vector_store_idx %arg12[%parallel_loop3A_358], %parallel_loop3A_318 masked %parallel_loop3A_334 : memref<2128xi32, #tpu.memory_space<vmem>>[vector<16xi32>], vector<16xi32>, vector<16xi1>
        %parallel_loop3A_359 = arith.constant 6 : i32
        %parallel_loop3A_360 = vector.broadcast %parallel_loop3A_359 : i32 to vector<16xi32>
        %parallel_loop3A_361 = arith.shrui %parallel_loop3A_358, %parallel_loop3A_360 : vector<16xi32>
        %parallel_loop3A_362 = arith.constant 63 : i32
        %parallel_loop3A_363 = vector.broadcast %parallel_loop3A_362 : i32 to vector<16xi32>
        %parallel_loop3A_364 = arith.andi %parallel_loop3A_358, %parallel_loop3A_363 : vector<16xi32>
        tpu.vector_store_idx %arg13[%parallel_loop3A_361, %parallel_loop3A_364], %parallel_loop3A_340 masked %parallel_loop3A_334 : memref<34x64xi32, #tpu.memory_space<vmem>>[vector<16xi32>, vector<16xi32>], vector<16xi32>, vector<16xi1>
        %parallel_loop3A_365 = tpu.all_reduce %parallel_loop3A_334 {dim = 0 : i64, kind = #tpu.reduction_kind<sum>} : vector<16xi1> -> vector<16xi32>
        %parallel_loop3A_366 = arith.addi %parallel_loop3A_299, %parallel_loop3A_365 : vector<16xi32>
        scf.yield %parallel_loop3A_366 : vector<16xi32>
      } {sc.loop_unroll_factor = 8 : i64, sc.parallel_access}
      %add3A_213 = arith.constant 0 : i32
      %add3A_214 = vector.broadcast %add3A_213 : i32 to vector<16xi32>
      %add3A_215 = arith.addi %parallel_loop3A_212, %add3A_214 : vector<16xi32>
      %add3A_216 = arith.addi %add3A_215, %iota3A : vector<16xi32>
      %broadcast_in_dim3A_217 = arith.constant 0 : i32
      %broadcast_in_dim3A_218 = vector.broadcast %broadcast_in_dim3A_217 : i32 to vector<16xi32>
      tpu.vector_store_idx %arg12[%add3A_216], %broadcast_in_dim3A_218 : memref<2128xi32, #tpu.memory_space<vmem>>[vector<16xi32>], vector<16xi32>,
      %shift_right_logical3A = arith.constant 6 : i32
      %shift_right_logical3A_219 = vector.broadcast %shift_right_logical3A : i32 to vector<16xi32>
      %shift_right_logical3A_220 = arith.shrui %add3A_216, %shift_right_logical3A_219 : vector<16xi32>
      %and3A = arith.constant 63 : i32
      %and3A_221 = vector.broadcast %and3A : i32 to vector<16xi32>
      %and3A_222 = arith.andi %add3A_216, %and3A_221 : vector<16xi32>
      %add3A_223 = arith.constant 10000 : i32
      %add3A_224 = vector.broadcast %add3A_223 : i32 to vector<16xi32>
      %add3A_225 = arith.addi %add3A_224, %iota3A : vector<16xi32>
      tpu.vector_store_idx %arg13[%shift_right_logical3A_220, %and3A_222], %add3A_225 : memref<34x64xi32, #tpu.memory_space<vmem>>[vector<16xi32>, vector<16xi32>], vector<16xi32>,
      %add3A_226 = arith.constant 16 : i32
      %add3A_227 = vector.broadcast %add3A_226 : i32 to vector<16xi32>
      %add3A_228 = arith.addi %parallel_loop3A_212, %add3A_227 : vector<16xi32>
      %add3A_229 = arith.addi %add3A_228, %iota3A : vector<16xi32>
      %broadcast_in_dim3A_230 = arith.constant 0 : i32
      %broadcast_in_dim3A_231 = vector.broadcast %broadcast_in_dim3A_230 : i32 to vector<16xi32>
      tpu.vector_store_idx %arg12[%add3A_229], %broadcast_in_dim3A_231 : memref<2128xi32, #tpu.memory_space<vmem>>[vector<16xi32>], vector<16xi32>,
      %shift_right_logical3A_232 = arith.constant 6 : i32
      %shift_right_logical3A_233 = vector.broadcast %shift_right_logical3A_232 : i32 to vector<16xi32>
      %shift_right_logical3A_234 = arith.shrui %add3A_229, %shift_right_logical3A_233 : vector<16xi32>
      %and3A_235 = arith.constant 63 : i32
      %and3A_236 = vector.broadcast %and3A_235 : i32 to vector<16xi32>
      %and3A_237 = arith.andi %add3A_229, %and3A_236 : vector<16xi32>
      %add3A_238 = arith.constant 10000 : i32
      %add3A_239 = vector.broadcast %add3A_238 : i32 to vector<16xi32>
      %add3A_240 = arith.addi %add3A_239, %iota3A : vector<16xi32>
      tpu.vector_store_idx %arg13[%shift_right_logical3A_234, %and3A_237], %add3A_240 : memref<34x64xi32, #tpu.memory_space<vmem>>[vector<16xi32>, vector<16xi32>], vector<16xi32>,
      %add3A_241 = arith.constant 32 : i32
      %add3A_242 = vector.broadcast %add3A_241 : i32 to vector<16xi32>
      %add3A_243 = arith.addi %parallel_loop3A_212, %add3A_242 : vector<16xi32>
      %add3A_244 = arith.addi %add3A_243, %iota3A : vector<16xi32>
      %broadcast_in_dim3A_245 = arith.constant 0 : i32
      %broadcast_in_dim3A_246 = vector.broadcast %broadcast_in_dim3A_245 : i32 to vector<16xi32>
      tpu.vector_store_idx %arg12[%add3A_244], %broadcast_in_dim3A_246 : memref<2128xi32, #tpu.memory_space<vmem>>[vector<16xi32>], vector<16xi32>,
      %shift_right_logical3A_247 = arith.constant 6 : i32
      %shift_right_logical3A_248 = vector.broadcast %shift_right_logical3A_247 : i32 to vector<16xi32>
      %shift_right_logical3A_249 = arith.shrui %add3A_244, %shift_right_logical3A_248 : vector<16xi32>
      %and3A_250 = arith.constant 63 : i32
      %and3A_251 = vector.broadcast %and3A_250 : i32 to vector<16xi32>
      %and3A_252 = arith.andi %add3A_244, %and3A_251 : vector<16xi32>
      %add3A_253 = arith.constant 10000 : i32
      %add3A_254 = vector.broadcast %add3A_253 : i32 to vector<16xi32>
      %add3A_255 = arith.addi %add3A_254, %iota3A : vector<16xi32>
      tpu.vector_store_idx %arg13[%shift_right_logical3A_249, %and3A_252], %add3A_255 : memref<34x64xi32, #tpu.memory_space<vmem>>[vector<16xi32>, vector<16xi32>], vector<16xi32>,
      %add3A_256 = arith.constant 48 : i32
      %add3A_257 = vector.broadcast %add3A_256 : i32 to vector<16xi32>
      %add3A_258 = arith.addi %parallel_loop3A_212, %add3A_257 : vector<16xi32>
      %add3A_259 = arith.addi %add3A_258, %iota3A : vector<16xi32>
      %broadcast_in_dim3A_260 = arith.constant 0 : i32
      %broadcast_in_dim3A_261 = vector.broadcast %broadcast_in_dim3A_260 : i32 to vector<16xi32>
      tpu.vector_store_idx %arg12[%add3A_259], %broadcast_in_dim3A_261 : memref<2128xi32, #tpu.memory_space<vmem>>[vector<16xi32>], vector<16xi32>,
      %shift_right_logical3A_262 = arith.constant 6 : i32
      %shift_right_logical3A_263 = vector.broadcast %shift_right_logical3A_262 : i32 to vector<16xi32>
      %shift_right_logical3A_264 = arith.shrui %add3A_259, %shift_right_logical3A_263 : vector<16xi32>
      %and3A_265 = arith.constant 63 : i32
      %and3A_266 = vector.broadcast %and3A_265 : i32 to vector<16xi32>
      %and3A_267 = arith.andi %add3A_259, %and3A_266 : vector<16xi32>
      %add3A_268 = arith.constant 10000 : i32
      %add3A_269 = vector.broadcast %add3A_268 : i32 to vector<16xi32>
      %add3A_270 = arith.addi %add3A_269, %iota3A : vector<16xi32>
      tpu.vector_store_idx %arg13[%shift_right_logical3A_264, %and3A_267], %add3A_270 : memref<34x64xi32, #tpu.memory_space<vmem>>[vector<16xi32>, vector<16xi32>], vector<16xi32>,
      %reduce_max3A = arith.constant true
      %reduce_max3A_271 = vector.broadcast %reduce_max3A : i1 to vector<16xi1>
      %reduce_max3A_272 = arith.constant -2147483648 : i32
      %reduce_max3A_273 = vector.broadcast %reduce_max3A_272 : i32 to vector<16xi32>
      %reduce_max3A_274 = arith.xori %parallel_loop3A_212, %reduce_max3A_273 : vector<16xi32>
      %reduce_max3A_275 = tpu.scan <max>, %reduce_max3A_274 masked %reduce_max3A_271 : vector<16xi32>, vector<16xi1> -> vector<16xi32>
      %reduce_max3A_276 = arith.xori %reduce_max3A_275, %reduce_max3A_273 : vector<16xi32>
      %reduce_max3A_277 = vector.extract %reduce_max3A_276[15] : i32 from vector<16xi32>
      %add3A_278 = arith.constant 63 : i32
      %add3A_279 = arith.addi %reduce_max3A_277, %add3A_278 : i32
      %div3A_280 = arith.constant 64 : i32
      %div3A_281 = arith.divsi %add3A_279, %div3A_280 : i32
      %gt3A = arith.constant 0 : i32
      %gt3A_282 = arith.cmpi sgt, %div3A_281, %gt3A : i32
      %convert_element_type3A = arith.extui %gt3A_282 : i1 to i32
      %cond3A = arith.constant 0 : i32
      %cond3A_283 = arith.cmpi ne, %convert_element_type3A, %cond3A : i32
      scf.if %cond3A_283 {
        %dma_start3A_298 = arith.constant 0 : i32
        %dma_start3A_299 = arith.constant 0 : i32
        %dma_start3A_300 = arith.constant 0 : i32
        %dma_start3A_301 = tpu.memref_slice %arg15[%dma_start3A_298, %dma_start3A_299, %dma_start3A_300] : memref<2x64x128xf32, #tpu.memory_space<vmem>> -> memref<1x64x128xf32, #tpu.memory_space<vmem>>
        %dma_start3A_302 = tpu.memref_squeeze %dma_start3A_301 : memref<1x64x128xf32, #tpu.memory_space<vmem>> -> memref<64x128xf32, #tpu.memory_space<vmem>>
        %dma_start3A_303 = arith.constant 0 : i32
        %dma_start3A_304 = tpu.memref_slice %arg12[%dma_start3A_303] : memref<2128xi32, #tpu.memory_space<vmem>> -> memref<64xi32, #tpu.memory_space<vmem>>
        %dma_start3A_305 = arith.constant 0 : i32
        %dma_start3A_306 = arith.constant 0 : i32
        %dma_start3A_307 = tpu.memref_slice %arg5[%dma_start3A_305, %dma_start3A_306] : memref<10000x128xf32, #tpu.memory_space<hbm>> -> memref<10000x128xf32, #tpu.memory_space<hbm>>
        tpu.enqueue_indirect_dma source(%dma_start3A_307 : memref<10000x128xf32, #tpu.memory_space<hbm>>) target(%dma_start3A_302 : memref<64x128xf32, #tpu.memory_space<vmem>>) offsets(%dma_start3A_304 : memref<64xi32, #tpu.memory_space<vmem>>) semaphore(%arg17 : memref<!tpu.dma_semaphore, #tpu.memory_space<semaphore_mem>>)
      } else {
      }
      %gt3A_284 = arith.constant 1 : i32
      %gt3A_285 = arith.cmpi sgt, %div3A_281, %gt3A_284 : i32
      %convert_element_type3A_286 = arith.extui %gt3A_285 : i1 to i32
      %cond3A_287 = arith.constant 0 : i32
      %cond3A_288 = arith.cmpi ne, %convert_element_type3A_286, %cond3A_287 : i32
      scf.if %cond3A_288 {
        %dma_start3A_298 = arith.constant 1 : i32
        %dma_start3A_299 = arith.constant 0 : i32
        %dma_start3A_300 = arith.constant 0 : i32
        %dma_start3A_301 = tpu.memref_slice %arg15[%dma_start3A_298, %dma_start3A_299, %dma_start3A_300] : memref<2x64x128xf32, #tpu.memory_space<vmem>> -> memref<1x64x128xf32, #tpu.memory_space<vmem>>
        %dma_start3A_302 = tpu.memref_squeeze %dma_start3A_301 : memref<1x64x128xf32, #tpu.memory_space<vmem>> -> memref<64x128xf32, #tpu.memory_space<vmem>>
        %dma_start3A_303 = arith.constant 64 : i32
        %dma_start3A_304 = tpu.memref_slice %arg12[%dma_start3A_303] : memref<2128xi32, #tpu.memory_space<vmem>> -> memref<64xi32, #tpu.memory_space<vmem>>
        %dma_start3A_305 = arith.constant 0 : i32
        %dma_start3A_306 = arith.constant 0 : i32
        %dma_start3A_307 = tpu.memref_slice %arg5[%dma_start3A_305, %dma_start3A_306] : memref<10000x128xf32, #tpu.memory_space<hbm>> -> memref<10000x128xf32, #tpu.memory_space<hbm>>
        tpu.enqueue_indirect_dma source(%dma_start3A_307 : memref<10000x128xf32, #tpu.memory_space<hbm>>) target(%dma_start3A_302 : memref<64x128xf32, #tpu.memory_space<vmem>>) offsets(%dma_start3A_304 : memref<64xi32, #tpu.memory_space<vmem>>) semaphore(%arg18 : memref<!tpu.dma_semaphore, #tpu.memory_space<semaphore_mem>>)
      } else {
      }
      %while3A = arith.constant 0 : i32
      %while3A_289 = arith.constant 0 : i32
      %while3A_290 = arith.subi %div3A_281, %while3A_289 : i32
      %while3A_291 = arith.addi %while3A_289, %while3A_290 : i32
      %while3A_292 = arith.constant 1 : i32
      %while3A_293 = arith.divsi %while3A_290, %while3A_292 : i32
      %while3A_294 = arith.muli %while3A_293, %while3A_292 : i32
      %while3A_295 = arith.addi %while3A_289, %while3A_294 : i32
      %while3A_296 = arith.constant 1 : i32
      scf.for %while3A_298 = %while3A_289 to %while3A_295 step %while3A_296  : i32 {
        %rem3A_299 = arith.constant 2 : i32
        %rem3A_300 = arith.remsi %while3A_298, %rem3A_299 : i32
        %eq3A = arith.constant 0 : i32
        %eq3A_301 = arith.cmpi eq, %rem3A_300, %eq3A : i32
        %convert_element_type3A_302 = arith.extui %eq3A_301 : i1 to i32
        %cond3A_303 = arith.constant 0 : i32
        %cond3A_304 = arith.cmpi ne, %convert_element_type3A_302, %cond3A_303 : i32
        scf.if %cond3A_304 {
          %dma_wait3A_312 = arith.constant 0 : i32
          %dma_wait3A_313 = arith.constant 0 : i32
          %dma_wait3A_314 = arith.constant 0 : i32
          %dma_wait3A_315 = tpu.memref_slice %arg15[%dma_wait3A_312, %dma_wait3A_313, %dma_wait3A_314] : memref<2x64x128xf32, #tpu.memory_space<vmem>> -> memref<1x64x128xf32, #tpu.memory_space<vmem>>
          %dma_wait3A_316 = tpu.memref_squeeze %dma_wait3A_315 : memref<1x64x128xf32, #tpu.memory_space<vmem>> -> memref<64x128xf32, #tpu.memory_space<vmem>>
          %dma_wait3A_317 = arith.constant 0 : i32
          %dma_wait3A_318 = arith.constant 0 : i32
          %dma_wait3A_319 = tpu.memref_slice %arg5[%dma_wait3A_317, %dma_wait3A_318] : memref<10000x128xf32, #tpu.memory_space<hbm>> -> memref<64x128xf32, #tpu.memory_space<hbm>>
          %dma_wait3A_320 = arith.constant 0 : i32
          %dma_wait3A_321 = arith.constant 0 : i32
          %dma_wait3A_322 = tpu.memref_slice %arg15[%dma_wait3A_312, %dma_wait3A_320, %dma_wait3A_321] : memref<2x64x128xf32, #tpu.memory_space<vmem>> -> memref<1x64x128xf32, #tpu.memory_space<vmem>>
          %dma_wait3A_323 = tpu.memref_squeeze %dma_wait3A_322 : memref<1x64x128xf32, #tpu.memory_space<vmem>> -> memref<64x128xf32, #tpu.memory_space<vmem>>
          %dma_wait3A_324 = arith.constant 0 : i32
          %dma_wait3A_325 = arith.constant 0 : i32
          %dma_wait3A_326 = tpu.memref_slice %arg5[%dma_wait3A_324, %dma_wait3A_325] : memref<10000x128xf32, #tpu.memory_space<hbm>> -> memref<64x128xf32, #tpu.memory_space<hbm>>
          tpu.wait_dma2 semaphore(%arg17 : memref<!tpu.dma_semaphore, #tpu.memory_space<semaphore_mem>>) src(%dma_wait3A_326 : memref<64x128xf32, #tpu.memory_space<hbm>>) dst(%dma_wait3A_323 : memref<64x128xf32, #tpu.memory_space<vmem>>)
          %run_scoped3A_327 = arith.constant 0 : i32
          "tpu.region"() ({
            %run_scoped3A_333 = tpu.sem_alloc : memref<!tpu.dma_semaphore, #tpu.memory_space<semaphore_mem>>
            %dma_start3A_334 = arith.constant 0 : i32
            %dma_start3A_335 = arith.constant 0 : i32
            %dma_start3A_336 = tpu.memref_slice %arg15[%run_scoped3A_327, %dma_start3A_334, %dma_start3A_335] : memref<2x64x128xf32, #tpu.memory_space<vmem>> -> memref<1x64x128xf32, #tpu.memory_space<vmem>>
            %dma_start3A_337 = tpu.memref_squeeze %dma_start3A_336 : memref<1x64x128xf32, #tpu.memory_space<vmem>> -> memref<64x128xf32, #tpu.memory_space<vmem>>
            %dma_start3A_338 = arith.constant 0 : i32
            %dma_start3A_339 = tpu.memref_slice %arg13[%while3A_298, %dma_start3A_338] : memref<34x64xi32, #tpu.memory_space<vmem>> -> memref<1x64xi32, #tpu.memory_space<vmem>>
            %dma_start3A_340 = tpu.memref_squeeze %dma_start3A_339 : memref<1x64xi32, #tpu.memory_space<vmem>> -> memref<64xi32, #tpu.memory_space<vmem>>
            %dma_start3A_341 = arith.constant 0 : i32
            %dma_start3A_342 = arith.constant 0 : i32
            %dma_start3A_343 = tpu.memref_slice %arg16[%dma_start3A_341, %dma_start3A_342] : memref<10016x128xf32, #tpu.memory_space<vmem_shared>> -> memref<10016x128xf32, #tpu.memory_space<vmem_shared>>
            tpu.enqueue_indirect_dma source(%dma_start3A_337 : memref<64x128xf32, #tpu.memory_space<vmem>>) target(%dma_start3A_343 : memref<10016x128xf32, #tpu.memory_space<vmem_shared>>) offsets(%dma_start3A_340 : memref<64xi32, #tpu.memory_space<vmem>>) semaphore(%run_scoped3A_333 : memref<!tpu.dma_semaphore, #tpu.memory_space<semaphore_mem>>) {add = true}
            %dma_wait3A_344 = arith.constant 0 : i32
            %dma_wait3A_345 = arith.constant 0 : i32
            %dma_wait3A_346 = tpu.memref_slice %arg15[%run_scoped3A_327, %dma_wait3A_344, %dma_wait3A_345] : memref<2x64x128xf32, #tpu.memory_space<vmem>> -> memref<1x64x128xf32, #tpu.memory_space<vmem>>
            %dma_wait3A_347 = tpu.memref_squeeze %dma_wait3A_346 : memref<1x64x128xf32, #tpu.memory_space<vmem>> -> memref<64x128xf32, #tpu.memory_space<vmem>>
            %dma_wait3A_348 = arith.constant 0 : i32
            %dma_wait3A_349 = tpu.memref_slice %arg13[%while3A_298, %dma_wait3A_348] : memref<34x64xi32, #tpu.memory_space<vmem>> -> memref<1x64xi32, #tpu.memory_space<vmem>>
            %dma_wait3A_350 = tpu.memref_squeeze %dma_wait3A_349 : memref<1x64xi32, #tpu.memory_space<vmem>> -> memref<64xi32, #tpu.memory_space<vmem>>
            %dma_wait3A_351 = arith.constant 0 : i32
            %dma_wait3A_352 = arith.constant 0 : i32
            %dma_wait3A_353 = tpu.memref_slice %arg16[%dma_wait3A_351, %dma_wait3A_352] : memref<10016x128xf32, #tpu.memory_space<vmem_shared>> -> memref<10016x128xf32, #tpu.memory_space<vmem_shared>>
            tpu.wait_indirect_dma semaphore(%run_scoped3A_333 : memref<!tpu.dma_semaphore, #tpu.memory_space<semaphore_mem>>) src(%dma_wait3A_347 : memref<64x128xf32, #tpu.memory_space<vmem>>) dst(%dma_wait3A_353 : memref<10016x128xf32, #tpu.memory_space<vmem_shared>>)
            tpu.yield
          }) : () -> ()
          %add3A_328 = arith.constant 2 : i32
          %add3A_329 = arith.addi %while3A_298, %add3A_328 : i32
          %lt3A = arith.cmpi slt, %add3A_329, %div3A_281 : i32
          %convert_element_type3A_330 = arith.extui %lt3A : i1 to i32
          %cond3A_331 = arith.constant 0 : i32
          %cond3A_332 = arith.cmpi ne, %convert_element_type3A_330, %cond3A_331 : i32
          scf.if %cond3A_332 {
            %add3A_333 = arith.constant 2 : i32
            %add3A_334 = arith.addi %while3A_298, %add3A_333 : i32
            %mul3A_335 = arith.constant 64 : i32
            %mul3A_336 = arith.muli %add3A_334, %mul3A_335 : i32
            %dma_start3A_337 = arith.constant 0 : i32
            %dma_start3A_338 = arith.constant 0 : i32
            %dma_start3A_339 = arith.constant 0 : i32
            %dma_start3A_340 = tpu.memref_slice %arg15[%dma_start3A_337, %dma_start3A_338, %dma_start3A_339] : memref<2x64x128xf32, #tpu.memory_space<vmem>> -> memref<1x64x128xf32, #tpu.memory_space<vmem>>
            %dma_start3A_341 = tpu.memref_squeeze %dma_start3A_340 : memref<1x64x128xf32, #tpu.memory_space<vmem>> -> memref<64x128xf32, #tpu.memory_space<vmem>>
            %dma_start3A_342 = tpu.memref_slice %arg12[%mul3A_336] : memref<2128xi32, #tpu.memory_space<vmem>> -> memref<64xi32, #tpu.memory_space<vmem>>
            %dma_start3A_343 = arith.constant 0 : i32
            %dma_start3A_344 = arith.constant 0 : i32
            %dma_start3A_345 = tpu.memref_slice %arg5[%dma_start3A_343, %dma_start3A_344] : memref<10000x128xf32, #tpu.memory_space<hbm>> -> memref<10000x128xf32, #tpu.memory_space<hbm>>
            tpu.enqueue_indirect_dma source(%dma_start3A_345 : memref<10000x128xf32, #tpu.memory_space<hbm>>) target(%dma_start3A_341 : memref<64x128xf32, #tpu.memory_space<vmem>>) offsets(%dma_start3A_342 : memref<64xi32, #tpu.memory_space<vmem>>) semaphore(%arg17 : memref<!tpu.dma_semaphore, #tpu.memory_space<semaphore_mem>>)
          } else {
          }
        } else {
        }
        %rem3A_305 = arith.constant 2 : i32
        %rem3A_306 = arith.remsi %while3A_298, %rem3A_305 : i32
        %eq3A_307 = arith.constant 1 : i32
        %eq3A_308 = arith.cmpi eq, %rem3A_306, %eq3A_307 : i32
        %convert_element_type3A_309 = arith.extui %eq3A_308 : i1 to i32
        %cond3A_310 = arith.constant 0 : i32
        %cond3A_311 = arith.cmpi ne, %convert_element_type3A_309, %cond3A_310 : i32
        scf.if %cond3A_311 {
          %dma_wait3A_312 = arith.constant 1 : i32
          %dma_wait3A_313 = arith.constant 0 : i32
          %dma_wait3A_314 = arith.constant 0 : i32
          %dma_wait3A_315 = tpu.memref_slice %arg15[%dma_wait3A_312, %dma_wait3A_313, %dma_wait3A_314] : memref<2x64x128xf32, #tpu.memory_space<vmem>> -> memref<1x64x128xf32, #tpu.memory_space<vmem>>
          %dma_wait3A_316 = tpu.memref_squeeze %dma_wait3A_315 : memref<1x64x128xf32, #tpu.memory_space<vmem>> -> memref<64x128xf32, #tpu.memory_space<vmem>>
          %dma_wait3A_317 = arith.constant 0 : i32
          %dma_wait3A_318 = arith.constant 0 : i32
          %dma_wait3A_319 = tpu.memref_slice %arg5[%dma_wait3A_317, %dma_wait3A_318] : memref<10000x128xf32, #tpu.memory_space<hbm>> -> memref<64x128xf32, #tpu.memory_space<hbm>>
          %dma_wait3A_320 = arith.constant 0 : i32
          %dma_wait3A_321 = arith.constant 0 : i32
          %dma_wait3A_322 = tpu.memref_slice %arg15[%dma_wait3A_312, %dma_wait3A_320, %dma_wait3A_321] : memref<2x64x128xf32, #tpu.memory_space<vmem>> -> memref<1x64x128xf32, #tpu.memory_space<vmem>>
          %dma_wait3A_323 = tpu.memref_squeeze %dma_wait3A_322 : memref<1x64x128xf32, #tpu.memory_space<vmem>> -> memref<64x128xf32, #tpu.memory_space<vmem>>
          %dma_wait3A_324 = arith.constant 0 : i32
          %dma_wait3A_325 = arith.constant 0 : i32
          %dma_wait3A_326 = tpu.memref_slice %arg5[%dma_wait3A_324, %dma_wait3A_325] : memref<10000x128xf32, #tpu.memory_space<hbm>> -> memref<64x128xf32, #tpu.memory_space<hbm>>
          tpu.wait_dma2 semaphore(%arg18 : memref<!tpu.dma_semaphore, #tpu.memory_space<semaphore_mem>>) src(%dma_wait3A_326 : memref<64x128xf32, #tpu.memory_space<hbm>>) dst(%dma_wait3A_323 : memref<64x128xf32, #tpu.memory_space<vmem>>)
          %run_scoped3A_327 = arith.constant 1 : i32
          "tpu.region"() ({
            %run_scoped3A_333 = tpu.sem_alloc : memref<!tpu.dma_semaphore, #tpu.memory_space<semaphore_mem>>
            %dma_start3A_334 = arith.constant 0 : i32
            %dma_start3A_335 = arith.constant 0 : i32
            %dma_start3A_336 = tpu.memref_slice %arg15[%run_scoped3A_327, %dma_start3A_334, %dma_start3A_335] : memref<2x64x128xf32, #tpu.memory_space<vmem>> -> memref<1x64x128xf32, #tpu.memory_space<vmem>>
            %dma_start3A_337 = tpu.memref_squeeze %dma_start3A_336 : memref<1x64x128xf32, #tpu.memory_space<vmem>> -> memref<64x128xf32, #tpu.memory_space<vmem>>
            %dma_start3A_338 = arith.constant 0 : i32
            %dma_start3A_339 = tpu.memref_slice %arg13[%while3A_298, %dma_start3A_338] : memref<34x64xi32, #tpu.memory_space<vmem>> -> memref<1x64xi32, #tpu.memory_space<vmem>>
            %dma_start3A_340 = tpu.memref_squeeze %dma_start3A_339 : memref<1x64xi32, #tpu.memory_space<vmem>> -> memref<64xi32, #tpu.memory_space<vmem>>
            %dma_start3A_341 = arith.constant 0 : i32
            %dma_start3A_342 = arith.constant 0 : i32
            %dma_start3A_343 = tpu.memref_slice %arg16[%dma_start3A_341, %dma_start3A_342] : memref<10016x128xf32, #tpu.memory_space<vmem_shared>> -> memref<10016x128xf32, #tpu.memory_space<vmem_shared>>
            tpu.enqueue_indirect_dma source(%dma_start3A_337 : memref<64x128xf32, #tpu.memory_space<vmem>>) target(%dma_start3A_343 : memref<10016x128xf32, #tpu.memory_space<vmem_shared>>) offsets(%dma_start3A_340 : memref<64xi32, #tpu.memory_space<vmem>>) semaphore(%run_scoped3A_333 : memref<!tpu.dma_semaphore, #tpu.memory_space<semaphore_mem>>) {add = true}
            %dma_wait3A_344 = arith.constant 0 : i32
            %dma_wait3A_345 = arith.constant 0 : i32
            %dma_wait3A_346 = tpu.memref_slice %arg15[%run_scoped3A_327, %dma_wait3A_344, %dma_wait3A_345] : memref<2x64x128xf32, #tpu.memory_space<vmem>> -> memref<1x64x128xf32, #tpu.memory_space<vmem>>
            %dma_wait3A_347 = tpu.memref_squeeze %dma_wait3A_346 : memref<1x64x128xf32, #tpu.memory_space<vmem>> -> memref<64x128xf32, #tpu.memory_space<vmem>>
            %dma_wait3A_348 = arith.constant 0 : i32
            %dma_wait3A_349 = tpu.memref_slice %arg13[%while3A_298, %dma_wait3A_348] : memref<34x64xi32, #tpu.memory_space<vmem>> -> memref<1x64xi32, #tpu.memory_space<vmem>>
            %dma_wait3A_350 = tpu.memref_squeeze %dma_wait3A_349 : memref<1x64xi32, #tpu.memory_space<vmem>> -> memref<64xi32, #tpu.memory_space<vmem>>
            %dma_wait3A_351 = arith.constant 0 : i32
            %dma_wait3A_352 = arith.constant 0 : i32
            %dma_wait3A_353 = tpu.memref_slice %arg16[%dma_wait3A_351, %dma_wait3A_352] : memref<10016x128xf32, #tpu.memory_space<vmem_shared>> -> memref<10016x128xf32, #tpu.memory_space<vmem_shared>>
            tpu.wait_indirect_dma semaphore(%run_scoped3A_333 : memref<!tpu.dma_semaphore, #tpu.memory_space<semaphore_mem>>) src(%dma_wait3A_347 : memref<64x128xf32, #tpu.memory_space<vmem>>) dst(%dma_wait3A_353 : memref<10016x128xf32, #tpu.memory_space<vmem_shared>>)
            tpu.yield
          }) : () -> ()
          %add3A_328 = arith.constant 2 : i32
          %add3A_329 = arith.addi %while3A_298, %add3A_328 : i32
          %lt3A = arith.cmpi slt, %add3A_329, %div3A_281 : i32
          %convert_element_type3A_330 = arith.extui %lt3A : i1 to i32
          %cond3A_331 = arith.constant 0 : i32
          %cond3A_332 = arith.cmpi ne, %convert_element_type3A_330, %cond3A_331 : i32
          scf.if %cond3A_332 {
            %add3A_333 = arith.constant 2 : i32
            %add3A_334 = arith.addi %while3A_298, %add3A_333 : i32
            %mul3A_335 = arith.constant 64 : i32
            %mul3A_336 = arith.muli %add3A_334, %mul3A_335 : i32
            %dma_start3A_337 = arith.constant 1 : i32
            %dma_start3A_338 = arith.constant 0 : i32
            %dma_start3A_339 = arith.constant 0 : i32
            %dma_start3A_340 = tpu.memref_slice %arg15[%dma_start3A_337, %dma_start3A_338, %dma_start3A_339] : memref<2x64x128xf32, #tpu.memory_space<vmem>> -> memref<1x64x128xf32, #tpu.memory_space<vmem>>
            %dma_start3A_341 = tpu.memref_squeeze %dma_start3A_340 : memref<1x64x128xf32, #tpu.memory_space<vmem>> -> memref<64x128xf32, #tpu.memory_space<vmem>>
            %dma_start3A_342 = tpu.memref_slice %arg12[%mul3A_336] : memref<2128xi32, #tpu.memory_space<vmem>> -> memref<64xi32, #tpu.memory_space<vmem>>
            %dma_start3A_343 = arith.constant 0 : i32
            %dma_start3A_344 = arith.constant 0 : i32
            %dma_start3A_345 = tpu.memref_slice %arg5[%dma_start3A_343, %dma_start3A_344] : memref<10000x128xf32, #tpu.memory_space<hbm>> -> memref<10000x128xf32, #tpu.memory_space<hbm>>
            tpu.enqueue_indirect_dma source(%dma_start3A_345 : memref<10000x128xf32, #tpu.memory_space<hbm>>) target(%dma_start3A_341 : memref<64x128xf32, #tpu.memory_space<vmem>>) offsets(%dma_start3A_342 : memref<64xi32, #tpu.memory_space<vmem>>) semaphore(%arg18 : memref<!tpu.dma_semaphore, #tpu.memory_space<semaphore_mem>>)
          } else {
          }
        } else {
        }
      }
      %while3A_297 = arith.constant 1 : i32
      scf.for %while3A_298 = %while3A_295 to %while3A_291 step %while3A_297  : i32 {
        %rem3A_299 = arith.constant 2 : i32
        %rem3A_300 = arith.remsi %while3A_298, %rem3A_299 : i32
        %eq3A = arith.constant 0 : i32
        %eq3A_301 = arith.cmpi eq, %rem3A_300, %eq3A : i32
        %convert_element_type3A_302 = arith.extui %eq3A_301 : i1 to i32
        %cond3A_303 = arith.constant 0 : i32
        %cond3A_304 = arith.cmpi ne, %convert_element_type3A_302, %cond3A_303 : i32
        scf.if %cond3A_304 {
          %dma_wait3A_312 = arith.constant 0 : i32
          %dma_wait3A_313 = arith.constant 0 : i32
          %dma_wait3A_314 = arith.constant 0 : i32
          %dma_wait3A_315 = tpu.memref_slice %arg15[%dma_wait3A_312, %dma_wait3A_313, %dma_wait3A_314] : memref<2x64x128xf32, #tpu.memory_space<vmem>> -> memref<1x64x128xf32, #tpu.memory_space<vmem>>
          %dma_wait3A_316 = tpu.memref_squeeze %dma_wait3A_315 : memref<1x64x128xf32, #tpu.memory_space<vmem>> -> memref<64x128xf32, #tpu.memory_space<vmem>>
          %dma_wait3A_317 = arith.constant 0 : i32
          %dma_wait3A_318 = arith.constant 0 : i32
          %dma_wait3A_319 = tpu.memref_slice %arg5[%dma_wait3A_317, %dma_wait3A_318] : memref<10000x128xf32, #tpu.memory_space<hbm>> -> memref<64x128xf32, #tpu.memory_space<hbm>>
          %dma_wait3A_320 = arith.constant 0 : i32
          %dma_wait3A_321 = arith.constant 0 : i32
          %dma_wait3A_322 = tpu.memref_slice %arg15[%dma_wait3A_312, %dma_wait3A_320, %dma_wait3A_321] : memref<2x64x128xf32, #tpu.memory_space<vmem>> -> memref<1x64x128xf32, #tpu.memory_space<vmem>>
          %dma_wait3A_323 = tpu.memref_squeeze %dma_wait3A_322 : memref<1x64x128xf32, #tpu.memory_space<vmem>> -> memref<64x128xf32, #tpu.memory_space<vmem>>
          %dma_wait3A_324 = arith.constant 0 : i32
          %dma_wait3A_325 = arith.constant 0 : i32
          %dma_wait3A_326 = tpu.memref_slice %arg5[%dma_wait3A_324, %dma_wait3A_325] : memref<10000x128xf32, #tpu.memory_space<hbm>> -> memref<64x128xf32, #tpu.memory_space<hbm>>
          tpu.wait_dma2 semaphore(%arg17 : memref<!tpu.dma_semaphore, #tpu.memory_space<semaphore_mem>>) src(%dma_wait3A_326 : memref<64x128xf32, #tpu.memory_space<hbm>>) dst(%dma_wait3A_323 : memref<64x128xf32, #tpu.memory_space<vmem>>)
          %run_scoped3A_327 = arith.constant 0 : i32
          "tpu.region"() ({
            %run_scoped3A_333 = tpu.sem_alloc : memref<!tpu.dma_semaphore, #tpu.memory_space<semaphore_mem>>
            %dma_start3A_334 = arith.constant 0 : i32
            %dma_start3A_335 = arith.constant 0 : i32
            %dma_start3A_336 = tpu.memref_slice %arg15[%run_scoped3A_327, %dma_start3A_334, %dma_start3A_335] : memref<2x64x128xf32, #tpu.memory_space<vmem>> -> memref<1x64x128xf32, #tpu.memory_space<vmem>>
            %dma_start3A_337 = tpu.memref_squeeze %dma_start3A_336 : memref<1x64x128xf32, #tpu.memory_space<vmem>> -> memref<64x128xf32, #tpu.memory_space<vmem>>
            %dma_start3A_338 = arith.constant 0 : i32
            %dma_start3A_339 = tpu.memref_slice %arg13[%while3A_298, %dma_start3A_338] : memref<34x64xi32, #tpu.memory_space<vmem>> -> memref<1x64xi32, #tpu.memory_space<vmem>>
            %dma_start3A_340 = tpu.memref_squeeze %dma_start3A_339 : memref<1x64xi32, #tpu.memory_space<vmem>> -> memref<64xi32, #tpu.memory_space<vmem>>
            %dma_start3A_341 = arith.constant 0 : i32
            %dma_start3A_342 = arith.constant 0 : i32
            %dma_start3A_343 = tpu.memref_slice %arg16[%dma_start3A_341, %dma_start3A_342] : memref<10016x128xf32, #tpu.memory_space<vmem_shared>> -> memref<10016x128xf32, #tpu.memory_space<vmem_shared>>
            tpu.enqueue_indirect_dma source(%dma_start3A_337 : memref<64x128xf32, #tpu.memory_space<vmem>>) target(%dma_start3A_343 : memref<10016x128xf32, #tpu.memory_space<vmem_shared>>) offsets(%dma_start3A_340 : memref<64xi32, #tpu.memory_space<vmem>>) semaphore(%run_scoped3A_333 : memref<!tpu.dma_semaphore, #tpu.memory_space<semaphore_mem>>) {add = true}
            %dma_wait3A_344 = arith.constant 0 : i32
            %dma_wait3A_345 = arith.constant 0 : i32
            %dma_wait3A_346 = tpu.memref_slice %arg15[%run_scoped3A_327, %dma_wait3A_344, %dma_wait3A_345] : memref<2x64x128xf32, #tpu.memory_space<vmem>> -> memref<1x64x128xf32, #tpu.memory_space<vmem>>
            %dma_wait3A_347 = tpu.memref_squeeze %dma_wait3A_346 : memref<1x64x128xf32, #tpu.memory_space<vmem>> -> memref<64x128xf32, #tpu.memory_space<vmem>>
            %dma_wait3A_348 = arith.constant 0 : i32
            %dma_wait3A_349 = tpu.memref_slice %arg13[%while3A_298, %dma_wait3A_348] : memref<34x64xi32, #tpu.memory_space<vmem>> -> memref<1x64xi32, #tpu.memory_space<vmem>>
            %dma_wait3A_350 = tpu.memref_squeeze %dma_wait3A_349 : memref<1x64xi32, #tpu.memory_space<vmem>> -> memref<64xi32, #tpu.memory_space<vmem>>
            %dma_wait3A_351 = arith.constant 0 : i32
            %dma_wait3A_352 = arith.constant 0 : i32
            %dma_wait3A_353 = tpu.memref_slice %arg16[%dma_wait3A_351, %dma_wait3A_352] : memref<10016x128xf32, #tpu.memory_space<vmem_shared>> -> memref<10016x128xf32, #tpu.memory_space<vmem_shared>>
            tpu.wait_indirect_dma semaphore(%run_scoped3A_333 : memref<!tpu.dma_semaphore, #tpu.memory_space<semaphore_mem>>) src(%dma_wait3A_347 : memref<64x128xf32, #tpu.memory_space<vmem>>) dst(%dma_wait3A_353 : memref<10016x128xf32, #tpu.memory_space<vmem_shared>>)
            tpu.yield
          }) : () -> ()
          %add3A_328 = arith.constant 2 : i32
          %add3A_329 = arith.addi %while3A_298, %add3A_328 : i32
          %lt3A = arith.cmpi slt, %add3A_329, %div3A_281 : i32
          %convert_element_type3A_330 = arith.extui %lt3A : i1 to i32
          %cond3A_331 = arith.constant 0 : i32
          %cond3A_332 = arith.cmpi ne, %convert_element_type3A_330, %cond3A_331 : i32
          scf.if %cond3A_332 {
            %add3A_333 = arith.constant 2 : i32
            %add3A_334 = arith.addi %while3A_298, %add3A_333 : i32
            %mul3A_335 = arith.constant 64 : i32
            %mul3A_336 = arith.muli %add3A_334, %mul3A_335 : i32
            %dma_start3A_337 = arith.constant 0 : i32
            %dma_start3A_338 = arith.constant 0 : i32
            %dma_start3A_339 = arith.constant 0 : i32
            %dma_start3A_340 = tpu.memref_slice %arg15[%dma_start3A_337, %dma_start3A_338, %dma_start3A_339] : memref<2x64x128xf32, #tpu.memory_space<vmem>> -> memref<1x64x128xf32, #tpu.memory_space<vmem>>
            %dma_start3A_341 = tpu.memref_squeeze %dma_start3A_340 : memref<1x64x128xf32, #tpu.memory_space<vmem>> -> memref<64x128xf32, #tpu.memory_space<vmem>>
            %dma_start3A_342 = tpu.memref_slice %arg12[%mul3A_336] : memref<2128xi32, #tpu.memory_space<vmem>> -> memref<64xi32, #tpu.memory_space<vmem>>
            %dma_start3A_343 = arith.constant 0 : i32
            %dma_start3A_344 = arith.constant 0 : i32
            %dma_start3A_345 = tpu.memref_slice %arg5[%dma_start3A_343, %dma_start3A_344] : memref<10000x128xf32, #tpu.memory_space<hbm>> -> memref<10000x128xf32, #tpu.memory_space<hbm>>
            tpu.enqueue_indirect_dma source(%dma_start3A_345 : memref<10000x128xf32, #tpu.memory_space<hbm>>) target(%dma_start3A_341 : memref<64x128xf32, #tpu.memory_space<vmem>>) offsets(%dma_start3A_342 : memref<64xi32, #tpu.memory_space<vmem>>) semaphore(%arg17 : memref<!tpu.dma_semaphore, #tpu.memory_space<semaphore_mem>>)
          } else {
          }
        } else {
        }
        %rem3A_305 = arith.constant 2 : i32
        %rem3A_306 = arith.remsi %while3A_298, %rem3A_305 : i32
        %eq3A_307 = arith.constant 1 : i32
        %eq3A_308 = arith.cmpi eq, %rem3A_306, %eq3A_307 : i32
        %convert_element_type3A_309 = arith.extui %eq3A_308 : i1 to i32
        %cond3A_310 = arith.constant 0 : i32
        %cond3A_311 = arith.cmpi ne, %convert_element_type3A_309, %cond3A_310 : i32
        scf.if %cond3A_311 {
          %dma_wait3A_312 = arith.constant 1 : i32
          %dma_wait3A_313 = arith.constant 0 : i32
          %dma_wait3A_314 = arith.constant 0 : i32
          %dma_wait3A_315 = tpu.memref_slice %arg15[%dma_wait3A_312, %dma_wait3A_313, %dma_wait3A_314] : memref<2x64x128xf32, #tpu.memory_space<vmem>> -> memref<1x64x128xf32, #tpu.memory_space<vmem>>
          %dma_wait3A_316 = tpu.memref_squeeze %dma_wait3A_315 : memref<1x64x128xf32, #tpu.memory_space<vmem>> -> memref<64x128xf32, #tpu.memory_space<vmem>>
          %dma_wait3A_317 = arith.constant 0 : i32
          %dma_wait3A_318 = arith.constant 0 : i32
          %dma_wait3A_319 = tpu.memref_slice %arg5[%dma_wait3A_317, %dma_wait3A_318] : memref<10000x128xf32, #tpu.memory_space<hbm>> -> memref<64x128xf32, #tpu.memory_space<hbm>>
          %dma_wait3A_320 = arith.constant 0 : i32
          %dma_wait3A_321 = arith.constant 0 : i32
          %dma_wait3A_322 = tpu.memref_slice %arg15[%dma_wait3A_312, %dma_wait3A_320, %dma_wait3A_321] : memref<2x64x128xf32, #tpu.memory_space<vmem>> -> memref<1x64x128xf32, #tpu.memory_space<vmem>>
          %dma_wait3A_323 = tpu.memref_squeeze %dma_wait3A_322 : memref<1x64x128xf32, #tpu.memory_space<vmem>> -> memref<64x128xf32, #tpu.memory_space<vmem>>
          %dma_wait3A_324 = arith.constant 0 : i32
          %dma_wait3A_325 = arith.constant 0 : i32
          %dma_wait3A_326 = tpu.memref_slice %arg5[%dma_wait3A_324, %dma_wait3A_325] : memref<10000x128xf32, #tpu.memory_space<hbm>> -> memref<64x128xf32, #tpu.memory_space<hbm>>
          tpu.wait_dma2 semaphore(%arg18 : memref<!tpu.dma_semaphore, #tpu.memory_space<semaphore_mem>>) src(%dma_wait3A_326 : memref<64x128xf32, #tpu.memory_space<hbm>>) dst(%dma_wait3A_323 : memref<64x128xf32, #tpu.memory_space<vmem>>)
          %run_scoped3A_327 = arith.constant 1 : i32
          "tpu.region"() ({
            %run_scoped3A_333 = tpu.sem_alloc : memref<!tpu.dma_semaphore, #tpu.memory_space<semaphore_mem>>
            %dma_start3A_334 = arith.constant 0 : i32
            %dma_start3A_335 = arith.constant 0 : i32
            %dma_start3A_336 = tpu.memref_slice %arg15[%run_scoped3A_327, %dma_start3A_334, %dma_start3A_335] : memref<2x64x128xf32, #tpu.memory_space<vmem>> -> memref<1x64x128xf32, #tpu.memory_space<vmem>>
            %dma_start3A_337 = tpu.memref_squeeze %dma_start3A_336 : memref<1x64x128xf32, #tpu.memory_space<vmem>> -> memref<64x128xf32, #tpu.memory_space<vmem>>
            %dma_start3A_338 = arith.constant 0 : i32
            %dma_start3A_339 = tpu.memref_slice %arg13[%while3A_298, %dma_start3A_338] : memref<34x64xi32, #tpu.memory_space<vmem>> -> memref<1x64xi32, #tpu.memory_space<vmem>>
            %dma_start3A_340 = tpu.memref_squeeze %dma_start3A_339 : memref<1x64xi32, #tpu.memory_space<vmem>> -> memref<64xi32, #tpu.memory_space<vmem>>
            %dma_start3A_341 = arith.constant 0 : i32
            %dma_start3A_342 = arith.constant 0 : i32
            %dma_start3A_343 = tpu.memref_slice %arg16[%dma_start3A_341, %dma_start3A_342] : memref<10016x128xf32, #tpu.memory_space<vmem_shared>> -> memref<10016x128xf32, #tpu.memory_space<vmem_shared>>
            tpu.enqueue_indirect_dma source(%dma_start3A_337 : memref<64x128xf32, #tpu.memory_space<vmem>>) target(%dma_start3A_343 : memref<10016x128xf32, #tpu.memory_space<vmem_shared>>) offsets(%dma_start3A_340 : memref<64xi32, #tpu.memory_space<vmem>>) semaphore(%run_scoped3A_333 : memref<!tpu.dma_semaphore, #tpu.memory_space<semaphore_mem>>) {add = true}
            %dma_wait3A_344 = arith.constant 0 : i32
            %dma_wait3A_345 = arith.constant 0 : i32
            %dma_wait3A_346 = tpu.memref_slice %arg15[%run_scoped3A_327, %dma_wait3A_344, %dma_wait3A_345] : memref<2x64x128xf32, #tpu.memory_space<vmem>> -> memref<1x64x128xf32, #tpu.memory_space<vmem>>
            %dma_wait3A_347 = tpu.memref_squeeze %dma_wait3A_346 : memref<1x64x128xf32, #tpu.memory_space<vmem>> -> memref<64x128xf32, #tpu.memory_space<vmem>>
            %dma_wait3A_348 = arith.constant 0 : i32
            %dma_wait3A_349 = tpu.memref_slice %arg13[%while3A_298, %dma_wait3A_348] : memref<34x64xi32, #tpu.memory_space<vmem>> -> memref<1x64xi32, #tpu.memory_space<vmem>>
            %dma_wait3A_350 = tpu.memref_squeeze %dma_wait3A_349 : memref<1x64xi32, #tpu.memory_space<vmem>> -> memref<64xi32, #tpu.memory_space<vmem>>
            %dma_wait3A_351 = arith.constant 0 : i32
            %dma_wait3A_352 = arith.constant 0 : i32
            %dma_wait3A_353 = tpu.memref_slice %arg16[%dma_wait3A_351, %dma_wait3A_352] : memref<10016x128xf32, #tpu.memory_space<vmem_shared>> -> memref<10016x128xf32, #tpu.memory_space<vmem_shared>>
            tpu.wait_indirect_dma semaphore(%run_scoped3A_333 : memref<!tpu.dma_semaphore, #tpu.memory_space<semaphore_mem>>) src(%dma_wait3A_347 : memref<64x128xf32, #tpu.memory_space<vmem>>) dst(%dma_wait3A_353 : memref<10016x128xf32, #tpu.memory_space<vmem_shared>>)
            tpu.yield
          }) : () -> ()
          %add3A_328 = arith.constant 2 : i32
          %add3A_329 = arith.addi %while3A_298, %add3A_328 : i32
          %lt3A = arith.cmpi slt, %add3A_329, %div3A_281 : i32
          %convert_element_type3A_330 = arith.extui %lt3A : i1 to i32
          %cond3A_331 = arith.constant 0 : i32
          %cond3A_332 = arith.cmpi ne, %convert_element_type3A_330, %cond3A_331 : i32
          scf.if %cond3A_332 {
            %add3A_333 = arith.constant 2 : i32
            %add3A_334 = arith.addi %while3A_298, %add3A_333 : i32
            %mul3A_335 = arith.constant 64 : i32
            %mul3A_336 = arith.muli %add3A_334, %mul3A_335 : i32
            %dma_start3A_337 = arith.constant 1 : i32
            %dma_start3A_338 = arith.constant 0 : i32
            %dma_start3A_339 = arith.constant 0 : i32
            %dma_start3A_340 = tpu.memref_slice %arg15[%dma_start3A_337, %dma_start3A_338, %dma_start3A_339] : memref<2x64x128xf32, #tpu.memory_space<vmem>> -> memref<1x64x128xf32, #tpu.memory_space<vmem>>
            %dma_start3A_341 = tpu.memref_squeeze %dma_start3A_340 : memref<1x64x128xf32, #tpu.memory_space<vmem>> -> memref<64x128xf32, #tpu.memory_space<vmem>>
            %dma_start3A_342 = tpu.memref_slice %arg12[%mul3A_336] : memref<2128xi32, #tpu.memory_space<vmem>> -> memref<64xi32, #tpu.memory_space<vmem>>
            %dma_start3A_343 = arith.constant 0 : i32
            %dma_start3A_344 = arith.constant 0 : i32
            %dma_start3A_345 = tpu.memref_slice %arg5[%dma_start3A_343, %dma_start3A_344] : memref<10000x128xf32, #tpu.memory_space<hbm>> -> memref<10000x128xf32, #tpu.memory_space<hbm>>
            tpu.enqueue_indirect_dma source(%dma_start3A_345 : memref<10000x128xf32, #tpu.memory_space<hbm>>) target(%dma_start3A_341 : memref<64x128xf32, #tpu.memory_space<vmem>>) offsets(%dma_start3A_342 : memref<64xi32, #tpu.memory_space<vmem>>) semaphore(%arg18 : memref<!tpu.dma_semaphore, #tpu.memory_space<semaphore_mem>>)
          } else {
          }
        } else {
        }
      }
    }
    %scan3A_184 = arith.constant 10 : i32
    %barrier3A_185 = arith.constant 0 : index
    tpu.barrier barrier_id(%barrier3A_185)
    %mul3A_186 = arith.constant 16 : i32
    %mul3A_187 = arith.muli %arg0, %mul3A_186 : i32
    %add3A_188 = arith.addi %mul3A_187, %arg1 : i32
    %mul3A_189 = arith.constant 80 : i32
    %mul3A_190 = arith.muli %add3A_188, %mul3A_189 : i32
    "tpu.region"() ({
      %run_scoped3A_204 = tpu.sem_alloc : memref<!tpu.dma_semaphore, #tpu.memory_space<semaphore_mem>>
      %dma_start3A_205 = arith.constant 0 : i32
      %dma_start3A_206 = tpu.memref_slice %arg7[%mul3A_190, %dma_start3A_205] : memref<2560x128xf32, #tpu.memory_space<hbm>> -> memref<80x128xf32, #tpu.memory_space<hbm>>
      %dma_start3A_207 = arith.constant 0 : i32
      %dma_start3A_208 = tpu.memref_slice %arg7[%mul3A_190, %dma_start3A_207] : memref<2560x128xf32, #tpu.memory_space<hbm>> -> memref<80x128xf32, #tpu.memory_space<hbm>>
      tpu.enqueue_dma source(%arg14 : memref<80x128xf32, #tpu.memory_space<vmem>>) target(%dma_start3A_208 : memref<80x128xf32, #tpu.memory_space<hbm>>) target_semaphore(%run_scoped3A_204 : memref<!tpu.dma_semaphore, #tpu.memory_space<semaphore_mem>>)
      %dma_wait3A_209 = arith.constant 0 : i32
      %dma_wait3A_210 = tpu.memref_slice %arg7[%mul3A_190, %dma_wait3A_209] : memref<2560x128xf32, #tpu.memory_space<hbm>> -> memref<80x128xf32, #tpu.memory_space<hbm>>
      %dma_wait3A_211 = arith.constant 0 : i32
      %dma_wait3A_212 = tpu.memref_slice %arg7[%mul3A_190, %dma_wait3A_211] : memref<2560x128xf32, #tpu.memory_space<hbm>> -> memref<80x128xf32, #tpu.memory_space<hbm>>
      tpu.wait_dma2 semaphore(%run_scoped3A_204 : memref<!tpu.dma_semaphore, #tpu.memory_space<semaphore_mem>>) src(%arg14 : memref<80x128xf32, #tpu.memory_space<vmem>>) dst(%dma_wait3A_212 : memref<80x128xf32, #tpu.memory_space<hbm>>)
      tpu.yield
    }) : () -> ()
    %div3A = arith.constant 8 : i32
    %div3A_191 = arith.divsi %arg1, %div3A : i32
    %rem3A = arith.constant 8 : i32
    %rem3A_192 = arith.remsi %arg1, %rem3A : i32
    %mul3A_193 = arith.constant 632 : i32
    %mul3A_194 = arith.muli %rem3A_192, %mul3A_193 : i32
    %min3A_195 = arith.constant 4368 : i32
    %min3A_196 = arith.minsi %mul3A_194, %min3A_195 : i32
    %mul3A_197 = arith.constant 5000 : i32
    %mul3A_198 = arith.muli %div3A_191, %mul3A_197 : i32
    %add3A_199 = arith.addi %mul3A_198, %min3A_196 : i32
    %mul3A_200 = arith.constant 10000 : i32
    %mul3A_201 = arith.muli %div3A_191, %mul3A_200 : i32
    %add3A_202 = arith.addi %mul3A_201, %mul3A_0 : i32
    %add3A_203 = arith.addi %add3A_202, %min3A_196 : i32
    "tpu.region"() ({
      %run_scoped3A_204 = tpu.sem_alloc : memref<!tpu.dma_semaphore, #tpu.memory_space<semaphore_mem>>
      %dma_start3A_205 = arith.constant 0 : i32
      %dma_start3A_206 = tpu.memref_slice %arg6[%add3A_203, %dma_start3A_205] : memref<20000x128xf32, #tpu.memory_space<hbm>> -> memref<632x128xf32, #tpu.memory_space<hbm>>
      %dma_start3A_207 = arith.constant 0 : i32
      %dma_start3A_208 = tpu.memref_slice %arg16[%add3A_199, %dma_start3A_207] : memref<10016x128xf32, #tpu.memory_space<vmem_shared>> -> memref<632x128xf32, #tpu.memory_space<vmem_shared>>
      tpu.enqueue_dma source(%dma_start3A_208 : memref<632x128xf32, #tpu.memory_space<vmem_shared>>) target(%dma_start3A_206 : memref<632x128xf32, #tpu.memory_space<hbm>>) target_semaphore(%run_scoped3A_204 : memref<!tpu.dma_semaphore, #tpu.memory_space<semaphore_mem>>)
      %dma_wait3A_209 = arith.constant 0 : i32
      %dma_wait3A_210 = tpu.memref_slice %arg6[%add3A_203, %dma_wait3A_209] : memref<20000x128xf32, #tpu.memory_space<hbm>> -> memref<632x128xf32, #tpu.memory_space<hbm>>
      %dma_wait3A_211 = arith.constant 0 : i32
      %dma_wait3A_212 = tpu.memref_slice %arg16[%add3A_199, %dma_wait3A_211] : memref<10016x128xf32, #tpu.memory_space<vmem_shared>> -> memref<632x128xf32, #tpu.memory_space<vmem_shared>>
      tpu.wait_dma2 semaphore(%run_scoped3A_204 : memref<!tpu.dma_semaphore, #tpu.memory_space<semaphore_mem>>) src(%dma_wait3A_212 : memref<632x128xf32, #tpu.memory_space<vmem_shared>>) dst(%dma_wait3A_210 : memref<632x128xf32, #tpu.memory_space<hbm>>)
      tpu.yield
    }) : () -> ()
    return
  }
}

#map = affine_map<(d0, d1) -> (0)>
#map1 = affine_map<(d0, d1) -> (0, 0)>
module attributes {stable_mosaic.version = 14 : i64} {
  func.func @_phase_c_body(%arg0: i32, %arg1: i32, %arg2: memref<320000xi32, #tpu.memory_space<hbm>>, %arg3: memref<320000xi32, #tpu.memory_space<hbm>>, %arg4: memref<80000xf32, #tpu.memory_space<hbm>>, %arg5: memref<96x128xf32, #tpu.memory_space<hbm>>, %arg6: memref<80000xf32, #tpu.memory_space<vmem>>, %arg7: memref<2000xi32, #tpu.memory_space<vmem>>, %arg8: memref<2000xi32, #tpu.memory_space<vmem>>, %arg9: memref<48x128xf32, #tpu.memory_space<vmem>>, %arg10: memref<48xi32, #tpu.memory_space<vmem>>, %arg11: memref<8x128xf32, #tpu.memory_space<vmem>>, %arg12: memref<48x128xf32, #tpu.memory_space<vmem_shared>>) attributes {dimension_semantics = [#tpu.dimension_semantics<core_parallel>, #tpu.dimension_semantics<subcore_parallel>], iteration_bounds = array<i64: 2, 16>, scalar_prefetch = 0 : i64, scratch_operands = 7 : i64, tpu.core_type = #tpu.core_type<sc_vector_subcore>, window_params = [{transform_indices = #map}, {transform_indices = #map}, {transform_indices = #map}, {transform_indices = #map1}]} {
    %mul3A = arith.constant 5000 : i32
    %mul3A_0 = arith.muli %arg0, %mul3A : i32
    %iota3A = tpu.iota {dimensions = array<i32: 0>} : vector<16xi32>
    %broadcast_in_dim3A = arith.constant 0.000000e+00 : f32
    %broadcast_in_dim3A_1 = vector.broadcast %broadcast_in_dim3A : f32 to vector<16xf32>
    "tpu.region"() ({
      %run_scoped3A = tpu.sem_alloc : memref<!tpu.dma_semaphore, #tpu.memory_space<semaphore_mem>>
      tpu.enqueue_dma source(%arg4 : memref<80000xf32, #tpu.memory_space<hbm>>) target(%arg6 : memref<80000xf32, #tpu.memory_space<vmem>>) target_semaphore(%run_scoped3A : memref<!tpu.dma_semaphore, #tpu.memory_space<semaphore_mem>>)
      tpu.wait_dma2 semaphore(%run_scoped3A : memref<!tpu.dma_semaphore, #tpu.memory_space<semaphore_mem>>) src(%arg4 : memref<80000xf32, #tpu.memory_space<hbm>>) dst(%arg6 : memref<80000xf32, #tpu.memory_space<vmem>>)
      tpu.yield
    }) : () -> ()
    %scan3A = arith.constant 0 : i32
    %scan3A_2 = arith.constant 0 : i32
    %scan3A_3 = arith.constant 48 : i32
    %scan3A_4 = arith.addi %scan3A_2, %scan3A_3 : i32
    %scan3A_5 = arith.constant 1 : i32
    scf.for %scan3A_2263 = %scan3A_2 to %scan3A_4 step %scan3A_5  : i32 {
      %swap3A_2264 = arith.index_cast %scan3A_2263 : i32 to index
      %swap3A_2265 = arith.constant 0 : index
      %swap3A_2266 = tpu.vector_load %arg9[%swap3A_2264, %swap3A_2265] {strides = array<i32>} : memref<48x128xf32, #tpu.memory_space<vmem>>, vector<16xf32>,
      tpu.vector_store %arg9[%swap3A_2264, %swap3A_2265], %broadcast_in_dim3A_1 {strides = array<i32>} : memref<48x128xf32, #tpu.memory_space<vmem>>, vector<16xf32>,
      %swap3A_2267 = arith.index_cast %scan3A_2263 : i32 to index
      %swap3A_2268 = arith.constant 16 : index
      %swap3A_2269 = tpu.vector_load %arg9[%swap3A_2267, %swap3A_2268] {strides = array<i32>} : memref<48x128xf32, #tpu.memory_space<vmem>>, vector<16xf32>,
      tpu.vector_store %arg9[%swap3A_2267, %swap3A_2268], %broadcast_in_dim3A_1 {strides = array<i32>} : memref<48x128xf32, #tpu.memory_space<vmem>>, vector<16xf32>,
      %swap3A_2270 = arith.index_cast %scan3A_2263 : i32 to index
      %swap3A_2271 = arith.constant 32 : index
      %swap3A_2272 = tpu.vector_load %arg9[%swap3A_2270, %swap3A_2271] {strides = array<i32>} : memref<48x128xf32, #tpu.memory_space<vmem>>, vector<16xf32>,
      tpu.vector_store %arg9[%swap3A_2270, %swap3A_2271], %broadcast_in_dim3A_1 {strides = array<i32>} : memref<48x128xf32, #tpu.memory_space<vmem>>, vector<16xf32>,
      %swap3A_2273 = arith.index_cast %scan3A_2263 : i32 to index
      %swap3A_2274 = arith.constant 48 : index
      %swap3A_2275 = tpu.vector_load %arg9[%swap3A_2273, %swap3A_2274] {strides = array<i32>} : memref<48x128xf32, #tpu.memory_space<vmem>>, vector<16xf32>,
      tpu.vector_store %arg9[%swap3A_2273, %swap3A_2274], %broadcast_in_dim3A_1 {strides = array<i32>} : memref<48x128xf32, #tpu.memory_space<vmem>>, vector<16xf32>,
      %swap3A_2276 = arith.index_cast %scan3A_2263 : i32 to index
      %swap3A_2277 = arith.constant 64 : index
      %swap3A_2278 = tpu.vector_load %arg9[%swap3A_2276, %swap3A_2277] {strides = array<i32>} : memref<48x128xf32, #tpu.memory_space<vmem>>, vector<16xf32>,
      tpu.vector_store %arg9[%swap3A_2276, %swap3A_2277], %broadcast_in_dim3A_1 {strides = array<i32>} : memref<48x128xf32, #tpu.memory_space<vmem>>, vector<16xf32>,
      %swap3A_2279 = arith.index_cast %scan3A_2263 : i32 to index
      %swap3A_2280 = arith.constant 80 : index
      %swap3A_2281 = tpu.vector_load %arg9[%swap3A_2279, %swap3A_2280] {strides = array<i32>} : memref<48x128xf32, #tpu.memory_space<vmem>>, vector<16xf32>,
      tpu.vector_store %arg9[%swap3A_2279, %swap3A_2280], %broadcast_in_dim3A_1 {strides = array<i32>} : memref<48x128xf32, #tpu.memory_space<vmem>>, vector<16xf32>,
      %swap3A_2282 = arith.index_cast %scan3A_2263 : i32 to index
      %swap3A_2283 = arith.constant 96 : index
      %swap3A_2284 = tpu.vector_load %arg9[%swap3A_2282, %swap3A_2283] {strides = array<i32>} : memref<48x128xf32, #tpu.memory_space<vmem>>, vector<16xf32>,
      tpu.vector_store %arg9[%swap3A_2282, %swap3A_2283], %broadcast_in_dim3A_1 {strides = array<i32>} : memref<48x128xf32, #tpu.memory_space<vmem>>, vector<16xf32>,
      %swap3A_2285 = arith.index_cast %scan3A_2263 : i32 to index
      %swap3A_2286 = arith.constant 112 : index
      %swap3A_2287 = tpu.vector_load %arg9[%swap3A_2285, %swap3A_2286] {strides = array<i32>} : memref<48x128xf32, #tpu.memory_space<vmem>>, vector<16xf32>,
      tpu.vector_store %arg9[%swap3A_2285, %swap3A_2286], %broadcast_in_dim3A_1 {strides = array<i32>} : memref<48x128xf32, #tpu.memory_space<vmem>>, vector<16xf32>,
    }
    %scan3A_6 = arith.constant 48 : i32
    %scan3A_7 = arith.constant 0 : i32
    %scan3A_8 = arith.constant 0 : i32
    %scan3A_9 = arith.constant 3 : i32
    %scan3A_10 = arith.addi %scan3A_8, %scan3A_9 : i32
    %scan3A_11 = arith.constant 1 : i32
    scf.for %scan3A_2263 = %scan3A_8 to %scan3A_10 step %scan3A_11  : i32 {
      %mul3A_2264 = arith.constant 16 : i32
      %mul3A_2265 = arith.muli %scan3A_2263, %mul3A_2264 : i32
      %add3A_2266 = vector.broadcast %mul3A_2265 : i32 to vector<16xi32>
      %add3A_2267 = arith.addi %add3A_2266, %iota3A : vector<16xi32>
      %mul3A_2268 = arith.constant 16 : i32
      %mul3A_2269 = arith.muli %scan3A_2263, %mul3A_2268 : i32
      %swap3A_2270 = arith.index_cast %mul3A_2269 : i32 to index
      %swap3A_2271 = tpu.vector_load %arg10[%swap3A_2270] {strides = array<i32>} : memref<48xi32, #tpu.memory_space<vmem>>, vector<16xi32>,
      tpu.vector_store %arg10[%swap3A_2270], %add3A_2267 {strides = array<i32>} : memref<48xi32, #tpu.memory_space<vmem>>, vector<16xi32>,
    }
    %scan3A_12 = arith.constant 3 : i32
    %eq3A = arith.constant 0 : i32
    %eq3A_13 = arith.cmpi eq, %arg1, %eq3A : i32
    %convert_element_type3A = arith.extui %eq3A_13 : i1 to i32
    %cond3A = arith.constant 0 : i32
    %cond3A_14 = arith.cmpi ne, %convert_element_type3A, %cond3A : i32
    scf.if %cond3A_14 {
      "tpu.region"() ({
        %run_scoped3A = tpu.sem_alloc : memref<!tpu.dma_semaphore, #tpu.memory_space<semaphore_mem>>
        tpu.enqueue_dma source(%arg9 : memref<48x128xf32, #tpu.memory_space<vmem>>) target(%arg12 : memref<48x128xf32, #tpu.memory_space<vmem_shared>>) target_semaphore(%run_scoped3A : memref<!tpu.dma_semaphore, #tpu.memory_space<semaphore_mem>>)
        tpu.wait_dma2 semaphore(%run_scoped3A : memref<!tpu.dma_semaphore, #tpu.memory_space<semaphore_mem>>) src(%arg9 : memref<48x128xf32, #tpu.memory_space<vmem>>) dst(%arg12 : memref<48x128xf32, #tpu.memory_space<vmem_shared>>)
        tpu.yield
      }) : () -> ()
    } else {
    }
    %barrier3A = arith.constant 0 : index
    tpu.barrier barrier_id(%barrier3A)
    %mul3A_15 = arith.constant 20000 : i32
    %mul3A_16 = arith.muli %arg1, %mul3A_15 : i32
    %scan3A_17 = arith.constant 0 : i32
    %scan3A_18 = arith.constant 0 : i32
    %scan3A_19 = arith.constant 10 : i32
    %scan3A_20 = arith.addi %scan3A_18, %scan3A_19 : i32
    %scan3A_21 = arith.constant 1 : i32
    scf.for %scan3A_2263 = %scan3A_18 to %scan3A_20 step %scan3A_21  : i32 {
      %mul3A_2264 = arith.constant 2000 : i32
      %mul3A_2265 = arith.muli %scan3A_2263, %mul3A_2264 : i32
      %add3A_2266 = arith.addi %mul3A_16, %mul3A_2265 : i32
      "tpu.region"() ({
        %run_scoped3A = tpu.sem_alloc : memref<!tpu.dma_semaphore, #tpu.memory_space<semaphore_mem>>
        %dma_start3A = tpu.memref_slice %arg2[%add3A_2266] : memref<320000xi32, #tpu.memory_space<hbm>> -> memref<2000xi32, #tpu.memory_space<hbm>>
        %dma_start3A_2271 = tpu.memref_slice %arg2[%add3A_2266] : memref<320000xi32, #tpu.memory_space<hbm>> -> memref<2000xi32, #tpu.memory_space<hbm>>
        tpu.enqueue_dma source(%dma_start3A_2271 : memref<2000xi32, #tpu.memory_space<hbm>>) target(%arg7 : memref<2000xi32, #tpu.memory_space<vmem>>) target_semaphore(%run_scoped3A : memref<!tpu.dma_semaphore, #tpu.memory_space<semaphore_mem>>)
        %dma_wait3A = tpu.memref_slice %arg2[%add3A_2266] : memref<320000xi32, #tpu.memory_space<hbm>> -> memref<2000xi32, #tpu.memory_space<hbm>>
        %dma_wait3A_2272 = tpu.memref_slice %arg2[%add3A_2266] : memref<320000xi32, #tpu.memory_space<hbm>> -> memref<2000xi32, #tpu.memory_space<hbm>>
        tpu.wait_dma2 semaphore(%run_scoped3A : memref<!tpu.dma_semaphore, #tpu.memory_space<semaphore_mem>>) src(%dma_wait3A_2272 : memref<2000xi32, #tpu.memory_space<hbm>>) dst(%arg7 : memref<2000xi32, #tpu.memory_space<vmem>>)
        tpu.yield
      }) : () -> ()
      "tpu.region"() ({
        %run_scoped3A = tpu.sem_alloc : memref<!tpu.dma_semaphore, #tpu.memory_space<semaphore_mem>>
        %dma_start3A = tpu.memref_slice %arg3[%add3A_2266] : memref<320000xi32, #tpu.memory_space<hbm>> -> memref<2000xi32, #tpu.memory_space<hbm>>
        %dma_start3A_2271 = tpu.memref_slice %arg3[%add3A_2266] : memref<320000xi32, #tpu.memory_space<hbm>> -> memref<2000xi32, #tpu.memory_space<hbm>>
        tpu.enqueue_dma source(%dma_start3A_2271 : memref<2000xi32, #tpu.memory_space<hbm>>) target(%arg8 : memref<2000xi32, #tpu.memory_space<vmem>>) target_semaphore(%run_scoped3A : memref<!tpu.dma_semaphore, #tpu.memory_space<semaphore_mem>>)
        %dma_wait3A = tpu.memref_slice %arg3[%add3A_2266] : memref<320000xi32, #tpu.memory_space<hbm>> -> memref<2000xi32, #tpu.memory_space<hbm>>
        %dma_wait3A_2272 = tpu.memref_slice %arg3[%add3A_2266] : memref<320000xi32, #tpu.memory_space<hbm>> -> memref<2000xi32, #tpu.memory_space<hbm>>
        tpu.wait_dma2 semaphore(%run_scoped3A : memref<!tpu.dma_semaphore, #tpu.memory_space<semaphore_mem>>) src(%dma_wait3A_2272 : memref<2000xi32, #tpu.memory_space<hbm>>) dst(%arg8 : memref<2000xi32, #tpu.memory_space<vmem>>)
        tpu.yield
      }) : () -> ()
      %parallel_loop3A = arith.constant 0 : i32
      %parallel_loop3A_2267 = arith.constant 125 : i32
      %parallel_loop3A_2268 = arith.constant 1 : i32
      %parallel_loop3A_2269 = arith.constant 0 : i32
      %parallel_loop3A_2270 = scf.for %parallel_loop3A_2271 = %parallel_loop3A to %parallel_loop3A_2267 step %parallel_loop3A_2268 iter_args(%parallel_loop3A_2272 = %parallel_loop3A_2269) -> (i32)  : i32 {
        %parallel_loop3A_2273 = arith.constant 16 : i32
        %parallel_loop3A_2274 = arith.muli %parallel_loop3A_2271, %parallel_loop3A_2273 : i32
        %parallel_loop3A_2275 = arith.index_cast %parallel_loop3A_2274 : i32 to index
        %parallel_loop3A_2276 = tpu.vector_load %arg7[%parallel_loop3A_2275] {strides = array<i32>} : memref<2000xi32, #tpu.memory_space<vmem>>, vector<16xi32>,
        %parallel_loop3A_2277 = arith.constant 16 : i32
        %parallel_loop3A_2278 = arith.muli %parallel_loop3A_2271, %parallel_loop3A_2277 : i32
        %parallel_loop3A_2279 = arith.index_cast %parallel_loop3A_2278 : i32 to index
        %parallel_loop3A_2280 = tpu.vector_load %arg8[%parallel_loop3A_2279] {strides = array<i32>} : memref<2000xi32, #tpu.memory_space<vmem>>, vector<16xi32>,
        %parallel_loop3A_2281 = arith.constant 8 : i32
        %parallel_loop3A_2282 = vector.broadcast %parallel_loop3A_2281 : i32 to vector<16xi32>
        %parallel_loop3A_2283 = arith.muli %parallel_loop3A_2276, %parallel_loop3A_2282 : vector<16xi32>
        %parallel_loop3A_2284 = arith.constant 8 : i32
        %parallel_loop3A_2285 = vector.broadcast %parallel_loop3A_2284 : i32 to vector<16xi32>
        %parallel_loop3A_2286 = arith.muli %parallel_loop3A_2280, %parallel_loop3A_2285 : vector<16xi32>
        %parallel_loop3A_2287 = arith.constant 5 : i32
        %parallel_loop3A_2288 = vector.broadcast %parallel_loop3A_2287 : i32 to vector<16xi32>
        %parallel_loop3A_2289 = arith.addi %parallel_loop3A_2283, %parallel_loop3A_2288 : vector<16xi32>
        %parallel_loop3A_2290 = tpu.vector_load_idx %arg6[%parallel_loop3A_2289] : memref<80000xf32, #tpu.memory_space<vmem>>[vector<16xi32>], vector<16xf32>,
        %parallel_loop3A_2291 = arith.constant 5 : i32
        %parallel_loop3A_2292 = vector.broadcast %parallel_loop3A_2291 : i32 to vector<16xi32>
        %parallel_loop3A_2293 = arith.addi %parallel_loop3A_2286, %parallel_loop3A_2292 : vector<16xi32>
        %parallel_loop3A_2294 = tpu.vector_load_idx %arg6[%parallel_loop3A_2293] : memref<80000xf32, #tpu.memory_space<vmem>>[vector<16xi32>], vector<16xf32>,
        %parallel_loop3A_2295 = arith.cmpf oeq, %parallel_loop3A_2290, %parallel_loop3A_2294 : vector<16xf32>
        %parallel_loop3A_2296 = arith.constant 1 : i32
        %parallel_loop3A_2297 = arith.constant 0 : i32
        %parallel_loop3A_2298 = vector.broadcast %parallel_loop3A_2296 : i32 to vector<16xi32>
        %parallel_loop3A_2299 = vector.broadcast %parallel_loop3A_2297 : i32 to vector<16xi32>
        %parallel_loop3A_2300 = arith.select %parallel_loop3A_2295, %parallel_loop3A_2298, %parallel_loop3A_2299 : vector<16xi1>, vector<16xi32>
        %parallel_loop3A_2301 = arith.constant 5000 : i32
        %parallel_loop3A_2302 = vector.broadcast %parallel_loop3A_2301 : i32 to vector<16xi32>
        %parallel_loop3A_2303 = arith.cmpi sge, %parallel_loop3A_2280, %parallel_loop3A_2302 : vector<16xi32>
        %parallel_loop3A_2304 = arith.constant 1 : i32
        %parallel_loop3A_2305 = arith.constant 0 : i32
        %parallel_loop3A_2306 = vector.broadcast %parallel_loop3A_2304 : i32 to vector<16xi32>
        %parallel_loop3A_2307 = vector.broadcast %parallel_loop3A_2305 : i32 to vector<16xi32>
        %parallel_loop3A_2308 = arith.select %parallel_loop3A_2303, %parallel_loop3A_2306, %parallel_loop3A_2307 : vector<16xi1>, vector<16xi32>
        %parallel_loop3A_2309 = vector.broadcast %arg0 : i32 to vector<16xi32>
        %parallel_loop3A_2310 = arith.cmpi eq, %parallel_loop3A_2308, %parallel_loop3A_2309 : vector<16xi32>
        %parallel_loop3A_2311 = vector.broadcast %mul3A_0 : i32 to vector<16xi32>
        %parallel_loop3A_2312 = arith.subi %parallel_loop3A_2280, %parallel_loop3A_2311 : vector<16xi32>
        %parallel_loop3A_2313 = arith.addi %parallel_loop3A_2283, %parallel_loop3A_2300 : vector<16xi32>
        %parallel_loop3A_2314 = tpu.vector_load_idx %arg6[%parallel_loop3A_2313] : memref<80000xf32, #tpu.memory_space<vmem>>[vector<16xi32>], vector<16xf32>,
        %parallel_loop3A_2315 = arith.constant 0 : i32
        %parallel_loop3A_2316 = vector.broadcast %parallel_loop3A_2315 : i32 to vector<16xi32>
        %parallel_loop3A_2317 = arith.select %parallel_loop3A_2310, %parallel_loop3A_2286, %parallel_loop3A_2316 : vector<16xi1>, vector<16xi32>
        %parallel_loop3A_2318 = arith.constant 3 : i32
        %parallel_loop3A_2319 = vector.broadcast %parallel_loop3A_2318 : i32 to vector<16xi32>
        %parallel_loop3A_2320 = arith.addi %parallel_loop3A_2317, %parallel_loop3A_2319 : vector<16xi32>
        %parallel_loop3A_2321 = arith.addi %parallel_loop3A_2320, %parallel_loop3A_2300 : vector<16xi32>
        %parallel_loop3A_2322 = tpu.vector_load_idx %arg6[%parallel_loop3A_2321] : memref<80000xf32, #tpu.memory_space<vmem>>[vector<16xi32>], vector<16xf32>,
        %parallel_loop3A_2323 = arith.mulf %parallel_loop3A_2314, %parallel_loop3A_2322 : vector<16xf32>
        %parallel_loop3A_2324 = arith.constant 7 : i32
        %parallel_loop3A_2325 = vector.broadcast %parallel_loop3A_2324 : i32 to vector<16xi32>
        %parallel_loop3A_2326 = arith.shrui %parallel_loop3A_2312, %parallel_loop3A_2325 : vector<16xi32>
        %parallel_loop3A_2327 = arith.constant 127 : i32
        %parallel_loop3A_2328 = vector.broadcast %parallel_loop3A_2327 : i32 to vector<16xi32>
        %parallel_loop3A_2329 = arith.andi %parallel_loop3A_2312, %parallel_loop3A_2328 : vector<16xi32>
        tpu.vector_store_idx %arg9[%parallel_loop3A_2326, %parallel_loop3A_2329], %parallel_loop3A_2323 masked %parallel_loop3A_2310 {add = true} : memref<48x128xf32, #tpu.memory_space<vmem>>[vector<16xi32>, vector<16xi32>], vector<16xf32>, vector<16xi1>
        scf.yield %parallel_loop3A_2272 : i32
      } {sc.loop_unroll_factor = 8 : i64, sc.parallel_access}
    }
    %scan3A_22 = arith.constant 10 : i32
    "tpu.region"() ({
      %run_scoped3A = tpu.sem_alloc : memref<!tpu.dma_semaphore, #tpu.memory_space<semaphore_mem>>
      %dma_start3A = arith.constant 0 : i32
      %dma_start3A_2263 = arith.constant 0 : i32
      %dma_start3A_2264 = tpu.memref_slice %arg12[%dma_start3A, %dma_start3A_2263] : memref<48x128xf32, #tpu.memory_space<vmem_shared>> -> memref<48x128xf32, #tpu.memory_space<vmem_shared>>
      tpu.enqueue_indirect_dma source(%arg9 : memref<48x128xf32, #tpu.memory_space<vmem>>) target(%dma_start3A_2264 : memref<48x128xf32, #tpu.memory_space<vmem_shared>>) offsets(%arg10 : memref<48xi32, #tpu.memory_space<vmem>>) semaphore(%run_scoped3A : memref<!tpu.dma_semaphore, #tpu.memory_space<semaphore_mem>>) {add = true}
      %dma_wait3A = arith.constant 0 : i32
      %dma_wait3A_2265 = arith.constant 0 : i32
      %dma_wait3A_2266 = tpu.memref_slice %arg12[%dma_wait3A, %dma_wait3A_2265] : memref<48x128xf32, #tpu.memory_space<vmem_shared>> -> memref<48x128xf32, #tpu.memory_space<vmem_shared>>
      tpu.wait_indirect_dma semaphore(%run_scoped3A : memref<!tpu.dma_semaphore, #tpu.memory_space<semaphore_mem>>) src(%arg9 : memref<48x128xf32, #tpu.memory_space<vmem>>) dst(%dma_wait3A_2266 : memref<48x128xf32, #tpu.memory_space<vmem_shared>>)
      tpu.yield
    }) : () -> ()
    %barrier3A_23 = arith.constant 0 : index
    tpu.barrier barrier_id(%barrier3A_23)
    %min3A = arith.constant 4 : i32
    %min3A_24 = arith.minsi %arg1, %min3A : i32
    %mul3A_25 = arith.constant 8 : i32
    %mul3A_26 = arith.muli %min3A_24, %mul3A_25 : i32
    "tpu.region"() ({
      %run_scoped3A = tpu.sem_alloc : memref<!tpu.dma_semaphore, #tpu.memory_space<semaphore_mem>>
      %dma_start3A = arith.constant 0 : i32
      %dma_start3A_2263 = tpu.memref_slice %arg12[%mul3A_26, %dma_start3A] : memref<48x128xf32, #tpu.memory_space<vmem_shared>> -> memref<8x128xf32, #tpu.memory_space<vmem_shared>>
      %dma_start3A_2264 = arith.constant 0 : i32
      %dma_start3A_2265 = tpu.memref_slice %arg12[%mul3A_26, %dma_start3A_2264] : memref<48x128xf32, #tpu.memory_space<vmem_shared>> -> memref<8x128xf32, #tpu.memory_space<vmem_shared>>
      tpu.enqueue_dma source(%dma_start3A_2265 : memref<8x128xf32, #tpu.memory_space<vmem_shared>>) target(%arg11 : memref<8x128xf32, #tpu.memory_space<vmem>>) target_semaphore(%run_scoped3A : memref<!tpu.dma_semaphore, #tpu.memory_space<semaphore_mem>>)
      %dma_wait3A = arith.constant 0 : i32
      %dma_wait3A_2266 = tpu.memref_slice %arg12[%mul3A_26, %dma_wait3A] : memref<48x128xf32, #tpu.memory_space<vmem_shared>> -> memref<8x128xf32, #tpu.memory_space<vmem_shared>>
      %dma_wait3A_2267 = arith.constant 0 : i32
      %dma_wait3A_2268 = tpu.memref_slice %arg12[%mul3A_26, %dma_wait3A_2267] : memref<48x128xf32, #tpu.memory_space<vmem_shared>> -> memref<8x128xf32, #tpu.memory_space<vmem_shared>>
      tpu.wait_dma2 semaphore(%run_scoped3A : memref<!tpu.dma_semaphore, #tpu.memory_space<semaphore_mem>>) src(%dma_wait3A_2268 : memref<8x128xf32, #tpu.memory_space<vmem_shared>>) dst(%arg11 : memref<8x128xf32, #tpu.memory_space<vmem>>)
      tpu.yield
    }) : () -> ()
    %add3A = arith.constant 0 : i32
    %add3A_27 = arith.addi %mul3A_26, %add3A : i32
    %mul3A_28 = arith.constant 128 : i32
    %mul3A_29 = arith.muli %add3A_27, %mul3A_28 : i32
    %add3A_30 = arith.constant 0 : i32
    %add3A_31 = arith.addi %mul3A_29, %add3A_30 : i32
    %add3A_32 = vector.broadcast %add3A_31 : i32 to vector<16xi32>
    %add3A_33 = arith.addi %add3A_32, %iota3A : vector<16xi32>
    %lt3A = arith.constant 5000 : i32
    %lt3A_34 = vector.broadcast %lt3A : i32 to vector<16xi32>
    %lt3A_35 = arith.cmpi slt, %add3A_33, %lt3A_34 : vector<16xi32>
    %add3A_36 = vector.broadcast %mul3A_0 : i32 to vector<16xi32>
    %add3A_37 = arith.addi %add3A_36, %add3A_33 : vector<16xi32>
    %jit3A = arith.constant 0 : i32
    %broadcast_in_dim3A_38 = vector.broadcast %jit3A : i32 to vector<16xi32>
    %select_n3A = arith.select %lt3A_35, %add3A_37, %broadcast_in_dim3A_38 : vector<16xi1>, vector<16xi32>
    %mul3A_39 = arith.constant 8 : i32
    %mul3A_40 = vector.broadcast %mul3A_39 : i32 to vector<16xi32>
    %mul3A_41 = arith.muli %select_n3A, %mul3A_40 : vector<16xi32>
    %add3A_42 = arith.constant 2 : i32
    %add3A_43 = vector.broadcast %add3A_42 : i32 to vector<16xi32>
    %add3A_44 = arith.addi %mul3A_41, %add3A_43 : vector<16xi32>
    %gather3A = tpu.vector_load_idx %arg6[%add3A_44] : memref<80000xf32, #tpu.memory_space<vmem>>[vector<16xi32>], vector<16xf32>,
    %get3A = arith.constant 0 : i32
    %get3A_45 = arith.index_cast %get3A : i32 to index
    %get3A_46 = arith.constant 0 : index
    %get3A_47 = tpu.vector_load %arg11[%get3A_45, %get3A_46] {strides = array<i32>} : memref<8x128xf32, #tpu.memory_space<vmem>>, vector<16xf32>,
    %jit3A_48 = arith.constant 0.000000e+00 : f32
    %broadcast_in_dim3A_49 = vector.broadcast %jit3A_48 : f32 to vector<16xf32>
    %select_n3A_50 = arith.select %lt3A_35, %gather3A, %broadcast_in_dim3A_49 : vector<16xi1>, vector<16xf32>
    %add3A_51 = arith.addf %get3A_47, %select_n3A_50 : vector<16xf32>
    %swap3A = arith.constant 0 : i32
    %swap3A_52 = arith.index_cast %swap3A : i32 to index
    %swap3A_53 = arith.constant 0 : index
    %swap3A_54 = tpu.vector_load %arg11[%swap3A_52, %swap3A_53] {strides = array<i32>} : memref<8x128xf32, #tpu.memory_space<vmem>>, vector<16xf32>,
    tpu.vector_store %arg11[%swap3A_52, %swap3A_53], %add3A_51 {strides = array<i32>} : memref<8x128xf32, #tpu.memory_space<vmem>>, vector<16xf32>,
    %add3A_55 = arith.constant 0 : i32
    %add3A_56 = arith.addi %mul3A_26, %add3A_55 : i32
    %mul3A_57 = arith.constant 128 : i32
    %mul3A_58 = arith.muli %add3A_56, %mul3A_57 : i32
    %add3A_59 = arith.constant 16 : i32
    %add3A_60 = arith.addi %mul3A_58, %add3A_59 : i32
    %add3A_61 = vector.broadcast %add3A_60 : i32 to vector<16xi32>
    %add3A_62 = arith.addi %add3A_61, %iota3A : vector<16xi32>
    %lt3A_63 = arith.constant 5000 : i32
    %lt3A_64 = vector.broadcast %lt3A_63 : i32 to vector<16xi32>
    %lt3A_65 = arith.cmpi slt, %add3A_62, %lt3A_64 : vector<16xi32>
    %add3A_66 = vector.broadcast %mul3A_0 : i32 to vector<16xi32>
    %add3A_67 = arith.addi %add3A_66, %add3A_62 : vector<16xi32>
    %jit3A_68 = arith.constant 0 : i32
    %broadcast_in_dim3A_69 = vector.broadcast %jit3A_68 : i32 to vector<16xi32>
    %select_n3A_70 = arith.select %lt3A_65, %add3A_67, %broadcast_in_dim3A_69 : vector<16xi1>, vector<16xi32>
    %mul3A_71 = arith.constant 8 : i32
    %mul3A_72 = vector.broadcast %mul3A_71 : i32 to vector<16xi32>
    %mul3A_73 = arith.muli %select_n3A_70, %mul3A_72 : vector<16xi32>
    %add3A_74 = arith.constant 2 : i32
    %add3A_75 = vector.broadcast %add3A_74 : i32 to vector<16xi32>
    %add3A_76 = arith.addi %mul3A_73, %add3A_75 : vector<16xi32>
    %gather3A_77 = tpu.vector_load_idx %arg6[%add3A_76] : memref<80000xf32, #tpu.memory_space<vmem>>[vector<16xi32>], vector<16xf32>,
    %get3A_78 = arith.constant 0 : i32
    %get3A_79 = arith.index_cast %get3A_78 : i32 to index
    %get3A_80 = arith.constant 16 : index
    %get3A_81 = tpu.vector_load %arg11[%get3A_79, %get3A_80] {strides = array<i32>} : memref<8x128xf32, #tpu.memory_space<vmem>>, vector<16xf32>,
    %jit3A_82 = arith.constant 0.000000e+00 : f32
    %broadcast_in_dim3A_83 = vector.broadcast %jit3A_82 : f32 to vector<16xf32>
    %select_n3A_84 = arith.select %lt3A_65, %gather3A_77, %broadcast_in_dim3A_83 : vector<16xi1>, vector<16xf32>
    %add3A_85 = arith.addf %get3A_81, %select_n3A_84 : vector<16xf32>
    %swap3A_86 = arith.constant 0 : i32
    %swap3A_87 = arith.index_cast %swap3A_86 : i32 to index
    %swap3A_88 = arith.constant 16 : index
    %swap3A_89 = tpu.vector_load %arg11[%swap3A_87, %swap3A_88] {strides = array<i32>} : memref<8x128xf32, #tpu.memory_space<vmem>>, vector<16xf32>,
    tpu.vector_store %arg11[%swap3A_87, %swap3A_88], %add3A_85 {strides = array<i32>} : memref<8x128xf32, #tpu.memory_space<vmem>>, vector<16xf32>,
    %add3A_90 = arith.constant 0 : i32
    %add3A_91 = arith.addi %mul3A_26, %add3A_90 : i32
    %mul3A_92 = arith.constant 128 : i32
    %mul3A_93 = arith.muli %add3A_91, %mul3A_92 : i32
    %add3A_94 = arith.constant 32 : i32
    %add3A_95 = arith.addi %mul3A_93, %add3A_94 : i32
    %add3A_96 = vector.broadcast %add3A_95 : i32 to vector<16xi32>
    %add3A_97 = arith.addi %add3A_96, %iota3A : vector<16xi32>
    %lt3A_98 = arith.constant 5000 : i32
    %lt3A_99 = vector.broadcast %lt3A_98 : i32 to vector<16xi32>
    %lt3A_100 = arith.cmpi slt, %add3A_97, %lt3A_99 : vector<16xi32>
    %add3A_101 = vector.broadcast %mul3A_0 : i32 to vector<16xi32>
    %add3A_102 = arith.addi %add3A_101, %add3A_97 : vector<16xi32>
    %jit3A_103 = arith.constant 0 : i32
    %broadcast_in_dim3A_104 = vector.broadcast %jit3A_103 : i32 to vector<16xi32>
    %select_n3A_105 = arith.select %lt3A_100, %add3A_102, %broadcast_in_dim3A_104 : vector<16xi1>, vector<16xi32>
    %mul3A_106 = arith.constant 8 : i32
    %mul3A_107 = vector.broadcast %mul3A_106 : i32 to vector<16xi32>
    %mul3A_108 = arith.muli %select_n3A_105, %mul3A_107 : vector<16xi32>
    %add3A_109 = arith.constant 2 : i32
    %add3A_110 = vector.broadcast %add3A_109 : i32 to vector<16xi32>
    %add3A_111 = arith.addi %mul3A_108, %add3A_110 : vector<16xi32>
    %gather3A_112 = tpu.vector_load_idx %arg6[%add3A_111] : memref<80000xf32, #tpu.memory_space<vmem>>[vector<16xi32>], vector<16xf32>,
    %get3A_113 = arith.constant 0 : i32
    %get3A_114 = arith.index_cast %get3A_113 : i32 to index
    %get3A_115 = arith.constant 32 : index
    %get3A_116 = tpu.vector_load %arg11[%get3A_114, %get3A_115] {strides = array<i32>} : memref<8x128xf32, #tpu.memory_space<vmem>>, vector<16xf32>,
    %jit3A_117 = arith.constant 0.000000e+00 : f32
    %broadcast_in_dim3A_118 = vector.broadcast %jit3A_117 : f32 to vector<16xf32>
    %select_n3A_119 = arith.select %lt3A_100, %gather3A_112, %broadcast_in_dim3A_118 : vector<16xi1>, vector<16xf32>
    %add3A_120 = arith.addf %get3A_116, %select_n3A_119 : vector<16xf32>
    %swap3A_121 = arith.constant 0 : i32
    %swap3A_122 = arith.index_cast %swap3A_121 : i32 to index
    %swap3A_123 = arith.constant 32 : index
    %swap3A_124 = tpu.vector_load %arg11[%swap3A_122, %swap3A_123] {strides = array<i32>} : memref<8x128xf32, #tpu.memory_space<vmem>>, vector<16xf32>,
    tpu.vector_store %arg11[%swap3A_122, %swap3A_123], %add3A_120 {strides = array<i32>} : memref<8x128xf32, #tpu.memory_space<vmem>>, vector<16xf32>,
    %add3A_125 = arith.constant 0 : i32
    %add3A_126 = arith.addi %mul3A_26, %add3A_125 : i32
    %mul3A_127 = arith.constant 128 : i32
    %mul3A_128 = arith.muli %add3A_126, %mul3A_127 : i32
    %add3A_129 = arith.constant 48 : i32
    %add3A_130 = arith.addi %mul3A_128, %add3A_129 : i32
    %add3A_131 = vector.broadcast %add3A_130 : i32 to vector<16xi32>
    %add3A_132 = arith.addi %add3A_131, %iota3A : vector<16xi32>
    %lt3A_133 = arith.constant 5000 : i32
    %lt3A_134 = vector.broadcast %lt3A_133 : i32 to vector<16xi32>
    %lt3A_135 = arith.cmpi slt, %add3A_132, %lt3A_134 : vector<16xi32>
    %add3A_136 = vector.broadcast %mul3A_0 : i32 to vector<16xi32>
    %add3A_137 = arith.addi %add3A_136, %add3A_132 : vector<16xi32>
    %jit3A_138 = arith.constant 0 : i32
    %broadcast_in_dim3A_139 = vector.broadcast %jit3A_138 : i32 to vector<16xi32>
    %select_n3A_140 = arith.select %lt3A_135, %add3A_137, %broadcast_in_dim3A_139 : vector<16xi1>, vector<16xi32>
    %mul3A_141 = arith.constant 8 : i32
    %mul3A_142 = vector.broadcast %mul3A_141 : i32 to vector<16xi32>
    %mul3A_143 = arith.muli %select_n3A_140, %mul3A_142 : vector<16xi32>
    %add3A_144 = arith.constant 2 : i32
    %add3A_145 = vector.broadcast %add3A_144 : i32 to vector<16xi32>
    %add3A_146 = arith.addi %mul3A_143, %add3A_145 : vector<16xi32>
    %gather3A_147 = tpu.vector_load_idx %arg6[%add3A_146] : memref<80000xf32, #tpu.memory_space<vmem>>[vector<16xi32>], vector<16xf32>,
    %get3A_148 = arith.constant 0 : i32
    %get3A_149 = arith.index_cast %get3A_148 : i32 to index
    %get3A_150 = arith.constant 48 : index
    %get3A_151 = tpu.vector_load %arg11[%get3A_149, %get3A_150] {strides = array<i32>} : memref<8x128xf32, #tpu.memory_space<vmem>>, vector<16xf32>,
    %jit3A_152 = arith.constant 0.000000e+00 : f32
    %broadcast_in_dim3A_153 = vector.broadcast %jit3A_152 : f32 to vector<16xf32>
    %select_n3A_154 = arith.select %lt3A_135, %gather3A_147, %broadcast_in_dim3A_153 : vector<16xi1>, vector<16xf32>
    %add3A_155 = arith.addf %get3A_151, %select_n3A_154 : vector<16xf32>
    %swap3A_156 = arith.constant 0 : i32
    %swap3A_157 = arith.index_cast %swap3A_156 : i32 to index
    %swap3A_158 = arith.constant 48 : index
    %swap3A_159 = tpu.vector_load %arg11[%swap3A_157, %swap3A_158] {strides = array<i32>} : memref<8x128xf32, #tpu.memory_space<vmem>>, vector<16xf32>,
    tpu.vector_store %arg11[%swap3A_157, %swap3A_158], %add3A_155 {strides = array<i32>} : memref<8x128xf32, #tpu.memory_space<vmem>>, vector<16xf32>,
    %add3A_160 = arith.constant 0 : i32
    %add3A_161 = arith.addi %mul3A_26, %add3A_160 : i32
    %mul3A_162 = arith.constant 128 : i32
    %mul3A_163 = arith.muli %add3A_161, %mul3A_162 : i32
    %add3A_164 = arith.constant 64 : i32
    %add3A_165 = arith.addi %mul3A_163, %add3A_164 : i32
    %add3A_166 = vector.broadcast %add3A_165 : i32 to vector<16xi32>
    %add3A_167 = arith.addi %add3A_166, %iota3A : vector<16xi32>
    %lt3A_168 = arith.constant 5000 : i32
    %lt3A_169 = vector.broadcast %lt3A_168 : i32 to vector<16xi32>
    %lt3A_170 = arith.cmpi slt, %add3A_167, %lt3A_169 : vector<16xi32>
    %add3A_171 = vector.broadcast %mul3A_0 : i32 to vector<16xi32>
    %add3A_172 = arith.addi %add3A_171, %add3A_167 : vector<16xi32>
    %jit3A_173 = arith.constant 0 : i32
    %broadcast_in_dim3A_174 = vector.broadcast %jit3A_173 : i32 to vector<16xi32>
    %select_n3A_175 = arith.select %lt3A_170, %add3A_172, %broadcast_in_dim3A_174 : vector<16xi1>, vector<16xi32>
    %mul3A_176 = arith.constant 8 : i32
    %mul3A_177 = vector.broadcast %mul3A_176 : i32 to vector<16xi32>
    %mul3A_178 = arith.muli %select_n3A_175, %mul3A_177 : vector<16xi32>
    %add3A_179 = arith.constant 2 : i32
    %add3A_180 = vector.broadcast %add3A_179 : i32 to vector<16xi32>
    %add3A_181 = arith.addi %mul3A_178, %add3A_180 : vector<16xi32>
    %gather3A_182 = tpu.vector_load_idx %arg6[%add3A_181] : memref<80000xf32, #tpu.memory_space<vmem>>[vector<16xi32>], vector<16xf32>,
    %get3A_183 = arith.constant 0 : i32
    %get3A_184 = arith.index_cast %get3A_183 : i32 to index
    %get3A_185 = arith.constant 64 : index
    %get3A_186 = tpu.vector_load %arg11[%get3A_184, %get3A_185] {strides = array<i32>} : memref<8x128xf32, #tpu.memory_space<vmem>>, vector<16xf32>,
    %jit3A_187 = arith.constant 0.000000e+00 : f32
    %broadcast_in_dim3A_188 = vector.broadcast %jit3A_187 : f32 to vector<16xf32>
    %select_n3A_189 = arith.select %lt3A_170, %gather3A_182, %broadcast_in_dim3A_188 : vector<16xi1>, vector<16xf32>
    %add3A_190 = arith.addf %get3A_186, %select_n3A_189 : vector<16xf32>
    %swap3A_191 = arith.constant 0 : i32
    %swap3A_192 = arith.index_cast %swap3A_191 : i32 to index
    %swap3A_193 = arith.constant 64 : index
    %swap3A_194 = tpu.vector_load %arg11[%swap3A_192, %swap3A_193] {strides = array<i32>} : memref<8x128xf32, #tpu.memory_space<vmem>>, vector<16xf32>,
    tpu.vector_store %arg11[%swap3A_192, %swap3A_193], %add3A_190 {strides = array<i32>} : memref<8x128xf32, #tpu.memory_space<vmem>>, vector<16xf32>,
    %add3A_195 = arith.constant 0 : i32
    %add3A_196 = arith.addi %mul3A_26, %add3A_195 : i32
    %mul3A_197 = arith.constant 128 : i32
    %mul3A_198 = arith.muli %add3A_196, %mul3A_197 : i32
    %add3A_199 = arith.constant 80 : i32
    %add3A_200 = arith.addi %mul3A_198, %add3A_199 : i32
    %add3A_201 = vector.broadcast %add3A_200 : i32 to vector<16xi32>
    %add3A_202 = arith.addi %add3A_201, %iota3A : vector<16xi32>
    %lt3A_203 = arith.constant 5000 : i32
    %lt3A_204 = vector.broadcast %lt3A_203 : i32 to vector<16xi32>
    %lt3A_205 = arith.cmpi slt, %add3A_202, %lt3A_204 : vector<16xi32>
    %add3A_206 = vector.broadcast %mul3A_0 : i32 to vector<16xi32>
    %add3A_207 = arith.addi %add3A_206, %add3A_202 : vector<16xi32>
    %jit3A_208 = arith.constant 0 : i32
    %broadcast_in_dim3A_209 = vector.broadcast %jit3A_208 : i32 to vector<16xi32>
    %select_n3A_210 = arith.select %lt3A_205, %add3A_207, %broadcast_in_dim3A_209 : vector<16xi1>, vector<16xi32>
    %mul3A_211 = arith.constant 8 : i32
    %mul3A_212 = vector.broadcast %mul3A_211 : i32 to vector<16xi32>
    %mul3A_213 = arith.muli %select_n3A_210, %mul3A_212 : vector<16xi32>
    %add3A_214 = arith.constant 2 : i32
    %add3A_215 = vector.broadcast %add3A_214 : i32 to vector<16xi32>
    %add3A_216 = arith.addi %mul3A_213, %add3A_215 : vector<16xi32>
    %gather3A_217 = tpu.vector_load_idx %arg6[%add3A_216] : memref<80000xf32, #tpu.memory_space<vmem>>[vector<16xi32>], vector<16xf32>,
    %get3A_218 = arith.constant 0 : i32
    %get3A_219 = arith.index_cast %get3A_218 : i32 to index
    %get3A_220 = arith.constant 80 : index
    %get3A_221 = tpu.vector_load %arg11[%get3A_219, %get3A_220] {strides = array<i32>} : memref<8x128xf32, #tpu.memory_space<vmem>>, vector<16xf32>,
    %jit3A_222 = arith.constant 0.000000e+00 : f32
    %broadcast_in_dim3A_223 = vector.broadcast %jit3A_222 : f32 to vector<16xf32>
    %select_n3A_224 = arith.select %lt3A_205, %gather3A_217, %broadcast_in_dim3A_223 : vector<16xi1>, vector<16xf32>
    %add3A_225 = arith.addf %get3A_221, %select_n3A_224 : vector<16xf32>
    %swap3A_226 = arith.constant 0 : i32
    %swap3A_227 = arith.index_cast %swap3A_226 : i32 to index
    %swap3A_228 = arith.constant 80 : index
    %swap3A_229 = tpu.vector_load %arg11[%swap3A_227, %swap3A_228] {strides = array<i32>} : memref<8x128xf32, #tpu.memory_space<vmem>>, vector<16xf32>,
    tpu.vector_store %arg11[%swap3A_227, %swap3A_228], %add3A_225 {strides = array<i32>} : memref<8x128xf32, #tpu.memory_space<vmem>>, vector<16xf32>,
    %add3A_230 = arith.constant 0 : i32
    %add3A_231 = arith.addi %mul3A_26, %add3A_230 : i32
    %mul3A_232 = arith.constant 128 : i32
    %mul3A_233 = arith.muli %add3A_231, %mul3A_232 : i32
    %add3A_234 = arith.constant 96 : i32
    %add3A_235 = arith.addi %mul3A_233, %add3A_234 : i32
    %add3A_236 = vector.broadcast %add3A_235 : i32 to vector<16xi32>
    %add3A_237 = arith.addi %add3A_236, %iota3A : vector<16xi32>
    %lt3A_238 = arith.constant 5000 : i32
    %lt3A_239 = vector.broadcast %lt3A_238 : i32 to vector<16xi32>
    %lt3A_240 = arith.cmpi slt, %add3A_237, %lt3A_239 : vector<16xi32>
    %add3A_241 = vector.broadcast %mul3A_0 : i32 to vector<16xi32>
    %add3A_242 = arith.addi %add3A_241, %add3A_237 : vector<16xi32>
    %jit3A_243 = arith.constant 0 : i32
    %broadcast_in_dim3A_244 = vector.broadcast %jit3A_243 : i32 to vector<16xi32>
    %select_n3A_245 = arith.select %lt3A_240, %add3A_242, %broadcast_in_dim3A_244 : vector<16xi1>, vector<16xi32>
    %mul3A_246 = arith.constant 8 : i32
    %mul3A_247 = vector.broadcast %mul3A_246 : i32 to vector<16xi32>
    %mul3A_248 = arith.muli %select_n3A_245, %mul3A_247 : vector<16xi32>
    %add3A_249 = arith.constant 2 : i32
    %add3A_250 = vector.broadcast %add3A_249 : i32 to vector<16xi32>
    %add3A_251 = arith.addi %mul3A_248, %add3A_250 : vector<16xi32>
    %gather3A_252 = tpu.vector_load_idx %arg6[%add3A_251] : memref<80000xf32, #tpu.memory_space<vmem>>[vector<16xi32>], vector<16xf32>,
    %get3A_253 = arith.constant 0 : i32
    %get3A_254 = arith.index_cast %get3A_253 : i32 to index
    %get3A_255 = arith.constant 96 : index
    %get3A_256 = tpu.vector_load %arg11[%get3A_254, %get3A_255] {strides = array<i32>} : memref<8x128xf32, #tpu.memory_space<vmem>>, vector<16xf32>,
    %jit3A_257 = arith.constant 0.000000e+00 : f32
    %broadcast_in_dim3A_258 = vector.broadcast %jit3A_257 : f32 to vector<16xf32>
    %select_n3A_259 = arith.select %lt3A_240, %gather3A_252, %broadcast_in_dim3A_258 : vector<16xi1>, vector<16xf32>
    %add3A_260 = arith.addf %get3A_256, %select_n3A_259 : vector<16xf32>
    %swap3A_261 = arith.constant 0 : i32
    %swap3A_262 = arith.index_cast %swap3A_261 : i32 to index
    %swap3A_263 = arith.constant 96 : index
    %swap3A_264 = tpu.vector_load %arg11[%swap3A_262, %swap3A_263] {strides = array<i32>} : memref<8x128xf32, #tpu.memory_space<vmem>>, vector<16xf32>,
    tpu.vector_store %arg11[%swap3A_262, %swap3A_263], %add3A_260 {strides = array<i32>} : memref<8x128xf32, #tpu.memory_space<vmem>>, vector<16xf32>,
    %add3A_265 = arith.constant 0 : i32
    %add3A_266 = arith.addi %mul3A_26, %add3A_265 : i32
    %mul3A_267 = arith.constant 128 : i32
    %mul3A_268 = arith.muli %add3A_266, %mul3A_267 : i32
    %add3A_269 = arith.constant 112 : i32
    %add3A_270 = arith.addi %mul3A_268, %add3A_269 : i32
    %add3A_271 = vector.broadcast %add3A_270 : i32 to vector<16xi32>
    %add3A_272 = arith.addi %add3A_271, %iota3A : vector<16xi32>
    %lt3A_273 = arith.constant 5000 : i32
    %lt3A_274 = vector.broadcast %lt3A_273 : i32 to vector<16xi32>
    %lt3A_275 = arith.cmpi slt, %add3A_272, %lt3A_274 : vector<16xi32>
    %add3A_276 = vector.broadcast %mul3A_0 : i32 to vector<16xi32>
    %add3A_277 = arith.addi %add3A_276, %add3A_272 : vector<16xi32>
    %jit3A_278 = arith.constant 0 : i32
    %broadcast_in_dim3A_279 = vector.broadcast %jit3A_278 : i32 to vector<16xi32>
    %select_n3A_280 = arith.select %lt3A_275, %add3A_277, %broadcast_in_dim3A_279 : vector<16xi1>, vector<16xi32>
    %mul3A_281 = arith.constant 8 : i32
    %mul3A_282 = vector.broadcast %mul3A_281 : i32 to vector<16xi32>
    %mul3A_283 = arith.muli %select_n3A_280, %mul3A_282 : vector<16xi32>
    %add3A_284 = arith.constant 2 : i32
    %add3A_285 = vector.broadcast %add3A_284 : i32 to vector<16xi32>
    %add3A_286 = arith.addi %mul3A_283, %add3A_285 : vector<16xi32>
    %gather3A_287 = tpu.vector_load_idx %arg6[%add3A_286] : memref<80000xf32, #tpu.memory_space<vmem>>[vector<16xi32>], vector<16xf32>,
    %get3A_288 = arith.constant 0 : i32
    %get3A_289 = arith.index_cast %get3A_288 : i32 to index
    %get3A_290 = arith.constant 112 : index
    %get3A_291 = tpu.vector_load %arg11[%get3A_289, %get3A_290] {strides = array<i32>} : memref<8x128xf32, #tpu.memory_space<vmem>>, vector<16xf32>,
    %jit3A_292 = arith.constant 0.000000e+00 : f32
    %broadcast_in_dim3A_293 = vector.broadcast %jit3A_292 : f32 to vector<16xf32>
    %select_n3A_294 = arith.select %lt3A_275, %gather3A_287, %broadcast_in_dim3A_293 : vector<16xi1>, vector<16xf32>
    %add3A_295 = arith.addf %get3A_291, %select_n3A_294 : vector<16xf32>
    %swap3A_296 = arith.constant 0 : i32
    %swap3A_297 = arith.index_cast %swap3A_296 : i32 to index
    %swap3A_298 = arith.constant 112 : index
    %swap3A_299 = tpu.vector_load %arg11[%swap3A_297, %swap3A_298] {strides = array<i32>} : memref<8x128xf32, #tpu.memory_space<vmem>>, vector<16xf32>,
    tpu.vector_store %arg11[%swap3A_297, %swap3A_298], %add3A_295 {strides = array<i32>} : memref<8x128xf32, #tpu.memory_space<vmem>>, vector<16xf32>,
    %add3A_300 = arith.constant 1 : i32
    %add3A_301 = arith.addi %mul3A_26, %add3A_300 : i32
    %mul3A_302 = arith.constant 128 : i32
    %mul3A_303 = arith.muli %add3A_301, %mul3A_302 : i32
    %add3A_304 = arith.constant 0 : i32
    %add3A_305 = arith.addi %mul3A_303, %add3A_304 : i32
    %add3A_306 = vector.broadcast %add3A_305 : i32 to vector<16xi32>
    %add3A_307 = arith.addi %add3A_306, %iota3A : vector<16xi32>
    %lt3A_308 = arith.constant 5000 : i32
    %lt3A_309 = vector.broadcast %lt3A_308 : i32 to vector<16xi32>
    %lt3A_310 = arith.cmpi slt, %add3A_307, %lt3A_309 : vector<16xi32>
    %add3A_311 = vector.broadcast %mul3A_0 : i32 to vector<16xi32>
    %add3A_312 = arith.addi %add3A_311, %add3A_307 : vector<16xi32>
    %jit3A_313 = arith.constant 0 : i32
    %broadcast_in_dim3A_314 = vector.broadcast %jit3A_313 : i32 to vector<16xi32>
    %select_n3A_315 = arith.select %lt3A_310, %add3A_312, %broadcast_in_dim3A_314 : vector<16xi1>, vector<16xi32>
    %mul3A_316 = arith.constant 8 : i32
    %mul3A_317 = vector.broadcast %mul3A_316 : i32 to vector<16xi32>
    %mul3A_318 = arith.muli %select_n3A_315, %mul3A_317 : vector<16xi32>
    %add3A_319 = arith.constant 2 : i32
    %add3A_320 = vector.broadcast %add3A_319 : i32 to vector<16xi32>
    %add3A_321 = arith.addi %mul3A_318, %add3A_320 : vector<16xi32>
    %gather3A_322 = tpu.vector_load_idx %arg6[%add3A_321] : memref<80000xf32, #tpu.memory_space<vmem>>[vector<16xi32>], vector<16xf32>,
    %get3A_323 = arith.constant 1 : i32
    %get3A_324 = arith.index_cast %get3A_323 : i32 to index
    %get3A_325 = arith.constant 0 : index
    %get3A_326 = tpu.vector_load %arg11[%get3A_324, %get3A_325] {strides = array<i32>} : memref<8x128xf32, #tpu.memory_space<vmem>>, vector<16xf32>,
    %jit3A_327 = arith.constant 0.000000e+00 : f32
    %broadcast_in_dim3A_328 = vector.broadcast %jit3A_327 : f32 to vector<16xf32>
    %select_n3A_329 = arith.select %lt3A_310, %gather3A_322, %broadcast_in_dim3A_328 : vector<16xi1>, vector<16xf32>
    %add3A_330 = arith.addf %get3A_326, %select_n3A_329 : vector<16xf32>
    %swap3A_331 = arith.constant 1 : i32
    %swap3A_332 = arith.index_cast %swap3A_331 : i32 to index
    %swap3A_333 = arith.constant 0 : index
    %swap3A_334 = tpu.vector_load %arg11[%swap3A_332, %swap3A_333] {strides = array<i32>} : memref<8x128xf32, #tpu.memory_space<vmem>>, vector<16xf32>,
    tpu.vector_store %arg11[%swap3A_332, %swap3A_333], %add3A_330 {strides = array<i32>} : memref<8x128xf32, #tpu.memory_space<vmem>>, vector<16xf32>,
    %add3A_335 = arith.constant 1 : i32
    %add3A_336 = arith.addi %mul3A_26, %add3A_335 : i32
    %mul3A_337 = arith.constant 128 : i32
    %mul3A_338 = arith.muli %add3A_336, %mul3A_337 : i32
    %add3A_339 = arith.constant 16 : i32
    %add3A_340 = arith.addi %mul3A_338, %add3A_339 : i32
    %add3A_341 = vector.broadcast %add3A_340 : i32 to vector<16xi32>
    %add3A_342 = arith.addi %add3A_341, %iota3A : vector<16xi32>
    %lt3A_343 = arith.constant 5000 : i32
    %lt3A_344 = vector.broadcast %lt3A_343 : i32 to vector<16xi32>
    %lt3A_345 = arith.cmpi slt, %add3A_342, %lt3A_344 : vector<16xi32>
    %add3A_346 = vector.broadcast %mul3A_0 : i32 to vector<16xi32>
    %add3A_347 = arith.addi %add3A_346, %add3A_342 : vector<16xi32>
    %jit3A_348 = arith.constant 0 : i32
    %broadcast_in_dim3A_349 = vector.broadcast %jit3A_348 : i32 to vector<16xi32>
    %select_n3A_350 = arith.select %lt3A_345, %add3A_347, %broadcast_in_dim3A_349 : vector<16xi1>, vector<16xi32>
    %mul3A_351 = arith.constant 8 : i32
    %mul3A_352 = vector.broadcast %mul3A_351 : i32 to vector<16xi32>
    %mul3A_353 = arith.muli %select_n3A_350, %mul3A_352 : vector<16xi32>
    %add3A_354 = arith.constant 2 : i32
    %add3A_355 = vector.broadcast %add3A_354 : i32 to vector<16xi32>
    %add3A_356 = arith.addi %mul3A_353, %add3A_355 : vector<16xi32>
    %gather3A_357 = tpu.vector_load_idx %arg6[%add3A_356] : memref<80000xf32, #tpu.memory_space<vmem>>[vector<16xi32>], vector<16xf32>,
    %get3A_358 = arith.constant 1 : i32
    %get3A_359 = arith.index_cast %get3A_358 : i32 to index
    %get3A_360 = arith.constant 16 : index
    %get3A_361 = tpu.vector_load %arg11[%get3A_359, %get3A_360] {strides = array<i32>} : memref<8x128xf32, #tpu.memory_space<vmem>>, vector<16xf32>,
    %jit3A_362 = arith.constant 0.000000e+00 : f32
    %broadcast_in_dim3A_363 = vector.broadcast %jit3A_362 : f32 to vector<16xf32>
    %select_n3A_364 = arith.select %lt3A_345, %gather3A_357, %broadcast_in_dim3A_363 : vector<16xi1>, vector<16xf32>
    %add3A_365 = arith.addf %get3A_361, %select_n3A_364 : vector<16xf32>
    %swap3A_366 = arith.constant 1 : i32
    %swap3A_367 = arith.index_cast %swap3A_366 : i32 to index
    %swap3A_368 = arith.constant 16 : index
    %swap3A_369 = tpu.vector_load %arg11[%swap3A_367, %swap3A_368] {strides = array<i32>} : memref<8x128xf32, #tpu.memory_space<vmem>>, vector<16xf32>,
    tpu.vector_store %arg11[%swap3A_367, %swap3A_368], %add3A_365 {strides = array<i32>} : memref<8x128xf32, #tpu.memory_space<vmem>>, vector<16xf32>,
    %add3A_370 = arith.constant 1 : i32
    %add3A_371 = arith.addi %mul3A_26, %add3A_370 : i32
    %mul3A_372 = arith.constant 128 : i32
    %mul3A_373 = arith.muli %add3A_371, %mul3A_372 : i32
    %add3A_374 = arith.constant 32 : i32
    %add3A_375 = arith.addi %mul3A_373, %add3A_374 : i32
    %add3A_376 = vector.broadcast %add3A_375 : i32 to vector<16xi32>
    %add3A_377 = arith.addi %add3A_376, %iota3A : vector<16xi32>
    %lt3A_378 = arith.constant 5000 : i32
    %lt3A_379 = vector.broadcast %lt3A_378 : i32 to vector<16xi32>
    %lt3A_380 = arith.cmpi slt, %add3A_377, %lt3A_379 : vector<16xi32>
    %add3A_381 = vector.broadcast %mul3A_0 : i32 to vector<16xi32>
    %add3A_382 = arith.addi %add3A_381, %add3A_377 : vector<16xi32>
    %jit3A_383 = arith.constant 0 : i32
    %broadcast_in_dim3A_384 = vector.broadcast %jit3A_383 : i32 to vector<16xi32>
    %select_n3A_385 = arith.select %lt3A_380, %add3A_382, %broadcast_in_dim3A_384 : vector<16xi1>, vector<16xi32>
    %mul3A_386 = arith.constant 8 : i32
    %mul3A_387 = vector.broadcast %mul3A_386 : i32 to vector<16xi32>
    %mul3A_388 = arith.muli %select_n3A_385, %mul3A_387 : vector<16xi32>
    %add3A_389 = arith.constant 2 : i32
    %add3A_390 = vector.broadcast %add3A_389 : i32 to vector<16xi32>
    %add3A_391 = arith.addi %mul3A_388, %add3A_390 : vector<16xi32>
    %gather3A_392 = tpu.vector_load_idx %arg6[%add3A_391] : memref<80000xf32, #tpu.memory_space<vmem>>[vector<16xi32>], vector<16xf32>,
    %get3A_393 = arith.constant 1 : i32
    %get3A_394 = arith.index_cast %get3A_393 : i32 to index
    %get3A_395 = arith.constant 32 : index
    %get3A_396 = tpu.vector_load %arg11[%get3A_394, %get3A_395] {strides = array<i32>} : memref<8x128xf32, #tpu.memory_space<vmem>>, vector<16xf32>,
    %jit3A_397 = arith.constant 0.000000e+00 : f32
    %broadcast_in_dim3A_398 = vector.broadcast %jit3A_397 : f32 to vector<16xf32>
    %select_n3A_399 = arith.select %lt3A_380, %gather3A_392, %broadcast_in_dim3A_398 : vector<16xi1>, vector<16xf32>
    %add3A_400 = arith.addf %get3A_396, %select_n3A_399 : vector<16xf32>
    %swap3A_401 = arith.constant 1 : i32
    %swap3A_402 = arith.index_cast %swap3A_401 : i32 to index
    %swap3A_403 = arith.constant 32 : index
    %swap3A_404 = tpu.vector_load %arg11[%swap3A_402, %swap3A_403] {strides = array<i32>} : memref<8x128xf32, #tpu.memory_space<vmem>>, vector<16xf32>,
    tpu.vector_store %arg11[%swap3A_402, %swap3A_403], %add3A_400 {strides = array<i32>} : memref<8x128xf32, #tpu.memory_space<vmem>>, vector<16xf32>,
    %add3A_405 = arith.constant 1 : i32
    %add3A_406 = arith.addi %mul3A_26, %add3A_405 : i32
    %mul3A_407 = arith.constant 128 : i32
    %mul3A_408 = arith.muli %add3A_406, %mul3A_407 : i32
    %add3A_409 = arith.constant 48 : i32
    %add3A_410 = arith.addi %mul3A_408, %add3A_409 : i32
    %add3A_411 = vector.broadcast %add3A_410 : i32 to vector<16xi32>
    %add3A_412 = arith.addi %add3A_411, %iota3A : vector<16xi32>
    %lt3A_413 = arith.constant 5000 : i32
    %lt3A_414 = vector.broadcast %lt3A_413 : i32 to vector<16xi32>
    %lt3A_415 = arith.cmpi slt, %add3A_412, %lt3A_414 : vector<16xi32>
    %add3A_416 = vector.broadcast %mul3A_0 : i32 to vector<16xi32>
    %add3A_417 = arith.addi %add3A_416, %add3A_412 : vector<16xi32>
    %jit3A_418 = arith.constant 0 : i32
    %broadcast_in_dim3A_419 = vector.broadcast %jit3A_418 : i32 to vector<16xi32>
    %select_n3A_420 = arith.select %lt3A_415, %add3A_417, %broadcast_in_dim3A_419 : vector<16xi1>, vector<16xi32>
    %mul3A_421 = arith.constant 8 : i32
    %mul3A_422 = vector.broadcast %mul3A_421 : i32 to vector<16xi32>
    %mul3A_423 = arith.muli %select_n3A_420, %mul3A_422 : vector<16xi32>
    %add3A_424 = arith.constant 2 : i32
    %add3A_425 = vector.broadcast %add3A_424 : i32 to vector<16xi32>
    %add3A_426 = arith.addi %mul3A_423, %add3A_425 : vector<16xi32>
    %gather3A_427 = tpu.vector_load_idx %arg6[%add3A_426] : memref<80000xf32, #tpu.memory_space<vmem>>[vector<16xi32>], vector<16xf32>,
    %get3A_428 = arith.constant 1 : i32
    %get3A_429 = arith.index_cast %get3A_428 : i32 to index
    %get3A_430 = arith.constant 48 : index
    %get3A_431 = tpu.vector_load %arg11[%get3A_429, %get3A_430] {strides = array<i32>} : memref<8x128xf32, #tpu.memory_space<vmem>>, vector<16xf32>,
    %jit3A_432 = arith.constant 0.000000e+00 : f32
    %broadcast_in_dim3A_433 = vector.broadcast %jit3A_432 : f32 to vector<16xf32>
    %select_n3A_434 = arith.select %lt3A_415, %gather3A_427, %broadcast_in_dim3A_433 : vector<16xi1>, vector<16xf32>
    %add3A_435 = arith.addf %get3A_431, %select_n3A_434 : vector<16xf32>
    %swap3A_436 = arith.constant 1 : i32
    %swap3A_437 = arith.index_cast %swap3A_436 : i32 to index
    %swap3A_438 = arith.constant 48 : index
    %swap3A_439 = tpu.vector_load %arg11[%swap3A_437, %swap3A_438] {strides = array<i32>} : memref<8x128xf32, #tpu.memory_space<vmem>>, vector<16xf32>,
    tpu.vector_store %arg11[%swap3A_437, %swap3A_438], %add3A_435 {strides = array<i32>} : memref<8x128xf32, #tpu.memory_space<vmem>>, vector<16xf32>,
    %add3A_440 = arith.constant 1 : i32
    %add3A_441 = arith.addi %mul3A_26, %add3A_440 : i32
    %mul3A_442 = arith.constant 128 : i32
    %mul3A_443 = arith.muli %add3A_441, %mul3A_442 : i32
    %add3A_444 = arith.constant 64 : i32
    %add3A_445 = arith.addi %mul3A_443, %add3A_444 : i32
    %add3A_446 = vector.broadcast %add3A_445 : i32 to vector<16xi32>
    %add3A_447 = arith.addi %add3A_446, %iota3A : vector<16xi32>
    %lt3A_448 = arith.constant 5000 : i32
    %lt3A_449 = vector.broadcast %lt3A_448 : i32 to vector<16xi32>
    %lt3A_450 = arith.cmpi slt, %add3A_447, %lt3A_449 : vector<16xi32>
    %add3A_451 = vector.broadcast %mul3A_0 : i32 to vector<16xi32>
    %add3A_452 = arith.addi %add3A_451, %add3A_447 : vector<16xi32>
    %jit3A_453 = arith.constant 0 : i32
    %broadcast_in_dim3A_454 = vector.broadcast %jit3A_453 : i32 to vector<16xi32>
    %select_n3A_455 = arith.select %lt3A_450, %add3A_452, %broadcast_in_dim3A_454 : vector<16xi1>, vector<16xi32>
    %mul3A_456 = arith.constant 8 : i32
    %mul3A_457 = vector.broadcast %mul3A_456 : i32 to vector<16xi32>
    %mul3A_458 = arith.muli %select_n3A_455, %mul3A_457 : vector<16xi32>
    %add3A_459 = arith.constant 2 : i32
    %add3A_460 = vector.broadcast %add3A_459 : i32 to vector<16xi32>
    %add3A_461 = arith.addi %mul3A_458, %add3A_460 : vector<16xi32>
    %gather3A_462 = tpu.vector_load_idx %arg6[%add3A_461] : memref<80000xf32, #tpu.memory_space<vmem>>[vector<16xi32>], vector<16xf32>,
    %get3A_463 = arith.constant 1 : i32
    %get3A_464 = arith.index_cast %get3A_463 : i32 to index
    %get3A_465 = arith.constant 64 : index
    %get3A_466 = tpu.vector_load %arg11[%get3A_464, %get3A_465] {strides = array<i32>} : memref<8x128xf32, #tpu.memory_space<vmem>>, vector<16xf32>,
    %jit3A_467 = arith.constant 0.000000e+00 : f32
    %broadcast_in_dim3A_468 = vector.broadcast %jit3A_467 : f32 to vector<16xf32>
    %select_n3A_469 = arith.select %lt3A_450, %gather3A_462, %broadcast_in_dim3A_468 : vector<16xi1>, vector<16xf32>
    %add3A_470 = arith.addf %get3A_466, %select_n3A_469 : vector<16xf32>
    %swap3A_471 = arith.constant 1 : i32
    %swap3A_472 = arith.index_cast %swap3A_471 : i32 to index
    %swap3A_473 = arith.constant 64 : index
    %swap3A_474 = tpu.vector_load %arg11[%swap3A_472, %swap3A_473] {strides = array<i32>} : memref<8x128xf32, #tpu.memory_space<vmem>>, vector<16xf32>,
    tpu.vector_store %arg11[%swap3A_472, %swap3A_473], %add3A_470 {strides = array<i32>} : memref<8x128xf32, #tpu.memory_space<vmem>>, vector<16xf32>,
    %add3A_475 = arith.constant 1 : i32
    %add3A_476 = arith.addi %mul3A_26, %add3A_475 : i32
    %mul3A_477 = arith.constant 128 : i32
    %mul3A_478 = arith.muli %add3A_476, %mul3A_477 : i32
    %add3A_479 = arith.constant 80 : i32
    %add3A_480 = arith.addi %mul3A_478, %add3A_479 : i32
    %add3A_481 = vector.broadcast %add3A_480 : i32 to vector<16xi32>
    %add3A_482 = arith.addi %add3A_481, %iota3A : vector<16xi32>
    %lt3A_483 = arith.constant 5000 : i32
    %lt3A_484 = vector.broadcast %lt3A_483 : i32 to vector<16xi32>
    %lt3A_485 = arith.cmpi slt, %add3A_482, %lt3A_484 : vector<16xi32>
    %add3A_486 = vector.broadcast %mul3A_0 : i32 to vector<16xi32>
    %add3A_487 = arith.addi %add3A_486, %add3A_482 : vector<16xi32>
    %jit3A_488 = arith.constant 0 : i32
    %broadcast_in_dim3A_489 = vector.broadcast %jit3A_488 : i32 to vector<16xi32>
    %select_n3A_490 = arith.select %lt3A_485, %add3A_487, %broadcast_in_dim3A_489 : vector<16xi1>, vector<16xi32>
    %mul3A_491 = arith.constant 8 : i32
    %mul3A_492 = vector.broadcast %mul3A_491 : i32 to vector<16xi32>
    %mul3A_493 = arith.muli %select_n3A_490, %mul3A_492 : vector<16xi32>
    %add3A_494 = arith.constant 2 : i32
    %add3A_495 = vector.broadcast %add3A_494 : i32 to vector<16xi32>
    %add3A_496 = arith.addi %mul3A_493, %add3A_495 : vector<16xi32>
    %gather3A_497 = tpu.vector_load_idx %arg6[%add3A_496] : memref<80000xf32, #tpu.memory_space<vmem>>[vector<16xi32>], vector<16xf32>,
    %get3A_498 = arith.constant 1 : i32
    %get3A_499 = arith.index_cast %get3A_498 : i32 to index
    %get3A_500 = arith.constant 80 : index
    %get3A_501 = tpu.vector_load %arg11[%get3A_499, %get3A_500] {strides = array<i32>} : memref<8x128xf32, #tpu.memory_space<vmem>>, vector<16xf32>,
    %jit3A_502 = arith.constant 0.000000e+00 : f32
    %broadcast_in_dim3A_503 = vector.broadcast %jit3A_502 : f32 to vector<16xf32>
    %select_n3A_504 = arith.select %lt3A_485, %gather3A_497, %broadcast_in_dim3A_503 : vector<16xi1>, vector<16xf32>
    %add3A_505 = arith.addf %get3A_501, %select_n3A_504 : vector<16xf32>
    %swap3A_506 = arith.constant 1 : i32
    %swap3A_507 = arith.index_cast %swap3A_506 : i32 to index
    %swap3A_508 = arith.constant 80 : index
    %swap3A_509 = tpu.vector_load %arg11[%swap3A_507, %swap3A_508] {strides = array<i32>} : memref<8x128xf32, #tpu.memory_space<vmem>>, vector<16xf32>,
    tpu.vector_store %arg11[%swap3A_507, %swap3A_508], %add3A_505 {strides = array<i32>} : memref<8x128xf32, #tpu.memory_space<vmem>>, vector<16xf32>,
    %add3A_510 = arith.constant 1 : i32
    %add3A_511 = arith.addi %mul3A_26, %add3A_510 : i32
    %mul3A_512 = arith.constant 128 : i32
    %mul3A_513 = arith.muli %add3A_511, %mul3A_512 : i32
    %add3A_514 = arith.constant 96 : i32
    %add3A_515 = arith.addi %mul3A_513, %add3A_514 : i32
    %add3A_516 = vector.broadcast %add3A_515 : i32 to vector<16xi32>
    %add3A_517 = arith.addi %add3A_516, %iota3A : vector<16xi32>
    %lt3A_518 = arith.constant 5000 : i32
    %lt3A_519 = vector.broadcast %lt3A_518 : i32 to vector<16xi32>
    %lt3A_520 = arith.cmpi slt, %add3A_517, %lt3A_519 : vector<16xi32>
    %add3A_521 = vector.broadcast %mul3A_0 : i32 to vector<16xi32>
    %add3A_522 = arith.addi %add3A_521, %add3A_517 : vector<16xi32>
    %jit3A_523 = arith.constant 0 : i32
    %broadcast_in_dim3A_524 = vector.broadcast %jit3A_523 : i32 to vector<16xi32>
    %select_n3A_525 = arith.select %lt3A_520, %add3A_522, %broadcast_in_dim3A_524 : vector<16xi1>, vector<16xi32>
    %mul3A_526 = arith.constant 8 : i32
    %mul3A_527 = vector.broadcast %mul3A_526 : i32 to vector<16xi32>
    %mul3A_528 = arith.muli %select_n3A_525, %mul3A_527 : vector<16xi32>
    %add3A_529 = arith.constant 2 : i32
    %add3A_530 = vector.broadcast %add3A_529 : i32 to vector<16xi32>
    %add3A_531 = arith.addi %mul3A_528, %add3A_530 : vector<16xi32>
    %gather3A_532 = tpu.vector_load_idx %arg6[%add3A_531] : memref<80000xf32, #tpu.memory_space<vmem>>[vector<16xi32>], vector<16xf32>,
    %get3A_533 = arith.constant 1 : i32
    %get3A_534 = arith.index_cast %get3A_533 : i32 to index
    %get3A_535 = arith.constant 96 : index
    %get3A_536 = tpu.vector_load %arg11[%get3A_534, %get3A_535] {strides = array<i32>} : memref<8x128xf32, #tpu.memory_space<vmem>>, vector<16xf32>,
    %jit3A_537 = arith.constant 0.000000e+00 : f32
    %broadcast_in_dim3A_538 = vector.broadcast %jit3A_537 : f32 to vector<16xf32>
    %select_n3A_539 = arith.select %lt3A_520, %gather3A_532, %broadcast_in_dim3A_538 : vector<16xi1>, vector<16xf32>
    %add3A_540 = arith.addf %get3A_536, %select_n3A_539 : vector<16xf32>
    %swap3A_541 = arith.constant 1 : i32
    %swap3A_542 = arith.index_cast %swap3A_541 : i32 to index
    %swap3A_543 = arith.constant 96 : index
    %swap3A_544 = tpu.vector_load %arg11[%swap3A_542, %swap3A_543] {strides = array<i32>} : memref<8x128xf32, #tpu.memory_space<vmem>>, vector<16xf32>,
    tpu.vector_store %arg11[%swap3A_542, %swap3A_543], %add3A_540 {strides = array<i32>} : memref<8x128xf32, #tpu.memory_space<vmem>>, vector<16xf32>,
    %add3A_545 = arith.constant 1 : i32
    %add3A_546 = arith.addi %mul3A_26, %add3A_545 : i32
    %mul3A_547 = arith.constant 128 : i32
    %mul3A_548 = arith.muli %add3A_546, %mul3A_547 : i32
    %add3A_549 = arith.constant 112 : i32
    %add3A_550 = arith.addi %mul3A_548, %add3A_549 : i32
    %add3A_551 = vector.broadcast %add3A_550 : i32 to vector<16xi32>
    %add3A_552 = arith.addi %add3A_551, %iota3A : vector<16xi32>
    %lt3A_553 = arith.constant 5000 : i32
    %lt3A_554 = vector.broadcast %lt3A_553 : i32 to vector<16xi32>
    %lt3A_555 = arith.cmpi slt, %add3A_552, %lt3A_554 : vector<16xi32>
    %add3A_556 = vector.broadcast %mul3A_0 : i32 to vector<16xi32>
    %add3A_557 = arith.addi %add3A_556, %add3A_552 : vector<16xi32>
    %jit3A_558 = arith.constant 0 : i32
    %broadcast_in_dim3A_559 = vector.broadcast %jit3A_558 : i32 to vector<16xi32>
    %select_n3A_560 = arith.select %lt3A_555, %add3A_557, %broadcast_in_dim3A_559 : vector<16xi1>, vector<16xi32>
    %mul3A_561 = arith.constant 8 : i32
    %mul3A_562 = vector.broadcast %mul3A_561 : i32 to vector<16xi32>
    %mul3A_563 = arith.muli %select_n3A_560, %mul3A_562 : vector<16xi32>
    %add3A_564 = arith.constant 2 : i32
    %add3A_565 = vector.broadcast %add3A_564 : i32 to vector<16xi32>
    %add3A_566 = arith.addi %mul3A_563, %add3A_565 : vector<16xi32>
    %gather3A_567 = tpu.vector_load_idx %arg6[%add3A_566] : memref<80000xf32, #tpu.memory_space<vmem>>[vector<16xi32>], vector<16xf32>,
    %get3A_568 = arith.constant 1 : i32
    %get3A_569 = arith.index_cast %get3A_568 : i32 to index
    %get3A_570 = arith.constant 112 : index
    %get3A_571 = tpu.vector_load %arg11[%get3A_569, %get3A_570] {strides = array<i32>} : memref<8x128xf32, #tpu.memory_space<vmem>>, vector<16xf32>,
    %jit3A_572 = arith.constant 0.000000e+00 : f32
    %broadcast_in_dim3A_573 = vector.broadcast %jit3A_572 : f32 to vector<16xf32>
    %select_n3A_574 = arith.select %lt3A_555, %gather3A_567, %broadcast_in_dim3A_573 : vector<16xi1>, vector<16xf32>
    %add3A_575 = arith.addf %get3A_571, %select_n3A_574 : vector<16xf32>
    %swap3A_576 = arith.constant 1 : i32
    %swap3A_577 = arith.index_cast %swap3A_576 : i32 to index
    %swap3A_578 = arith.constant 112 : index
    %swap3A_579 = tpu.vector_load %arg11[%swap3A_577, %swap3A_578] {strides = array<i32>} : memref<8x128xf32, #tpu.memory_space<vmem>>, vector<16xf32>,
    tpu.vector_store %arg11[%swap3A_577, %swap3A_578], %add3A_575 {strides = array<i32>} : memref<8x128xf32, #tpu.memory_space<vmem>>, vector<16xf32>,
    %add3A_580 = arith.constant 2 : i32
    %add3A_581 = arith.addi %mul3A_26, %add3A_580 : i32
    %mul3A_582 = arith.constant 128 : i32
    %mul3A_583 = arith.muli %add3A_581, %mul3A_582 : i32
    %add3A_584 = arith.constant 0 : i32
    %add3A_585 = arith.addi %mul3A_583, %add3A_584 : i32
    %add3A_586 = vector.broadcast %add3A_585 : i32 to vector<16xi32>
    %add3A_587 = arith.addi %add3A_586, %iota3A : vector<16xi32>
    %lt3A_588 = arith.constant 5000 : i32
    %lt3A_589 = vector.broadcast %lt3A_588 : i32 to vector<16xi32>
    %lt3A_590 = arith.cmpi slt, %add3A_587, %lt3A_589 : vector<16xi32>
    %add3A_591 = vector.broadcast %mul3A_0 : i32 to vector<16xi32>
    %add3A_592 = arith.addi %add3A_591, %add3A_587 : vector<16xi32>
    %jit3A_593 = arith.constant 0 : i32
    %broadcast_in_dim3A_594 = vector.broadcast %jit3A_593 : i32 to vector<16xi32>
    %select_n3A_595 = arith.select %lt3A_590, %add3A_592, %broadcast_in_dim3A_594 : vector<16xi1>, vector<16xi32>
    %mul3A_596 = arith.constant 8 : i32
    %mul3A_597 = vector.broadcast %mul3A_596 : i32 to vector<16xi32>
    %mul3A_598 = arith.muli %select_n3A_595, %mul3A_597 : vector<16xi32>
    %add3A_599 = arith.constant 2 : i32
    %add3A_600 = vector.broadcast %add3A_599 : i32 to vector<16xi32>
    %add3A_601 = arith.addi %mul3A_598, %add3A_600 : vector<16xi32>
    %gather3A_602 = tpu.vector_load_idx %arg6[%add3A_601] : memref<80000xf32, #tpu.memory_space<vmem>>[vector<16xi32>], vector<16xf32>,
    %get3A_603 = arith.constant 2 : i32
    %get3A_604 = arith.index_cast %get3A_603 : i32 to index
    %get3A_605 = arith.constant 0 : index
    %get3A_606 = tpu.vector_load %arg11[%get3A_604, %get3A_605] {strides = array<i32>} : memref<8x128xf32, #tpu.memory_space<vmem>>, vector<16xf32>,
    %jit3A_607 = arith.constant 0.000000e+00 : f32
    %broadcast_in_dim3A_608 = vector.broadcast %jit3A_607 : f32 to vector<16xf32>
    %select_n3A_609 = arith.select %lt3A_590, %gather3A_602, %broadcast_in_dim3A_608 : vector<16xi1>, vector<16xf32>
    %add3A_610 = arith.addf %get3A_606, %select_n3A_609 : vector<16xf32>
    %swap3A_611 = arith.constant 2 : i32
    %swap3A_612 = arith.index_cast %swap3A_611 : i32 to index
    %swap3A_613 = arith.constant 0 : index
    %swap3A_614 = tpu.vector_load %arg11[%swap3A_612, %swap3A_613] {strides = array<i32>} : memref<8x128xf32, #tpu.memory_space<vmem>>, vector<16xf32>,
    tpu.vector_store %arg11[%swap3A_612, %swap3A_613], %add3A_610 {strides = array<i32>} : memref<8x128xf32, #tpu.memory_space<vmem>>, vector<16xf32>,
    %add3A_615 = arith.constant 2 : i32
    %add3A_616 = arith.addi %mul3A_26, %add3A_615 : i32
    %mul3A_617 = arith.constant 128 : i32
    %mul3A_618 = arith.muli %add3A_616, %mul3A_617 : i32
    %add3A_619 = arith.constant 16 : i32
    %add3A_620 = arith.addi %mul3A_618, %add3A_619 : i32
    %add3A_621 = vector.broadcast %add3A_620 : i32 to vector<16xi32>
    %add3A_622 = arith.addi %add3A_621, %iota3A : vector<16xi32>
    %lt3A_623 = arith.constant 5000 : i32
    %lt3A_624 = vector.broadcast %lt3A_623 : i32 to vector<16xi32>
    %lt3A_625 = arith.cmpi slt, %add3A_622, %lt3A_624 : vector<16xi32>
    %add3A_626 = vector.broadcast %mul3A_0 : i32 to vector<16xi32>
    %add3A_627 = arith.addi %add3A_626, %add3A_622 : vector<16xi32>
    %jit3A_628 = arith.constant 0 : i32
    %broadcast_in_dim3A_629 = vector.broadcast %jit3A_628 : i32 to vector<16xi32>
    %select_n3A_630 = arith.select %lt3A_625, %add3A_627, %broadcast_in_dim3A_629 : vector<16xi1>, vector<16xi32>
    %mul3A_631 = arith.constant 8 : i32
    %mul3A_632 = vector.broadcast %mul3A_631 : i32 to vector<16xi32>
    %mul3A_633 = arith.muli %select_n3A_630, %mul3A_632 : vector<16xi32>
    %add3A_634 = arith.constant 2 : i32
    %add3A_635 = vector.broadcast %add3A_634 : i32 to vector<16xi32>
    %add3A_636 = arith.addi %mul3A_633, %add3A_635 : vector<16xi32>
    %gather3A_637 = tpu.vector_load_idx %arg6[%add3A_636] : memref<80000xf32, #tpu.memory_space<vmem>>[vector<16xi32>], vector<16xf32>,
    %get3A_638 = arith.constant 2 : i32
    %get3A_639 = arith.index_cast %get3A_638 : i32 to index
    %get3A_640 = arith.constant 16 : index
    %get3A_641 = tpu.vector_load %arg11[%get3A_639, %get3A_640] {strides = array<i32>} : memref<8x128xf32, #tpu.memory_space<vmem>>, vector<16xf32>,
    %jit3A_642 = arith.constant 0.000000e+00 : f32
    %broadcast_in_dim3A_643 = vector.broadcast %jit3A_642 : f32 to vector<16xf32>
    %select_n3A_644 = arith.select %lt3A_625, %gather3A_637, %broadcast_in_dim3A_643 : vector<16xi1>, vector<16xf32>
    %add3A_645 = arith.addf %get3A_641, %select_n3A_644 : vector<16xf32>
    %swap3A_646 = arith.constant 2 : i32
    %swap3A_647 = arith.index_cast %swap3A_646 : i32 to index
    %swap3A_648 = arith.constant 16 : index
    %swap3A_649 = tpu.vector_load %arg11[%swap3A_647, %swap3A_648] {strides = array<i32>} : memref<8x128xf32, #tpu.memory_space<vmem>>, vector<16xf32>,
    tpu.vector_store %arg11[%swap3A_647, %swap3A_648], %add3A_645 {strides = array<i32>} : memref<8x128xf32, #tpu.memory_space<vmem>>, vector<16xf32>,
    %add3A_650 = arith.constant 2 : i32
    %add3A_651 = arith.addi %mul3A_26, %add3A_650 : i32
    %mul3A_652 = arith.constant 128 : i32
    %mul3A_653 = arith.muli %add3A_651, %mul3A_652 : i32
    %add3A_654 = arith.constant 32 : i32
    %add3A_655 = arith.addi %mul3A_653, %add3A_654 : i32
    %add3A_656 = vector.broadcast %add3A_655 : i32 to vector<16xi32>
    %add3A_657 = arith.addi %add3A_656, %iota3A : vector<16xi32>
    %lt3A_658 = arith.constant 5000 : i32
    %lt3A_659 = vector.broadcast %lt3A_658 : i32 to vector<16xi32>
    %lt3A_660 = arith.cmpi slt, %add3A_657, %lt3A_659 : vector<16xi32>
    %add3A_661 = vector.broadcast %mul3A_0 : i32 to vector<16xi32>
    %add3A_662 = arith.addi %add3A_661, %add3A_657 : vector<16xi32>
    %jit3A_663 = arith.constant 0 : i32
    %broadcast_in_dim3A_664 = vector.broadcast %jit3A_663 : i32 to vector<16xi32>
    %select_n3A_665 = arith.select %lt3A_660, %add3A_662, %broadcast_in_dim3A_664 : vector<16xi1>, vector<16xi32>
    %mul3A_666 = arith.constant 8 : i32
    %mul3A_667 = vector.broadcast %mul3A_666 : i32 to vector<16xi32>
    %mul3A_668 = arith.muli %select_n3A_665, %mul3A_667 : vector<16xi32>
    %add3A_669 = arith.constant 2 : i32
    %add3A_670 = vector.broadcast %add3A_669 : i32 to vector<16xi32>
    %add3A_671 = arith.addi %mul3A_668, %add3A_670 : vector<16xi32>
    %gather3A_672 = tpu.vector_load_idx %arg6[%add3A_671] : memref<80000xf32, #tpu.memory_space<vmem>>[vector<16xi32>], vector<16xf32>,
    %get3A_673 = arith.constant 2 : i32
    %get3A_674 = arith.index_cast %get3A_673 : i32 to index
    %get3A_675 = arith.constant 32 : index
    %get3A_676 = tpu.vector_load %arg11[%get3A_674, %get3A_675] {strides = array<i32>} : memref<8x128xf32, #tpu.memory_space<vmem>>, vector<16xf32>,
    %jit3A_677 = arith.constant 0.000000e+00 : f32
    %broadcast_in_dim3A_678 = vector.broadcast %jit3A_677 : f32 to vector<16xf32>
    %select_n3A_679 = arith.select %lt3A_660, %gather3A_672, %broadcast_in_dim3A_678 : vector<16xi1>, vector<16xf32>
    %add3A_680 = arith.addf %get3A_676, %select_n3A_679 : vector<16xf32>
    %swap3A_681 = arith.constant 2 : i32
    %swap3A_682 = arith.index_cast %swap3A_681 : i32 to index
    %swap3A_683 = arith.constant 32 : index
    %swap3A_684 = tpu.vector_load %arg11[%swap3A_682, %swap3A_683] {strides = array<i32>} : memref<8x128xf32, #tpu.memory_space<vmem>>, vector<16xf32>,
    tpu.vector_store %arg11[%swap3A_682, %swap3A_683], %add3A_680 {strides = array<i32>} : memref<8x128xf32, #tpu.memory_space<vmem>>, vector<16xf32>,
    %add3A_685 = arith.constant 2 : i32
    %add3A_686 = arith.addi %mul3A_26, %add3A_685 : i32
    %mul3A_687 = arith.constant 128 : i32
    %mul3A_688 = arith.muli %add3A_686, %mul3A_687 : i32
    %add3A_689 = arith.constant 48 : i32
    %add3A_690 = arith.addi %mul3A_688, %add3A_689 : i32
    %add3A_691 = vector.broadcast %add3A_690 : i32 to vector<16xi32>
    %add3A_692 = arith.addi %add3A_691, %iota3A : vector<16xi32>
    %lt3A_693 = arith.constant 5000 : i32
    %lt3A_694 = vector.broadcast %lt3A_693 : i32 to vector<16xi32>
    %lt3A_695 = arith.cmpi slt, %add3A_692, %lt3A_694 : vector<16xi32>
    %add3A_696 = vector.broadcast %mul3A_0 : i32 to vector<16xi32>
    %add3A_697 = arith.addi %add3A_696, %add3A_692 : vector<16xi32>
    %jit3A_698 = arith.constant 0 : i32
    %broadcast_in_dim3A_699 = vector.broadcast %jit3A_698 : i32 to vector<16xi32>
    %select_n3A_700 = arith.select %lt3A_695, %add3A_697, %broadcast_in_dim3A_699 : vector<16xi1>, vector<16xi32>
    %mul3A_701 = arith.constant 8 : i32
    %mul3A_702 = vector.broadcast %mul3A_701 : i32 to vector<16xi32>
    %mul3A_703 = arith.muli %select_n3A_700, %mul3A_702 : vector<16xi32>
    %add3A_704 = arith.constant 2 : i32
    %add3A_705 = vector.broadcast %add3A_704 : i32 to vector<16xi32>
    %add3A_706 = arith.addi %mul3A_703, %add3A_705 : vector<16xi32>
    %gather3A_707 = tpu.vector_load_idx %arg6[%add3A_706] : memref<80000xf32, #tpu.memory_space<vmem>>[vector<16xi32>], vector<16xf32>,
    %get3A_708 = arith.constant 2 : i32
    %get3A_709 = arith.index_cast %get3A_708 : i32 to index
    %get3A_710 = arith.constant 48 : index
    %get3A_711 = tpu.vector_load %arg11[%get3A_709, %get3A_710] {strides = array<i32>} : memref<8x128xf32, #tpu.memory_space<vmem>>, vector<16xf32>,
    %jit3A_712 = arith.constant 0.000000e+00 : f32
    %broadcast_in_dim3A_713 = vector.broadcast %jit3A_712 : f32 to vector<16xf32>
    %select_n3A_714 = arith.select %lt3A_695, %gather3A_707, %broadcast_in_dim3A_713 : vector<16xi1>, vector<16xf32>
    %add3A_715 = arith.addf %get3A_711, %select_n3A_714 : vector<16xf32>
    %swap3A_716 = arith.constant 2 : i32
    %swap3A_717 = arith.index_cast %swap3A_716 : i32 to index
    %swap3A_718 = arith.constant 48 : index
    %swap3A_719 = tpu.vector_load %arg11[%swap3A_717, %swap3A_718] {strides = array<i32>} : memref<8x128xf32, #tpu.memory_space<vmem>>, vector<16xf32>,
    tpu.vector_store %arg11[%swap3A_717, %swap3A_718], %add3A_715 {strides = array<i32>} : memref<8x128xf32, #tpu.memory_space<vmem>>, vector<16xf32>,
    %add3A_720 = arith.constant 2 : i32
    %add3A_721 = arith.addi %mul3A_26, %add3A_720 : i32
    %mul3A_722 = arith.constant 128 : i32
    %mul3A_723 = arith.muli %add3A_721, %mul3A_722 : i32
    %add3A_724 = arith.constant 64 : i32
    %add3A_725 = arith.addi %mul3A_723, %add3A_724 : i32
    %add3A_726 = vector.broadcast %add3A_725 : i32 to vector<16xi32>
    %add3A_727 = arith.addi %add3A_726, %iota3A : vector<16xi32>
    %lt3A_728 = arith.constant 5000 : i32
    %lt3A_729 = vector.broadcast %lt3A_728 : i32 to vector<16xi32>
    %lt3A_730 = arith.cmpi slt, %add3A_727, %lt3A_729 : vector<16xi32>
    %add3A_731 = vector.broadcast %mul3A_0 : i32 to vector<16xi32>
    %add3A_732 = arith.addi %add3A_731, %add3A_727 : vector<16xi32>
    %jit3A_733 = arith.constant 0 : i32
    %broadcast_in_dim3A_734 = vector.broadcast %jit3A_733 : i32 to vector<16xi32>
    %select_n3A_735 = arith.select %lt3A_730, %add3A_732, %broadcast_in_dim3A_734 : vector<16xi1>, vector<16xi32>
    %mul3A_736 = arith.constant 8 : i32
    %mul3A_737 = vector.broadcast %mul3A_736 : i32 to vector<16xi32>
    %mul3A_738 = arith.muli %select_n3A_735, %mul3A_737 : vector<16xi32>
    %add3A_739 = arith.constant 2 : i32
    %add3A_740 = vector.broadcast %add3A_739 : i32 to vector<16xi32>
    %add3A_741 = arith.addi %mul3A_738, %add3A_740 : vector<16xi32>
    %gather3A_742 = tpu.vector_load_idx %arg6[%add3A_741] : memref<80000xf32, #tpu.memory_space<vmem>>[vector<16xi32>], vector<16xf32>,
    %get3A_743 = arith.constant 2 : i32
    %get3A_744 = arith.index_cast %get3A_743 : i32 to index
    %get3A_745 = arith.constant 64 : index
    %get3A_746 = tpu.vector_load %arg11[%get3A_744, %get3A_745] {strides = array<i32>} : memref<8x128xf32, #tpu.memory_space<vmem>>, vector<16xf32>,
    %jit3A_747 = arith.constant 0.000000e+00 : f32
    %broadcast_in_dim3A_748 = vector.broadcast %jit3A_747 : f32 to vector<16xf32>
    %select_n3A_749 = arith.select %lt3A_730, %gather3A_742, %broadcast_in_dim3A_748 : vector<16xi1>, vector<16xf32>
    %add3A_750 = arith.addf %get3A_746, %select_n3A_749 : vector<16xf32>
    %swap3A_751 = arith.constant 2 : i32
    %swap3A_752 = arith.index_cast %swap3A_751 : i32 to index
    %swap3A_753 = arith.constant 64 : index
    %swap3A_754 = tpu.vector_load %arg11[%swap3A_752, %swap3A_753] {strides = array<i32>} : memref<8x128xf32, #tpu.memory_space<vmem>>, vector<16xf32>,
    tpu.vector_store %arg11[%swap3A_752, %swap3A_753], %add3A_750 {strides = array<i32>} : memref<8x128xf32, #tpu.memory_space<vmem>>, vector<16xf32>,
    %add3A_755 = arith.constant 2 : i32
    %add3A_756 = arith.addi %mul3A_26, %add3A_755 : i32
    %mul3A_757 = arith.constant 128 : i32
    %mul3A_758 = arith.muli %add3A_756, %mul3A_757 : i32
    %add3A_759 = arith.constant 80 : i32
    %add3A_760 = arith.addi %mul3A_758, %add3A_759 : i32
    %add3A_761 = vector.broadcast %add3A_760 : i32 to vector<16xi32>
    %add3A_762 = arith.addi %add3A_761, %iota3A : vector<16xi32>
    %lt3A_763 = arith.constant 5000 : i32
    %lt3A_764 = vector.broadcast %lt3A_763 : i32 to vector<16xi32>
    %lt3A_765 = arith.cmpi slt, %add3A_762, %lt3A_764 : vector<16xi32>
    %add3A_766 = vector.broadcast %mul3A_0 : i32 to vector<16xi32>
    %add3A_767 = arith.addi %add3A_766, %add3A_762 : vector<16xi32>
    %jit3A_768 = arith.constant 0 : i32
    %broadcast_in_dim3A_769 = vector.broadcast %jit3A_768 : i32 to vector<16xi32>
    %select_n3A_770 = arith.select %lt3A_765, %add3A_767, %broadcast_in_dim3A_769 : vector<16xi1>, vector<16xi32>
    %mul3A_771 = arith.constant 8 : i32
    %mul3A_772 = vector.broadcast %mul3A_771 : i32 to vector<16xi32>
    %mul3A_773 = arith.muli %select_n3A_770, %mul3A_772 : vector<16xi32>
    %add3A_774 = arith.constant 2 : i32
    %add3A_775 = vector.broadcast %add3A_774 : i32 to vector<16xi32>
    %add3A_776 = arith.addi %mul3A_773, %add3A_775 : vector<16xi32>
    %gather3A_777 = tpu.vector_load_idx %arg6[%add3A_776] : memref<80000xf32, #tpu.memory_space<vmem>>[vector<16xi32>], vector<16xf32>,
    %get3A_778 = arith.constant 2 : i32
    %get3A_779 = arith.index_cast %get3A_778 : i32 to index
    %get3A_780 = arith.constant 80 : index
    %get3A_781 = tpu.vector_load %arg11[%get3A_779, %get3A_780] {strides = array<i32>} : memref<8x128xf32, #tpu.memory_space<vmem>>, vector<16xf32>,
    %jit3A_782 = arith.constant 0.000000e+00 : f32
    %broadcast_in_dim3A_783 = vector.broadcast %jit3A_782 : f32 to vector<16xf32>
    %select_n3A_784 = arith.select %lt3A_765, %gather3A_777, %broadcast_in_dim3A_783 : vector<16xi1>, vector<16xf32>
    %add3A_785 = arith.addf %get3A_781, %select_n3A_784 : vector<16xf32>
    %swap3A_786 = arith.constant 2 : i32
    %swap3A_787 = arith.index_cast %swap3A_786 : i32 to index
    %swap3A_788 = arith.constant 80 : index
    %swap3A_789 = tpu.vector_load %arg11[%swap3A_787, %swap3A_788] {strides = array<i32>} : memref<8x128xf32, #tpu.memory_space<vmem>>, vector<16xf32>,
    tpu.vector_store %arg11[%swap3A_787, %swap3A_788], %add3A_785 {strides = array<i32>} : memref<8x128xf32, #tpu.memory_space<vmem>>, vector<16xf32>,
    %add3A_790 = arith.constant 2 : i32
    %add3A_791 = arith.addi %mul3A_26, %add3A_790 : i32
    %mul3A_792 = arith.constant 128 : i32
    %mul3A_793 = arith.muli %add3A_791, %mul3A_792 : i32
    %add3A_794 = arith.constant 96 : i32
    %add3A_795 = arith.addi %mul3A_793, %add3A_794 : i32
    %add3A_796 = vector.broadcast %add3A_795 : i32 to vector<16xi32>
    %add3A_797 = arith.addi %add3A_796, %iota3A : vector<16xi32>
    %lt3A_798 = arith.constant 5000 : i32
    %lt3A_799 = vector.broadcast %lt3A_798 : i32 to vector<16xi32>
    %lt3A_800 = arith.cmpi slt, %add3A_797, %lt3A_799 : vector<16xi32>
    %add3A_801 = vector.broadcast %mul3A_0 : i32 to vector<16xi32>
    %add3A_802 = arith.addi %add3A_801, %add3A_797 : vector<16xi32>
    %jit3A_803 = arith.constant 0 : i32
    %broadcast_in_dim3A_804 = vector.broadcast %jit3A_803 : i32 to vector<16xi32>
    %select_n3A_805 = arith.select %lt3A_800, %add3A_802, %broadcast_in_dim3A_804 : vector<16xi1>, vector<16xi32>
    %mul3A_806 = arith.constant 8 : i32
    %mul3A_807 = vector.broadcast %mul3A_806 : i32 to vector<16xi32>
    %mul3A_808 = arith.muli %select_n3A_805, %mul3A_807 : vector<16xi32>
    %add3A_809 = arith.constant 2 : i32
    %add3A_810 = vector.broadcast %add3A_809 : i32 to vector<16xi32>
    %add3A_811 = arith.addi %mul3A_808, %add3A_810 : vector<16xi32>
    %gather3A_812 = tpu.vector_load_idx %arg6[%add3A_811] : memref<80000xf32, #tpu.memory_space<vmem>>[vector<16xi32>], vector<16xf32>,
    %get3A_813 = arith.constant 2 : i32
    %get3A_814 = arith.index_cast %get3A_813 : i32 to index
    %get3A_815 = arith.constant 96 : index
    %get3A_816 = tpu.vector_load %arg11[%get3A_814, %get3A_815] {strides = array<i32>} : memref<8x128xf32, #tpu.memory_space<vmem>>, vector<16xf32>,
    %jit3A_817 = arith.constant 0.000000e+00 : f32
    %broadcast_in_dim3A_818 = vector.broadcast %jit3A_817 : f32 to vector<16xf32>
    %select_n3A_819 = arith.select %lt3A_800, %gather3A_812, %broadcast_in_dim3A_818 : vector<16xi1>, vector<16xf32>
    %add3A_820 = arith.addf %get3A_816, %select_n3A_819 : vector<16xf32>
    %swap3A_821 = arith.constant 2 : i32
    %swap3A_822 = arith.index_cast %swap3A_821 : i32 to index
    %swap3A_823 = arith.constant 96 : index
    %swap3A_824 = tpu.vector_load %arg11[%swap3A_822, %swap3A_823] {strides = array<i32>} : memref<8x128xf32, #tpu.memory_space<vmem>>, vector<16xf32>,
    tpu.vector_store %arg11[%swap3A_822, %swap3A_823], %add3A_820 {strides = array<i32>} : memref<8x128xf32, #tpu.memory_space<vmem>>, vector<16xf32>,
    %add3A_825 = arith.constant 2 : i32
    %add3A_826 = arith.addi %mul3A_26, %add3A_825 : i32
    %mul3A_827 = arith.constant 128 : i32
    %mul3A_828 = arith.muli %add3A_826, %mul3A_827 : i32
    %add3A_829 = arith.constant 112 : i32
    %add3A_830 = arith.addi %mul3A_828, %add3A_829 : i32
    %add3A_831 = vector.broadcast %add3A_830 : i32 to vector<16xi32>
    %add3A_832 = arith.addi %add3A_831, %iota3A : vector<16xi32>
    %lt3A_833 = arith.constant 5000 : i32
    %lt3A_834 = vector.broadcast %lt3A_833 : i32 to vector<16xi32>
    %lt3A_835 = arith.cmpi slt, %add3A_832, %lt3A_834 : vector<16xi32>
    %add3A_836 = vector.broadcast %mul3A_0 : i32 to vector<16xi32>
    %add3A_837 = arith.addi %add3A_836, %add3A_832 : vector<16xi32>
    %jit3A_838 = arith.constant 0 : i32
    %broadcast_in_dim3A_839 = vector.broadcast %jit3A_838 : i32 to vector<16xi32>
    %select_n3A_840 = arith.select %lt3A_835, %add3A_837, %broadcast_in_dim3A_839 : vector<16xi1>, vector<16xi32>
    %mul3A_841 = arith.constant 8 : i32
    %mul3A_842 = vector.broadcast %mul3A_841 : i32 to vector<16xi32>
    %mul3A_843 = arith.muli %select_n3A_840, %mul3A_842 : vector<16xi32>
    %add3A_844 = arith.constant 2 : i32
    %add3A_845 = vector.broadcast %add3A_844 : i32 to vector<16xi32>
    %add3A_846 = arith.addi %mul3A_843, %add3A_845 : vector<16xi32>
    %gather3A_847 = tpu.vector_load_idx %arg6[%add3A_846] : memref<80000xf32, #tpu.memory_space<vmem>>[vector<16xi32>], vector<16xf32>,
    %get3A_848 = arith.constant 2 : i32
    %get3A_849 = arith.index_cast %get3A_848 : i32 to index
    %get3A_850 = arith.constant 112 : index
    %get3A_851 = tpu.vector_load %arg11[%get3A_849, %get3A_850] {strides = array<i32>} : memref<8x128xf32, #tpu.memory_space<vmem>>, vector<16xf32>,
    %jit3A_852 = arith.constant 0.000000e+00 : f32
    %broadcast_in_dim3A_853 = vector.broadcast %jit3A_852 : f32 to vector<16xf32>
    %select_n3A_854 = arith.select %lt3A_835, %gather3A_847, %broadcast_in_dim3A_853 : vector<16xi1>, vector<16xf32>
    %add3A_855 = arith.addf %get3A_851, %select_n3A_854 : vector<16xf32>
    %swap3A_856 = arith.constant 2 : i32
    %swap3A_857 = arith.index_cast %swap3A_856 : i32 to index
    %swap3A_858 = arith.constant 112 : index
    %swap3A_859 = tpu.vector_load %arg11[%swap3A_857, %swap3A_858] {strides = array<i32>} : memref<8x128xf32, #tpu.memory_space<vmem>>, vector<16xf32>,
    tpu.vector_store %arg11[%swap3A_857, %swap3A_858], %add3A_855 {strides = array<i32>} : memref<8x128xf32, #tpu.memory_space<vmem>>, vector<16xf32>,
    %add3A_860 = arith.constant 3 : i32
    %add3A_861 = arith.addi %mul3A_26, %add3A_860 : i32
    %mul3A_862 = arith.constant 128 : i32
    %mul3A_863 = arith.muli %add3A_861, %mul3A_862 : i32
    %add3A_864 = arith.constant 0 : i32
    %add3A_865 = arith.addi %mul3A_863, %add3A_864 : i32
    %add3A_866 = vector.broadcast %add3A_865 : i32 to vector<16xi32>
    %add3A_867 = arith.addi %add3A_866, %iota3A : vector<16xi32>
    %lt3A_868 = arith.constant 5000 : i32
    %lt3A_869 = vector.broadcast %lt3A_868 : i32 to vector<16xi32>
    %lt3A_870 = arith.cmpi slt, %add3A_867, %lt3A_869 : vector<16xi32>
    %add3A_871 = vector.broadcast %mul3A_0 : i32 to vector<16xi32>
    %add3A_872 = arith.addi %add3A_871, %add3A_867 : vector<16xi32>
    %jit3A_873 = arith.constant 0 : i32
    %broadcast_in_dim3A_874 = vector.broadcast %jit3A_873 : i32 to vector<16xi32>
    %select_n3A_875 = arith.select %lt3A_870, %add3A_872, %broadcast_in_dim3A_874 : vector<16xi1>, vector<16xi32>
    %mul3A_876 = arith.constant 8 : i32
    %mul3A_877 = vector.broadcast %mul3A_876 : i32 to vector<16xi32>
    %mul3A_878 = arith.muli %select_n3A_875, %mul3A_877 : vector<16xi32>
    %add3A_879 = arith.constant 2 : i32
    %add3A_880 = vector.broadcast %add3A_879 : i32 to vector<16xi32>
    %add3A_881 = arith.addi %mul3A_878, %add3A_880 : vector<16xi32>
    %gather3A_882 = tpu.vector_load_idx %arg6[%add3A_881] : memref<80000xf32, #tpu.memory_space<vmem>>[vector<16xi32>], vector<16xf32>,
    %get3A_883 = arith.constant 3 : i32
    %get3A_884 = arith.index_cast %get3A_883 : i32 to index
    %get3A_885 = arith.constant 0 : index
    %get3A_886 = tpu.vector_load %arg11[%get3A_884, %get3A_885] {strides = array<i32>} : memref<8x128xf32, #tpu.memory_space<vmem>>, vector<16xf32>,
    %jit3A_887 = arith.constant 0.000000e+00 : f32
    %broadcast_in_dim3A_888 = vector.broadcast %jit3A_887 : f32 to vector<16xf32>
    %select_n3A_889 = arith.select %lt3A_870, %gather3A_882, %broadcast_in_dim3A_888 : vector<16xi1>, vector<16xf32>
    %add3A_890 = arith.addf %get3A_886, %select_n3A_889 : vector<16xf32>
    %swap3A_891 = arith.constant 3 : i32
    %swap3A_892 = arith.index_cast %swap3A_891 : i32 to index
    %swap3A_893 = arith.constant 0 : index
    %swap3A_894 = tpu.vector_load %arg11[%swap3A_892, %swap3A_893] {strides = array<i32>} : memref<8x128xf32, #tpu.memory_space<vmem>>, vector<16xf32>,
    tpu.vector_store %arg11[%swap3A_892, %swap3A_893], %add3A_890 {strides = array<i32>} : memref<8x128xf32, #tpu.memory_space<vmem>>, vector<16xf32>,
    %add3A_895 = arith.constant 3 : i32
    %add3A_896 = arith.addi %mul3A_26, %add3A_895 : i32
    %mul3A_897 = arith.constant 128 : i32
    %mul3A_898 = arith.muli %add3A_896, %mul3A_897 : i32
    %add3A_899 = arith.constant 16 : i32
    %add3A_900 = arith.addi %mul3A_898, %add3A_899 : i32
    %add3A_901 = vector.broadcast %add3A_900 : i32 to vector<16xi32>
    %add3A_902 = arith.addi %add3A_901, %iota3A : vector<16xi32>
    %lt3A_903 = arith.constant 5000 : i32
    %lt3A_904 = vector.broadcast %lt3A_903 : i32 to vector<16xi32>
    %lt3A_905 = arith.cmpi slt, %add3A_902, %lt3A_904 : vector<16xi32>
    %add3A_906 = vector.broadcast %mul3A_0 : i32 to vector<16xi32>
    %add3A_907 = arith.addi %add3A_906, %add3A_902 : vector<16xi32>
    %jit3A_908 = arith.constant 0 : i32
    %broadcast_in_dim3A_909 = vector.broadcast %jit3A_908 : i32 to vector<16xi32>
    %select_n3A_910 = arith.select %lt3A_905, %add3A_907, %broadcast_in_dim3A_909 : vector<16xi1>, vector<16xi32>
    %mul3A_911 = arith.constant 8 : i32
    %mul3A_912 = vector.broadcast %mul3A_911 : i32 to vector<16xi32>
    %mul3A_913 = arith.muli %select_n3A_910, %mul3A_912 : vector<16xi32>
    %add3A_914 = arith.constant 2 : i32
    %add3A_915 = vector.broadcast %add3A_914 : i32 to vector<16xi32>
    %add3A_916 = arith.addi %mul3A_913, %add3A_915 : vector<16xi32>
    %gather3A_917 = tpu.vector_load_idx %arg6[%add3A_916] : memref<80000xf32, #tpu.memory_space<vmem>>[vector<16xi32>], vector<16xf32>,
    %get3A_918 = arith.constant 3 : i32
    %get3A_919 = arith.index_cast %get3A_918 : i32 to index
    %get3A_920 = arith.constant 16 : index
    %get3A_921 = tpu.vector_load %arg11[%get3A_919, %get3A_920] {strides = array<i32>} : memref<8x128xf32, #tpu.memory_space<vmem>>, vector<16xf32>,
    %jit3A_922 = arith.constant 0.000000e+00 : f32
    %broadcast_in_dim3A_923 = vector.broadcast %jit3A_922 : f32 to vector<16xf32>
    %select_n3A_924 = arith.select %lt3A_905, %gather3A_917, %broadcast_in_dim3A_923 : vector<16xi1>, vector<16xf32>
    %add3A_925 = arith.addf %get3A_921, %select_n3A_924 : vector<16xf32>
    %swap3A_926 = arith.constant 3 : i32
    %swap3A_927 = arith.index_cast %swap3A_926 : i32 to index
    %swap3A_928 = arith.constant 16 : index
    %swap3A_929 = tpu.vector_load %arg11[%swap3A_927, %swap3A_928] {strides = array<i32>} : memref<8x128xf32, #tpu.memory_space<vmem>>, vector<16xf32>,
    tpu.vector_store %arg11[%swap3A_927, %swap3A_928], %add3A_925 {strides = array<i32>} : memref<8x128xf32, #tpu.memory_space<vmem>>, vector<16xf32>,
    %add3A_930 = arith.constant 3 : i32
    %add3A_931 = arith.addi %mul3A_26, %add3A_930 : i32
    %mul3A_932 = arith.constant 128 : i32
    %mul3A_933 = arith.muli %add3A_931, %mul3A_932 : i32
    %add3A_934 = arith.constant 32 : i32
    %add3A_935 = arith.addi %mul3A_933, %add3A_934 : i32
    %add3A_936 = vector.broadcast %add3A_935 : i32 to vector<16xi32>
    %add3A_937 = arith.addi %add3A_936, %iota3A : vector<16xi32>
    %lt3A_938 = arith.constant 5000 : i32
    %lt3A_939 = vector.broadcast %lt3A_938 : i32 to vector<16xi32>
    %lt3A_940 = arith.cmpi slt, %add3A_937, %lt3A_939 : vector<16xi32>
    %add3A_941 = vector.broadcast %mul3A_0 : i32 to vector<16xi32>
    %add3A_942 = arith.addi %add3A_941, %add3A_937 : vector<16xi32>
    %jit3A_943 = arith.constant 0 : i32
    %broadcast_in_dim3A_944 = vector.broadcast %jit3A_943 : i32 to vector<16xi32>
    %select_n3A_945 = arith.select %lt3A_940, %add3A_942, %broadcast_in_dim3A_944 : vector<16xi1>, vector<16xi32>
    %mul3A_946 = arith.constant 8 : i32
    %mul3A_947 = vector.broadcast %mul3A_946 : i32 to vector<16xi32>
    %mul3A_948 = arith.muli %select_n3A_945, %mul3A_947 : vector<16xi32>
    %add3A_949 = arith.constant 2 : i32
    %add3A_950 = vector.broadcast %add3A_949 : i32 to vector<16xi32>
    %add3A_951 = arith.addi %mul3A_948, %add3A_950 : vector<16xi32>
    %gather3A_952 = tpu.vector_load_idx %arg6[%add3A_951] : memref<80000xf32, #tpu.memory_space<vmem>>[vector<16xi32>], vector<16xf32>,
    %get3A_953 = arith.constant 3 : i32
    %get3A_954 = arith.index_cast %get3A_953 : i32 to index
    %get3A_955 = arith.constant 32 : index
    %get3A_956 = tpu.vector_load %arg11[%get3A_954, %get3A_955] {strides = array<i32>} : memref<8x128xf32, #tpu.memory_space<vmem>>, vector<16xf32>,
    %jit3A_957 = arith.constant 0.000000e+00 : f32
    %broadcast_in_dim3A_958 = vector.broadcast %jit3A_957 : f32 to vector<16xf32>
    %select_n3A_959 = arith.select %lt3A_940, %gather3A_952, %broadcast_in_dim3A_958 : vector<16xi1>, vector<16xf32>
    %add3A_960 = arith.addf %get3A_956, %select_n3A_959 : vector<16xf32>
    %swap3A_961 = arith.constant 3 : i32
    %swap3A_962 = arith.index_cast %swap3A_961 : i32 to index
    %swap3A_963 = arith.constant 32 : index
    %swap3A_964 = tpu.vector_load %arg11[%swap3A_962, %swap3A_963] {strides = array<i32>} : memref<8x128xf32, #tpu.memory_space<vmem>>, vector<16xf32>,
    tpu.vector_store %arg11[%swap3A_962, %swap3A_963], %add3A_960 {strides = array<i32>} : memref<8x128xf32, #tpu.memory_space<vmem>>, vector<16xf32>,
    %add3A_965 = arith.constant 3 : i32
    %add3A_966 = arith.addi %mul3A_26, %add3A_965 : i32
    %mul3A_967 = arith.constant 128 : i32
    %mul3A_968 = arith.muli %add3A_966, %mul3A_967 : i32
    %add3A_969 = arith.constant 48 : i32
    %add3A_970 = arith.addi %mul3A_968, %add3A_969 : i32
    %add3A_971 = vector.broadcast %add3A_970 : i32 to vector<16xi32>
    %add3A_972 = arith.addi %add3A_971, %iota3A : vector<16xi32>
    %lt3A_973 = arith.constant 5000 : i32
    %lt3A_974 = vector.broadcast %lt3A_973 : i32 to vector<16xi32>
    %lt3A_975 = arith.cmpi slt, %add3A_972, %lt3A_974 : vector<16xi32>
    %add3A_976 = vector.broadcast %mul3A_0 : i32 to vector<16xi32>
    %add3A_977 = arith.addi %add3A_976, %add3A_972 : vector<16xi32>
    %jit3A_978 = arith.constant 0 : i32
    %broadcast_in_dim3A_979 = vector.broadcast %jit3A_978 : i32 to vector<16xi32>
    %select_n3A_980 = arith.select %lt3A_975, %add3A_977, %broadcast_in_dim3A_979 : vector<16xi1>, vector<16xi32>
    %mul3A_981 = arith.constant 8 : i32
    %mul3A_982 = vector.broadcast %mul3A_981 : i32 to vector<16xi32>
    %mul3A_983 = arith.muli %select_n3A_980, %mul3A_982 : vector<16xi32>
    %add3A_984 = arith.constant 2 : i32
    %add3A_985 = vector.broadcast %add3A_984 : i32 to vector<16xi32>
    %add3A_986 = arith.addi %mul3A_983, %add3A_985 : vector<16xi32>
    %gather3A_987 = tpu.vector_load_idx %arg6[%add3A_986] : memref<80000xf32, #tpu.memory_space<vmem>>[vector<16xi32>], vector<16xf32>,
    %get3A_988 = arith.constant 3 : i32
    %get3A_989 = arith.index_cast %get3A_988 : i32 to index
    %get3A_990 = arith.constant 48 : index
    %get3A_991 = tpu.vector_load %arg11[%get3A_989, %get3A_990] {strides = array<i32>} : memref<8x128xf32, #tpu.memory_space<vmem>>, vector<16xf32>,
    %jit3A_992 = arith.constant 0.000000e+00 : f32
    %broadcast_in_dim3A_993 = vector.broadcast %jit3A_992 : f32 to vector<16xf32>
    %select_n3A_994 = arith.select %lt3A_975, %gather3A_987, %broadcast_in_dim3A_993 : vector<16xi1>, vector<16xf32>
    %add3A_995 = arith.addf %get3A_991, %select_n3A_994 : vector<16xf32>
    %swap3A_996 = arith.constant 3 : i32
    %swap3A_997 = arith.index_cast %swap3A_996 : i32 to index
    %swap3A_998 = arith.constant 48 : index
    %swap3A_999 = tpu.vector_load %arg11[%swap3A_997, %swap3A_998] {strides = array<i32>} : memref<8x128xf32, #tpu.memory_space<vmem>>, vector<16xf32>,
    tpu.vector_store %arg11[%swap3A_997, %swap3A_998], %add3A_995 {strides = array<i32>} : memref<8x128xf32, #tpu.memory_space<vmem>>, vector<16xf32>,
    %add3A_1000 = arith.constant 3 : i32
    %add3A_1001 = arith.addi %mul3A_26, %add3A_1000 : i32
    %mul3A_1002 = arith.constant 128 : i32
    %mul3A_1003 = arith.muli %add3A_1001, %mul3A_1002 : i32
    %add3A_1004 = arith.constant 64 : i32
    %add3A_1005 = arith.addi %mul3A_1003, %add3A_1004 : i32
    %add3A_1006 = vector.broadcast %add3A_1005 : i32 to vector<16xi32>
    %add3A_1007 = arith.addi %add3A_1006, %iota3A : vector<16xi32>
    %lt3A_1008 = arith.constant 5000 : i32
    %lt3A_1009 = vector.broadcast %lt3A_1008 : i32 to vector<16xi32>
    %lt3A_1010 = arith.cmpi slt, %add3A_1007, %lt3A_1009 : vector<16xi32>
    %add3A_1011 = vector.broadcast %mul3A_0 : i32 to vector<16xi32>
    %add3A_1012 = arith.addi %add3A_1011, %add3A_1007 : vector<16xi32>
    %jit3A_1013 = arith.constant 0 : i32
    %broadcast_in_dim3A_1014 = vector.broadcast %jit3A_1013 : i32 to vector<16xi32>
    %select_n3A_1015 = arith.select %lt3A_1010, %add3A_1012, %broadcast_in_dim3A_1014 : vector<16xi1>, vector<16xi32>
    %mul3A_1016 = arith.constant 8 : i32
    %mul3A_1017 = vector.broadcast %mul3A_1016 : i32 to vector<16xi32>
    %mul3A_1018 = arith.muli %select_n3A_1015, %mul3A_1017 : vector<16xi32>
    %add3A_1019 = arith.constant 2 : i32
    %add3A_1020 = vector.broadcast %add3A_1019 : i32 to vector<16xi32>
    %add3A_1021 = arith.addi %mul3A_1018, %add3A_1020 : vector<16xi32>
    %gather3A_1022 = tpu.vector_load_idx %arg6[%add3A_1021] : memref<80000xf32, #tpu.memory_space<vmem>>[vector<16xi32>], vector<16xf32>,
    %get3A_1023 = arith.constant 3 : i32
    %get3A_1024 = arith.index_cast %get3A_1023 : i32 to index
    %get3A_1025 = arith.constant 64 : index
    %get3A_1026 = tpu.vector_load %arg11[%get3A_1024, %get3A_1025] {strides = array<i32>} : memref<8x128xf32, #tpu.memory_space<vmem>>, vector<16xf32>,
    %jit3A_1027 = arith.constant 0.000000e+00 : f32
    %broadcast_in_dim3A_1028 = vector.broadcast %jit3A_1027 : f32 to vector<16xf32>
    %select_n3A_1029 = arith.select %lt3A_1010, %gather3A_1022, %broadcast_in_dim3A_1028 : vector<16xi1>, vector<16xf32>
    %add3A_1030 = arith.addf %get3A_1026, %select_n3A_1029 : vector<16xf32>
    %swap3A_1031 = arith.constant 3 : i32
    %swap3A_1032 = arith.index_cast %swap3A_1031 : i32 to index
    %swap3A_1033 = arith.constant 64 : index
    %swap3A_1034 = tpu.vector_load %arg11[%swap3A_1032, %swap3A_1033] {strides = array<i32>} : memref<8x128xf32, #tpu.memory_space<vmem>>, vector<16xf32>,
    tpu.vector_store %arg11[%swap3A_1032, %swap3A_1033], %add3A_1030 {strides = array<i32>} : memref<8x128xf32, #tpu.memory_space<vmem>>, vector<16xf32>,
    %add3A_1035 = arith.constant 3 : i32
    %add3A_1036 = arith.addi %mul3A_26, %add3A_1035 : i32
    %mul3A_1037 = arith.constant 128 : i32
    %mul3A_1038 = arith.muli %add3A_1036, %mul3A_1037 : i32
    %add3A_1039 = arith.constant 80 : i32
    %add3A_1040 = arith.addi %mul3A_1038, %add3A_1039 : i32
    %add3A_1041 = vector.broadcast %add3A_1040 : i32 to vector<16xi32>
    %add3A_1042 = arith.addi %add3A_1041, %iota3A : vector<16xi32>
    %lt3A_1043 = arith.constant 5000 : i32
    %lt3A_1044 = vector.broadcast %lt3A_1043 : i32 to vector<16xi32>
    %lt3A_1045 = arith.cmpi slt, %add3A_1042, %lt3A_1044 : vector<16xi32>
    %add3A_1046 = vector.broadcast %mul3A_0 : i32 to vector<16xi32>
    %add3A_1047 = arith.addi %add3A_1046, %add3A_1042 : vector<16xi32>
    %jit3A_1048 = arith.constant 0 : i32
    %broadcast_in_dim3A_1049 = vector.broadcast %jit3A_1048 : i32 to vector<16xi32>
    %select_n3A_1050 = arith.select %lt3A_1045, %add3A_1047, %broadcast_in_dim3A_1049 : vector<16xi1>, vector<16xi32>
    %mul3A_1051 = arith.constant 8 : i32
    %mul3A_1052 = vector.broadcast %mul3A_1051 : i32 to vector<16xi32>
    %mul3A_1053 = arith.muli %select_n3A_1050, %mul3A_1052 : vector<16xi32>
    %add3A_1054 = arith.constant 2 : i32
    %add3A_1055 = vector.broadcast %add3A_1054 : i32 to vector<16xi32>
    %add3A_1056 = arith.addi %mul3A_1053, %add3A_1055 : vector<16xi32>
    %gather3A_1057 = tpu.vector_load_idx %arg6[%add3A_1056] : memref<80000xf32, #tpu.memory_space<vmem>>[vector<16xi32>], vector<16xf32>,
    %get3A_1058 = arith.constant 3 : i32
    %get3A_1059 = arith.index_cast %get3A_1058 : i32 to index
    %get3A_1060 = arith.constant 80 : index
    %get3A_1061 = tpu.vector_load %arg11[%get3A_1059, %get3A_1060] {strides = array<i32>} : memref<8x128xf32, #tpu.memory_space<vmem>>, vector<16xf32>,
    %jit3A_1062 = arith.constant 0.000000e+00 : f32
    %broadcast_in_dim3A_1063 = vector.broadcast %jit3A_1062 : f32 to vector<16xf32>
    %select_n3A_1064 = arith.select %lt3A_1045, %gather3A_1057, %broadcast_in_dim3A_1063 : vector<16xi1>, vector<16xf32>
    %add3A_1065 = arith.addf %get3A_1061, %select_n3A_1064 : vector<16xf32>
    %swap3A_1066 = arith.constant 3 : i32
    %swap3A_1067 = arith.index_cast %swap3A_1066 : i32 to index
    %swap3A_1068 = arith.constant 80 : index
    %swap3A_1069 = tpu.vector_load %arg11[%swap3A_1067, %swap3A_1068] {strides = array<i32>} : memref<8x128xf32, #tpu.memory_space<vmem>>, vector<16xf32>,
    tpu.vector_store %arg11[%swap3A_1067, %swap3A_1068], %add3A_1065 {strides = array<i32>} : memref<8x128xf32, #tpu.memory_space<vmem>>, vector<16xf32>,
    %add3A_1070 = arith.constant 3 : i32
    %add3A_1071 = arith.addi %mul3A_26, %add3A_1070 : i32
    %mul3A_1072 = arith.constant 128 : i32
    %mul3A_1073 = arith.muli %add3A_1071, %mul3A_1072 : i32
    %add3A_1074 = arith.constant 96 : i32
    %add3A_1075 = arith.addi %mul3A_1073, %add3A_1074 : i32
    %add3A_1076 = vector.broadcast %add3A_1075 : i32 to vector<16xi32>
    %add3A_1077 = arith.addi %add3A_1076, %iota3A : vector<16xi32>
    %lt3A_1078 = arith.constant 5000 : i32
    %lt3A_1079 = vector.broadcast %lt3A_1078 : i32 to vector<16xi32>
    %lt3A_1080 = arith.cmpi slt, %add3A_1077, %lt3A_1079 : vector<16xi32>
    %add3A_1081 = vector.broadcast %mul3A_0 : i32 to vector<16xi32>
    %add3A_1082 = arith.addi %add3A_1081, %add3A_1077 : vector<16xi32>
    %jit3A_1083 = arith.constant 0 : i32
    %broadcast_in_dim3A_1084 = vector.broadcast %jit3A_1083 : i32 to vector<16xi32>
    %select_n3A_1085 = arith.select %lt3A_1080, %add3A_1082, %broadcast_in_dim3A_1084 : vector<16xi1>, vector<16xi32>
    %mul3A_1086 = arith.constant 8 : i32
    %mul3A_1087 = vector.broadcast %mul3A_1086 : i32 to vector<16xi32>
    %mul3A_1088 = arith.muli %select_n3A_1085, %mul3A_1087 : vector<16xi32>
    %add3A_1089 = arith.constant 2 : i32
    %add3A_1090 = vector.broadcast %add3A_1089 : i32 to vector<16xi32>
    %add3A_1091 = arith.addi %mul3A_1088, %add3A_1090 : vector<16xi32>
    %gather3A_1092 = tpu.vector_load_idx %arg6[%add3A_1091] : memref<80000xf32, #tpu.memory_space<vmem>>[vector<16xi32>], vector<16xf32>,
    %get3A_1093 = arith.constant 3 : i32
    %get3A_1094 = arith.index_cast %get3A_1093 : i32 to index
    %get3A_1095 = arith.constant 96 : index
    %get3A_1096 = tpu.vector_load %arg11[%get3A_1094, %get3A_1095] {strides = array<i32>} : memref<8x128xf32, #tpu.memory_space<vmem>>, vector<16xf32>,
    %jit3A_1097 = arith.constant 0.000000e+00 : f32
    %broadcast_in_dim3A_1098 = vector.broadcast %jit3A_1097 : f32 to vector<16xf32>
    %select_n3A_1099 = arith.select %lt3A_1080, %gather3A_1092, %broadcast_in_dim3A_1098 : vector<16xi1>, vector<16xf32>
    %add3A_1100 = arith.addf %get3A_1096, %select_n3A_1099 : vector<16xf32>
    %swap3A_1101 = arith.constant 3 : i32
    %swap3A_1102 = arith.index_cast %swap3A_1101 : i32 to index
    %swap3A_1103 = arith.constant 96 : index
    %swap3A_1104 = tpu.vector_load %arg11[%swap3A_1102, %swap3A_1103] {strides = array<i32>} : memref<8x128xf32, #tpu.memory_space<vmem>>, vector<16xf32>,
    tpu.vector_store %arg11[%swap3A_1102, %swap3A_1103], %add3A_1100 {strides = array<i32>} : memref<8x128xf32, #tpu.memory_space<vmem>>, vector<16xf32>,
    %add3A_1105 = arith.constant 3 : i32
    %add3A_1106 = arith.addi %mul3A_26, %add3A_1105 : i32
    %mul3A_1107 = arith.constant 128 : i32
    %mul3A_1108 = arith.muli %add3A_1106, %mul3A_1107 : i32
    %add3A_1109 = arith.constant 112 : i32
    %add3A_1110 = arith.addi %mul3A_1108, %add3A_1109 : i32
    %add3A_1111 = vector.broadcast %add3A_1110 : i32 to vector<16xi32>
    %add3A_1112 = arith.addi %add3A_1111, %iota3A : vector<16xi32>
    %lt3A_1113 = arith.constant 5000 : i32
    %lt3A_1114 = vector.broadcast %lt3A_1113 : i32 to vector<16xi32>
    %lt3A_1115 = arith.cmpi slt, %add3A_1112, %lt3A_1114 : vector<16xi32>
    %add3A_1116 = vector.broadcast %mul3A_0 : i32 to vector<16xi32>
    %add3A_1117 = arith.addi %add3A_1116, %add3A_1112 : vector<16xi32>
    %jit3A_1118 = arith.constant 0 : i32
    %broadcast_in_dim3A_1119 = vector.broadcast %jit3A_1118 : i32 to vector<16xi32>
    %select_n3A_1120 = arith.select %lt3A_1115, %add3A_1117, %broadcast_in_dim3A_1119 : vector<16xi1>, vector<16xi32>
    %mul3A_1121 = arith.constant 8 : i32
    %mul3A_1122 = vector.broadcast %mul3A_1121 : i32 to vector<16xi32>
    %mul3A_1123 = arith.muli %select_n3A_1120, %mul3A_1122 : vector<16xi32>
    %add3A_1124 = arith.constant 2 : i32
    %add3A_1125 = vector.broadcast %add3A_1124 : i32 to vector<16xi32>
    %add3A_1126 = arith.addi %mul3A_1123, %add3A_1125 : vector<16xi32>
    %gather3A_1127 = tpu.vector_load_idx %arg6[%add3A_1126] : memref<80000xf32, #tpu.memory_space<vmem>>[vector<16xi32>], vector<16xf32>,
    %get3A_1128 = arith.constant 3 : i32
    %get3A_1129 = arith.index_cast %get3A_1128 : i32 to index
    %get3A_1130 = arith.constant 112 : index
    %get3A_1131 = tpu.vector_load %arg11[%get3A_1129, %get3A_1130] {strides = array<i32>} : memref<8x128xf32, #tpu.memory_space<vmem>>, vector<16xf32>,
    %jit3A_1132 = arith.constant 0.000000e+00 : f32
    %broadcast_in_dim3A_1133 = vector.broadcast %jit3A_1132 : f32 to vector<16xf32>
    %select_n3A_1134 = arith.select %lt3A_1115, %gather3A_1127, %broadcast_in_dim3A_1133 : vector<16xi1>, vector<16xf32>
    %add3A_1135 = arith.addf %get3A_1131, %select_n3A_1134 : vector<16xf32>
    %swap3A_1136 = arith.constant 3 : i32
    %swap3A_1137 = arith.index_cast %swap3A_1136 : i32 to index
    %swap3A_1138 = arith.constant 112 : index
    %swap3A_1139 = tpu.vector_load %arg11[%swap3A_1137, %swap3A_1138] {strides = array<i32>} : memref<8x128xf32, #tpu.memory_space<vmem>>, vector<16xf32>,
    tpu.vector_store %arg11[%swap3A_1137, %swap3A_1138], %add3A_1135 {strides = array<i32>} : memref<8x128xf32, #tpu.memory_space<vmem>>, vector<16xf32>,
    %add3A_1140 = arith.constant 4 : i32
    %add3A_1141 = arith.addi %mul3A_26, %add3A_1140 : i32
    %mul3A_1142 = arith.constant 128 : i32
    %mul3A_1143 = arith.muli %add3A_1141, %mul3A_1142 : i32
    %add3A_1144 = arith.constant 0 : i32
    %add3A_1145 = arith.addi %mul3A_1143, %add3A_1144 : i32
    %add3A_1146 = vector.broadcast %add3A_1145 : i32 to vector<16xi32>
    %add3A_1147 = arith.addi %add3A_1146, %iota3A : vector<16xi32>
    %lt3A_1148 = arith.constant 5000 : i32
    %lt3A_1149 = vector.broadcast %lt3A_1148 : i32 to vector<16xi32>
    %lt3A_1150 = arith.cmpi slt, %add3A_1147, %lt3A_1149 : vector<16xi32>
    %add3A_1151 = vector.broadcast %mul3A_0 : i32 to vector<16xi32>
    %add3A_1152 = arith.addi %add3A_1151, %add3A_1147 : vector<16xi32>
    %jit3A_1153 = arith.constant 0 : i32
    %broadcast_in_dim3A_1154 = vector.broadcast %jit3A_1153 : i32 to vector<16xi32>
    %select_n3A_1155 = arith.select %lt3A_1150, %add3A_1152, %broadcast_in_dim3A_1154 : vector<16xi1>, vector<16xi32>
    %mul3A_1156 = arith.constant 8 : i32
    %mul3A_1157 = vector.broadcast %mul3A_1156 : i32 to vector<16xi32>
    %mul3A_1158 = arith.muli %select_n3A_1155, %mul3A_1157 : vector<16xi32>
    %add3A_1159 = arith.constant 2 : i32
    %add3A_1160 = vector.broadcast %add3A_1159 : i32 to vector<16xi32>
    %add3A_1161 = arith.addi %mul3A_1158, %add3A_1160 : vector<16xi32>
    %gather3A_1162 = tpu.vector_load_idx %arg6[%add3A_1161] : memref<80000xf32, #tpu.memory_space<vmem>>[vector<16xi32>], vector<16xf32>,
    %get3A_1163 = arith.constant 4 : i32
    %get3A_1164 = arith.index_cast %get3A_1163 : i32 to index
    %get3A_1165 = arith.constant 0 : index
    %get3A_1166 = tpu.vector_load %arg11[%get3A_1164, %get3A_1165] {strides = array<i32>} : memref<8x128xf32, #tpu.memory_space<vmem>>, vector<16xf32>,
    %jit3A_1167 = arith.constant 0.000000e+00 : f32
    %broadcast_in_dim3A_1168 = vector.broadcast %jit3A_1167 : f32 to vector<16xf32>
    %select_n3A_1169 = arith.select %lt3A_1150, %gather3A_1162, %broadcast_in_dim3A_1168 : vector<16xi1>, vector<16xf32>
    %add3A_1170 = arith.addf %get3A_1166, %select_n3A_1169 : vector<16xf32>
    %swap3A_1171 = arith.constant 4 : i32
    %swap3A_1172 = arith.index_cast %swap3A_1171 : i32 to index
    %swap3A_1173 = arith.constant 0 : index
    %swap3A_1174 = tpu.vector_load %arg11[%swap3A_1172, %swap3A_1173] {strides = array<i32>} : memref<8x128xf32, #tpu.memory_space<vmem>>, vector<16xf32>,
    tpu.vector_store %arg11[%swap3A_1172, %swap3A_1173], %add3A_1170 {strides = array<i32>} : memref<8x128xf32, #tpu.memory_space<vmem>>, vector<16xf32>,
    %add3A_1175 = arith.constant 4 : i32
    %add3A_1176 = arith.addi %mul3A_26, %add3A_1175 : i32
    %mul3A_1177 = arith.constant 128 : i32
    %mul3A_1178 = arith.muli %add3A_1176, %mul3A_1177 : i32
    %add3A_1179 = arith.constant 16 : i32
    %add3A_1180 = arith.addi %mul3A_1178, %add3A_1179 : i32
    %add3A_1181 = vector.broadcast %add3A_1180 : i32 to vector<16xi32>
    %add3A_1182 = arith.addi %add3A_1181, %iota3A : vector<16xi32>
    %lt3A_1183 = arith.constant 5000 : i32
    %lt3A_1184 = vector.broadcast %lt3A_1183 : i32 to vector<16xi32>
    %lt3A_1185 = arith.cmpi slt, %add3A_1182, %lt3A_1184 : vector<16xi32>
    %add3A_1186 = vector.broadcast %mul3A_0 : i32 to vector<16xi32>
    %add3A_1187 = arith.addi %add3A_1186, %add3A_1182 : vector<16xi32>
    %jit3A_1188 = arith.constant 0 : i32
    %broadcast_in_dim3A_1189 = vector.broadcast %jit3A_1188 : i32 to vector<16xi32>
    %select_n3A_1190 = arith.select %lt3A_1185, %add3A_1187, %broadcast_in_dim3A_1189 : vector<16xi1>, vector<16xi32>
    %mul3A_1191 = arith.constant 8 : i32
    %mul3A_1192 = vector.broadcast %mul3A_1191 : i32 to vector<16xi32>
    %mul3A_1193 = arith.muli %select_n3A_1190, %mul3A_1192 : vector<16xi32>
    %add3A_1194 = arith.constant 2 : i32
    %add3A_1195 = vector.broadcast %add3A_1194 : i32 to vector<16xi32>
    %add3A_1196 = arith.addi %mul3A_1193, %add3A_1195 : vector<16xi32>
    %gather3A_1197 = tpu.vector_load_idx %arg6[%add3A_1196] : memref<80000xf32, #tpu.memory_space<vmem>>[vector<16xi32>], vector<16xf32>,
    %get3A_1198 = arith.constant 4 : i32
    %get3A_1199 = arith.index_cast %get3A_1198 : i32 to index
    %get3A_1200 = arith.constant 16 : index
    %get3A_1201 = tpu.vector_load %arg11[%get3A_1199, %get3A_1200] {strides = array<i32>} : memref<8x128xf32, #tpu.memory_space<vmem>>, vector<16xf32>,
    %jit3A_1202 = arith.constant 0.000000e+00 : f32
    %broadcast_in_dim3A_1203 = vector.broadcast %jit3A_1202 : f32 to vector<16xf32>
    %select_n3A_1204 = arith.select %lt3A_1185, %gather3A_1197, %broadcast_in_dim3A_1203 : vector<16xi1>, vector<16xf32>
    %add3A_1205 = arith.addf %get3A_1201, %select_n3A_1204 : vector<16xf32>
    %swap3A_1206 = arith.constant 4 : i32
    %swap3A_1207 = arith.index_cast %swap3A_1206 : i32 to index
    %swap3A_1208 = arith.constant 16 : index
    %swap3A_1209 = tpu.vector_load %arg11[%swap3A_1207, %swap3A_1208] {strides = array<i32>} : memref<8x128xf32, #tpu.memory_space<vmem>>, vector<16xf32>,
    tpu.vector_store %arg11[%swap3A_1207, %swap3A_1208], %add3A_1205 {strides = array<i32>} : memref<8x128xf32, #tpu.memory_space<vmem>>, vector<16xf32>,
    %add3A_1210 = arith.constant 4 : i32
    %add3A_1211 = arith.addi %mul3A_26, %add3A_1210 : i32
    %mul3A_1212 = arith.constant 128 : i32
    %mul3A_1213 = arith.muli %add3A_1211, %mul3A_1212 : i32
    %add3A_1214 = arith.constant 32 : i32
    %add3A_1215 = arith.addi %mul3A_1213, %add3A_1214 : i32
    %add3A_1216 = vector.broadcast %add3A_1215 : i32 to vector<16xi32>
    %add3A_1217 = arith.addi %add3A_1216, %iota3A : vector<16xi32>
    %lt3A_1218 = arith.constant 5000 : i32
    %lt3A_1219 = vector.broadcast %lt3A_1218 : i32 to vector<16xi32>
    %lt3A_1220 = arith.cmpi slt, %add3A_1217, %lt3A_1219 : vector<16xi32>
    %add3A_1221 = vector.broadcast %mul3A_0 : i32 to vector<16xi32>
    %add3A_1222 = arith.addi %add3A_1221, %add3A_1217 : vector<16xi32>
    %jit3A_1223 = arith.constant 0 : i32
    %broadcast_in_dim3A_1224 = vector.broadcast %jit3A_1223 : i32 to vector<16xi32>
    %select_n3A_1225 = arith.select %lt3A_1220, %add3A_1222, %broadcast_in_dim3A_1224 : vector<16xi1>, vector<16xi32>
    %mul3A_1226 = arith.constant 8 : i32
    %mul3A_1227 = vector.broadcast %mul3A_1226 : i32 to vector<16xi32>
    %mul3A_1228 = arith.muli %select_n3A_1225, %mul3A_1227 : vector<16xi32>
    %add3A_1229 = arith.constant 2 : i32
    %add3A_1230 = vector.broadcast %add3A_1229 : i32 to vector<16xi32>
    %add3A_1231 = arith.addi %mul3A_1228, %add3A_1230 : vector<16xi32>
    %gather3A_1232 = tpu.vector_load_idx %arg6[%add3A_1231] : memref<80000xf32, #tpu.memory_space<vmem>>[vector<16xi32>], vector<16xf32>,
    %get3A_1233 = arith.constant 4 : i32
    %get3A_1234 = arith.index_cast %get3A_1233 : i32 to index
    %get3A_1235 = arith.constant 32 : index
    %get3A_1236 = tpu.vector_load %arg11[%get3A_1234, %get3A_1235] {strides = array<i32>} : memref<8x128xf32, #tpu.memory_space<vmem>>, vector<16xf32>,
    %jit3A_1237 = arith.constant 0.000000e+00 : f32
    %broadcast_in_dim3A_1238 = vector.broadcast %jit3A_1237 : f32 to vector<16xf32>
    %select_n3A_1239 = arith.select %lt3A_1220, %gather3A_1232, %broadcast_in_dim3A_1238 : vector<16xi1>, vector<16xf32>
    %add3A_1240 = arith.addf %get3A_1236, %select_n3A_1239 : vector<16xf32>
    %swap3A_1241 = arith.constant 4 : i32
    %swap3A_1242 = arith.index_cast %swap3A_1241 : i32 to index
    %swap3A_1243 = arith.constant 32 : index
    %swap3A_1244 = tpu.vector_load %arg11[%swap3A_1242, %swap3A_1243] {strides = array<i32>} : memref<8x128xf32, #tpu.memory_space<vmem>>, vector<16xf32>,
    tpu.vector_store %arg11[%swap3A_1242, %swap3A_1243], %add3A_1240 {strides = array<i32>} : memref<8x128xf32, #tpu.memory_space<vmem>>, vector<16xf32>,
    %add3A_1245 = arith.constant 4 : i32
    %add3A_1246 = arith.addi %mul3A_26, %add3A_1245 : i32
    %mul3A_1247 = arith.constant 128 : i32
    %mul3A_1248 = arith.muli %add3A_1246, %mul3A_1247 : i32
    %add3A_1249 = arith.constant 48 : i32
    %add3A_1250 = arith.addi %mul3A_1248, %add3A_1249 : i32
    %add3A_1251 = vector.broadcast %add3A_1250 : i32 to vector<16xi32>
    %add3A_1252 = arith.addi %add3A_1251, %iota3A : vector<16xi32>
    %lt3A_1253 = arith.constant 5000 : i32
    %lt3A_1254 = vector.broadcast %lt3A_1253 : i32 to vector<16xi32>
    %lt3A_1255 = arith.cmpi slt, %add3A_1252, %lt3A_1254 : vector<16xi32>
    %add3A_1256 = vector.broadcast %mul3A_0 : i32 to vector<16xi32>
    %add3A_1257 = arith.addi %add3A_1256, %add3A_1252 : vector<16xi32>
    %jit3A_1258 = arith.constant 0 : i32
    %broadcast_in_dim3A_1259 = vector.broadcast %jit3A_1258 : i32 to vector<16xi32>
    %select_n3A_1260 = arith.select %lt3A_1255, %add3A_1257, %broadcast_in_dim3A_1259 : vector<16xi1>, vector<16xi32>
    %mul3A_1261 = arith.constant 8 : i32
    %mul3A_1262 = vector.broadcast %mul3A_1261 : i32 to vector<16xi32>
    %mul3A_1263 = arith.muli %select_n3A_1260, %mul3A_1262 : vector<16xi32>
    %add3A_1264 = arith.constant 2 : i32
    %add3A_1265 = vector.broadcast %add3A_1264 : i32 to vector<16xi32>
    %add3A_1266 = arith.addi %mul3A_1263, %add3A_1265 : vector<16xi32>
    %gather3A_1267 = tpu.vector_load_idx %arg6[%add3A_1266] : memref<80000xf32, #tpu.memory_space<vmem>>[vector<16xi32>], vector<16xf32>,
    %get3A_1268 = arith.constant 4 : i32
    %get3A_1269 = arith.index_cast %get3A_1268 : i32 to index
    %get3A_1270 = arith.constant 48 : index
    %get3A_1271 = tpu.vector_load %arg11[%get3A_1269, %get3A_1270] {strides = array<i32>} : memref<8x128xf32, #tpu.memory_space<vmem>>, vector<16xf32>,
    %jit3A_1272 = arith.constant 0.000000e+00 : f32
    %broadcast_in_dim3A_1273 = vector.broadcast %jit3A_1272 : f32 to vector<16xf32>
    %select_n3A_1274 = arith.select %lt3A_1255, %gather3A_1267, %broadcast_in_dim3A_1273 : vector<16xi1>, vector<16xf32>
    %add3A_1275 = arith.addf %get3A_1271, %select_n3A_1274 : vector<16xf32>
    %swap3A_1276 = arith.constant 4 : i32
    %swap3A_1277 = arith.index_cast %swap3A_1276 : i32 to index
    %swap3A_1278 = arith.constant 48 : index
    %swap3A_1279 = tpu.vector_load %arg11[%swap3A_1277, %swap3A_1278] {strides = array<i32>} : memref<8x128xf32, #tpu.memory_space<vmem>>, vector<16xf32>,
    tpu.vector_store %arg11[%swap3A_1277, %swap3A_1278], %add3A_1275 {strides = array<i32>} : memref<8x128xf32, #tpu.memory_space<vmem>>, vector<16xf32>,
    %add3A_1280 = arith.constant 4 : i32
    %add3A_1281 = arith.addi %mul3A_26, %add3A_1280 : i32
    %mul3A_1282 = arith.constant 128 : i32
    %mul3A_1283 = arith.muli %add3A_1281, %mul3A_1282 : i32
    %add3A_1284 = arith.constant 64 : i32
    %add3A_1285 = arith.addi %mul3A_1283, %add3A_1284 : i32
    %add3A_1286 = vector.broadcast %add3A_1285 : i32 to vector<16xi32>
    %add3A_1287 = arith.addi %add3A_1286, %iota3A : vector<16xi32>
    %lt3A_1288 = arith.constant 5000 : i32
    %lt3A_1289 = vector.broadcast %lt3A_1288 : i32 to vector<16xi32>
    %lt3A_1290 = arith.cmpi slt, %add3A_1287, %lt3A_1289 : vector<16xi32>
    %add3A_1291 = vector.broadcast %mul3A_0 : i32 to vector<16xi32>
    %add3A_1292 = arith.addi %add3A_1291, %add3A_1287 : vector<16xi32>
    %jit3A_1293 = arith.constant 0 : i32
    %broadcast_in_dim3A_1294 = vector.broadcast %jit3A_1293 : i32 to vector<16xi32>
    %select_n3A_1295 = arith.select %lt3A_1290, %add3A_1292, %broadcast_in_dim3A_1294 : vector<16xi1>, vector<16xi32>
    %mul3A_1296 = arith.constant 8 : i32
    %mul3A_1297 = vector.broadcast %mul3A_1296 : i32 to vector<16xi32>
    %mul3A_1298 = arith.muli %select_n3A_1295, %mul3A_1297 : vector<16xi32>
    %add3A_1299 = arith.constant 2 : i32
    %add3A_1300 = vector.broadcast %add3A_1299 : i32 to vector<16xi32>
    %add3A_1301 = arith.addi %mul3A_1298, %add3A_1300 : vector<16xi32>
    %gather3A_1302 = tpu.vector_load_idx %arg6[%add3A_1301] : memref<80000xf32, #tpu.memory_space<vmem>>[vector<16xi32>], vector<16xf32>,
    %get3A_1303 = arith.constant 4 : i32
    %get3A_1304 = arith.index_cast %get3A_1303 : i32 to index
    %get3A_1305 = arith.constant 64 : index
    %get3A_1306 = tpu.vector_load %arg11[%get3A_1304, %get3A_1305] {strides = array<i32>} : memref<8x128xf32, #tpu.memory_space<vmem>>, vector<16xf32>,
    %jit3A_1307 = arith.constant 0.000000e+00 : f32
    %broadcast_in_dim3A_1308 = vector.broadcast %jit3A_1307 : f32 to vector<16xf32>
    %select_n3A_1309 = arith.select %lt3A_1290, %gather3A_1302, %broadcast_in_dim3A_1308 : vector<16xi1>, vector<16xf32>
    %add3A_1310 = arith.addf %get3A_1306, %select_n3A_1309 : vector<16xf32>
    %swap3A_1311 = arith.constant 4 : i32
    %swap3A_1312 = arith.index_cast %swap3A_1311 : i32 to index
    %swap3A_1313 = arith.constant 64 : index
    %swap3A_1314 = tpu.vector_load %arg11[%swap3A_1312, %swap3A_1313] {strides = array<i32>} : memref<8x128xf32, #tpu.memory_space<vmem>>, vector<16xf32>,
    tpu.vector_store %arg11[%swap3A_1312, %swap3A_1313], %add3A_1310 {strides = array<i32>} : memref<8x128xf32, #tpu.memory_space<vmem>>, vector<16xf32>,
    %add3A_1315 = arith.constant 4 : i32
    %add3A_1316 = arith.addi %mul3A_26, %add3A_1315 : i32
    %mul3A_1317 = arith.constant 128 : i32
    %mul3A_1318 = arith.muli %add3A_1316, %mul3A_1317 : i32
    %add3A_1319 = arith.constant 80 : i32
    %add3A_1320 = arith.addi %mul3A_1318, %add3A_1319 : i32
    %add3A_1321 = vector.broadcast %add3A_1320 : i32 to vector<16xi32>
    %add3A_1322 = arith.addi %add3A_1321, %iota3A : vector<16xi32>
    %lt3A_1323 = arith.constant 5000 : i32
    %lt3A_1324 = vector.broadcast %lt3A_1323 : i32 to vector<16xi32>
    %lt3A_1325 = arith.cmpi slt, %add3A_1322, %lt3A_1324 : vector<16xi32>
    %add3A_1326 = vector.broadcast %mul3A_0 : i32 to vector<16xi32>
    %add3A_1327 = arith.addi %add3A_1326, %add3A_1322 : vector<16xi32>
    %jit3A_1328 = arith.constant 0 : i32
    %broadcast_in_dim3A_1329 = vector.broadcast %jit3A_1328 : i32 to vector<16xi32>
    %select_n3A_1330 = arith.select %lt3A_1325, %add3A_1327, %broadcast_in_dim3A_1329 : vector<16xi1>, vector<16xi32>
    %mul3A_1331 = arith.constant 8 : i32
    %mul3A_1332 = vector.broadcast %mul3A_1331 : i32 to vector<16xi32>
    %mul3A_1333 = arith.muli %select_n3A_1330, %mul3A_1332 : vector<16xi32>
    %add3A_1334 = arith.constant 2 : i32
    %add3A_1335 = vector.broadcast %add3A_1334 : i32 to vector<16xi32>
    %add3A_1336 = arith.addi %mul3A_1333, %add3A_1335 : vector<16xi32>
    %gather3A_1337 = tpu.vector_load_idx %arg6[%add3A_1336] : memref<80000xf32, #tpu.memory_space<vmem>>[vector<16xi32>], vector<16xf32>,
    %get3A_1338 = arith.constant 4 : i32
    %get3A_1339 = arith.index_cast %get3A_1338 : i32 to index
    %get3A_1340 = arith.constant 80 : index
    %get3A_1341 = tpu.vector_load %arg11[%get3A_1339, %get3A_1340] {strides = array<i32>} : memref<8x128xf32, #tpu.memory_space<vmem>>, vector<16xf32>,
    %jit3A_1342 = arith.constant 0.000000e+00 : f32
    %broadcast_in_dim3A_1343 = vector.broadcast %jit3A_1342 : f32 to vector<16xf32>
    %select_n3A_1344 = arith.select %lt3A_1325, %gather3A_1337, %broadcast_in_dim3A_1343 : vector<16xi1>, vector<16xf32>
    %add3A_1345 = arith.addf %get3A_1341, %select_n3A_1344 : vector<16xf32>
    %swap3A_1346 = arith.constant 4 : i32
    %swap3A_1347 = arith.index_cast %swap3A_1346 : i32 to index
    %swap3A_1348 = arith.constant 80 : index
    %swap3A_1349 = tpu.vector_load %arg11[%swap3A_1347, %swap3A_1348] {strides = array<i32>} : memref<8x128xf32, #tpu.memory_space<vmem>>, vector<16xf32>,
    tpu.vector_store %arg11[%swap3A_1347, %swap3A_1348], %add3A_1345 {strides = array<i32>} : memref<8x128xf32, #tpu.memory_space<vmem>>, vector<16xf32>,
    %add3A_1350 = arith.constant 4 : i32
    %add3A_1351 = arith.addi %mul3A_26, %add3A_1350 : i32
    %mul3A_1352 = arith.constant 128 : i32
    %mul3A_1353 = arith.muli %add3A_1351, %mul3A_1352 : i32
    %add3A_1354 = arith.constant 96 : i32
    %add3A_1355 = arith.addi %mul3A_1353, %add3A_1354 : i32
    %add3A_1356 = vector.broadcast %add3A_1355 : i32 to vector<16xi32>
    %add3A_1357 = arith.addi %add3A_1356, %iota3A : vector<16xi32>
    %lt3A_1358 = arith.constant 5000 : i32
    %lt3A_1359 = vector.broadcast %lt3A_1358 : i32 to vector<16xi32>
    %lt3A_1360 = arith.cmpi slt, %add3A_1357, %lt3A_1359 : vector<16xi32>
    %add3A_1361 = vector.broadcast %mul3A_0 : i32 to vector<16xi32>
    %add3A_1362 = arith.addi %add3A_1361, %add3A_1357 : vector<16xi32>
    %jit3A_1363 = arith.constant 0 : i32
    %broadcast_in_dim3A_1364 = vector.broadcast %jit3A_1363 : i32 to vector<16xi32>
    %select_n3A_1365 = arith.select %lt3A_1360, %add3A_1362, %broadcast_in_dim3A_1364 : vector<16xi1>, vector<16xi32>
    %mul3A_1366 = arith.constant 8 : i32
    %mul3A_1367 = vector.broadcast %mul3A_1366 : i32 to vector<16xi32>
    %mul3A_1368 = arith.muli %select_n3A_1365, %mul3A_1367 : vector<16xi32>
    %add3A_1369 = arith.constant 2 : i32
    %add3A_1370 = vector.broadcast %add3A_1369 : i32 to vector<16xi32>
    %add3A_1371 = arith.addi %mul3A_1368, %add3A_1370 : vector<16xi32>
    %gather3A_1372 = tpu.vector_load_idx %arg6[%add3A_1371] : memref<80000xf32, #tpu.memory_space<vmem>>[vector<16xi32>], vector<16xf32>,
    %get3A_1373 = arith.constant 4 : i32
    %get3A_1374 = arith.index_cast %get3A_1373 : i32 to index
    %get3A_1375 = arith.constant 96 : index
    %get3A_1376 = tpu.vector_load %arg11[%get3A_1374, %get3A_1375] {strides = array<i32>} : memref<8x128xf32, #tpu.memory_space<vmem>>, vector<16xf32>,
    %jit3A_1377 = arith.constant 0.000000e+00 : f32
    %broadcast_in_dim3A_1378 = vector.broadcast %jit3A_1377 : f32 to vector<16xf32>
    %select_n3A_1379 = arith.select %lt3A_1360, %gather3A_1372, %broadcast_in_dim3A_1378 : vector<16xi1>, vector<16xf32>
    %add3A_1380 = arith.addf %get3A_1376, %select_n3A_1379 : vector<16xf32>
    %swap3A_1381 = arith.constant 4 : i32
    %swap3A_1382 = arith.index_cast %swap3A_1381 : i32 to index
    %swap3A_1383 = arith.constant 96 : index
    %swap3A_1384 = tpu.vector_load %arg11[%swap3A_1382, %swap3A_1383] {strides = array<i32>} : memref<8x128xf32, #tpu.memory_space<vmem>>, vector<16xf32>,
    tpu.vector_store %arg11[%swap3A_1382, %swap3A_1383], %add3A_1380 {strides = array<i32>} : memref<8x128xf32, #tpu.memory_space<vmem>>, vector<16xf32>,
    %add3A_1385 = arith.constant 4 : i32
    %add3A_1386 = arith.addi %mul3A_26, %add3A_1385 : i32
    %mul3A_1387 = arith.constant 128 : i32
    %mul3A_1388 = arith.muli %add3A_1386, %mul3A_1387 : i32
    %add3A_1389 = arith.constant 112 : i32
    %add3A_1390 = arith.addi %mul3A_1388, %add3A_1389 : i32
    %add3A_1391 = vector.broadcast %add3A_1390 : i32 to vector<16xi32>
    %add3A_1392 = arith.addi %add3A_1391, %iota3A : vector<16xi32>
    %lt3A_1393 = arith.constant 5000 : i32
    %lt3A_1394 = vector.broadcast %lt3A_1393 : i32 to vector<16xi32>
    %lt3A_1395 = arith.cmpi slt, %add3A_1392, %lt3A_1394 : vector<16xi32>
    %add3A_1396 = vector.broadcast %mul3A_0 : i32 to vector<16xi32>
    %add3A_1397 = arith.addi %add3A_1396, %add3A_1392 : vector<16xi32>
    %jit3A_1398 = arith.constant 0 : i32
    %broadcast_in_dim3A_1399 = vector.broadcast %jit3A_1398 : i32 to vector<16xi32>
    %select_n3A_1400 = arith.select %lt3A_1395, %add3A_1397, %broadcast_in_dim3A_1399 : vector<16xi1>, vector<16xi32>
    %mul3A_1401 = arith.constant 8 : i32
    %mul3A_1402 = vector.broadcast %mul3A_1401 : i32 to vector<16xi32>
    %mul3A_1403 = arith.muli %select_n3A_1400, %mul3A_1402 : vector<16xi32>
    %add3A_1404 = arith.constant 2 : i32
    %add3A_1405 = vector.broadcast %add3A_1404 : i32 to vector<16xi32>
    %add3A_1406 = arith.addi %mul3A_1403, %add3A_1405 : vector<16xi32>
    %gather3A_1407 = tpu.vector_load_idx %arg6[%add3A_1406] : memref<80000xf32, #tpu.memory_space<vmem>>[vector<16xi32>], vector<16xf32>,
    %get3A_1408 = arith.constant 4 : i32
    %get3A_1409 = arith.index_cast %get3A_1408 : i32 to index
    %get3A_1410 = arith.constant 112 : index
    %get3A_1411 = tpu.vector_load %arg11[%get3A_1409, %get3A_1410] {strides = array<i32>} : memref<8x128xf32, #tpu.memory_space<vmem>>, vector<16xf32>,
    %jit3A_1412 = arith.constant 0.000000e+00 : f32
    %broadcast_in_dim3A_1413 = vector.broadcast %jit3A_1412 : f32 to vector<16xf32>
    %select_n3A_1414 = arith.select %lt3A_1395, %gather3A_1407, %broadcast_in_dim3A_1413 : vector<16xi1>, vector<16xf32>
    %add3A_1415 = arith.addf %get3A_1411, %select_n3A_1414 : vector<16xf32>
    %swap3A_1416 = arith.constant 4 : i32
    %swap3A_1417 = arith.index_cast %swap3A_1416 : i32 to index
    %swap3A_1418 = arith.constant 112 : index
    %swap3A_1419 = tpu.vector_load %arg11[%swap3A_1417, %swap3A_1418] {strides = array<i32>} : memref<8x128xf32, #tpu.memory_space<vmem>>, vector<16xf32>,
    tpu.vector_store %arg11[%swap3A_1417, %swap3A_1418], %add3A_1415 {strides = array<i32>} : memref<8x128xf32, #tpu.memory_space<vmem>>, vector<16xf32>,
    %add3A_1420 = arith.constant 5 : i32
    %add3A_1421 = arith.addi %mul3A_26, %add3A_1420 : i32
    %mul3A_1422 = arith.constant 128 : i32
    %mul3A_1423 = arith.muli %add3A_1421, %mul3A_1422 : i32
    %add3A_1424 = arith.constant 0 : i32
    %add3A_1425 = arith.addi %mul3A_1423, %add3A_1424 : i32
    %add3A_1426 = vector.broadcast %add3A_1425 : i32 to vector<16xi32>
    %add3A_1427 = arith.addi %add3A_1426, %iota3A : vector<16xi32>
    %lt3A_1428 = arith.constant 5000 : i32
    %lt3A_1429 = vector.broadcast %lt3A_1428 : i32 to vector<16xi32>
    %lt3A_1430 = arith.cmpi slt, %add3A_1427, %lt3A_1429 : vector<16xi32>
    %add3A_1431 = vector.broadcast %mul3A_0 : i32 to vector<16xi32>
    %add3A_1432 = arith.addi %add3A_1431, %add3A_1427 : vector<16xi32>
    %jit3A_1433 = arith.constant 0 : i32
    %broadcast_in_dim3A_1434 = vector.broadcast %jit3A_1433 : i32 to vector<16xi32>
    %select_n3A_1435 = arith.select %lt3A_1430, %add3A_1432, %broadcast_in_dim3A_1434 : vector<16xi1>, vector<16xi32>
    %mul3A_1436 = arith.constant 8 : i32
    %mul3A_1437 = vector.broadcast %mul3A_1436 : i32 to vector<16xi32>
    %mul3A_1438 = arith.muli %select_n3A_1435, %mul3A_1437 : vector<16xi32>
    %add3A_1439 = arith.constant 2 : i32
    %add3A_1440 = vector.broadcast %add3A_1439 : i32 to vector<16xi32>
    %add3A_1441 = arith.addi %mul3A_1438, %add3A_1440 : vector<16xi32>
    %gather3A_1442 = tpu.vector_load_idx %arg6[%add3A_1441] : memref<80000xf32, #tpu.memory_space<vmem>>[vector<16xi32>], vector<16xf32>,
    %get3A_1443 = arith.constant 5 : i32
    %get3A_1444 = arith.index_cast %get3A_1443 : i32 to index
    %get3A_1445 = arith.constant 0 : index
    %get3A_1446 = tpu.vector_load %arg11[%get3A_1444, %get3A_1445] {strides = array<i32>} : memref<8x128xf32, #tpu.memory_space<vmem>>, vector<16xf32>,
    %jit3A_1447 = arith.constant 0.000000e+00 : f32
    %broadcast_in_dim3A_1448 = vector.broadcast %jit3A_1447 : f32 to vector<16xf32>
    %select_n3A_1449 = arith.select %lt3A_1430, %gather3A_1442, %broadcast_in_dim3A_1448 : vector<16xi1>, vector<16xf32>
    %add3A_1450 = arith.addf %get3A_1446, %select_n3A_1449 : vector<16xf32>
    %swap3A_1451 = arith.constant 5 : i32
    %swap3A_1452 = arith.index_cast %swap3A_1451 : i32 to index
    %swap3A_1453 = arith.constant 0 : index
    %swap3A_1454 = tpu.vector_load %arg11[%swap3A_1452, %swap3A_1453] {strides = array<i32>} : memref<8x128xf32, #tpu.memory_space<vmem>>, vector<16xf32>,
    tpu.vector_store %arg11[%swap3A_1452, %swap3A_1453], %add3A_1450 {strides = array<i32>} : memref<8x128xf32, #tpu.memory_space<vmem>>, vector<16xf32>,
    %add3A_1455 = arith.constant 5 : i32
    %add3A_1456 = arith.addi %mul3A_26, %add3A_1455 : i32
    %mul3A_1457 = arith.constant 128 : i32
    %mul3A_1458 = arith.muli %add3A_1456, %mul3A_1457 : i32
    %add3A_1459 = arith.constant 16 : i32
    %add3A_1460 = arith.addi %mul3A_1458, %add3A_1459 : i32
    %add3A_1461 = vector.broadcast %add3A_1460 : i32 to vector<16xi32>
    %add3A_1462 = arith.addi %add3A_1461, %iota3A : vector<16xi32>
    %lt3A_1463 = arith.constant 5000 : i32
    %lt3A_1464 = vector.broadcast %lt3A_1463 : i32 to vector<16xi32>
    %lt3A_1465 = arith.cmpi slt, %add3A_1462, %lt3A_1464 : vector<16xi32>
    %add3A_1466 = vector.broadcast %mul3A_0 : i32 to vector<16xi32>
    %add3A_1467 = arith.addi %add3A_1466, %add3A_1462 : vector<16xi32>
    %jit3A_1468 = arith.constant 0 : i32
    %broadcast_in_dim3A_1469 = vector.broadcast %jit3A_1468 : i32 to vector<16xi32>
    %select_n3A_1470 = arith.select %lt3A_1465, %add3A_1467, %broadcast_in_dim3A_1469 : vector<16xi1>, vector<16xi32>
    %mul3A_1471 = arith.constant 8 : i32
    %mul3A_1472 = vector.broadcast %mul3A_1471 : i32 to vector<16xi32>
    %mul3A_1473 = arith.muli %select_n3A_1470, %mul3A_1472 : vector<16xi32>
    %add3A_1474 = arith.constant 2 : i32
    %add3A_1475 = vector.broadcast %add3A_1474 : i32 to vector<16xi32>
    %add3A_1476 = arith.addi %mul3A_1473, %add3A_1475 : vector<16xi32>
    %gather3A_1477 = tpu.vector_load_idx %arg6[%add3A_1476] : memref<80000xf32, #tpu.memory_space<vmem>>[vector<16xi32>], vector<16xf32>,
    %get3A_1478 = arith.constant 5 : i32
    %get3A_1479 = arith.index_cast %get3A_1478 : i32 to index
    %get3A_1480 = arith.constant 16 : index
    %get3A_1481 = tpu.vector_load %arg11[%get3A_1479, %get3A_1480] {strides = array<i32>} : memref<8x128xf32, #tpu.memory_space<vmem>>, vector<16xf32>,
    %jit3A_1482 = arith.constant 0.000000e+00 : f32
    %broadcast_in_dim3A_1483 = vector.broadcast %jit3A_1482 : f32 to vector<16xf32>
    %select_n3A_1484 = arith.select %lt3A_1465, %gather3A_1477, %broadcast_in_dim3A_1483 : vector<16xi1>, vector<16xf32>
    %add3A_1485 = arith.addf %get3A_1481, %select_n3A_1484 : vector<16xf32>
    %swap3A_1486 = arith.constant 5 : i32
    %swap3A_1487 = arith.index_cast %swap3A_1486 : i32 to index
    %swap3A_1488 = arith.constant 16 : index
    %swap3A_1489 = tpu.vector_load %arg11[%swap3A_1487, %swap3A_1488] {strides = array<i32>} : memref<8x128xf32, #tpu.memory_space<vmem>>, vector<16xf32>,
    tpu.vector_store %arg11[%swap3A_1487, %swap3A_1488], %add3A_1485 {strides = array<i32>} : memref<8x128xf32, #tpu.memory_space<vmem>>, vector<16xf32>,
    %add3A_1490 = arith.constant 5 : i32
    %add3A_1491 = arith.addi %mul3A_26, %add3A_1490 : i32
    %mul3A_1492 = arith.constant 128 : i32
    %mul3A_1493 = arith.muli %add3A_1491, %mul3A_1492 : i32
    %add3A_1494 = arith.constant 32 : i32
    %add3A_1495 = arith.addi %mul3A_1493, %add3A_1494 : i32
    %add3A_1496 = vector.broadcast %add3A_1495 : i32 to vector<16xi32>
    %add3A_1497 = arith.addi %add3A_1496, %iota3A : vector<16xi32>
    %lt3A_1498 = arith.constant 5000 : i32
    %lt3A_1499 = vector.broadcast %lt3A_1498 : i32 to vector<16xi32>
    %lt3A_1500 = arith.cmpi slt, %add3A_1497, %lt3A_1499 : vector<16xi32>
    %add3A_1501 = vector.broadcast %mul3A_0 : i32 to vector<16xi32>
    %add3A_1502 = arith.addi %add3A_1501, %add3A_1497 : vector<16xi32>
    %jit3A_1503 = arith.constant 0 : i32
    %broadcast_in_dim3A_1504 = vector.broadcast %jit3A_1503 : i32 to vector<16xi32>
    %select_n3A_1505 = arith.select %lt3A_1500, %add3A_1502, %broadcast_in_dim3A_1504 : vector<16xi1>, vector<16xi32>
    %mul3A_1506 = arith.constant 8 : i32
    %mul3A_1507 = vector.broadcast %mul3A_1506 : i32 to vector<16xi32>
    %mul3A_1508 = arith.muli %select_n3A_1505, %mul3A_1507 : vector<16xi32>
    %add3A_1509 = arith.constant 2 : i32
    %add3A_1510 = vector.broadcast %add3A_1509 : i32 to vector<16xi32>
    %add3A_1511 = arith.addi %mul3A_1508, %add3A_1510 : vector<16xi32>
    %gather3A_1512 = tpu.vector_load_idx %arg6[%add3A_1511] : memref<80000xf32, #tpu.memory_space<vmem>>[vector<16xi32>], vector<16xf32>,
    %get3A_1513 = arith.constant 5 : i32
    %get3A_1514 = arith.index_cast %get3A_1513 : i32 to index
    %get3A_1515 = arith.constant 32 : index
    %get3A_1516 = tpu.vector_load %arg11[%get3A_1514, %get3A_1515] {strides = array<i32>} : memref<8x128xf32, #tpu.memory_space<vmem>>, vector<16xf32>,
    %jit3A_1517 = arith.constant 0.000000e+00 : f32
    %broadcast_in_dim3A_1518 = vector.broadcast %jit3A_1517 : f32 to vector<16xf32>
    %select_n3A_1519 = arith.select %lt3A_1500, %gather3A_1512, %broadcast_in_dim3A_1518 : vector<16xi1>, vector<16xf32>
    %add3A_1520 = arith.addf %get3A_1516, %select_n3A_1519 : vector<16xf32>
    %swap3A_1521 = arith.constant 5 : i32
    %swap3A_1522 = arith.index_cast %swap3A_1521 : i32 to index
    %swap3A_1523 = arith.constant 32 : index
    %swap3A_1524 = tpu.vector_load %arg11[%swap3A_1522, %swap3A_1523] {strides = array<i32>} : memref<8x128xf32, #tpu.memory_space<vmem>>, vector<16xf32>,
    tpu.vector_store %arg11[%swap3A_1522, %swap3A_1523], %add3A_1520 {strides = array<i32>} : memref<8x128xf32, #tpu.memory_space<vmem>>, vector<16xf32>,
    %add3A_1525 = arith.constant 5 : i32
    %add3A_1526 = arith.addi %mul3A_26, %add3A_1525 : i32
    %mul3A_1527 = arith.constant 128 : i32
    %mul3A_1528 = arith.muli %add3A_1526, %mul3A_1527 : i32
    %add3A_1529 = arith.constant 48 : i32
    %add3A_1530 = arith.addi %mul3A_1528, %add3A_1529 : i32
    %add3A_1531 = vector.broadcast %add3A_1530 : i32 to vector<16xi32>
    %add3A_1532 = arith.addi %add3A_1531, %iota3A : vector<16xi32>
    %lt3A_1533 = arith.constant 5000 : i32
    %lt3A_1534 = vector.broadcast %lt3A_1533 : i32 to vector<16xi32>
    %lt3A_1535 = arith.cmpi slt, %add3A_1532, %lt3A_1534 : vector<16xi32>
    %add3A_1536 = vector.broadcast %mul3A_0 : i32 to vector<16xi32>
    %add3A_1537 = arith.addi %add3A_1536, %add3A_1532 : vector<16xi32>
    %jit3A_1538 = arith.constant 0 : i32
    %broadcast_in_dim3A_1539 = vector.broadcast %jit3A_1538 : i32 to vector<16xi32>
    %select_n3A_1540 = arith.select %lt3A_1535, %add3A_1537, %broadcast_in_dim3A_1539 : vector<16xi1>, vector<16xi32>
    %mul3A_1541 = arith.constant 8 : i32
    %mul3A_1542 = vector.broadcast %mul3A_1541 : i32 to vector<16xi32>
    %mul3A_1543 = arith.muli %select_n3A_1540, %mul3A_1542 : vector<16xi32>
    %add3A_1544 = arith.constant 2 : i32
    %add3A_1545 = vector.broadcast %add3A_1544 : i32 to vector<16xi32>
    %add3A_1546 = arith.addi %mul3A_1543, %add3A_1545 : vector<16xi32>
    %gather3A_1547 = tpu.vector_load_idx %arg6[%add3A_1546] : memref<80000xf32, #tpu.memory_space<vmem>>[vector<16xi32>], vector<16xf32>,
    %get3A_1548 = arith.constant 5 : i32
    %get3A_1549 = arith.index_cast %get3A_1548 : i32 to index
    %get3A_1550 = arith.constant 48 : index
    %get3A_1551 = tpu.vector_load %arg11[%get3A_1549, %get3A_1550] {strides = array<i32>} : memref<8x128xf32, #tpu.memory_space<vmem>>, vector<16xf32>,
    %jit3A_1552 = arith.constant 0.000000e+00 : f32
    %broadcast_in_dim3A_1553 = vector.broadcast %jit3A_1552 : f32 to vector<16xf32>
    %select_n3A_1554 = arith.select %lt3A_1535, %gather3A_1547, %broadcast_in_dim3A_1553 : vector<16xi1>, vector<16xf32>
    %add3A_1555 = arith.addf %get3A_1551, %select_n3A_1554 : vector<16xf32>
    %swap3A_1556 = arith.constant 5 : i32
    %swap3A_1557 = arith.index_cast %swap3A_1556 : i32 to index
    %swap3A_1558 = arith.constant 48 : index
    %swap3A_1559 = tpu.vector_load %arg11[%swap3A_1557, %swap3A_1558] {strides = array<i32>} : memref<8x128xf32, #tpu.memory_space<vmem>>, vector<16xf32>,
    tpu.vector_store %arg11[%swap3A_1557, %swap3A_1558], %add3A_1555 {strides = array<i32>} : memref<8x128xf32, #tpu.memory_space<vmem>>, vector<16xf32>,
    %add3A_1560 = arith.constant 5 : i32
    %add3A_1561 = arith.addi %mul3A_26, %add3A_1560 : i32
    %mul3A_1562 = arith.constant 128 : i32
    %mul3A_1563 = arith.muli %add3A_1561, %mul3A_1562 : i32
    %add3A_1564 = arith.constant 64 : i32
    %add3A_1565 = arith.addi %mul3A_1563, %add3A_1564 : i32
    %add3A_1566 = vector.broadcast %add3A_1565 : i32 to vector<16xi32>
    %add3A_1567 = arith.addi %add3A_1566, %iota3A : vector<16xi32>
    %lt3A_1568 = arith.constant 5000 : i32
    %lt3A_1569 = vector.broadcast %lt3A_1568 : i32 to vector<16xi32>
    %lt3A_1570 = arith.cmpi slt, %add3A_1567, %lt3A_1569 : vector<16xi32>
    %add3A_1571 = vector.broadcast %mul3A_0 : i32 to vector<16xi32>
    %add3A_1572 = arith.addi %add3A_1571, %add3A_1567 : vector<16xi32>
    %jit3A_1573 = arith.constant 0 : i32
    %broadcast_in_dim3A_1574 = vector.broadcast %jit3A_1573 : i32 to vector<16xi32>
    %select_n3A_1575 = arith.select %lt3A_1570, %add3A_1572, %broadcast_in_dim3A_1574 : vector<16xi1>, vector<16xi32>
    %mul3A_1576 = arith.constant 8 : i32
    %mul3A_1577 = vector.broadcast %mul3A_1576 : i32 to vector<16xi32>
    %mul3A_1578 = arith.muli %select_n3A_1575, %mul3A_1577 : vector<16xi32>
    %add3A_1579 = arith.constant 2 : i32
    %add3A_1580 = vector.broadcast %add3A_1579 : i32 to vector<16xi32>
    %add3A_1581 = arith.addi %mul3A_1578, %add3A_1580 : vector<16xi32>
    %gather3A_1582 = tpu.vector_load_idx %arg6[%add3A_1581] : memref<80000xf32, #tpu.memory_space<vmem>>[vector<16xi32>], vector<16xf32>,
    %get3A_1583 = arith.constant 5 : i32
    %get3A_1584 = arith.index_cast %get3A_1583 : i32 to index
    %get3A_1585 = arith.constant 64 : index
    %get3A_1586 = tpu.vector_load %arg11[%get3A_1584, %get3A_1585] {strides = array<i32>} : memref<8x128xf32, #tpu.memory_space<vmem>>, vector<16xf32>,
    %jit3A_1587 = arith.constant 0.000000e+00 : f32
    %broadcast_in_dim3A_1588 = vector.broadcast %jit3A_1587 : f32 to vector<16xf32>
    %select_n3A_1589 = arith.select %lt3A_1570, %gather3A_1582, %broadcast_in_dim3A_1588 : vector<16xi1>, vector<16xf32>
    %add3A_1590 = arith.addf %get3A_1586, %select_n3A_1589 : vector<16xf32>
    %swap3A_1591 = arith.constant 5 : i32
    %swap3A_1592 = arith.index_cast %swap3A_1591 : i32 to index
    %swap3A_1593 = arith.constant 64 : index
    %swap3A_1594 = tpu.vector_load %arg11[%swap3A_1592, %swap3A_1593] {strides = array<i32>} : memref<8x128xf32, #tpu.memory_space<vmem>>, vector<16xf32>,
    tpu.vector_store %arg11[%swap3A_1592, %swap3A_1593], %add3A_1590 {strides = array<i32>} : memref<8x128xf32, #tpu.memory_space<vmem>>, vector<16xf32>,
    %add3A_1595 = arith.constant 5 : i32
    %add3A_1596 = arith.addi %mul3A_26, %add3A_1595 : i32
    %mul3A_1597 = arith.constant 128 : i32
    %mul3A_1598 = arith.muli %add3A_1596, %mul3A_1597 : i32
    %add3A_1599 = arith.constant 80 : i32
    %add3A_1600 = arith.addi %mul3A_1598, %add3A_1599 : i32
    %add3A_1601 = vector.broadcast %add3A_1600 : i32 to vector<16xi32>
    %add3A_1602 = arith.addi %add3A_1601, %iota3A : vector<16xi32>
    %lt3A_1603 = arith.constant 5000 : i32
    %lt3A_1604 = vector.broadcast %lt3A_1603 : i32 to vector<16xi32>
    %lt3A_1605 = arith.cmpi slt, %add3A_1602, %lt3A_1604 : vector<16xi32>
    %add3A_1606 = vector.broadcast %mul3A_0 : i32 to vector<16xi32>
    %add3A_1607 = arith.addi %add3A_1606, %add3A_1602 : vector<16xi32>
    %jit3A_1608 = arith.constant 0 : i32
    %broadcast_in_dim3A_1609 = vector.broadcast %jit3A_1608 : i32 to vector<16xi32>
    %select_n3A_1610 = arith.select %lt3A_1605, %add3A_1607, %broadcast_in_dim3A_1609 : vector<16xi1>, vector<16xi32>
    %mul3A_1611 = arith.constant 8 : i32
    %mul3A_1612 = vector.broadcast %mul3A_1611 : i32 to vector<16xi32>
    %mul3A_1613 = arith.muli %select_n3A_1610, %mul3A_1612 : vector<16xi32>
    %add3A_1614 = arith.constant 2 : i32
    %add3A_1615 = vector.broadcast %add3A_1614 : i32 to vector<16xi32>
    %add3A_1616 = arith.addi %mul3A_1613, %add3A_1615 : vector<16xi32>
    %gather3A_1617 = tpu.vector_load_idx %arg6[%add3A_1616] : memref<80000xf32, #tpu.memory_space<vmem>>[vector<16xi32>], vector<16xf32>,
    %get3A_1618 = arith.constant 5 : i32
    %get3A_1619 = arith.index_cast %get3A_1618 : i32 to index
    %get3A_1620 = arith.constant 80 : index
    %get3A_1621 = tpu.vector_load %arg11[%get3A_1619, %get3A_1620] {strides = array<i32>} : memref<8x128xf32, #tpu.memory_space<vmem>>, vector<16xf32>,
    %jit3A_1622 = arith.constant 0.000000e+00 : f32
    %broadcast_in_dim3A_1623 = vector.broadcast %jit3A_1622 : f32 to vector<16xf32>
    %select_n3A_1624 = arith.select %lt3A_1605, %gather3A_1617, %broadcast_in_dim3A_1623 : vector<16xi1>, vector<16xf32>
    %add3A_1625 = arith.addf %get3A_1621, %select_n3A_1624 : vector<16xf32>
    %swap3A_1626 = arith.constant 5 : i32
    %swap3A_1627 = arith.index_cast %swap3A_1626 : i32 to index
    %swap3A_1628 = arith.constant 80 : index
    %swap3A_1629 = tpu.vector_load %arg11[%swap3A_1627, %swap3A_1628] {strides = array<i32>} : memref<8x128xf32, #tpu.memory_space<vmem>>, vector<16xf32>,
    tpu.vector_store %arg11[%swap3A_1627, %swap3A_1628], %add3A_1625 {strides = array<i32>} : memref<8x128xf32, #tpu.memory_space<vmem>>, vector<16xf32>,
    %add3A_1630 = arith.constant 5 : i32
    %add3A_1631 = arith.addi %mul3A_26, %add3A_1630 : i32
    %mul3A_1632 = arith.constant 128 : i32
    %mul3A_1633 = arith.muli %add3A_1631, %mul3A_1632 : i32
    %add3A_1634 = arith.constant 96 : i32
    %add3A_1635 = arith.addi %mul3A_1633, %add3A_1634 : i32
    %add3A_1636 = vector.broadcast %add3A_1635 : i32 to vector<16xi32>
    %add3A_1637 = arith.addi %add3A_1636, %iota3A : vector<16xi32>
    %lt3A_1638 = arith.constant 5000 : i32
    %lt3A_1639 = vector.broadcast %lt3A_1638 : i32 to vector<16xi32>
    %lt3A_1640 = arith.cmpi slt, %add3A_1637, %lt3A_1639 : vector<16xi32>
    %add3A_1641 = vector.broadcast %mul3A_0 : i32 to vector<16xi32>
    %add3A_1642 = arith.addi %add3A_1641, %add3A_1637 : vector<16xi32>
    %jit3A_1643 = arith.constant 0 : i32
    %broadcast_in_dim3A_1644 = vector.broadcast %jit3A_1643 : i32 to vector<16xi32>
    %select_n3A_1645 = arith.select %lt3A_1640, %add3A_1642, %broadcast_in_dim3A_1644 : vector<16xi1>, vector<16xi32>
    %mul3A_1646 = arith.constant 8 : i32
    %mul3A_1647 = vector.broadcast %mul3A_1646 : i32 to vector<16xi32>
    %mul3A_1648 = arith.muli %select_n3A_1645, %mul3A_1647 : vector<16xi32>
    %add3A_1649 = arith.constant 2 : i32
    %add3A_1650 = vector.broadcast %add3A_1649 : i32 to vector<16xi32>
    %add3A_1651 = arith.addi %mul3A_1648, %add3A_1650 : vector<16xi32>
    %gather3A_1652 = tpu.vector_load_idx %arg6[%add3A_1651] : memref<80000xf32, #tpu.memory_space<vmem>>[vector<16xi32>], vector<16xf32>,
    %get3A_1653 = arith.constant 5 : i32
    %get3A_1654 = arith.index_cast %get3A_1653 : i32 to index
    %get3A_1655 = arith.constant 96 : index
    %get3A_1656 = tpu.vector_load %arg11[%get3A_1654, %get3A_1655] {strides = array<i32>} : memref<8x128xf32, #tpu.memory_space<vmem>>, vector<16xf32>,
    %jit3A_1657 = arith.constant 0.000000e+00 : f32
    %broadcast_in_dim3A_1658 = vector.broadcast %jit3A_1657 : f32 to vector<16xf32>
    %select_n3A_1659 = arith.select %lt3A_1640, %gather3A_1652, %broadcast_in_dim3A_1658 : vector<16xi1>, vector<16xf32>
    %add3A_1660 = arith.addf %get3A_1656, %select_n3A_1659 : vector<16xf32>
    %swap3A_1661 = arith.constant 5 : i32
    %swap3A_1662 = arith.index_cast %swap3A_1661 : i32 to index
    %swap3A_1663 = arith.constant 96 : index
    %swap3A_1664 = tpu.vector_load %arg11[%swap3A_1662, %swap3A_1663] {strides = array<i32>} : memref<8x128xf32, #tpu.memory_space<vmem>>, vector<16xf32>,
    tpu.vector_store %arg11[%swap3A_1662, %swap3A_1663], %add3A_1660 {strides = array<i32>} : memref<8x128xf32, #tpu.memory_space<vmem>>, vector<16xf32>,
    %add3A_1665 = arith.constant 5 : i32
    %add3A_1666 = arith.addi %mul3A_26, %add3A_1665 : i32
    %mul3A_1667 = arith.constant 128 : i32
    %mul3A_1668 = arith.muli %add3A_1666, %mul3A_1667 : i32
    %add3A_1669 = arith.constant 112 : i32
    %add3A_1670 = arith.addi %mul3A_1668, %add3A_1669 : i32
    %add3A_1671 = vector.broadcast %add3A_1670 : i32 to vector<16xi32>
    %add3A_1672 = arith.addi %add3A_1671, %iota3A : vector<16xi32>
    %lt3A_1673 = arith.constant 5000 : i32
    %lt3A_1674 = vector.broadcast %lt3A_1673 : i32 to vector<16xi32>
    %lt3A_1675 = arith.cmpi slt, %add3A_1672, %lt3A_1674 : vector<16xi32>
    %add3A_1676 = vector.broadcast %mul3A_0 : i32 to vector<16xi32>
    %add3A_1677 = arith.addi %add3A_1676, %add3A_1672 : vector<16xi32>
    %jit3A_1678 = arith.constant 0 : i32
    %broadcast_in_dim3A_1679 = vector.broadcast %jit3A_1678 : i32 to vector<16xi32>
    %select_n3A_1680 = arith.select %lt3A_1675, %add3A_1677, %broadcast_in_dim3A_1679 : vector<16xi1>, vector<16xi32>
    %mul3A_1681 = arith.constant 8 : i32
    %mul3A_1682 = vector.broadcast %mul3A_1681 : i32 to vector<16xi32>
    %mul3A_1683 = arith.muli %select_n3A_1680, %mul3A_1682 : vector<16xi32>
    %add3A_1684 = arith.constant 2 : i32
    %add3A_1685 = vector.broadcast %add3A_1684 : i32 to vector<16xi32>
    %add3A_1686 = arith.addi %mul3A_1683, %add3A_1685 : vector<16xi32>
    %gather3A_1687 = tpu.vector_load_idx %arg6[%add3A_1686] : memref<80000xf32, #tpu.memory_space<vmem>>[vector<16xi32>], vector<16xf32>,
    %get3A_1688 = arith.constant 5 : i32
    %get3A_1689 = arith.index_cast %get3A_1688 : i32 to index
    %get3A_1690 = arith.constant 112 : index
    %get3A_1691 = tpu.vector_load %arg11[%get3A_1689, %get3A_1690] {strides = array<i32>} : memref<8x128xf32, #tpu.memory_space<vmem>>, vector<16xf32>,
    %jit3A_1692 = arith.constant 0.000000e+00 : f32
    %broadcast_in_dim3A_1693 = vector.broadcast %jit3A_1692 : f32 to vector<16xf32>
    %select_n3A_1694 = arith.select %lt3A_1675, %gather3A_1687, %broadcast_in_dim3A_1693 : vector<16xi1>, vector<16xf32>
    %add3A_1695 = arith.addf %get3A_1691, %select_n3A_1694 : vector<16xf32>
    %swap3A_1696 = arith.constant 5 : i32
    %swap3A_1697 = arith.index_cast %swap3A_1696 : i32 to index
    %swap3A_1698 = arith.constant 112 : index
    %swap3A_1699 = tpu.vector_load %arg11[%swap3A_1697, %swap3A_1698] {strides = array<i32>} : memref<8x128xf32, #tpu.memory_space<vmem>>, vector<16xf32>,
    tpu.vector_store %arg11[%swap3A_1697, %swap3A_1698], %add3A_1695 {strides = array<i32>} : memref<8x128xf32, #tpu.memory_space<vmem>>, vector<16xf32>,
    %add3A_1700 = arith.constant 6 : i32
    %add3A_1701 = arith.addi %mul3A_26, %add3A_1700 : i32
    %mul3A_1702 = arith.constant 128 : i32
    %mul3A_1703 = arith.muli %add3A_1701, %mul3A_1702 : i32
    %add3A_1704 = arith.constant 0 : i32
    %add3A_1705 = arith.addi %mul3A_1703, %add3A_1704 : i32
    %add3A_1706 = vector.broadcast %add3A_1705 : i32 to vector<16xi32>
    %add3A_1707 = arith.addi %add3A_1706, %iota3A : vector<16xi32>
    %lt3A_1708 = arith.constant 5000 : i32
    %lt3A_1709 = vector.broadcast %lt3A_1708 : i32 to vector<16xi32>
    %lt3A_1710 = arith.cmpi slt, %add3A_1707, %lt3A_1709 : vector<16xi32>
    %add3A_1711 = vector.broadcast %mul3A_0 : i32 to vector<16xi32>
    %add3A_1712 = arith.addi %add3A_1711, %add3A_1707 : vector<16xi32>
    %jit3A_1713 = arith.constant 0 : i32
    %broadcast_in_dim3A_1714 = vector.broadcast %jit3A_1713 : i32 to vector<16xi32>
    %select_n3A_1715 = arith.select %lt3A_1710, %add3A_1712, %broadcast_in_dim3A_1714 : vector<16xi1>, vector<16xi32>
    %mul3A_1716 = arith.constant 8 : i32
    %mul3A_1717 = vector.broadcast %mul3A_1716 : i32 to vector<16xi32>
    %mul3A_1718 = arith.muli %select_n3A_1715, %mul3A_1717 : vector<16xi32>
    %add3A_1719 = arith.constant 2 : i32
    %add3A_1720 = vector.broadcast %add3A_1719 : i32 to vector<16xi32>
    %add3A_1721 = arith.addi %mul3A_1718, %add3A_1720 : vector<16xi32>
    %gather3A_1722 = tpu.vector_load_idx %arg6[%add3A_1721] : memref<80000xf32, #tpu.memory_space<vmem>>[vector<16xi32>], vector<16xf32>,
    %get3A_1723 = arith.constant 6 : i32
    %get3A_1724 = arith.index_cast %get3A_1723 : i32 to index
    %get3A_1725 = arith.constant 0 : index
    %get3A_1726 = tpu.vector_load %arg11[%get3A_1724, %get3A_1725] {strides = array<i32>} : memref<8x128xf32, #tpu.memory_space<vmem>>, vector<16xf32>,
    %jit3A_1727 = arith.constant 0.000000e+00 : f32
    %broadcast_in_dim3A_1728 = vector.broadcast %jit3A_1727 : f32 to vector<16xf32>
    %select_n3A_1729 = arith.select %lt3A_1710, %gather3A_1722, %broadcast_in_dim3A_1728 : vector<16xi1>, vector<16xf32>
    %add3A_1730 = arith.addf %get3A_1726, %select_n3A_1729 : vector<16xf32>
    %swap3A_1731 = arith.constant 6 : i32
    %swap3A_1732 = arith.index_cast %swap3A_1731 : i32 to index
    %swap3A_1733 = arith.constant 0 : index
    %swap3A_1734 = tpu.vector_load %arg11[%swap3A_1732, %swap3A_1733] {strides = array<i32>} : memref<8x128xf32, #tpu.memory_space<vmem>>, vector<16xf32>,
    tpu.vector_store %arg11[%swap3A_1732, %swap3A_1733], %add3A_1730 {strides = array<i32>} : memref<8x128xf32, #tpu.memory_space<vmem>>, vector<16xf32>,
    %add3A_1735 = arith.constant 6 : i32
    %add3A_1736 = arith.addi %mul3A_26, %add3A_1735 : i32
    %mul3A_1737 = arith.constant 128 : i32
    %mul3A_1738 = arith.muli %add3A_1736, %mul3A_1737 : i32
    %add3A_1739 = arith.constant 16 : i32
    %add3A_1740 = arith.addi %mul3A_1738, %add3A_1739 : i32
    %add3A_1741 = vector.broadcast %add3A_1740 : i32 to vector<16xi32>
    %add3A_1742 = arith.addi %add3A_1741, %iota3A : vector<16xi32>
    %lt3A_1743 = arith.constant 5000 : i32
    %lt3A_1744 = vector.broadcast %lt3A_1743 : i32 to vector<16xi32>
    %lt3A_1745 = arith.cmpi slt, %add3A_1742, %lt3A_1744 : vector<16xi32>
    %add3A_1746 = vector.broadcast %mul3A_0 : i32 to vector<16xi32>
    %add3A_1747 = arith.addi %add3A_1746, %add3A_1742 : vector<16xi32>
    %jit3A_1748 = arith.constant 0 : i32
    %broadcast_in_dim3A_1749 = vector.broadcast %jit3A_1748 : i32 to vector<16xi32>
    %select_n3A_1750 = arith.select %lt3A_1745, %add3A_1747, %broadcast_in_dim3A_1749 : vector<16xi1>, vector<16xi32>
    %mul3A_1751 = arith.constant 8 : i32
    %mul3A_1752 = vector.broadcast %mul3A_1751 : i32 to vector<16xi32>
    %mul3A_1753 = arith.muli %select_n3A_1750, %mul3A_1752 : vector<16xi32>
    %add3A_1754 = arith.constant 2 : i32
    %add3A_1755 = vector.broadcast %add3A_1754 : i32 to vector<16xi32>
    %add3A_1756 = arith.addi %mul3A_1753, %add3A_1755 : vector<16xi32>
    %gather3A_1757 = tpu.vector_load_idx %arg6[%add3A_1756] : memref<80000xf32, #tpu.memory_space<vmem>>[vector<16xi32>], vector<16xf32>,
    %get3A_1758 = arith.constant 6 : i32
    %get3A_1759 = arith.index_cast %get3A_1758 : i32 to index
    %get3A_1760 = arith.constant 16 : index
    %get3A_1761 = tpu.vector_load %arg11[%get3A_1759, %get3A_1760] {strides = array<i32>} : memref<8x128xf32, #tpu.memory_space<vmem>>, vector<16xf32>,
    %jit3A_1762 = arith.constant 0.000000e+00 : f32
    %broadcast_in_dim3A_1763 = vector.broadcast %jit3A_1762 : f32 to vector<16xf32>
    %select_n3A_1764 = arith.select %lt3A_1745, %gather3A_1757, %broadcast_in_dim3A_1763 : vector<16xi1>, vector<16xf32>
    %add3A_1765 = arith.addf %get3A_1761, %select_n3A_1764 : vector<16xf32>
    %swap3A_1766 = arith.constant 6 : i32
    %swap3A_1767 = arith.index_cast %swap3A_1766 : i32 to index
    %swap3A_1768 = arith.constant 16 : index
    %swap3A_1769 = tpu.vector_load %arg11[%swap3A_1767, %swap3A_1768] {strides = array<i32>} : memref<8x128xf32, #tpu.memory_space<vmem>>, vector<16xf32>,
    tpu.vector_store %arg11[%swap3A_1767, %swap3A_1768], %add3A_1765 {strides = array<i32>} : memref<8x128xf32, #tpu.memory_space<vmem>>, vector<16xf32>,
    %add3A_1770 = arith.constant 6 : i32
    %add3A_1771 = arith.addi %mul3A_26, %add3A_1770 : i32
    %mul3A_1772 = arith.constant 128 : i32
    %mul3A_1773 = arith.muli %add3A_1771, %mul3A_1772 : i32
    %add3A_1774 = arith.constant 32 : i32
    %add3A_1775 = arith.addi %mul3A_1773, %add3A_1774 : i32
    %add3A_1776 = vector.broadcast %add3A_1775 : i32 to vector<16xi32>
    %add3A_1777 = arith.addi %add3A_1776, %iota3A : vector<16xi32>
    %lt3A_1778 = arith.constant 5000 : i32
    %lt3A_1779 = vector.broadcast %lt3A_1778 : i32 to vector<16xi32>
    %lt3A_1780 = arith.cmpi slt, %add3A_1777, %lt3A_1779 : vector<16xi32>
    %add3A_1781 = vector.broadcast %mul3A_0 : i32 to vector<16xi32>
    %add3A_1782 = arith.addi %add3A_1781, %add3A_1777 : vector<16xi32>
    %jit3A_1783 = arith.constant 0 : i32
    %broadcast_in_dim3A_1784 = vector.broadcast %jit3A_1783 : i32 to vector<16xi32>
    %select_n3A_1785 = arith.select %lt3A_1780, %add3A_1782, %broadcast_in_dim3A_1784 : vector<16xi1>, vector<16xi32>
    %mul3A_1786 = arith.constant 8 : i32
    %mul3A_1787 = vector.broadcast %mul3A_1786 : i32 to vector<16xi32>
    %mul3A_1788 = arith.muli %select_n3A_1785, %mul3A_1787 : vector<16xi32>
    %add3A_1789 = arith.constant 2 : i32
    %add3A_1790 = vector.broadcast %add3A_1789 : i32 to vector<16xi32>
    %add3A_1791 = arith.addi %mul3A_1788, %add3A_1790 : vector<16xi32>
    %gather3A_1792 = tpu.vector_load_idx %arg6[%add3A_1791] : memref<80000xf32, #tpu.memory_space<vmem>>[vector<16xi32>], vector<16xf32>,
    %get3A_1793 = arith.constant 6 : i32
    %get3A_1794 = arith.index_cast %get3A_1793 : i32 to index
    %get3A_1795 = arith.constant 32 : index
    %get3A_1796 = tpu.vector_load %arg11[%get3A_1794, %get3A_1795] {strides = array<i32>} : memref<8x128xf32, #tpu.memory_space<vmem>>, vector<16xf32>,
    %jit3A_1797 = arith.constant 0.000000e+00 : f32
    %broadcast_in_dim3A_1798 = vector.broadcast %jit3A_1797 : f32 to vector<16xf32>
    %select_n3A_1799 = arith.select %lt3A_1780, %gather3A_1792, %broadcast_in_dim3A_1798 : vector<16xi1>, vector<16xf32>
    %add3A_1800 = arith.addf %get3A_1796, %select_n3A_1799 : vector<16xf32>
    %swap3A_1801 = arith.constant 6 : i32
    %swap3A_1802 = arith.index_cast %swap3A_1801 : i32 to index
    %swap3A_1803 = arith.constant 32 : index
    %swap3A_1804 = tpu.vector_load %arg11[%swap3A_1802, %swap3A_1803] {strides = array<i32>} : memref<8x128xf32, #tpu.memory_space<vmem>>, vector<16xf32>,
    tpu.vector_store %arg11[%swap3A_1802, %swap3A_1803], %add3A_1800 {strides = array<i32>} : memref<8x128xf32, #tpu.memory_space<vmem>>, vector<16xf32>,
    %add3A_1805 = arith.constant 6 : i32
    %add3A_1806 = arith.addi %mul3A_26, %add3A_1805 : i32
    %mul3A_1807 = arith.constant 128 : i32
    %mul3A_1808 = arith.muli %add3A_1806, %mul3A_1807 : i32
    %add3A_1809 = arith.constant 48 : i32
    %add3A_1810 = arith.addi %mul3A_1808, %add3A_1809 : i32
    %add3A_1811 = vector.broadcast %add3A_1810 : i32 to vector<16xi32>
    %add3A_1812 = arith.addi %add3A_1811, %iota3A : vector<16xi32>
    %lt3A_1813 = arith.constant 5000 : i32
    %lt3A_1814 = vector.broadcast %lt3A_1813 : i32 to vector<16xi32>
    %lt3A_1815 = arith.cmpi slt, %add3A_1812, %lt3A_1814 : vector<16xi32>
    %add3A_1816 = vector.broadcast %mul3A_0 : i32 to vector<16xi32>
    %add3A_1817 = arith.addi %add3A_1816, %add3A_1812 : vector<16xi32>
    %jit3A_1818 = arith.constant 0 : i32
    %broadcast_in_dim3A_1819 = vector.broadcast %jit3A_1818 : i32 to vector<16xi32>
    %select_n3A_1820 = arith.select %lt3A_1815, %add3A_1817, %broadcast_in_dim3A_1819 : vector<16xi1>, vector<16xi32>
    %mul3A_1821 = arith.constant 8 : i32
    %mul3A_1822 = vector.broadcast %mul3A_1821 : i32 to vector<16xi32>
    %mul3A_1823 = arith.muli %select_n3A_1820, %mul3A_1822 : vector<16xi32>
    %add3A_1824 = arith.constant 2 : i32
    %add3A_1825 = vector.broadcast %add3A_1824 : i32 to vector<16xi32>
    %add3A_1826 = arith.addi %mul3A_1823, %add3A_1825 : vector<16xi32>
    %gather3A_1827 = tpu.vector_load_idx %arg6[%add3A_1826] : memref<80000xf32, #tpu.memory_space<vmem>>[vector<16xi32>], vector<16xf32>,
    %get3A_1828 = arith.constant 6 : i32
    %get3A_1829 = arith.index_cast %get3A_1828 : i32 to index
    %get3A_1830 = arith.constant 48 : index
    %get3A_1831 = tpu.vector_load %arg11[%get3A_1829, %get3A_1830] {strides = array<i32>} : memref<8x128xf32, #tpu.memory_space<vmem>>, vector<16xf32>,
    %jit3A_1832 = arith.constant 0.000000e+00 : f32
    %broadcast_in_dim3A_1833 = vector.broadcast %jit3A_1832 : f32 to vector<16xf32>
    %select_n3A_1834 = arith.select %lt3A_1815, %gather3A_1827, %broadcast_in_dim3A_1833 : vector<16xi1>, vector<16xf32>
    %add3A_1835 = arith.addf %get3A_1831, %select_n3A_1834 : vector<16xf32>
    %swap3A_1836 = arith.constant 6 : i32
    %swap3A_1837 = arith.index_cast %swap3A_1836 : i32 to index
    %swap3A_1838 = arith.constant 48 : index
    %swap3A_1839 = tpu.vector_load %arg11[%swap3A_1837, %swap3A_1838] {strides = array<i32>} : memref<8x128xf32, #tpu.memory_space<vmem>>, vector<16xf32>,
    tpu.vector_store %arg11[%swap3A_1837, %swap3A_1838], %add3A_1835 {strides = array<i32>} : memref<8x128xf32, #tpu.memory_space<vmem>>, vector<16xf32>,
    %add3A_1840 = arith.constant 6 : i32
    %add3A_1841 = arith.addi %mul3A_26, %add3A_1840 : i32
    %mul3A_1842 = arith.constant 128 : i32
    %mul3A_1843 = arith.muli %add3A_1841, %mul3A_1842 : i32
    %add3A_1844 = arith.constant 64 : i32
    %add3A_1845 = arith.addi %mul3A_1843, %add3A_1844 : i32
    %add3A_1846 = vector.broadcast %add3A_1845 : i32 to vector<16xi32>
    %add3A_1847 = arith.addi %add3A_1846, %iota3A : vector<16xi32>
    %lt3A_1848 = arith.constant 5000 : i32
    %lt3A_1849 = vector.broadcast %lt3A_1848 : i32 to vector<16xi32>
    %lt3A_1850 = arith.cmpi slt, %add3A_1847, %lt3A_1849 : vector<16xi32>
    %add3A_1851 = vector.broadcast %mul3A_0 : i32 to vector<16xi32>
    %add3A_1852 = arith.addi %add3A_1851, %add3A_1847 : vector<16xi32>
    %jit3A_1853 = arith.constant 0 : i32
    %broadcast_in_dim3A_1854 = vector.broadcast %jit3A_1853 : i32 to vector<16xi32>
    %select_n3A_1855 = arith.select %lt3A_1850, %add3A_1852, %broadcast_in_dim3A_1854 : vector<16xi1>, vector<16xi32>
    %mul3A_1856 = arith.constant 8 : i32
    %mul3A_1857 = vector.broadcast %mul3A_1856 : i32 to vector<16xi32>
    %mul3A_1858 = arith.muli %select_n3A_1855, %mul3A_1857 : vector<16xi32>
    %add3A_1859 = arith.constant 2 : i32
    %add3A_1860 = vector.broadcast %add3A_1859 : i32 to vector<16xi32>
    %add3A_1861 = arith.addi %mul3A_1858, %add3A_1860 : vector<16xi32>
    %gather3A_1862 = tpu.vector_load_idx %arg6[%add3A_1861] : memref<80000xf32, #tpu.memory_space<vmem>>[vector<16xi32>], vector<16xf32>,
    %get3A_1863 = arith.constant 6 : i32
    %get3A_1864 = arith.index_cast %get3A_1863 : i32 to index
    %get3A_1865 = arith.constant 64 : index
    %get3A_1866 = tpu.vector_load %arg11[%get3A_1864, %get3A_1865] {strides = array<i32>} : memref<8x128xf32, #tpu.memory_space<vmem>>, vector<16xf32>,
    %jit3A_1867 = arith.constant 0.000000e+00 : f32
    %broadcast_in_dim3A_1868 = vector.broadcast %jit3A_1867 : f32 to vector<16xf32>
    %select_n3A_1869 = arith.select %lt3A_1850, %gather3A_1862, %broadcast_in_dim3A_1868 : vector<16xi1>, vector<16xf32>
    %add3A_1870 = arith.addf %get3A_1866, %select_n3A_1869 : vector<16xf32>
    %swap3A_1871 = arith.constant 6 : i32
    %swap3A_1872 = arith.index_cast %swap3A_1871 : i32 to index
    %swap3A_1873 = arith.constant 64 : index
    %swap3A_1874 = tpu.vector_load %arg11[%swap3A_1872, %swap3A_1873] {strides = array<i32>} : memref<8x128xf32, #tpu.memory_space<vmem>>, vector<16xf32>,
    tpu.vector_store %arg11[%swap3A_1872, %swap3A_1873], %add3A_1870 {strides = array<i32>} : memref<8x128xf32, #tpu.memory_space<vmem>>, vector<16xf32>,
    %add3A_1875 = arith.constant 6 : i32
    %add3A_1876 = arith.addi %mul3A_26, %add3A_1875 : i32
    %mul3A_1877 = arith.constant 128 : i32
    %mul3A_1878 = arith.muli %add3A_1876, %mul3A_1877 : i32
    %add3A_1879 = arith.constant 80 : i32
    %add3A_1880 = arith.addi %mul3A_1878, %add3A_1879 : i32
    %add3A_1881 = vector.broadcast %add3A_1880 : i32 to vector<16xi32>
    %add3A_1882 = arith.addi %add3A_1881, %iota3A : vector<16xi32>
    %lt3A_1883 = arith.constant 5000 : i32
    %lt3A_1884 = vector.broadcast %lt3A_1883 : i32 to vector<16xi32>
    %lt3A_1885 = arith.cmpi slt, %add3A_1882, %lt3A_1884 : vector<16xi32>
    %add3A_1886 = vector.broadcast %mul3A_0 : i32 to vector<16xi32>
    %add3A_1887 = arith.addi %add3A_1886, %add3A_1882 : vector<16xi32>
    %jit3A_1888 = arith.constant 0 : i32
    %broadcast_in_dim3A_1889 = vector.broadcast %jit3A_1888 : i32 to vector<16xi32>
    %select_n3A_1890 = arith.select %lt3A_1885, %add3A_1887, %broadcast_in_dim3A_1889 : vector<16xi1>, vector<16xi32>
    %mul3A_1891 = arith.constant 8 : i32
    %mul3A_1892 = vector.broadcast %mul3A_1891 : i32 to vector<16xi32>
    %mul3A_1893 = arith.muli %select_n3A_1890, %mul3A_1892 : vector<16xi32>
    %add3A_1894 = arith.constant 2 : i32
    %add3A_1895 = vector.broadcast %add3A_1894 : i32 to vector<16xi32>
    %add3A_1896 = arith.addi %mul3A_1893, %add3A_1895 : vector<16xi32>
    %gather3A_1897 = tpu.vector_load_idx %arg6[%add3A_1896] : memref<80000xf32, #tpu.memory_space<vmem>>[vector<16xi32>], vector<16xf32>,
    %get3A_1898 = arith.constant 6 : i32
    %get3A_1899 = arith.index_cast %get3A_1898 : i32 to index
    %get3A_1900 = arith.constant 80 : index
    %get3A_1901 = tpu.vector_load %arg11[%get3A_1899, %get3A_1900] {strides = array<i32>} : memref<8x128xf32, #tpu.memory_space<vmem>>, vector<16xf32>,
    %jit3A_1902 = arith.constant 0.000000e+00 : f32
    %broadcast_in_dim3A_1903 = vector.broadcast %jit3A_1902 : f32 to vector<16xf32>
    %select_n3A_1904 = arith.select %lt3A_1885, %gather3A_1897, %broadcast_in_dim3A_1903 : vector<16xi1>, vector<16xf32>
    %add3A_1905 = arith.addf %get3A_1901, %select_n3A_1904 : vector<16xf32>
    %swap3A_1906 = arith.constant 6 : i32
    %swap3A_1907 = arith.index_cast %swap3A_1906 : i32 to index
    %swap3A_1908 = arith.constant 80 : index
    %swap3A_1909 = tpu.vector_load %arg11[%swap3A_1907, %swap3A_1908] {strides = array<i32>} : memref<8x128xf32, #tpu.memory_space<vmem>>, vector<16xf32>,
    tpu.vector_store %arg11[%swap3A_1907, %swap3A_1908], %add3A_1905 {strides = array<i32>} : memref<8x128xf32, #tpu.memory_space<vmem>>, vector<16xf32>,
    %add3A_1910 = arith.constant 6 : i32
    %add3A_1911 = arith.addi %mul3A_26, %add3A_1910 : i32
    %mul3A_1912 = arith.constant 128 : i32
    %mul3A_1913 = arith.muli %add3A_1911, %mul3A_1912 : i32
    %add3A_1914 = arith.constant 96 : i32
    %add3A_1915 = arith.addi %mul3A_1913, %add3A_1914 : i32
    %add3A_1916 = vector.broadcast %add3A_1915 : i32 to vector<16xi32>
    %add3A_1917 = arith.addi %add3A_1916, %iota3A : vector<16xi32>
    %lt3A_1918 = arith.constant 5000 : i32
    %lt3A_1919 = vector.broadcast %lt3A_1918 : i32 to vector<16xi32>
    %lt3A_1920 = arith.cmpi slt, %add3A_1917, %lt3A_1919 : vector<16xi32>
    %add3A_1921 = vector.broadcast %mul3A_0 : i32 to vector<16xi32>
    %add3A_1922 = arith.addi %add3A_1921, %add3A_1917 : vector<16xi32>
    %jit3A_1923 = arith.constant 0 : i32
    %broadcast_in_dim3A_1924 = vector.broadcast %jit3A_1923 : i32 to vector<16xi32>
    %select_n3A_1925 = arith.select %lt3A_1920, %add3A_1922, %broadcast_in_dim3A_1924 : vector<16xi1>, vector<16xi32>
    %mul3A_1926 = arith.constant 8 : i32
    %mul3A_1927 = vector.broadcast %mul3A_1926 : i32 to vector<16xi32>
    %mul3A_1928 = arith.muli %select_n3A_1925, %mul3A_1927 : vector<16xi32>
    %add3A_1929 = arith.constant 2 : i32
    %add3A_1930 = vector.broadcast %add3A_1929 : i32 to vector<16xi32>
    %add3A_1931 = arith.addi %mul3A_1928, %add3A_1930 : vector<16xi32>
    %gather3A_1932 = tpu.vector_load_idx %arg6[%add3A_1931] : memref<80000xf32, #tpu.memory_space<vmem>>[vector<16xi32>], vector<16xf32>,
    %get3A_1933 = arith.constant 6 : i32
    %get3A_1934 = arith.index_cast %get3A_1933 : i32 to index
    %get3A_1935 = arith.constant 96 : index
    %get3A_1936 = tpu.vector_load %arg11[%get3A_1934, %get3A_1935] {strides = array<i32>} : memref<8x128xf32, #tpu.memory_space<vmem>>, vector<16xf32>,
    %jit3A_1937 = arith.constant 0.000000e+00 : f32
    %broadcast_in_dim3A_1938 = vector.broadcast %jit3A_1937 : f32 to vector<16xf32>
    %select_n3A_1939 = arith.select %lt3A_1920, %gather3A_1932, %broadcast_in_dim3A_1938 : vector<16xi1>, vector<16xf32>
    %add3A_1940 = arith.addf %get3A_1936, %select_n3A_1939 : vector<16xf32>
    %swap3A_1941 = arith.constant 6 : i32
    %swap3A_1942 = arith.index_cast %swap3A_1941 : i32 to index
    %swap3A_1943 = arith.constant 96 : index
    %swap3A_1944 = tpu.vector_load %arg11[%swap3A_1942, %swap3A_1943] {strides = array<i32>} : memref<8x128xf32, #tpu.memory_space<vmem>>, vector<16xf32>,
    tpu.vector_store %arg11[%swap3A_1942, %swap3A_1943], %add3A_1940 {strides = array<i32>} : memref<8x128xf32, #tpu.memory_space<vmem>>, vector<16xf32>,
    %add3A_1945 = arith.constant 6 : i32
    %add3A_1946 = arith.addi %mul3A_26, %add3A_1945 : i32
    %mul3A_1947 = arith.constant 128 : i32
    %mul3A_1948 = arith.muli %add3A_1946, %mul3A_1947 : i32
    %add3A_1949 = arith.constant 112 : i32
    %add3A_1950 = arith.addi %mul3A_1948, %add3A_1949 : i32
    %add3A_1951 = vector.broadcast %add3A_1950 : i32 to vector<16xi32>
    %add3A_1952 = arith.addi %add3A_1951, %iota3A : vector<16xi32>
    %lt3A_1953 = arith.constant 5000 : i32
    %lt3A_1954 = vector.broadcast %lt3A_1953 : i32 to vector<16xi32>
    %lt3A_1955 = arith.cmpi slt, %add3A_1952, %lt3A_1954 : vector<16xi32>
    %add3A_1956 = vector.broadcast %mul3A_0 : i32 to vector<16xi32>
    %add3A_1957 = arith.addi %add3A_1956, %add3A_1952 : vector<16xi32>
    %jit3A_1958 = arith.constant 0 : i32
    %broadcast_in_dim3A_1959 = vector.broadcast %jit3A_1958 : i32 to vector<16xi32>
    %select_n3A_1960 = arith.select %lt3A_1955, %add3A_1957, %broadcast_in_dim3A_1959 : vector<16xi1>, vector<16xi32>
    %mul3A_1961 = arith.constant 8 : i32
    %mul3A_1962 = vector.broadcast %mul3A_1961 : i32 to vector<16xi32>
    %mul3A_1963 = arith.muli %select_n3A_1960, %mul3A_1962 : vector<16xi32>
    %add3A_1964 = arith.constant 2 : i32
    %add3A_1965 = vector.broadcast %add3A_1964 : i32 to vector<16xi32>
    %add3A_1966 = arith.addi %mul3A_1963, %add3A_1965 : vector<16xi32>
    %gather3A_1967 = tpu.vector_load_idx %arg6[%add3A_1966] : memref<80000xf32, #tpu.memory_space<vmem>>[vector<16xi32>], vector<16xf32>,
    %get3A_1968 = arith.constant 6 : i32
    %get3A_1969 = arith.index_cast %get3A_1968 : i32 to index
    %get3A_1970 = arith.constant 112 : index
    %get3A_1971 = tpu.vector_load %arg11[%get3A_1969, %get3A_1970] {strides = array<i32>} : memref<8x128xf32, #tpu.memory_space<vmem>>, vector<16xf32>,
    %jit3A_1972 = arith.constant 0.000000e+00 : f32
    %broadcast_in_dim3A_1973 = vector.broadcast %jit3A_1972 : f32 to vector<16xf32>
    %select_n3A_1974 = arith.select %lt3A_1955, %gather3A_1967, %broadcast_in_dim3A_1973 : vector<16xi1>, vector<16xf32>
    %add3A_1975 = arith.addf %get3A_1971, %select_n3A_1974 : vector<16xf32>
    %swap3A_1976 = arith.constant 6 : i32
    %swap3A_1977 = arith.index_cast %swap3A_1976 : i32 to index
    %swap3A_1978 = arith.constant 112 : index
    %swap3A_1979 = tpu.vector_load %arg11[%swap3A_1977, %swap3A_1978] {strides = array<i32>} : memref<8x128xf32, #tpu.memory_space<vmem>>, vector<16xf32>,
    tpu.vector_store %arg11[%swap3A_1977, %swap3A_1978], %add3A_1975 {strides = array<i32>} : memref<8x128xf32, #tpu.memory_space<vmem>>, vector<16xf32>,
    %add3A_1980 = arith.constant 7 : i32
    %add3A_1981 = arith.addi %mul3A_26, %add3A_1980 : i32
    %mul3A_1982 = arith.constant 128 : i32
    %mul3A_1983 = arith.muli %add3A_1981, %mul3A_1982 : i32
    %add3A_1984 = arith.constant 0 : i32
    %add3A_1985 = arith.addi %mul3A_1983, %add3A_1984 : i32
    %add3A_1986 = vector.broadcast %add3A_1985 : i32 to vector<16xi32>
    %add3A_1987 = arith.addi %add3A_1986, %iota3A : vector<16xi32>
    %lt3A_1988 = arith.constant 5000 : i32
    %lt3A_1989 = vector.broadcast %lt3A_1988 : i32 to vector<16xi32>
    %lt3A_1990 = arith.cmpi slt, %add3A_1987, %lt3A_1989 : vector<16xi32>
    %add3A_1991 = vector.broadcast %mul3A_0 : i32 to vector<16xi32>
    %add3A_1992 = arith.addi %add3A_1991, %add3A_1987 : vector<16xi32>
    %jit3A_1993 = arith.constant 0 : i32
    %broadcast_in_dim3A_1994 = vector.broadcast %jit3A_1993 : i32 to vector<16xi32>
    %select_n3A_1995 = arith.select %lt3A_1990, %add3A_1992, %broadcast_in_dim3A_1994 : vector<16xi1>, vector<16xi32>
    %mul3A_1996 = arith.constant 8 : i32
    %mul3A_1997 = vector.broadcast %mul3A_1996 : i32 to vector<16xi32>
    %mul3A_1998 = arith.muli %select_n3A_1995, %mul3A_1997 : vector<16xi32>
    %add3A_1999 = arith.constant 2 : i32
    %add3A_2000 = vector.broadcast %add3A_1999 : i32 to vector<16xi32>
    %add3A_2001 = arith.addi %mul3A_1998, %add3A_2000 : vector<16xi32>
    %gather3A_2002 = tpu.vector_load_idx %arg6[%add3A_2001] : memref<80000xf32, #tpu.memory_space<vmem>>[vector<16xi32>], vector<16xf32>,
    %get3A_2003 = arith.constant 7 : i32
    %get3A_2004 = arith.index_cast %get3A_2003 : i32 to index
    %get3A_2005 = arith.constant 0 : index
    %get3A_2006 = tpu.vector_load %arg11[%get3A_2004, %get3A_2005] {strides = array<i32>} : memref<8x128xf32, #tpu.memory_space<vmem>>, vector<16xf32>,
    %jit3A_2007 = arith.constant 0.000000e+00 : f32
    %broadcast_in_dim3A_2008 = vector.broadcast %jit3A_2007 : f32 to vector<16xf32>
    %select_n3A_2009 = arith.select %lt3A_1990, %gather3A_2002, %broadcast_in_dim3A_2008 : vector<16xi1>, vector<16xf32>
    %add3A_2010 = arith.addf %get3A_2006, %select_n3A_2009 : vector<16xf32>
    %swap3A_2011 = arith.constant 7 : i32
    %swap3A_2012 = arith.index_cast %swap3A_2011 : i32 to index
    %swap3A_2013 = arith.constant 0 : index
    %swap3A_2014 = tpu.vector_load %arg11[%swap3A_2012, %swap3A_2013] {strides = array<i32>} : memref<8x128xf32, #tpu.memory_space<vmem>>, vector<16xf32>,
    tpu.vector_store %arg11[%swap3A_2012, %swap3A_2013], %add3A_2010 {strides = array<i32>} : memref<8x128xf32, #tpu.memory_space<vmem>>, vector<16xf32>,
    %add3A_2015 = arith.constant 7 : i32
    %add3A_2016 = arith.addi %mul3A_26, %add3A_2015 : i32
    %mul3A_2017 = arith.constant 128 : i32
    %mul3A_2018 = arith.muli %add3A_2016, %mul3A_2017 : i32
    %add3A_2019 = arith.constant 16 : i32
    %add3A_2020 = arith.addi %mul3A_2018, %add3A_2019 : i32
    %add3A_2021 = vector.broadcast %add3A_2020 : i32 to vector<16xi32>
    %add3A_2022 = arith.addi %add3A_2021, %iota3A : vector<16xi32>
    %lt3A_2023 = arith.constant 5000 : i32
    %lt3A_2024 = vector.broadcast %lt3A_2023 : i32 to vector<16xi32>
    %lt3A_2025 = arith.cmpi slt, %add3A_2022, %lt3A_2024 : vector<16xi32>
    %add3A_2026 = vector.broadcast %mul3A_0 : i32 to vector<16xi32>
    %add3A_2027 = arith.addi %add3A_2026, %add3A_2022 : vector<16xi32>
    %jit3A_2028 = arith.constant 0 : i32
    %broadcast_in_dim3A_2029 = vector.broadcast %jit3A_2028 : i32 to vector<16xi32>
    %select_n3A_2030 = arith.select %lt3A_2025, %add3A_2027, %broadcast_in_dim3A_2029 : vector<16xi1>, vector<16xi32>
    %mul3A_2031 = arith.constant 8 : i32
    %mul3A_2032 = vector.broadcast %mul3A_2031 : i32 to vector<16xi32>
    %mul3A_2033 = arith.muli %select_n3A_2030, %mul3A_2032 : vector<16xi32>
    %add3A_2034 = arith.constant 2 : i32
    %add3A_2035 = vector.broadcast %add3A_2034 : i32 to vector<16xi32>
    %add3A_2036 = arith.addi %mul3A_2033, %add3A_2035 : vector<16xi32>
    %gather3A_2037 = tpu.vector_load_idx %arg6[%add3A_2036] : memref<80000xf32, #tpu.memory_space<vmem>>[vector<16xi32>], vector<16xf32>,
    %get3A_2038 = arith.constant 7 : i32
    %get3A_2039 = arith.index_cast %get3A_2038 : i32 to index
    %get3A_2040 = arith.constant 16 : index
    %get3A_2041 = tpu.vector_load %arg11[%get3A_2039, %get3A_2040] {strides = array<i32>} : memref<8x128xf32, #tpu.memory_space<vmem>>, vector<16xf32>,
    %jit3A_2042 = arith.constant 0.000000e+00 : f32
    %broadcast_in_dim3A_2043 = vector.broadcast %jit3A_2042 : f32 to vector<16xf32>
    %select_n3A_2044 = arith.select %lt3A_2025, %gather3A_2037, %broadcast_in_dim3A_2043 : vector<16xi1>, vector<16xf32>
    %add3A_2045 = arith.addf %get3A_2041, %select_n3A_2044 : vector<16xf32>
    %swap3A_2046 = arith.constant 7 : i32
    %swap3A_2047 = arith.index_cast %swap3A_2046 : i32 to index
    %swap3A_2048 = arith.constant 16 : index
    %swap3A_2049 = tpu.vector_load %arg11[%swap3A_2047, %swap3A_2048] {strides = array<i32>} : memref<8x128xf32, #tpu.memory_space<vmem>>, vector<16xf32>,
    tpu.vector_store %arg11[%swap3A_2047, %swap3A_2048], %add3A_2045 {strides = array<i32>} : memref<8x128xf32, #tpu.memory_space<vmem>>, vector<16xf32>,
    %add3A_2050 = arith.constant 7 : i32
    %add3A_2051 = arith.addi %mul3A_26, %add3A_2050 : i32
    %mul3A_2052 = arith.constant 128 : i32
    %mul3A_2053 = arith.muli %add3A_2051, %mul3A_2052 : i32
    %add3A_2054 = arith.constant 32 : i32
    %add3A_2055 = arith.addi %mul3A_2053, %add3A_2054 : i32
    %add3A_2056 = vector.broadcast %add3A_2055 : i32 to vector<16xi32>
    %add3A_2057 = arith.addi %add3A_2056, %iota3A : vector<16xi32>
    %lt3A_2058 = arith.constant 5000 : i32
    %lt3A_2059 = vector.broadcast %lt3A_2058 : i32 to vector<16xi32>
    %lt3A_2060 = arith.cmpi slt, %add3A_2057, %lt3A_2059 : vector<16xi32>
    %add3A_2061 = vector.broadcast %mul3A_0 : i32 to vector<16xi32>
    %add3A_2062 = arith.addi %add3A_2061, %add3A_2057 : vector<16xi32>
    %jit3A_2063 = arith.constant 0 : i32
    %broadcast_in_dim3A_2064 = vector.broadcast %jit3A_2063 : i32 to vector<16xi32>
    %select_n3A_2065 = arith.select %lt3A_2060, %add3A_2062, %broadcast_in_dim3A_2064 : vector<16xi1>, vector<16xi32>
    %mul3A_2066 = arith.constant 8 : i32
    %mul3A_2067 = vector.broadcast %mul3A_2066 : i32 to vector<16xi32>
    %mul3A_2068 = arith.muli %select_n3A_2065, %mul3A_2067 : vector<16xi32>
    %add3A_2069 = arith.constant 2 : i32
    %add3A_2070 = vector.broadcast %add3A_2069 : i32 to vector<16xi32>
    %add3A_2071 = arith.addi %mul3A_2068, %add3A_2070 : vector<16xi32>
    %gather3A_2072 = tpu.vector_load_idx %arg6[%add3A_2071] : memref<80000xf32, #tpu.memory_space<vmem>>[vector<16xi32>], vector<16xf32>,
    %get3A_2073 = arith.constant 7 : i32
    %get3A_2074 = arith.index_cast %get3A_2073 : i32 to index
    %get3A_2075 = arith.constant 32 : index
    %get3A_2076 = tpu.vector_load %arg11[%get3A_2074, %get3A_2075] {strides = array<i32>} : memref<8x128xf32, #tpu.memory_space<vmem>>, vector<16xf32>,
    %jit3A_2077 = arith.constant 0.000000e+00 : f32
    %broadcast_in_dim3A_2078 = vector.broadcast %jit3A_2077 : f32 to vector<16xf32>
    %select_n3A_2079 = arith.select %lt3A_2060, %gather3A_2072, %broadcast_in_dim3A_2078 : vector<16xi1>, vector<16xf32>
    %add3A_2080 = arith.addf %get3A_2076, %select_n3A_2079 : vector<16xf32>
    %swap3A_2081 = arith.constant 7 : i32
    %swap3A_2082 = arith.index_cast %swap3A_2081 : i32 to index
    %swap3A_2083 = arith.constant 32 : index
    %swap3A_2084 = tpu.vector_load %arg11[%swap3A_2082, %swap3A_2083] {strides = array<i32>} : memref<8x128xf32, #tpu.memory_space<vmem>>, vector<16xf32>,
    tpu.vector_store %arg11[%swap3A_2082, %swap3A_2083], %add3A_2080 {strides = array<i32>} : memref<8x128xf32, #tpu.memory_space<vmem>>, vector<16xf32>,
    %add3A_2085 = arith.constant 7 : i32
    %add3A_2086 = arith.addi %mul3A_26, %add3A_2085 : i32
    %mul3A_2087 = arith.constant 128 : i32
    %mul3A_2088 = arith.muli %add3A_2086, %mul3A_2087 : i32
    %add3A_2089 = arith.constant 48 : i32
    %add3A_2090 = arith.addi %mul3A_2088, %add3A_2089 : i32
    %add3A_2091 = vector.broadcast %add3A_2090 : i32 to vector<16xi32>
    %add3A_2092 = arith.addi %add3A_2091, %iota3A : vector<16xi32>
    %lt3A_2093 = arith.constant 5000 : i32
    %lt3A_2094 = vector.broadcast %lt3A_2093 : i32 to vector<16xi32>
    %lt3A_2095 = arith.cmpi slt, %add3A_2092, %lt3A_2094 : vector<16xi32>
    %add3A_2096 = vector.broadcast %mul3A_0 : i32 to vector<16xi32>
    %add3A_2097 = arith.addi %add3A_2096, %add3A_2092 : vector<16xi32>
    %jit3A_2098 = arith.constant 0 : i32
    %broadcast_in_dim3A_2099 = vector.broadcast %jit3A_2098 : i32 to vector<16xi32>
    %select_n3A_2100 = arith.select %lt3A_2095, %add3A_2097, %broadcast_in_dim3A_2099 : vector<16xi1>, vector<16xi32>
    %mul3A_2101 = arith.constant 8 : i32
    %mul3A_2102 = vector.broadcast %mul3A_2101 : i32 to vector<16xi32>
    %mul3A_2103 = arith.muli %select_n3A_2100, %mul3A_2102 : vector<16xi32>
    %add3A_2104 = arith.constant 2 : i32
    %add3A_2105 = vector.broadcast %add3A_2104 : i32 to vector<16xi32>
    %add3A_2106 = arith.addi %mul3A_2103, %add3A_2105 : vector<16xi32>
    %gather3A_2107 = tpu.vector_load_idx %arg6[%add3A_2106] : memref<80000xf32, #tpu.memory_space<vmem>>[vector<16xi32>], vector<16xf32>,
    %get3A_2108 = arith.constant 7 : i32
    %get3A_2109 = arith.index_cast %get3A_2108 : i32 to index
    %get3A_2110 = arith.constant 48 : index
    %get3A_2111 = tpu.vector_load %arg11[%get3A_2109, %get3A_2110] {strides = array<i32>} : memref<8x128xf32, #tpu.memory_space<vmem>>, vector<16xf32>,
    %jit3A_2112 = arith.constant 0.000000e+00 : f32
    %broadcast_in_dim3A_2113 = vector.broadcast %jit3A_2112 : f32 to vector<16xf32>
    %select_n3A_2114 = arith.select %lt3A_2095, %gather3A_2107, %broadcast_in_dim3A_2113 : vector<16xi1>, vector<16xf32>
    %add3A_2115 = arith.addf %get3A_2111, %select_n3A_2114 : vector<16xf32>
    %swap3A_2116 = arith.constant 7 : i32
    %swap3A_2117 = arith.index_cast %swap3A_2116 : i32 to index
    %swap3A_2118 = arith.constant 48 : index
    %swap3A_2119 = tpu.vector_load %arg11[%swap3A_2117, %swap3A_2118] {strides = array<i32>} : memref<8x128xf32, #tpu.memory_space<vmem>>, vector<16xf32>,
    tpu.vector_store %arg11[%swap3A_2117, %swap3A_2118], %add3A_2115 {strides = array<i32>} : memref<8x128xf32, #tpu.memory_space<vmem>>, vector<16xf32>,
    %add3A_2120 = arith.constant 7 : i32
    %add3A_2121 = arith.addi %mul3A_26, %add3A_2120 : i32
    %mul3A_2122 = arith.constant 128 : i32
    %mul3A_2123 = arith.muli %add3A_2121, %mul3A_2122 : i32
    %add3A_2124 = arith.constant 64 : i32
    %add3A_2125 = arith.addi %mul3A_2123, %add3A_2124 : i32
    %add3A_2126 = vector.broadcast %add3A_2125 : i32 to vector<16xi32>
    %add3A_2127 = arith.addi %add3A_2126, %iota3A : vector<16xi32>
    %lt3A_2128 = arith.constant 5000 : i32
    %lt3A_2129 = vector.broadcast %lt3A_2128 : i32 to vector<16xi32>
    %lt3A_2130 = arith.cmpi slt, %add3A_2127, %lt3A_2129 : vector<16xi32>
    %add3A_2131 = vector.broadcast %mul3A_0 : i32 to vector<16xi32>
    %add3A_2132 = arith.addi %add3A_2131, %add3A_2127 : vector<16xi32>
    %jit3A_2133 = arith.constant 0 : i32
    %broadcast_in_dim3A_2134 = vector.broadcast %jit3A_2133 : i32 to vector<16xi32>
    %select_n3A_2135 = arith.select %lt3A_2130, %add3A_2132, %broadcast_in_dim3A_2134 : vector<16xi1>, vector<16xi32>
    %mul3A_2136 = arith.constant 8 : i32
    %mul3A_2137 = vector.broadcast %mul3A_2136 : i32 to vector<16xi32>
    %mul3A_2138 = arith.muli %select_n3A_2135, %mul3A_2137 : vector<16xi32>
    %add3A_2139 = arith.constant 2 : i32
    %add3A_2140 = vector.broadcast %add3A_2139 : i32 to vector<16xi32>
    %add3A_2141 = arith.addi %mul3A_2138, %add3A_2140 : vector<16xi32>
    %gather3A_2142 = tpu.vector_load_idx %arg6[%add3A_2141] : memref<80000xf32, #tpu.memory_space<vmem>>[vector<16xi32>], vector<16xf32>,
    %get3A_2143 = arith.constant 7 : i32
    %get3A_2144 = arith.index_cast %get3A_2143 : i32 to index
    %get3A_2145 = arith.constant 64 : index
    %get3A_2146 = tpu.vector_load %arg11[%get3A_2144, %get3A_2145] {strides = array<i32>} : memref<8x128xf32, #tpu.memory_space<vmem>>, vector<16xf32>,
    %jit3A_2147 = arith.constant 0.000000e+00 : f32
    %broadcast_in_dim3A_2148 = vector.broadcast %jit3A_2147 : f32 to vector<16xf32>
    %select_n3A_2149 = arith.select %lt3A_2130, %gather3A_2142, %broadcast_in_dim3A_2148 : vector<16xi1>, vector<16xf32>
    %add3A_2150 = arith.addf %get3A_2146, %select_n3A_2149 : vector<16xf32>
    %swap3A_2151 = arith.constant 7 : i32
    %swap3A_2152 = arith.index_cast %swap3A_2151 : i32 to index
    %swap3A_2153 = arith.constant 64 : index
    %swap3A_2154 = tpu.vector_load %arg11[%swap3A_2152, %swap3A_2153] {strides = array<i32>} : memref<8x128xf32, #tpu.memory_space<vmem>>, vector<16xf32>,
    tpu.vector_store %arg11[%swap3A_2152, %swap3A_2153], %add3A_2150 {strides = array<i32>} : memref<8x128xf32, #tpu.memory_space<vmem>>, vector<16xf32>,
    %add3A_2155 = arith.constant 7 : i32
    %add3A_2156 = arith.addi %mul3A_26, %add3A_2155 : i32
    %mul3A_2157 = arith.constant 128 : i32
    %mul3A_2158 = arith.muli %add3A_2156, %mul3A_2157 : i32
    %add3A_2159 = arith.constant 80 : i32
    %add3A_2160 = arith.addi %mul3A_2158, %add3A_2159 : i32
    %add3A_2161 = vector.broadcast %add3A_2160 : i32 to vector<16xi32>
    %add3A_2162 = arith.addi %add3A_2161, %iota3A : vector<16xi32>
    %lt3A_2163 = arith.constant 5000 : i32
    %lt3A_2164 = vector.broadcast %lt3A_2163 : i32 to vector<16xi32>
    %lt3A_2165 = arith.cmpi slt, %add3A_2162, %lt3A_2164 : vector<16xi32>
    %add3A_2166 = vector.broadcast %mul3A_0 : i32 to vector<16xi32>
    %add3A_2167 = arith.addi %add3A_2166, %add3A_2162 : vector<16xi32>
    %jit3A_2168 = arith.constant 0 : i32
    %broadcast_in_dim3A_2169 = vector.broadcast %jit3A_2168 : i32 to vector<16xi32>
    %select_n3A_2170 = arith.select %lt3A_2165, %add3A_2167, %broadcast_in_dim3A_2169 : vector<16xi1>, vector<16xi32>
    %mul3A_2171 = arith.constant 8 : i32
    %mul3A_2172 = vector.broadcast %mul3A_2171 : i32 to vector<16xi32>
    %mul3A_2173 = arith.muli %select_n3A_2170, %mul3A_2172 : vector<16xi32>
    %add3A_2174 = arith.constant 2 : i32
    %add3A_2175 = vector.broadcast %add3A_2174 : i32 to vector<16xi32>
    %add3A_2176 = arith.addi %mul3A_2173, %add3A_2175 : vector<16xi32>
    %gather3A_2177 = tpu.vector_load_idx %arg6[%add3A_2176] : memref<80000xf32, #tpu.memory_space<vmem>>[vector<16xi32>], vector<16xf32>,
    %get3A_2178 = arith.constant 7 : i32
    %get3A_2179 = arith.index_cast %get3A_2178 : i32 to index
    %get3A_2180 = arith.constant 80 : index
    %get3A_2181 = tpu.vector_load %arg11[%get3A_2179, %get3A_2180] {strides = array<i32>} : memref<8x128xf32, #tpu.memory_space<vmem>>, vector<16xf32>,
    %jit3A_2182 = arith.constant 0.000000e+00 : f32
    %broadcast_in_dim3A_2183 = vector.broadcast %jit3A_2182 : f32 to vector<16xf32>
    %select_n3A_2184 = arith.select %lt3A_2165, %gather3A_2177, %broadcast_in_dim3A_2183 : vector<16xi1>, vector<16xf32>
    %add3A_2185 = arith.addf %get3A_2181, %select_n3A_2184 : vector<16xf32>
    %swap3A_2186 = arith.constant 7 : i32
    %swap3A_2187 = arith.index_cast %swap3A_2186 : i32 to index
    %swap3A_2188 = arith.constant 80 : index
    %swap3A_2189 = tpu.vector_load %arg11[%swap3A_2187, %swap3A_2188] {strides = array<i32>} : memref<8x128xf32, #tpu.memory_space<vmem>>, vector<16xf32>,
    tpu.vector_store %arg11[%swap3A_2187, %swap3A_2188], %add3A_2185 {strides = array<i32>} : memref<8x128xf32, #tpu.memory_space<vmem>>, vector<16xf32>,
    %add3A_2190 = arith.constant 7 : i32
    %add3A_2191 = arith.addi %mul3A_26, %add3A_2190 : i32
    %mul3A_2192 = arith.constant 128 : i32
    %mul3A_2193 = arith.muli %add3A_2191, %mul3A_2192 : i32
    %add3A_2194 = arith.constant 96 : i32
    %add3A_2195 = arith.addi %mul3A_2193, %add3A_2194 : i32
    %add3A_2196 = vector.broadcast %add3A_2195 : i32 to vector<16xi32>
    %add3A_2197 = arith.addi %add3A_2196, %iota3A : vector<16xi32>
    %lt3A_2198 = arith.constant 5000 : i32
    %lt3A_2199 = vector.broadcast %lt3A_2198 : i32 to vector<16xi32>
    %lt3A_2200 = arith.cmpi slt, %add3A_2197, %lt3A_2199 : vector<16xi32>
    %add3A_2201 = vector.broadcast %mul3A_0 : i32 to vector<16xi32>
    %add3A_2202 = arith.addi %add3A_2201, %add3A_2197 : vector<16xi32>
    %jit3A_2203 = arith.constant 0 : i32
    %broadcast_in_dim3A_2204 = vector.broadcast %jit3A_2203 : i32 to vector<16xi32>
    %select_n3A_2205 = arith.select %lt3A_2200, %add3A_2202, %broadcast_in_dim3A_2204 : vector<16xi1>, vector<16xi32>
    %mul3A_2206 = arith.constant 8 : i32
    %mul3A_2207 = vector.broadcast %mul3A_2206 : i32 to vector<16xi32>
    %mul3A_2208 = arith.muli %select_n3A_2205, %mul3A_2207 : vector<16xi32>
    %add3A_2209 = arith.constant 2 : i32
    %add3A_2210 = vector.broadcast %add3A_2209 : i32 to vector<16xi32>
    %add3A_2211 = arith.addi %mul3A_2208, %add3A_2210 : vector<16xi32>
    %gather3A_2212 = tpu.vector_load_idx %arg6[%add3A_2211] : memref<80000xf32, #tpu.memory_space<vmem>>[vector<16xi32>], vector<16xf32>,
    %get3A_2213 = arith.constant 7 : i32
    %get3A_2214 = arith.index_cast %get3A_2213 : i32 to index
    %get3A_2215 = arith.constant 96 : index
    %get3A_2216 = tpu.vector_load %arg11[%get3A_2214, %get3A_2215] {strides = array<i32>} : memref<8x128xf32, #tpu.memory_space<vmem>>, vector<16xf32>,
    %jit3A_2217 = arith.constant 0.000000e+00 : f32
    %broadcast_in_dim3A_2218 = vector.broadcast %jit3A_2217 : f32 to vector<16xf32>
    %select_n3A_2219 = arith.select %lt3A_2200, %gather3A_2212, %broadcast_in_dim3A_2218 : vector<16xi1>, vector<16xf32>
    %add3A_2220 = arith.addf %get3A_2216, %select_n3A_2219 : vector<16xf32>
    %swap3A_2221 = arith.constant 7 : i32
    %swap3A_2222 = arith.index_cast %swap3A_2221 : i32 to index
    %swap3A_2223 = arith.constant 96 : index
    %swap3A_2224 = tpu.vector_load %arg11[%swap3A_2222, %swap3A_2223] {strides = array<i32>} : memref<8x128xf32, #tpu.memory_space<vmem>>, vector<16xf32>,
    tpu.vector_store %arg11[%swap3A_2222, %swap3A_2223], %add3A_2220 {strides = array<i32>} : memref<8x128xf32, #tpu.memory_space<vmem>>, vector<16xf32>,
    %add3A_2225 = arith.constant 7 : i32
    %add3A_2226 = arith.addi %mul3A_26, %add3A_2225 : i32
    %mul3A_2227 = arith.constant 128 : i32
    %mul3A_2228 = arith.muli %add3A_2226, %mul3A_2227 : i32
    %add3A_2229 = arith.constant 112 : i32
    %add3A_2230 = arith.addi %mul3A_2228, %add3A_2229 : i32
    %add3A_2231 = vector.broadcast %add3A_2230 : i32 to vector<16xi32>
    %add3A_2232 = arith.addi %add3A_2231, %iota3A : vector<16xi32>
    %lt3A_2233 = arith.constant 5000 : i32
    %lt3A_2234 = vector.broadcast %lt3A_2233 : i32 to vector<16xi32>
    %lt3A_2235 = arith.cmpi slt, %add3A_2232, %lt3A_2234 : vector<16xi32>
    %add3A_2236 = vector.broadcast %mul3A_0 : i32 to vector<16xi32>
    %add3A_2237 = arith.addi %add3A_2236, %add3A_2232 : vector<16xi32>
    %jit3A_2238 = arith.constant 0 : i32
    %broadcast_in_dim3A_2239 = vector.broadcast %jit3A_2238 : i32 to vector<16xi32>
    %select_n3A_2240 = arith.select %lt3A_2235, %add3A_2237, %broadcast_in_dim3A_2239 : vector<16xi1>, vector<16xi32>
    %mul3A_2241 = arith.constant 8 : i32
    %mul3A_2242 = vector.broadcast %mul3A_2241 : i32 to vector<16xi32>
    %mul3A_2243 = arith.muli %select_n3A_2240, %mul3A_2242 : vector<16xi32>
    %add3A_2244 = arith.constant 2 : i32
    %add3A_2245 = vector.broadcast %add3A_2244 : i32 to vector<16xi32>
    %add3A_2246 = arith.addi %mul3A_2243, %add3A_2245 : vector<16xi32>
    %gather3A_2247 = tpu.vector_load_idx %arg6[%add3A_2246] : memref<80000xf32, #tpu.memory_space<vmem>>[vector<16xi32>], vector<16xf32>,
    %get3A_2248 = arith.constant 7 : i32
    %get3A_2249 = arith.index_cast %get3A_2248 : i32 to index
    %get3A_2250 = arith.constant 112 : index
    %get3A_2251 = tpu.vector_load %arg11[%get3A_2249, %get3A_2250] {strides = array<i32>} : memref<8x128xf32, #tpu.memory_space<vmem>>, vector<16xf32>,
    %jit3A_2252 = arith.constant 0.000000e+00 : f32
    %broadcast_in_dim3A_2253 = vector.broadcast %jit3A_2252 : f32 to vector<16xf32>
    %select_n3A_2254 = arith.select %lt3A_2235, %gather3A_2247, %broadcast_in_dim3A_2253 : vector<16xi1>, vector<16xf32>
    %add3A_2255 = arith.addf %get3A_2251, %select_n3A_2254 : vector<16xf32>
    %swap3A_2256 = arith.constant 7 : i32
    %swap3A_2257 = arith.index_cast %swap3A_2256 : i32 to index
    %swap3A_2258 = arith.constant 112 : index
    %swap3A_2259 = tpu.vector_load %arg11[%swap3A_2257, %swap3A_2258] {strides = array<i32>} : memref<8x128xf32, #tpu.memory_space<vmem>>, vector<16xf32>,
    tpu.vector_store %arg11[%swap3A_2257, %swap3A_2258], %add3A_2255 {strides = array<i32>} : memref<8x128xf32, #tpu.memory_space<vmem>>, vector<16xf32>,
    %mul3A_2260 = arith.constant 48 : i32
    %mul3A_2261 = arith.muli %arg0, %mul3A_2260 : i32
    %add3A_2262 = arith.addi %mul3A_2261, %mul3A_26 : i32
    "tpu.region"() ({
      %run_scoped3A = tpu.sem_alloc : memref<!tpu.dma_semaphore, #tpu.memory_space<semaphore_mem>>
      %dma_start3A = arith.constant 0 : i32
      %dma_start3A_2263 = tpu.memref_slice %arg5[%add3A_2262, %dma_start3A] : memref<96x128xf32, #tpu.memory_space<hbm>> -> memref<8x128xf32, #tpu.memory_space<hbm>>
      %dma_start3A_2264 = arith.constant 0 : i32
      %dma_start3A_2265 = tpu.memref_slice %arg5[%add3A_2262, %dma_start3A_2264] : memref<96x128xf32, #tpu.memory_space<hbm>> -> memref<8x128xf32, #tpu.memory_space<hbm>>
      tpu.enqueue_dma source(%arg11 : memref<8x128xf32, #tpu.memory_space<vmem>>) target(%dma_start3A_2265 : memref<8x128xf32, #tpu.memory_space<hbm>>) target_semaphore(%run_scoped3A : memref<!tpu.dma_semaphore, #tpu.memory_space<semaphore_mem>>)
      %dma_wait3A = arith.constant 0 : i32
      %dma_wait3A_2266 = tpu.memref_slice %arg5[%add3A_2262, %dma_wait3A] : memref<96x128xf32, #tpu.memory_space<hbm>> -> memref<8x128xf32, #tpu.memory_space<hbm>>
      %dma_wait3A_2267 = arith.constant 0 : i32
      %dma_wait3A_2268 = tpu.memref_slice %arg5[%add3A_2262, %dma_wait3A_2267] : memref<96x128xf32, #tpu.memory_space<hbm>> -> memref<8x128xf32, #tpu.memory_space<hbm>>
      tpu.wait_dma2 semaphore(%run_scoped3A : memref<!tpu.dma_semaphore, #tpu.memory_space<semaphore_mem>>) src(%arg11 : memref<8x128xf32, #tpu.memory_space<vmem>>) dst(%dma_wait3A_2268 : memref<8x128xf32, #tpu.memory_space<hbm>>)
      tpu.yield
    }) : () -> ()
    return
  }
}

module attributes {stable_mosaic.version = 14 : i64} {
  func.func @_cnt_reduce_body(%arg0: memref<16x10240xf32, #tpu.memory_space<vmem>>, %arg1: memref<16x10240xf32, #tpu.memory_space<vmem>>, %arg2: memref<2x10240xf32, #tpu.memory_space<vmem>>) attributes {dimension_semantics = [], scalar_prefetch = 0 : i64, scratch_operands = 0 : i64, tpu.core_type = #tpu.core_type<tc>} {
    %get3A = arith.constant 0 : index
    %get3A_0 = arith.constant 0 : index
    %get3A_1 = vector.load %arg0[%get3A, %get3A_0] : memref<16x10240xf32, #tpu.memory_space<vmem>>, vector<16x10240xf32>
    %reduce_sum3A = arith.constant dense<0.000000e+00> : vector<10240xf32>
    %reduce_sum3A_2 = vector.multi_reduction <add>, %get3A_1, %reduce_sum3A [0] : vector<16x10240xf32> to vector<10240xf32>
    %swap3A = arith.constant 0 : index
    %swap3A_3 = arith.constant 0 : index
    %swap3A_4 = vector.load %arg2[%swap3A, %swap3A_3] : memref<2x10240xf32, #tpu.memory_space<vmem>>, vector<1x10240xf32>
    %swap3A_5 = vector.shape_cast %swap3A_4 : vector<1x10240xf32> to vector<10240xf32>
    %swap3A_6 = vector.shape_cast %reduce_sum3A_2 : vector<10240xf32> to vector<1x10240xf32>
    tpu.vector_store %arg2[%swap3A, %swap3A_3], %swap3A_6 {strides = array<i32>} : memref<2x10240xf32, #tpu.memory_space<vmem>>, vector<1x10240xf32>,
    %get3A_7 = arith.constant 0 : index
    %get3A_8 = arith.constant 0 : index
    %get3A_9 = vector.load %arg1[%get3A_7, %get3A_8] : memref<16x10240xf32, #tpu.memory_space<vmem>>, vector<16x10240xf32>
    %reduce_sum3A_10 = arith.constant dense<0.000000e+00> : vector<10240xf32>
    %reduce_sum3A_11 = vector.multi_reduction <add>, %get3A_9, %reduce_sum3A_10 [0] : vector<16x10240xf32> to vector<10240xf32>
    %swap3A_12 = arith.constant 1 : index
    %swap3A_13 = arith.constant 0 : index
    %swap3A_14 = vector.load %arg2[%swap3A_12, %swap3A_13] : memref<2x10240xf32, #tpu.memory_space<vmem>>, vector<1x10240xf32>
    %swap3A_15 = vector.shape_cast %swap3A_14 : vector<1x10240xf32> to vector<10240xf32>
    %swap3A_16 = vector.shape_cast %reduce_sum3A_11 : vector<10240xf32> to vector<1x10240xf32>
    tpu.vector_store %arg2[%swap3A_12, %swap3A_13], %swap3A_16 {strides = array<i32>} : memref<2x10240xf32, #tpu.memory_space<vmem>>, vector<1x10240xf32>,
    return
  }
}

module attributes {stable_mosaic.version = 14 : i64} {
  func.func @_phase_b_body(%arg0: i32, %arg1: memref<2x1000x128xf32, #tpu.memory_space<vmem>>, %arg2: memref<2x1000x1xf32, #tpu.memory_space<vmem>>, %arg3: memref<1000x128xf32, #tpu.memory_space<vmem>>, %arg4: memref<1000x1xf32, #tpu.memory_space<vmem>>, %arg5: memref<2x128x128xf32, #tpu.memory_space<vmem>>, %arg6: memref<128x128xf32, #tpu.memory_space<vmem>>, %arg7: memref<1x128xf32, #tpu.memory_space<vmem>>, %arg8: memref<128x8xf32, #tpu.memory_space<vmem>>, %arg9: memref<1x8xf32, #tpu.memory_space<vmem>>, %arg10: memref<1000x8xf32, #tpu.memory_space<vmem>>) attributes {dimension_semantics = [#tpu.dimension_semantics<arbitrary>], iteration_bounds = array<i64: 10>, scalar_prefetch = 0 : i64, scratch_operands = 0 : i64, tpu.core_type = #tpu.core_type<tc>, window_params = [{transform_indices = @transform_0, window_bounds = array<i64: 2, 1000, 128>}, {transform_indices = @transform_1, window_bounds = array<i64: 2, 1000, 1>}, {transform_indices = @transform_2, window_bounds = array<i64: 1000, 128>}, {transform_indices = @transform_3, window_bounds = array<i64: 1000, 1>}, {pipeline_mode = #tpu.pipeline_mode<synchronous>, transform_indices = @transform_4, window_bounds = array<i64: 2, 128, 128>}, {pipeline_mode = #tpu.pipeline_mode<synchronous>, transform_indices = @transform_5, window_bounds = array<i64: 128, 128>}, {pipeline_mode = #tpu.pipeline_mode<synchronous>, transform_indices = @transform_6, window_bounds = array<i64: 1, 128>}, {pipeline_mode = #tpu.pipeline_mode<synchronous>, transform_indices = @transform_7, window_bounds = array<i64: 128, 8>}, {pipeline_mode = #tpu.pipeline_mode<synchronous>, transform_indices = @transform_8, window_bounds = array<i64: 1, 8>}, {transform_indices = @transform_9, window_bounds = array<i64: 1000, 8>}]} {
    %get3A = arith.constant 0 : index
    %get3A_0 = arith.constant 0 : index
    %get3A_1 = arith.constant 0 : index
    %get3A_2 = vector.load %arg2[%get3A, %get3A_0, %get3A_1] : memref<2x1000x1xf32, #tpu.memory_space<vmem>>, vector<1x1000x1xf32>
    %get3A_3 = vector.shape_cast %get3A_2 : vector<1x1000x1xf32> to vector<1000x1xf32>
    %get3A_4 = arith.constant 1 : index
    %get3A_5 = arith.constant 0 : index
    %get3A_6 = arith.constant 0 : index
    %get3A_7 = vector.load %arg2[%get3A_4, %get3A_5, %get3A_6] : memref<2x1000x1xf32, #tpu.memory_space<vmem>>, vector<1x1000x1xf32>
    %get3A_8 = vector.shape_cast %get3A_7 : vector<1x1000x1xf32> to vector<1000x1xf32>
    %max3A = arith.constant 1.000000e+00 : f32
    %max3A_9 = vector.broadcast %max3A : f32 to vector<1000x1xf32>
    %max3A_10 = arith.maximumf %get3A_3, %max3A_9 : vector<1000x1xf32>
    %div3A = arith.constant 1.000000e+00 : f32
    %div3A_11 = vector.broadcast %div3A : f32 to vector<1000x1xf32>
    %div3A_12 = arith.divf %div3A_11, %max3A_10 : vector<1000x1xf32>
    %max3A_13 = arith.constant 1.000000e+00 : f32
    %max3A_14 = vector.broadcast %max3A_13 : f32 to vector<1000x1xf32>
    %max3A_15 = arith.maximumf %get3A_8, %max3A_14 : vector<1000x1xf32>
    %div3A_16 = arith.constant 1.000000e+00 : f32
    %div3A_17 = vector.broadcast %div3A_16 : f32 to vector<1000x1xf32>
    %div3A_18 = arith.divf %div3A_17, %max3A_15 : vector<1000x1xf32>
    %get3A_19 = arith.constant 0 : index
    %get3A_20 = arith.constant 0 : index
    %get3A_21 = arith.constant 0 : index
    %get3A_22 = vector.load %arg1[%get3A_19, %get3A_20, %get3A_21] : memref<2x1000x128xf32, #tpu.memory_space<vmem>>, vector<1x1000x128xf32>
    %get3A_23 = vector.shape_cast %get3A_22 : vector<1x1000x128xf32> to vector<1000x128xf32>
    %mul3A = vector.broadcast %div3A_12 : vector<1000x1xf32> to vector<1000x128xf32>
    %mul3A_24 = arith.mulf %get3A_23, %mul3A : vector<1000x128xf32>
    %get3A_25 = arith.constant 1 : index
    %get3A_26 = arith.constant 0 : index
    %get3A_27 = arith.constant 0 : index
    %get3A_28 = vector.load %arg1[%get3A_25, %get3A_26, %get3A_27] : memref<2x1000x128xf32, #tpu.memory_space<vmem>>, vector<1x1000x128xf32>
    %get3A_29 = vector.shape_cast %get3A_28 : vector<1x1000x128xf32> to vector<1000x128xf32>
    %mul3A_30 = vector.broadcast %div3A_18 : vector<1000x1xf32> to vector<1000x128xf32>
    %mul3A_31 = arith.mulf %get3A_29, %mul3A_30 : vector<1000x128xf32>
    %get3A_32 = arith.constant 0 : index
    %get3A_33 = arith.constant 0 : index
    %get3A_34 = vector.load %arg3[%get3A_32, %get3A_33] : memref<1000x128xf32, #tpu.memory_space<vmem>>, vector<1000x128xf32>
    %get3A_35 = arith.constant 0 : index
    %get3A_36 = arith.constant 0 : index
    %get3A_37 = arith.constant 0 : index
    %get3A_38 = vector.load %arg5[%get3A_35, %get3A_36, %get3A_37] : memref<2x128x128xf32, #tpu.memory_space<vmem>>, vector<1x128x128xf32>
    %get3A_39 = vector.shape_cast %get3A_38 : vector<1x128x128xf32> to vector<128x128xf32>
    %dot_general3A = arith.constant dense<0.000000e+00> : vector<1000x128xf32>
    %dot_general3A_40 = tpu.matmul %mul3A_24, %get3A_39, %dot_general3A {dimension_numbers = #tpu.dot_dimension_numbers<[1], [0], [0], [1], [0, 0, 1, 1], [], []>, transpose_lhs_hint = false} : vector<1000x128xf32>, vector<128x128xf32>, vector<1000x128xf32> -> vector<1000x128xf32>
    %get3A_41 = arith.constant 1 : index
    %get3A_42 = arith.constant 0 : index
    %get3A_43 = arith.constant 0 : index
    %get3A_44 = vector.load %arg5[%get3A_41, %get3A_42, %get3A_43] : memref<2x128x128xf32, #tpu.memory_space<vmem>>, vector<1x128x128xf32>
    %get3A_45 = vector.shape_cast %get3A_44 : vector<1x128x128xf32> to vector<128x128xf32>
    %dot_general3A_46 = arith.constant dense<0.000000e+00> : vector<1000x128xf32>
    %dot_general3A_47 = tpu.matmul %mul3A_31, %get3A_45, %dot_general3A_46 {dimension_numbers = #tpu.dot_dimension_numbers<[1], [0], [0], [1], [0, 0, 1, 1], [], []>, transpose_lhs_hint = false} : vector<1000x128xf32>, vector<128x128xf32>, vector<1000x128xf32> -> vector<1000x128xf32>
    %add3A = arith.addf %dot_general3A_40, %dot_general3A_47 : vector<1000x128xf32>
    %get3A_48 = arith.constant 0 : index
    %get3A_49 = arith.constant 0 : index
    %get3A_50 = vector.load %arg6[%get3A_48, %get3A_49] : memref<128x128xf32, #tpu.memory_space<vmem>>, vector<128x128xf32>
    %dot_general3A_51 = arith.constant dense<0.000000e+00> : vector<1000x128xf32>
    %dot_general3A_52 = tpu.matmul %get3A_34, %get3A_50, %dot_general3A_51 {dimension_numbers = #tpu.dot_dimension_numbers<[1], [0], [0], [1], [0, 0, 1, 1], [], []>, transpose_lhs_hint = false} : vector<1000x128xf32>, vector<128x128xf32>, vector<1000x128xf32> -> vector<1000x128xf32>
    %add3A_53 = arith.addf %add3A, %dot_general3A_52 : vector<1000x128xf32>
    %get3A_54 = arith.constant 0 : index
    %get3A_55 = arith.constant 0 : index
    %get3A_56 = vector.load %arg7[%get3A_54, %get3A_55] : memref<1x128xf32, #tpu.memory_space<vmem>>, vector<1x128xf32>
    %add3A_57 = vector.broadcast %get3A_56 : vector<1x128xf32> to vector<1000x128xf32>
    %add3A_58 = arith.addf %add3A_53, %add3A_57 : vector<1000x128xf32>
    %max3A_59 = arith.constant 0.000000e+00 : f32
    %max3A_60 = vector.broadcast %max3A_59 : f32 to vector<1000x128xf32>
    %max3A_61 = arith.maximumf %add3A_58, %max3A_60 : vector<1000x128xf32>
    %get3A_62 = arith.constant 0 : index
    %get3A_63 = arith.constant 0 : index
    %get3A_64 = vector.load %arg8[%get3A_62, %get3A_63] : memref<128x8xf32, #tpu.memory_space<vmem>>, vector<128x8xf32>
    %dot_general3A_65 = arith.constant dense<0.000000e+00> : vector<1000x8xf32>
    %dot_general3A_66 = tpu.matmul %max3A_61, %get3A_64, %dot_general3A_65 {dimension_numbers = #tpu.dot_dimension_numbers<[1], [0], [0], [1], [0, 0, 1, 1], [], []>, transpose_lhs_hint = false} : vector<1000x128xf32>, vector<128x8xf32>, vector<1000x8xf32> -> vector<1000x8xf32>
    %iota3A = tpu.iota {dimensions = array<i32: 1>} : vector<1x8xi32>
    %eq3A = arith.constant 3 : i32
    %eq3A_67 = vector.broadcast %eq3A : i32 to vector<1x8xi32>
    %eq3A_68 = arith.cmpi eq, %iota3A, %eq3A_67 : vector<1x8xi32>
    %convert_element_type3A = arith.extui %eq3A_68 : vector<1x8xi1> to vector<1x8xi32>
    %convert_element_type3A_69 = arith.sitofp %convert_element_type3A : vector<1x8xi32> to vector<1x8xf32>
    %eq3A_70 = arith.constant 4 : i32
    %eq3A_71 = vector.broadcast %eq3A_70 : i32 to vector<1x8xi32>
    %eq3A_72 = arith.cmpi eq, %iota3A, %eq3A_71 : vector<1x8xi32>
    %convert_element_type3A_73 = arith.extui %eq3A_72 : vector<1x8xi1> to vector<1x8xi32>
    %convert_element_type3A_74 = arith.sitofp %convert_element_type3A_73 : vector<1x8xi32> to vector<1x8xf32>
    %eq3A_75 = arith.constant 5 : i32
    %eq3A_76 = vector.broadcast %eq3A_75 : i32 to vector<1x8xi32>
    %eq3A_77 = arith.cmpi eq, %iota3A, %eq3A_76 : vector<1x8xi32>
    %convert_element_type3A_78 = arith.extui %eq3A_77 : vector<1x8xi1> to vector<1x8xi32>
    %convert_element_type3A_79 = arith.sitofp %convert_element_type3A_78 : vector<1x8xi32> to vector<1x8xf32>
    %get3A_80 = arith.constant 0 : index
    %get3A_81 = arith.constant 0 : index
    %get3A_82 = vector.load %arg9[%get3A_80, %get3A_81] : memref<1x8xf32, #tpu.memory_space<vmem>>, vector<1x8xf32>
    %add3A_83 = vector.broadcast %get3A_82 : vector<1x8xf32> to vector<1000x8xf32>
    %add3A_84 = arith.addf %dot_general3A_66, %add3A_83 : vector<1000x8xf32>
    %mul3A_85 = vector.broadcast %div3A_12 : vector<1000x1xf32> to vector<1000x8xf32>
    %mul3A_86 = vector.broadcast %convert_element_type3A_69 : vector<1x8xf32> to vector<1000x8xf32>
    %mul3A_87 = arith.mulf %mul3A_85, %mul3A_86 : vector<1000x8xf32>
    %add3A_88 = arith.addf %add3A_84, %mul3A_87 : vector<1000x8xf32>
    %mul3A_89 = vector.broadcast %div3A_18 : vector<1000x1xf32> to vector<1000x8xf32>
    %mul3A_90 = vector.broadcast %convert_element_type3A_74 : vector<1x8xf32> to vector<1000x8xf32>
    %mul3A_91 = arith.mulf %mul3A_89, %mul3A_90 : vector<1000x8xf32>
    %add3A_92 = arith.addf %add3A_88, %mul3A_91 : vector<1000x8xf32>
    %get3A_93 = arith.constant 0 : index
    %get3A_94 = arith.constant 0 : index
    %get3A_95 = vector.load %arg4[%get3A_93, %get3A_94] : memref<1000x1xf32, #tpu.memory_space<vmem>>, vector<1000x1xf32>
    %mul3A_96 = vector.broadcast %get3A_95 : vector<1000x1xf32> to vector<1000x8xf32>
    %mul3A_97 = vector.broadcast %convert_element_type3A_79 : vector<1x8xf32> to vector<1000x8xf32>
    %mul3A_98 = arith.mulf %mul3A_96, %mul3A_97 : vector<1000x8xf32>
    %add3A_99 = arith.addf %add3A_92, %mul3A_98 : vector<1000x8xf32>
    %swap3A = arith.constant 0 : index
    %swap3A_100 = arith.constant 0 : index
    %swap3A_101 = vector.load %arg10[%swap3A, %swap3A_100] : memref<1000x8xf32, #tpu.memory_space<vmem>>, vector<1000x8xf32>
    tpu.vector_store %arg10[%swap3A, %swap3A_100], %add3A_99 {strides = array<i32>} : memref<1000x8xf32, #tpu.memory_space<vmem>>, vector<1000x8xf32>,
    return
  }
  func.func @transform_0(%arg0: i32) -> (i32, i32, i32) {
    %c0_i32 = arith.constant 0 : i32
    %c0_i32_0 = arith.constant 0 : i32
    %c0_i32_1 = arith.constant 0 : i32
    return %c0_i32, %arg0, %c0_i32_0 : i32, i32, i32
  }
  func.func @transform_1(%arg0: i32) -> (i32, i32, i32) {
    %c0_i32 = arith.constant 0 : i32
    %c0_i32_0 = arith.constant 0 : i32
    %c0_i32_1 = arith.constant 0 : i32
    return %c0_i32, %arg0, %c0_i32_0 : i32, i32, i32
  }
  func.func @transform_2(%arg0: i32) -> (i32, i32) {
    %c0_i32 = arith.constant 0 : i32
    %c0_i32_0 = arith.constant 0 : i32
    return %arg0, %c0_i32 : i32, i32
  }
  func.func @transform_3(%arg0: i32) -> (i32, i32) {
    %c0_i32 = arith.constant 0 : i32
    %c0_i32_0 = arith.constant 0 : i32
    return %arg0, %c0_i32 : i32, i32
  }
  func.func @transform_4(%arg0: i32) -> (i32, i32, i32) {
    %c0_i32 = arith.constant 0 : i32
    %c0_i32_0 = arith.constant 0 : i32
    %c0_i32_1 = arith.constant 0 : i32
    %c0_i32_2 = arith.constant 0 : i32
    return %c0_i32, %c0_i32_0, %c0_i32_1 : i32, i32, i32
  }
  func.func @transform_5(%arg0: i32) -> (i32, i32) {
    %c0_i32 = arith.constant 0 : i32
    %c0_i32_0 = arith.constant 0 : i32
    %c0_i32_1 = arith.constant 0 : i32
    return %c0_i32, %c0_i32_0 : i32, i32
  }
  func.func @transform_6(%arg0: i32) -> (i32, i32) {
    %c0_i32 = arith.constant 0 : i32
    %c0_i32_0 = arith.constant 0 : i32
    %c0_i32_1 = arith.constant 0 : i32
    return %c0_i32, %c0_i32_0 : i32, i32
  }
  func.func @transform_7(%arg0: i32) -> (i32, i32) {
    %c0_i32 = arith.constant 0 : i32
    %c0_i32_0 = arith.constant 0 : i32
    %c0_i32_1 = arith.constant 0 : i32
    return %c0_i32, %c0_i32_0 : i32, i32
  }
  func.func @transform_8(%arg0: i32) -> (i32, i32) {
    %c0_i32 = arith.constant 0 : i32
    %c0_i32_0 = arith.constant 0 : i32
    %c0_i32_1 = arith.constant 0 : i32
    return %c0_i32, %c0_i32_0 : i32, i32
  }
  func.func @transform_9(%arg0: i32) -> (i32, i32) {
    %c0_i32 = arith.constant 0 : i32
    %c0_i32_0 = arith.constant 0 : i32
    return %arg0, %c0_i32 : i32, i32
  }
}

</mosaic_0001>

<sc_bundles>
// kernel: kernel.6.cloned.1.call-start
scs
__scs_entry_jumppad:
0x0: {  	(pc) =	sbr.rel $0x88, $3  }
0x1: {  	(tag) =	ssettag $0x0;
	lr =	simm.s32 $0x1  }
0x2: {  	[smem:$0x3F97] =	sst lr;
	_ =	strace $0xD0000000  }
0x3: {  	_ = 	snop  }
0x4: {  	_ = 	snop  }
0x5: {  	_ = 	snop  }
0x6: {  	_ = 	snop  }
0x7: {  	_ = 	snop  }
__scs_overlays_trampoline_lowered:
0x8: {  	[smem:$0x3FA6] =	sst s0  }
0x9: {  	[smem:$0x3FA7] =	sst s1  }
0xa: {  	[smem:$0x3FA8] =	sst s2  }
0xb: {  	[smem:$0x3FA9] =	sst s3  }
0xc: {  	[smem:$0x3FAA] =	sst s4  }
0xd: {  	[smem:$0x3FAB] =	sst s5  }
0xe: {  	[smem:$0x3FAC] =	sst s6  }
0xf: {  	[smem:$0x3FAD] =	sst s7  }
0x10: {  	[smem:$0x3FAE] =	sst s8  }
0x11: {  	[smem:$0x3FAF] =	sst s9;
	s0 =	simm.s32 @!p0 $0x0  }
0x12: {  	s1 =	sld [smem:$0x3F95];
	s0 =	simm.s32 @p0 $0x1  }
0x13: {  	[smem:$0x3FB0] =	sst s0;
	s0 =	simm.s32 @!p1 $0x0  }
0x14: {  	s2 =	sld [smem:$0x3F94];
	s0 =	simm.s32 @p1 $0x1  }
0x15: {  	[smem:$0x3FB1] =	sst s0;
	s0 =	simm.s32 @!p2 $0x0  }
0x16: {  	s3 =	sld [smem:$0x3FDB];
	s0 =	simm.s32 @p2 $0x1  }
0x17: {  	s4 =	simm.s32 $0x1BF5;
	[smem:$0x3FB3] =	sst s0  }
0x18: {  	s0 =	sld [smem:$0x3F96];
	_ =	swait.ge [sflag:s4], $0x0  }
0x19: {  	s7 =	sld [smem:$0x3F97]  }
0x1a: {  	s8 =	sadd.s32 $0xFFFFE003, lr  }
0x1b: {  	s9 =	sadd.s32 $0xFFFFFEF7, lr;
	s5 =	simm.s32 $0xFFFFFFFF;
	p2 =	slt.u32 s8, $0xFFFFF086  }
0x1c: {  	p1 =	slt.u32 s9, $0xF7A;
	s5 =	simm.s32 @!p2 $0x0  }
0x1d: {  	s5 =	simm.s32 @p1 $0x1;
	p0 =	seq.s32 s7, s2  }
0x1e: {  	s7 =	smul.u32 @!p0 $0xF7A, s2;
	p2 =	seq.s32 @!p0 s5, $0x0  }
0x1f: {  	s9 =	smul.u32 $0xF7A, s1;
	s8 =	simm.s32 @!p0 $0x1BF5;
	p2 =	por !p2, p0  }
0x20: {  	[sflag:s8] =	ssyncset.s32 @!p0 $0xFFFFF086;
	s6 =	sadd.s32 @!p0 s3, s7;
	s7 =	simm.s32 @!p0 $0x108  }
0x21: {  	s3 =	sadd.s32 s3, s9;
	s6 =	sadd.s32 @!p0 $0x88, s6;
	s7 =	simm.s32 @p2 $0x1082  }
0x22: {  	[simem:s7], [sflag:s8] =	dma.local @!p0 [hbm:s6], $0xF7A  }
0x23: {  	s9 =	sor.u32 $0xD0000000, s2;
	s6 =	simm.s32 $0x108;
	_ =	swait.ge @!p0 [sflag:s8], $0x0  }
0x24: {  	s3 =	sadd.s32 $0x88, s3;
	s6 =	simm.s32 @!p1 $0x1082;
	[sflag:s4] =	ssyncset.s32 $0xFFFFF086  }
0x25: {  	[simem:s6], [sflag:s4] =	dma.local [hbm:s3], $0xF7A  }
0x26: {  	[smem:$0x3F97] =	sst s1;
	(tag) =	ssettag s2;
	_ =	strace s9  }
0x27: {  	s1 =	sld [smem:$0x3FA7]  }
0x28: {  	s2 =	sld [smem:$0x3FA8]  }
0x29: {  	s4 =	sld [smem:$0x3FAA]  }
0x2a: {  	p0 =	seq.s32 s5, $0x0;
	s5 =	sld [smem:$0x3FAB]  }
0x2b: {  	s6 =	sld [smem:$0x3FAC]  }
0x2c: {  	s7 =	sld [smem:$0x3FAD]  }
0x2d: {  	s3 =	simm.s32 $0x108;
	s8 =	sld [smem:$0x3FAE]  }
0x2e: {  	s3 =	simm.s32 @!p0 $0x1082;
	s9 =	sld [smem:$0x3FAF]  }
0x2f: {  	lr =	sadd.s32 s0, s3;
	s0 =	sld [smem:$0x3FA6]  }
0x30: {  	s3 =	sld [smem:$0x3FA9]  }
0x31: {  	[smem:$0x3FB2] =	sst s10  }
0x32: {  	s10 =	sld [smem:$0x3FB0];
	_ =	sdelay $0x3  }
0x33: {  	p0 =	seq.s32 s10, $0x1;
	s10 =	sld [smem:$0x3FB2];
	_ =	sdelay $0x3  }
0x34: {  	[smem:$0x3FB2] =	sst s10  }
0x35: {  	s10 =	sld [smem:$0x3FB1];
	_ =	sdelay $0x3  }
0x36: {  	p1 =	seq.s32 s10, $0x1;
	s10 =	sld [smem:$0x3FB2];
	_ =	sdelay $0x3  }
0x37: {  	[smem:$0x3FB2] =	sst s10  }
0x38: {  	s10 =	sld [smem:$0x3FB3]  }
0x39: {  	_ = 	snop;
	(pc) =	sbr.ind lr, $3  }
0x3a: {  	_ = 	snop  }
0x3b: {  	_ = 	snop  }
0x3c: {  	p2 =	seq.s32 s10, $0x1;
	s10 =	sld [smem:$0x3FB2]  }
0x3d: {  	_ =	shalt  }
0x3e: {  	_ =	shalt  }
0x3f: {  	_ =	shalt  }
0x40: {  	_ =	shalt  }
0x41: {  	_ =	shalt  }
0x42: {  	_ =	shalt  }
0x43: {  	_ =	shalt  }
0x44: {  	_ =	shalt  }
0x45: {  	_ =	shalt  }
0x46: {  	_ =	shalt  }
0x47: {  	_ =	shalt  }
0x48: {  	_ =	shalt  }
0x49: {  	_ =	shalt  }
0x4a: {  	_ =	shalt  }
0x4b: {  	_ =	shalt  }
0x4c: {  	_ =	shalt  }
0x4d: {  	_ =	shalt  }
0x4e: {  	_ =	shalt  }
0x4f: {  	_ =	shalt  }
0x50: {  	_ =	shalt  }
0x51: {  	_ =	shalt  }
0x52: {  	_ =	shalt  }
0x53: {  	_ =	shalt  }
0x54: {  	_ =	shalt  }
0x55: {  	_ =	shalt  }
0x56: {  	_ =	shalt  }
0x57: {  	_ =	shalt  }
0x58: {  	_ =	shalt  }
0x59: {  	_ =	shalt  }
0x5a: {  	_ =	shalt  }
0x5b: {  	_ =	shalt  }
0x5c: {  	_ =	shalt  }
0x5d: {  	_ =	shalt  }
0x5e: {  	_ =	shalt  }
0x5f: {  	_ =	shalt  }
0x60: {  	_ =	shalt  }
0x61: {  	_ =	shalt  }
0x62: {  	_ =	shalt  }
0x63: {  	_ =	shalt  }
0x64: {  	_ =	shalt  }
0x65: {  	_ =	shalt  }
0x66: {  	_ =	shalt  }
0x67: {  	_ =	shalt  }
0x68: {  	_ =	shalt  }
0x69: {  	_ =	shalt  }
0x6a: {  	_ =	shalt  }
0x6b: {  	_ =	shalt  }
0x6c: {  	_ =	shalt  }
0x6d: {  	_ =	shalt  }
0x6e: {  	_ =	shalt  }
0x6f: {  	_ =	shalt  }
0x70: {  	_ =	shalt  }
0x71: {  	_ =	shalt  }
0x72: {  	_ =	shalt  }
0x73: {  	_ =	shalt  }
0x74: {  	_ =	shalt  }
0x75: {  	_ =	shalt  }
0x76: {  	_ =	shalt  }
0x77: {  	_ =	shalt  }
0x78: {  	_ =	shalt  }
0x79: {  	_ =	shalt  }
0x7a: {  	_ =	shalt  }
0x7b: {  	_ =	shalt  }
0x7c: {  	_ =	shalt  }
0x7d: {  	_ =	shalt  }
0x7e: {  	_ =	shalt  }
0x7f: {  	_ =	shalt  }
0x80: {  	_ =	shalt  }
0x81: {  	_ =	shalt  }
0x82: {  	_ =	shalt  }
0x83: {  	_ =	shalt  }
0x84: {  	_ =	shalt  }
0x85: {  	_ =	shalt  }
0x86: {  	_ =	shalt  }
0x87: {  	_ =	shalt  }
.Lfunc_end0:
.L_simem_size_0:
called_computation_lowered:
.L_overlay_start_0:
0x88: {  	s2 =	sld [smem:$0x3FD9]  }
0x89: {  	s3 =	sld [smem:$0x3FFE];
	_ =	sdelay $0x1  }
0x8a: {  	s1 =	srdreg.scid  }
0x8b: {  	s0 =	sand.u32 $0x1, s1  }
0x8c: {  	s17 =	sshll.u32 s0, $0xA;
	s2 =	sadd.s32 s3, s2  }
0x8d: {  	s2 =	sadd.s32 s2, s17  }
0x8e: {  	[smem:$0x3FBE] =	sst s2  }
0x8f: {  	_ = 	snop  }
0x90: {  	s2 =	sld [smem:$0x3FC6];
	(tm) =	ssettm $0x1  }
0x91: {  	s18 =	sld [smem:$0x3FFB];
	_ =	sdelay $0x3  }
0x92: {  	_ =	strace s18  }
0x93: {  	s3 =	sld [smem:$0x3FFC];
	_ =	sdelay $0x3  }
0x94: {  	_ =	strace s3  }
0x95: {  	s3 =	sld [smem:$0x3FFD];
	_ =	sdelay $0x3  }
0x96: {  	_ =	strace s3  }
0x97: {  	_ =	strace $0x8FFFFFFF  }
0x98: {  	s19 =	sld [smem:$0x3FDB];
	_ =	sdelay $0x1  }
0x99: {  	s4 =	simm.s32 $_scs_section_size  }
0x9a: {  	s5 =	simm.s32 $_size__tile_overlayer_lowered;
	s6 =	simm.s32 $_tile_overlayer_lowered  }
0x9b: {  	s22 =	simm.s32 $0x1BFF;
	s21 =	sshll.u32 s6, $0x1;
	s3 =	sadd.s32 s4, s19  }
0x9c: {  	s7 =	simm.s32 $0x0;
	s20 =	sshll.u32 s5, $0x1;
	s5 =	sadd.s32 s21, s3  }
0x9d: {  	[timem:s7], [sflag:s22] =	dma.local [hbm:s5], s20  }
0x9e: {  	_ =	swait.ge [sflag:s22], s20  }
0x9f: {  	s4 =	ssub.s32 $0x0, s20;
	[sflag:s22] =	ssyncset.done $0x0  }
0xa0: {  	[sflag:s22] =	ssyncadd.s32 s4;
	_ =	sdelay $0x1  }
0xa1: {  	s23 =	simm.s32 $0x1B8B  }
0xa2: {  	_ =	swait.ge [sflag:s23], $0x1  }
0xa3: {  	[sflag:s23] =	ssyncset.done $0x0  }
0xa4: {  	s25 =	simm.s32 $0x1B8E;
	s24 =	sld [smem:$0x3FFE];
	[sflag:s23] =	ssyncadd.s32 $0xFFFFFFFF  }
0xa5: {  	s26 =	simm.s32 $execute0_lowered;
	[smem:$0x3FD2] =	sst s25  }
0xa6: {  	s5 =	sshll.u32 s26, $0x1;
	_ =	strace $0x80000046;
	[dreg:$0x1] =	wrdreg $0xFFFFFFFF  }
0xa7: {  	s28 =	simm.s32 $_size_execute0_lowered;
	s3 =	sadd.s32 s3, s5;
	[dreg:$0x0] =	wrdreg $0x0  }
0xa8: {  	s5 =	sshll.u32 s28, $0x1;
	[dreg:$0x2] =	wrdreg s3  }
0xa9: {  	[dreg:$0x3] =	wrdreg s5  }
0xaa: {  	[dreg:$0x4] =	wrdreg $0xC0  }
0xab: {  	_ =	task [dreg:s7], $0x5FFFF  }
0xac: {  	[dreg:$0x1] =	wrdreg $0xFFFFFFFF  }
0xad: {  	[dreg:$0x0] =	wrdreg $0x60  }
0xae: {  	[dreg:$0x2] =	wrdreg s24  }
0xaf: {  	[dreg:$0x3] =	wrdreg s2  }
0xb0: {  	[dreg:$0x4] =	wrdreg $0xBC000  }
0xb1: {  	[dreg:$0x5] =	wrdreg $0x9  }
0xb2: {  	_ =	task.clear_ibuf [dreg:s7], $0x6FFFF;
	_ =	strace $0x90000046  }
0xb3: {  	s29 =	simm.s32 $0x9;
	_ =	strace $0x80000048  }
0xb4: {  	_ =	swait.ge [sflag:s29], $0x1  }
0xb5: {  	[sflag:s29] =	ssyncadd.s32 $0xFFFFFFFF  }
0xb6: {  	_ =	strace $0x90000048  }
0xb7: {  	_ =	sfence  }
0xb8: {  	s30 =	sld [smem:$0x0];
	_ =	sdelay $0x2  }
0xb9: {  	s31 =	sshll.u32 s1, $0xD;
	s1 =	sshrl.u32 s1, $0x2  }
0xba: {  	s3 =	sand.u32 $0x4000, s31;
	s1 =	sadd.s32 s1, s30  }
0xbb: {  	s0 =	sor.u32 s3, s0;
	s1 =	sshll.u32 s1, $0x11  }
0xbc: {  	s0 =	sor.u32 s1, s0  }
0xbd: {  	s0 =	sadd.s32 $0x8F2B, s0  }
0xbe: {  	[sflag:s0] =	ssyncadd.remote.s32 $0x1  }
0xbf: {  	_ =	sfence.sel $0xFFFF  }
0xc0: {  	[dreg:$0x0] =	wrdreg $0xFFFFFFFF;
	(pc) =	sbr.abs _section_cstart, $3  }
0xc1: {  	[dreg:$0x1] =	wrdreg $0xFFFFFFFF  }
0xc2: {  	_ =	task.clear_ibuf [dreg:s7], $0x2FFFF;
	_ =	strace $0x9FFFFFFF  }
0xc3: {  	(tm) =	ssettm $0x7FFFFFFF  }
tec
execute0_lowered:
.L_overlay_start_1:
0x0: {  	(tag) =	ssettag $0x1  }
0x1: {  	s0 =	rddreg [dreg:$0x0]  }
0x2: {  	s2 =	rddreg [dreg:$0x1]  }
0x3: {  	s1 =	srdreg.scid;
	s16 =	stileid.u32  }
0x4: {  	s3 =	rddreg [dreg:$0x2];
	s11 =	sand.u32 $0x1, s1;
	s10 =	smul.u32 $0x138, s16  }
0x5: {  	s4 =	simm.s32 $0x0;
	s21 =	sand.u32 $0x7, s16;
	s12 =	smul.u32 $0x1388, s11  }
0x6: {  	s30 =	simm.s32 $0x3;
	s7 =	sshrl.u32 s16, $0x3;
	s1 =	smul.u32 $0x278, s21  }
0x7: {  	[smem:$0x7FF] =	sst s4;
	s5 =	sadd.s32 $0xC200, s0;
	s8 =	smul.u32 $0x2710, s7  }
0x8: {  	s6 =	sadd.s32 $0x2400, s0;
	s23 =	smul.u32 $0x278, s16;
	s9 =	sshll.u32 s11, $0x4  }
0x9: {  	s9 =	sor.u32 s16, s9;
	s1 =	smin.u32 s1, $0x1110;
	s8 =	sadd.s32 s12, s8  }
0xa: {  	s13 =	sadd.s32 $0x16000, s0;
	s9 =	smul.u32 $0x500, s9;
	s8 =	sadd.s32 s1, s8  }
0xb: {  	_ =	strace $0x80000047;
	[dreg:$0x4] =	wrdreg s13;
	s8 =	sshll.u32 s8, $0x4  }
0xc: {  	s9 =	sadd.s32 s9, s0;
	s22 =	sadd.s32 s8, s0;
	s8 =	sadd.s32 s12, s10  }
0xd: {  	s10 =	smin.u32 s23, $0x24A0;
	s17 =	sadd.s32 $0x16600, s9;
	s14 =	sshll.u32 s8, $0x4  }
0xe: {  	s10 =	sshll.u32 s10, $0x7;
	[dreg:$0xb] =	wrdreg s17;
	s18 =	sadd.s32 $0x47800, s22  }
0xf: {  	s0 =	sadd.s32 s14, s0;
	s10 =	sadd.s32 s10, s3;
	[dreg:$0xc] =	wrdreg s18  }
0x10: {  	s31 =	simm.s32 $0x7C00;
	s25 =	sadd.s32 $0x20600, s0;
	[dreg:$0x5] =	wrdreg s10  }
0x11: {  	s15 =	ssub.s32 $0x2, s11;
	s26 =	sadd.s32 $0x20A00, s0;
	[dreg:$0x6] =	wrdreg s25  }
0x12: {  	s7 =	smul.u32 $0x1388, s7;
	s28 =	sadd.s32 $0x20E00, s0;
	[dreg:$0x7] =	wrdreg s26  }
0x13: {  	s24 =	sshrl.u32 s15, $0x1;
	s29 =	sadd.s32 $0x21200, s0;
	[dreg:$0x8] =	wrdreg s28  }
0x14: {  	s14 =	ssub.s32 s15, s24;
	s0 =	sadd.s32 $0x21600, s0;
	[dreg:$0x9] =	wrdreg s29  }
0x15: {  	s13 =	simm.s32 $0x2F80;
	s19 =	smax.u32 s14, $0x1;
	[dreg:$0xa] =	wrdreg s0  }
0x16: {  	s1 =	sadd.s32 s7, s1;
	s20 =	sadd.s32 $0x2000, s10;
	[dreg:$0xd] =	wrdreg s19  }
0x17: {  	s7 =	simm.s32 $0x3780;
	s21 =	sadd.s32 $0x4000, s10;
	[dreg:$0xe] =	wrdreg s20  }
0x18: {  	v1 =	vmov s12;
	s12 =	simm.s32 $0x2780;
	s22 =	sadd.s32 $0x6000, s10;
	[dreg:$0xf] =	wrdreg s21  }
0x19: {  	s17 =	simm.s32 $0x0;
	s23 =	sadd.s32 $0x8000, s10;
	[dreg:$0x10] =	wrdreg s22  }
0x1a: {  	s15 =	smul.u32 $0x4E20, s16;
	s24 =	sadd.s32 $0xA000, s10;
	[dreg:$0x11] =	wrdreg s23  }
0x1b: {  	s16 =	sshll.u32 s1, $0x7;
	[dreg:$0x13] =	wrdreg s24;
	s25 =	sadd.s32 $0xC000, s10  }
.Ltmp0:
0x1c: {  	s26 =	sadd.s32 $0xE000, s10;
	[dreg:$0x14] =	wrdreg s25;
	(pc) =	sbr.rel .LBB2_1-.Ltmp0, $4  }
0x1d: {  	s1 =	simm.s32 $0x40;
	s28 =	sadd.s32 $0x10000, s10;
	[dreg:$0x15] =	wrdreg s26  }
0x1e: {  	s0 =	sadd.s32 s16, s3;
	s29 =	sadd.s32 $0x12000, s10;
	[dreg:$0x16] =	wrdreg s28  }
0x1f: {  	v2 =	vimm.f32 $0.0e+00;
	v3 =	vlaneseq.u32;
	v4 =	vimm.s32 $0x0;
	s14 =	simm.s32 $0x5400;
	s0 =	sshrl.u32 s0, $0x3;
	[dreg:$0x17] =	wrdreg s29  }
0x20: {  	v5 =	vimm.f32 $1.000000000e+00;
	v6 =	vor.u32 $0x2710, v3;
	v0 =	vmov s11;
	s16 =	simm.s32 $0x4000;
	[dreg:$0x12] =	wrdreg s0;
	s0 =	simm.s32 $0x2  }
.LBB2_19:
0x21: {  	[bflag:$0x0] =	sbarrier.arrive $0xFFFF  }
0x22: {  	s9 =	rddreg [dreg:$0xb]  }
0x23: {  	[hbm4b:s9+s4] =	stream.linear.scatter [tilespmem:s14], [sflag:$0x3], $0x2800, $0x38;
	[tilespmem:$0x1F500] =	vst v63  }
0x24: {  	s28 =	stileid.u32;
	_ =	swait.ge [sflag:s30], $0x2800  }
0x25: {  	s9 =	sshll.u32 s28, $0x6;
	[sflag:s30] =	ssyncset.done $0x0;
	s10 =	rddreg [dreg:$0xc]  }
0x26: {  	s9 =	sor.u32 $0x1C03, s9;
	s11 =	rddreg [dreg:$0x12];
	[sflag:s30] =	ssyncadd.s32 $0xFFFFD800  }
0x27: {  	[hbm:s10], [sflag:s9] =	dma.local [spmem:s11], $0x2780  }
0x28: {  	_ =	swait.ge [sflag:s30], $0x2780  }
0x29: {  	s17 =	sadd.s32 $0x1, s17;
	s29 =	rddreg [dreg:$0xd]  }
0x2a: {  	p0 =	sne.s32 s17, s29  }
.Ltmp1:
0x2b: {  	_ = 	snop;
	(pc) =	sbr.rel @!p0 .LBB2_20-.Ltmp1, $3  }
0x2c: {  	_ =	sdelay $0x1  }
0x2d: {  	[sflag:s30] =	ssyncset.done $0x0  }
0x2e: {  	[sflag:s30] =	ssyncadd.s32 $0xFFFFD880  }
.LBB2_1:
0x2f: {  	s9 =	rddreg [dreg:$0x4]  }
0x30: {  	[tilespmem:s4], [sflag:$0x3] =	stream.linear.gather [hbm4b:s9+s4], $0x2780, $0x38;
	[tilespmem:$0x1F500] =	vst v63  }
0x31: {  	_ =	swait.ge [sflag:s30], $0x2780  }
0x32: {  	[sflag:s30] =	ssyncset.done $0x0  }
0x33: {  	s18 =	simm.s32 $0x200;
	s9 =	simm.s32 $0x0;
	[sflag:s30] =	ssyncadd.s32 $0xFFFFD880  }
.LBB2_2:
0x34: {  	p0 =	sne.s32 s18, $0x9E00;
	[tilespmem:s9+$0x5470] =	vst v2  }
0x35: {  	[tilespmem:s9+$0x5400] =	vst v2  }
0x36: {  	[tilespmem:s9+$0x5410] =	vst v2  }
.Ltmp2:
0x37: {  	[tilespmem:s9+$0x5420] =	vst v2;
	(pc) =	sbr.rel @p0 .LBB2_2-.Ltmp2, $4  }
0x38: {  	[tilespmem:s9+$0x5430] =	vst v2  }
0x39: {  	[tilespmem:s9+$0x5440] =	vst v2  }
0x3a: {  	[tilespmem:s9+$0x5450] =	vst v2  }
0x3b: {  	[tilespmem:s9+$0x5460] =	vst v2;
	s9 =	sshra.s32 s18, $0x2;
	s18 =	sadd.s32 $0x200, s18  }
0x3c: {  	[tilespmem:s9+$0x5470] =	vst v2  }
0x3d: {  	[tilespmem:s9+$0x5400] =	vst v2  }
0x3e: {  	[tilespmem:s9+$0x5410] =	vst v2  }
0x3f: {  	[tilespmem:s9+$0x5420] =	vst v2  }
0x40: {  	[tilespmem:s9+$0x5430] =	vst v2  }
0x41: {  	[tilespmem:s9+$0x5440] =	vst v2  }
0x42: {  	[tilespmem:s9+$0x5450] =	vst v2  }
0x43: {  	[tilespmem:s9+$0x5460] =	vst v2;
	s9 =	simm.s32 $0x0;
	s18 =	simm.s32 $0x200  }
.LBB2_4:
0x44: {  	p0 =	sne.s32 s18, $0x7E00;
	[tilespmem:s9+$0x7C70] =	vst v2  }
0x45: {  	[tilespmem:s9+$0x7C00] =	vst v2  }
0x46: {  	[tilespmem:s9+$0x7C10] =	vst v2  }
.Ltmp3:
0x47: {  	[tilespmem:s9+$0x7C20] =	vst v2;
	(pc) =	sbr.rel @p0 .LBB2_4-.Ltmp3, $4  }
0x48: {  	[tilespmem:s9+$0x7C30] =	vst v2  }
0x49: {  	[tilespmem:s9+$0x7C40] =	vst v2  }
0x4a: {  	[tilespmem:s9+$0x7C50] =	vst v2  }
0x4b: {  	[tilespmem:s9+$0x7C60] =	vst v2;
	s9 =	sshra.s32 s18, $0x2;
	s18 =	sadd.s32 $0x200, s18  }
0x4c: {  	[tilespmem:s9+$0x7C70] =	vst v2  }
0x4d: {  	[tilespmem:s9+$0x7C00] =	vst v2  }
0x4e: {  	[tilespmem:s9+$0x7C10] =	vst v2  }
0x4f: {  	[tilespmem:s9+$0x7C20] =	vst v2  }
0x50: {  	[tilespmem:s9+$0x7C30] =	vst v2  }
0x51: {  	[tilespmem:s9+$0x7C40] =	vst v2  }
0x52: {  	[tilespmem:s9+$0x7C50] =	vst v2  }
0x53: {  	[tilespmem:s9+$0x7C60] =	vst v2;
	s23 =	rddreg [dreg:$0x5]  }
0x54: {  	[spmem:s23] =	stream.linear.scatter [tilespmem:s31], [sflag:$0x2], $0x2000, $0x38;
	[tilespmem:$0x1F500] =	vst v63  }
0x55: {  	s24 =	rddreg [dreg:$0xe]  }
0x56: {  	[spmem:s24] =	stream.linear.scatter [tilespmem:s31], [sflag:$0x2], $0x2000, $0x38;
	[tilespmem:$0x1F500] =	vst v63  }
0x57: {  	s25 =	rddreg [dreg:$0xf]  }
0x58: {  	[spmem:s25] =	stream.linear.scatter [tilespmem:s31], [sflag:$0x2], $0x2000, $0x38;
	[tilespmem:$0x1F500] =	vst v63  }
0x59: {  	s26 =	rddreg [dreg:$0x10]  }
0x5a: {  	[spmem:s26] =	stream.linear.scatter [tilespmem:s31], [sflag:$0x2], $0x2000, $0x38;
	[tilespmem:$0x1F500] =	vst v63  }
0x5b: {  	s28 =	rddreg [dreg:$0x11]  }
0x5c: {  	[spmem:s28] =	stream.linear.scatter [tilespmem:s31], [sflag:$0x2], $0x2000, $0x38;
	[tilespmem:$0x1F500] =	vst v63  }
0x5d: {  	s29 =	rddreg [dreg:$0x13]  }
0x5e: {  	[spmem:s29] =	stream.linear.scatter [tilespmem:s31], [sflag:$0x2], $0x2000, $0x38;
	[tilespmem:$0x1F500] =	vst v63  }
0x5f: {  	s10 =	rddreg [dreg:$0x14]  }
0x60: {  	[spmem:s10] =	stream.linear.scatter [tilespmem:s31], [sflag:$0x2], $0x2000, $0x38;
	[tilespmem:$0x1F500] =	vst v63  }
0x61: {  	s11 =	rddreg [dreg:$0x15]  }
0x62: {  	[spmem:s11] =	stream.linear.scatter [tilespmem:s31], [sflag:$0x2], $0x2000, $0x38;
	[tilespmem:$0x1F500] =	vst v63  }
0x63: {  	s18 =	rddreg [dreg:$0x16]  }
0x64: {  	[spmem:s18] =	stream.linear.scatter [tilespmem:s31], [sflag:$0x2], $0x2000, $0x38;
	[tilespmem:$0x1F500] =	vst v63  }
0x65: {  	s19 =	rddreg [dreg:$0x17]  }
0x66: {  	[spmem:s19] =	stream.linear.scatter [tilespmem:s31], [sflag:$0x2], $0x2000, $0x38;
	[tilespmem:$0x1F500] =	vst v63  }
0x67: {  	_ =	swait.ge [sflag:s0], $0x2000  }
0x68: {  	[sflag:s0] =	ssyncset.done $0x0  }
0x69: {  	[sflag:s0] =	ssyncadd.s32 $0xFFFFE000  }
0x6a: {  	_ =	swait.ge [sflag:s0], $0x2000  }
0x6b: {  	[sflag:s0] =	ssyncset.done $0x0  }
0x6c: {  	[sflag:s0] =	ssyncadd.s32 $0xFFFFE000  }
0x6d: {  	_ =	swait.ge [sflag:s0], $0x2000  }
0x6e: {  	[sflag:s0] =	ssyncset.done $0x0  }
0x6f: {  	[sflag:s0] =	ssyncadd.s32 $0xFFFFE000  }
0x70: {  	_ =	swait.ge [sflag:s0], $0x2000  }
0x71: {  	[sflag:s0] =	ssyncset.done $0x0  }
0x72: {  	[sflag:s0] =	ssyncadd.s32 $0xFFFFE000  }
0x73: {  	_ =	swait.ge [sflag:s0], $0x2000  }
0x74: {  	[sflag:s0] =	ssyncset.done $0x0  }
0x75: {  	[sflag:s0] =	ssyncadd.s32 $0xFFFFE000  }
0x76: {  	_ =	swait.ge [sflag:s0], $0x2000  }
0x77: {  	[sflag:s0] =	ssyncset.done $0x0  }
0x78: {  	[sflag:s0] =	ssyncadd.s32 $0xFFFFE000  }
0x79: {  	_ =	swait.ge [sflag:s0], $0x2000  }
0x7a: {  	[sflag:s0] =	ssyncset.done $0x0  }
0x7b: {  	[sflag:s0] =	ssyncadd.s32 $0xFFFFE000  }
0x7c: {  	_ =	swait.ge [sflag:s0], $0x2000  }
0x7d: {  	[sflag:s0] =	ssyncset.done $0x0  }
0x7e: {  	[sflag:s0] =	ssyncadd.s32 $0xFFFFE000  }
0x7f: {  	_ =	swait.ge [sflag:s0], $0x2000  }
0x80: {  	[sflag:s0] =	ssyncset.done $0x0  }
0x81: {  	[sflag:s0] =	ssyncadd.s32 $0xFFFFE000  }
0x82: {  	_ =	swait.ge [sflag:s0], $0x2000  }
0x83: {  	[sflag:s0] =	ssyncset.done $0x0  }
0x84: {  	[sflag:s0] =	ssyncadd.s32 $0xFFFFE000  }
0x85: {  	v7 =	vld [tilespmem:s8+$0x0];
	_ =	sdelay $0x4  }
0x86: {  	v7 =	vand.u32 $0x3FFF, v7  }
0x87: {  	[tilespmem:$0x3780] =	vst v7  }
0x88: {  	v7 =	vld [tilespmem:s8+$0x10];
	_ =	sdelay $0x4  }
0x89: {  	v7 =	vand.u32 $0x3FFF, v7  }
0x8a: {  	[tilespmem:$0x3790] =	vst v7  }
0x8b: {  	v7 =	vld [tilespmem:s8+$0x20];
	_ =	sdelay $0x4  }
0x8c: {  	v7 =	vand.u32 $0x3FFF, v7  }
0x8d: {  	[tilespmem:$0x37A0] =	vst v7  }
0x8e: {  	v7 =	vld [tilespmem:s8+$0x30];
	_ =	sdelay $0x4  }
0x8f: {  	v7 =	vand.u32 $0x3FFF, v7  }
0x90: {  	[tilespmem:$0x37B0] =	vst v7  }
0x91: {  	v7 =	vld [tilespmem:s8+$0x40];
	_ =	sdelay $0x4  }
0x92: {  	v7 =	vand.u32 $0x3FFF, v7  }
0x93: {  	[tilespmem:$0x37C0] =	vst v7  }
0x94: {  	v7 =	vld [tilespmem:s8+$0x50];
	_ =	sdelay $0x4  }
0x95: {  	v7 =	vand.u32 $0x3FFF, v7  }
0x96: {  	[tilespmem:$0x37D0] =	vst v7  }
0x97: {  	v7 =	vld [tilespmem:s8+$0x60];
	_ =	sdelay $0x4  }
0x98: {  	v7 =	vand.u32 $0x3FFF, v7  }
0x99: {  	[tilespmem:$0x37E0] =	vst v7  }
0x9a: {  	v7 =	vld [tilespmem:s8+$0x70];
	_ =	sdelay $0x4  }
0x9b: {  	v7 =	vand.u32 $0x3FFF, v7  }
0x9c: {  	[tilespmem:$0x37F0] =	vst v7  }
0x9d: {  	v7 =	vld [tilespmem:s8+$0x80];
	_ =	sdelay $0x4  }
0x9e: {  	v7 =	vand.u32 $0x3FFF, v7  }
0x9f: {  	[tilespmem:$0x3800] =	vst v7  }
0xa0: {  	v7 =	vld [tilespmem:s8+$0x90];
	_ =	sdelay $0x4  }
0xa1: {  	v7 =	vand.u32 $0x3FFF, v7  }
0xa2: {  	[tilespmem:$0x3810] =	vst v7  }
0xa3: {  	v7 =	vld [tilespmem:s8+$0xA0];
	_ =	sdelay $0x4  }
0xa4: {  	v7 =	vand.u32 $0x3FFF, v7  }
0xa5: {  	[tilespmem:$0x3820] =	vst v7  }
0xa6: {  	v7 =	vld [tilespmem:s8+$0xB0];
	_ =	sdelay $0x4  }
0xa7: {  	v7 =	vand.u32 $0x3FFF, v7  }
0xa8: {  	[tilespmem:$0x3830] =	vst v7  }
0xa9: {  	v7 =	vld [tilespmem:s8+$0xC0];
	_ =	sdelay $0x4  }
0xaa: {  	v7 =	vand.u32 $0x3FFF, v7  }
0xab: {  	[tilespmem:$0x3840] =	vst v7  }
0xac: {  	v7 =	vld [tilespmem:s8+$0xD0];
	_ =	sdelay $0x4  }
0xad: {  	v7 =	vand.u32 $0x3FFF, v7  }
0xae: {  	[tilespmem:$0x3850] =	vst v7  }
0xaf: {  	v7 =	vld [tilespmem:s8+$0xE0];
	_ =	sdelay $0x4  }
0xb0: {  	v7 =	vand.u32 $0x3FFF, v7  }
0xb1: {  	[tilespmem:$0x3860] =	vst v7  }
0xb2: {  	v7 =	vld [tilespmem:s8+$0xF0];
	_ =	sdelay $0x4  }
0xb3: {  	v7 =	vand.u32 $0x3FFF, v7  }
0xb4: {  	[tilespmem:$0x3870] =	vst v7  }
0xb5: {  	v7 =	vld [tilespmem:s8+$0x100];
	_ =	sdelay $0x4  }
0xb6: {  	v7 =	vand.u32 $0x3FFF, v7  }
0xb7: {  	[tilespmem:$0x3880] =	vst v7  }
0xb8: {  	v7 =	vld [tilespmem:s8+$0x110];
	_ =	sdelay $0x4  }
0xb9: {  	v7 =	vand.u32 $0x3FFF, v7  }
0xba: {  	[tilespmem:$0x3890] =	vst v7  }
0xbb: {  	v7 =	vld [tilespmem:s8+$0x120];
	_ =	sdelay $0x4  }
0xbc: {  	v7 =	vand.u32 $0x3FFF, v7  }
0xbd: {  	[tilespmem:$0x38A0] =	vst v7  }
0xbe: {  	v7 =	vld [tilespmem:s8+$0x130];
	_ =	sdelay $0x4  }
0xbf: {  	v7 =	vand.u32 $0x3FFF, v7  }
0xc0: {  	[tilespmem:$0x38B0] =	vst v7  }
0xc1: {  	[tilespmem:s31], [sflag:$0x1] =	stream.indirect.gather [hbm4b:s2+s1], $0x80, s7, s1, $0xb8;
	[tilespmem:$0x1F500] =	vst v63  }
0xc2: {  	s20 =	simm.s32 $0x37C0;
	s10 =	simm.s32 $0x9C00;
	s11 =	simm.s32 $0x1  }
0xc3: {  	[tilespmem:s10], [sflag:$0x2] =	stream.indirect.gather [hbm4b:s2+s1], $0x80, s20, s1, $0xb8;
	[tilespmem:$0x1F500] =	vst v63  }
0xc4: {  	_ =	swait.ge [sflag:s11], $0x2000  }
0xc5: {  	[sflag:s11] =	ssyncset.done $0x0  }
0xc6: {  	s18 =	simm.s32 $0x0;
	s21 =	rddreg [dreg:$0x6];
	[sflag:s11] =	ssyncadd.s32 $0xFFFFE000  }
0xc7: {  	[hbm4b:s21+s18] =	stream.linear.scatter [tilespmem:s31], [sflag:$0x3], $0x2000, $0x38;
	[tilespmem:$0x1F500] =	vst v63  }
0xc8: {  	_ =	swait.ge [sflag:s30], $0x2000  }
0xc9: {  	[sflag:s30] =	ssyncset.done $0x0  }
0xca: {  	s22 =	simm.s32 $0x3800;
	[sflag:s30] =	ssyncadd.s32 $0xFFFFE000  }
0xcb: {  	[tilespmem:s31], [sflag:$0x1] =	stream.indirect.gather [hbm4b:s2+s1], $0x80, s22, s1, $0xb8;
	[tilespmem:$0x1F500] =	vst v63  }
0xcc: {  	_ =	swait.ge [sflag:s0], $0x2000  }
0xcd: {  	[sflag:s0] =	ssyncset.done $0x0  }
0xce: {  	s23 =	rddreg [dreg:$0x7];
	[sflag:s0] =	ssyncadd.s32 $0xFFFFE000  }
0xcf: {  	[hbm4b:s23+s18] =	stream.linear.scatter [tilespmem:s10], [sflag:$0x3], $0x2000, $0x38;
	[tilespmem:$0x1F500] =	vst v63  }
0xd0: {  	_ =	swait.ge [sflag:s30], $0x2000  }
0xd1: {  	[sflag:s30] =	ssyncset.done $0x0  }
0xd2: {  	s24 =	simm.s32 $0x3840;
	[sflag:s30] =	ssyncadd.s32 $0xFFFFE000  }
0xd3: {  	[tilespmem:s10], [sflag:$0x2] =	stream.indirect.gather [hbm4b:s2+s1], $0x80, s24, s1, $0xb8;
	[tilespmem:$0x1F500] =	vst v63  }
0xd4: {  	_ =	swait.ge [sflag:s11], $0x2000  }
0xd5: {  	[sflag:s11] =	ssyncset.done $0x0  }
0xd6: {  	s25 =	rddreg [dreg:$0x8];
	[sflag:s11] =	ssyncadd.s32 $0xFFFFE000  }
0xd7: {  	[hbm4b:s25+s18] =	stream.linear.scatter [tilespmem:s31], [sflag:$0x3], $0x2000, $0x38;
	[tilespmem:$0x1F500] =	vst v63  }
0xd8: {  	_ =	swait.ge [sflag:s30], $0x2000  }
0xd9: {  	[sflag:s30] =	ssyncset.done $0x0  }
0xda: {  	s26 =	simm.s32 $0x3880;
	[sflag:s30] =	ssyncadd.s32 $0xFFFFE000  }
0xdb: {  	[tilespmem:s31], [sflag:$0x1] =	stream.indirect.gather [hbm4b:s2+s1], $0x80, s26, s1, $0xb8;
	[tilespmem:$0x1F500] =	vst v63  }
0xdc: {  	_ =	swait.ge [sflag:s0], $0x2000  }
0xdd: {  	[sflag:s0] =	ssyncset.done $0x0  }
0xde: {  	s28 =	rddreg [dreg:$0x9];
	[sflag:s0] =	ssyncadd.s32 $0xFFFFE000  }
0xdf: {  	[hbm4b:s28+s18] =	stream.linear.scatter [tilespmem:s10], [sflag:$0x3], $0x2000, $0x38;
	[tilespmem:$0x1F500] =	vst v63  }
0xe0: {  	_ =	swait.ge [sflag:s30], $0x2000  }
0xe1: {  	[sflag:s30] =	ssyncset.done $0x0  }
0xe2: {  	[sflag:s30] =	ssyncadd.s32 $0xFFFFE000  }
0xe3: {  	_ =	swait.ge [sflag:s11], $0x2000  }
0xe4: {  	[sflag:s11] =	ssyncset.done $0x0  }
0xe5: {  	s29 =	rddreg [dreg:$0xa];
	[sflag:s11] =	ssyncadd.s32 $0xFFFFE000  }
0xe6: {  	[hbm4b:s29+s18] =	stream.linear.scatter [tilespmem:s31], [sflag:$0x3], $0x2000, $0x38;
	[tilespmem:$0x1F500] =	vst v63  }
.Ltmp4:
0xe7: {  	_ =	swait.ge [sflag:s30], $0x2000;
	(pc) =	sbr.rel .LBB2_6-.Ltmp4, $4  }
0xe8: {  	[sflag:s30] =	ssyncset.done $0x0  }
0xe9: {  	[sflag:s30] =	ssyncadd.s32 $0xFFFFE000  }
0xea: {  	[bflag:$0x0] =	sbarrier.arrive $0xFFFF  }
0xeb: {  	s19 =	simm.s32 $0x0  }
.LBB2_12:
0xec: {  	_ = 	snop  }
.LBB2_17:
0xed: {  	p2 =	seq.s32 s9, $0x1;
	p3 =	por p3, !p1  }
0xee: {  	p0 =	por p0, !p1;
	s9 =	simm.s32 @p2 $0x2;
	[sflag:s29] =	ssyncadd.s32 @!p3 $0xFFFFE000  }
0xef: {  	[tilespmem:s26], [sflag:$0x1] =	stream.indirect.gather @!p0 [hbm4b:s2+s25], $0x80, s24, s25, $0xb8;
	[tilespmem:$0x1F500] =	vst v63  }
0xf0: {  	_ =	swait.ge @p2 [sflag:s9], $0x2000  }
0xf1: {  	s10 =	simm.s32 @p2 $0x3;
	[sflag:s9] =	ssyncset.done @p2 $0x0  }
0xf2: {  	s11 =	simm.s32 @p2 $0x9C00;
	[sflag:s9] =	ssyncadd.s32 @p2 $0xFFFFE000;
	s9 =	simm.s32 @p2 $0x40  }
0xf3: {  	[spmem:s3] =	stream.indirect.scatter.add.f32 @p2 [tilespmem:s11], [sflag:$0x3], $0x80, s21, s9, $0xb8;
	[tilespmem:$0x1F500] =	vst v63  }
0xf4: {  	p0 =	sge.s32 @p2 s23, s20;
	_ =	swait.ge @p2 [sflag:s10], $0x2000  }
0xf5: {  	p0 =	por p0, !p2;
	s9 =	simm.s32 @!p2 $0x1;
	[sflag:s10] =	ssyncset.done @p2 $0x0  }
0xf6: {  	s11 =	simm.s32 @!p0 $0x9C00;
	[sflag:s10] =	ssyncadd.s32 @p2 $0xFFFFE000;
	s10 =	simm.s32 @!p0 $0x40  }
0xf7: {  	[tilespmem:s11], [sflag:$0x2] =	stream.indirect.gather @!p0 [hbm4b:s2+s10], $0x80, s28, s10, $0xb8;
	[tilespmem:$0x1F500] =	vst v63  }
0xf8: {  	_ =	swait.ge @!p2 [sflag:s9], $0x2000  }
0xf9: {  	s10 =	simm.s32 @!p2 $0x3;
	[sflag:s9] =	ssyncset.done @!p2 $0x0  }
0xfa: {  	s11 =	simm.s32 @!p2 $0x7C00;
	[sflag:s9] =	ssyncadd.s32 @!p2 $0xFFFFE000;
	s9 =	simm.s32 @!p2 $0x40  }
0xfb: {  	[spmem:s3] =	stream.indirect.scatter.add.f32 @!p2 [tilespmem:s11], [sflag:$0x3], $0x80, s21, s9, $0xb8;
	[tilespmem:$0x1F500] =	vst v63  }
0xfc: {  	p1 =	por p2, p2;
	p0 =	sge.s32 @!p2 s23, s20;
	_ =	swait.ge @!p2 [sflag:s10], $0x2000  }
0xfd: {  	p0 =	por p0, p2;
	[sflag:s10] =	ssyncset.done @!p1 $0x0  }
0xfe: {  	s9 =	simm.s32 @!p0 $0x40;
	s11 =	simm.s32 @!p0 $0x7C00;
	[sflag:s10] =	ssyncadd.s32 @!p1 $0xFFFFE000  }
0xff: {  	[tilespmem:s11], [sflag:$0x1] =	stream.indirect.gather @!p0 [hbm4b:s2+s9], $0x80, s28, s9, $0xb8;
	[tilespmem:$0x1F500] =	vst v63  }
.LBB2_18:
0x100: {  	s19 =	sadd.s32 $0x1, s19  }
0x101: {  	p0 =	sne.s32 s19, $0xA  }
.Ltmp5:
0x102: {  	_ = 	snop;
	(pc) =	sbr.rel @!p0 .LBB2_19-.Ltmp5, $1  }
0x103: {  	_ =	sdelay $0x3  }
.LBB2_6:
0x104: {  	s9 =	smul.u32 $0x7D0, s19;
	_ =	sdelay $0x1  }
0x105: {  	s9 =	sadd.s32 s15, s9  }
0x106: {  	s9 =	sshrl.u32 s9, $0x3  }
0x107: {  	s20 =	sadd.s32 s5, s9  }
0x108: {  	[tilespmem:s12], [sflag:$0x3] =	stream.linear.gather [hbm4b:s20+s4], $0x7D0, $0x38;
	[tilespmem:$0x1F500] =	vst v63  }
0x109: {  	_ =	swait.ge [sflag:s30], $0x7D0  }
0x10a: {  	[sflag:s30] =	ssyncset.done $0x0  }
0x10b: {  	s9 =	sadd.s32 s6, s9;
	[sflag:s30] =	ssyncadd.s32 $0xFFFFF830  }
0x10c: {  	[tilespmem:s13], [sflag:$0x3] =	stream.linear.gather [hbm4b:s9+s4], $0x7D0, $0x38;
	[tilespmem:$0x1F500] =	vst v63  }
0x10d: {  	_ =	swait.ge [sflag:s30], $0x7D0  }
0x10e: {  	[sflag:s30] =	ssyncset.done $0x0  }
0x10f: {  	s29 =	simm.s32 $0x2FC0;
	[sflag:s30] =	ssyncadd.s32 $0xFFFFF830  }
0x110: {  	v16 =	vld [tilespmem:s29+$0xFFFFFFD0]  }
0x111: {  	v14 =	vld [tilespmem:s29+$0x30]  }
0x112: {  	v8 =	vld [tilespmem:s29+$0xFFFFFFE0]  }
0x113: {  	s20 =	simm.s32 $0x27C0;
	v9 =	vld [tilespmem:s29+$0xFFFFFFC0]  }
0x114: {  	v13 =	vld [tilespmem:s20+$0xFFFFFFD0]  }
0x115: {  	v20 =	vld [tilespmem:s29+$0x0]  }
0x116: {  	v10 =	vld [tilespmem:s20+$0xFFFFFFC0]  }
0x117: {  	v25 =	vld [tilespmem:s29+$0x20]  }
0x118: {  	v28 =	vld [tilespmem:s29+$0xFFFFFFF0]  }
0x119: {  	v12 =	vld [tilespmem:s20+$0x0]  }
0x11a: {  	v18 =	vld [tilespmem:s20+$0xFFFFFFE0]  }
0x11b: {  	v7 =	vimm.s32 $0x0;
	v17 =	vld [tilespmem:s29+$0x10];
	vm0 =	vgt.s32 v9, $0x1387;
	vm2 =	vgt.s32 v20, $0x1387  }
0x11c: {  	v19 =	vld [tilespmem:s20+$0x10];
	v21 =	vsub.s32 v9, v1;
	vm4 =	vgt.s32 v8, $0x1387;
	v38 =	vsub.s32 v16, v1  }
0x11d: {  	v22 =	vld [tilespmem:s20+$0x20];
	v57 =	vsub.s32 v28, v1;
	v11 =	vsel vm0, $0x1, v4;
	vm0 =	vgt.s32 v16, $0x1387  }
0x11e: {  	v15 =	vsel vm2, $0x1, v4;
	vm2 =	vgt.s32 v25, $0x1387;
	vm1 =	veq.s32 v0, v11  }
0x11f: {  	v11 =	vsel vm0, $0x1, v4;
	vm0 =	veq.s32 v0, v15;
	v15 =	vsel vm2, $0x1, v4;
	v23 =	vld.idx.msk [tilespmem:v9+s18+$0x0], $0xffff  }
0x120: {  	vm2 =	vgt.s32 v17, $0x1387;
	vm7 =	veq.s32 v0, v11;
	v24 =	vsel vm0, $0x1, v4;
	v11 =	vld.idx.msk [tilespmem:v10+s18+$0x0], $0xffff  }
0x121: {  	v26 =	vmpcnt.ones.xlane vm0;
	v27 =	vsel vm2, $0x1, v4;
	v9 =	vsub.s32 v25, v1;
	v31 =	vld.idx.msk [tilespmem:v12+s18+$0x0], $0xffff  }
0x122: {  	vm2 =	vgt.s32 v14, $0x1387;
	vm5 =	veq.s32 v0, v15;
	v12 =	vld.idx.msk [tilespmem:v18+s18+$0x0], $0xffff;
	(xrf0) =	vadd.scan.msk.s32 $0xffff, v24;
	v10 =	vsel vm7, $0x1, v4  }
0x123: {  	v15 =	vsub.s32 v8, v1;
	v18 =	vmpcnt.ones.xlane vm1;
	v40 =	vld.idx.msk [tilespmem:v13+s18+$0x0], $0xffff;
	v13 =	vsub.s32 v20, v1;
	(xrf0) =	vadd.scan.msk.s32 $0xffff, v10  }
0x124: {  	v34 =	vld.idx.msk [tilespmem:v19+s18+$0x0], $0xffff;
	vm3 =	veq.s32 v0, v27;
	v24 =	vsel vm4, $0x1, v4;
	v27 =	vsel vm1, $0x1, v4  }
0x125: {  	v37 =	vld.idx.msk [tilespmem:v22+s18+$0x0], $0xffff;
	v32 =	vmpcnt.ones.xlane vm7;
	vm4 =	vgt.s32 v28, $0x1387;
	v35 =	vmpcnt.ones.xlane vm5  }
0x126: {  	v16 =	vld.idx.msk [tilespmem:v16+s18+$0x0], $0xffff;
	v29 =	vsel vm3, $0x1, v4;
	vm6 =	veq.s32 v0, v24;
	v10 =	vsub.s32 v17, v1  }
0x127: {  	v20 =	vld.idx.msk [tilespmem:v20+s18+$0x0], $0xffff;
	v24 =	vsel vm2, $0x1, v4;
	v18 =	vadd.s32 v7, v18;
	v22 =	vsel vm4, $0x1, v4  }
0x128: {  	v30 =	vld [tilespmem:s20+$0xFFFFFFF0];
	vm2 =	veq.s32 v0, v24;
	v19 =	vmpcnt.ones.xlane vm6;
	vm4 =	veq.s32 v0, v22;
	v36, _, _ =	vpop (xrf0)  }
0x129: {  	v33 =	vld.idx.msk [tilespmem:v8+s18+$0x0], $0xffff;
	v22 =	vmpcnt.ones.xlane vm4;
	v42 =	vmpcnt.ones.xlane vm2;
	v8 =	vxor.u32 v11, v23;
	v23, _, _ =	vpop (xrf0)  }
0x12a: {  	v25 =	vld.idx.msk [tilespmem:v25+s18+$0x0], $0xffff;
	(xrf0) =	vadd.scan.msk.s32 $0xffff, v27;
	v27 =	vadd.s32 v18, v32;
	v39 =	vadd.s32 v23, v18;
	v18 =	vsel vm5, $0x1, v4  }
0x12b: {  	v56 =	vsel vm4, $0x1, v4;
	v44 =	vxor.u32 v40, v16;
	v55 =	vand.u32 $0x3FFF, v34;
	(xrf0) =	vadd.scan.msk.s32 $0xffff, v18  }
0x12c: {  	v24 =	vld.idx.msk [tilespmem:v17+s18+$0x0], $0xffff;
	v20 =	vxor.u32 v31, v20;
	vm8 =	vlt.u32 v8, $0x40000000;
	v23 =	vsel vm2, $0x1, v4;
	(xrf0) =	vadd.scan.msk.s32 $0xffff, v29  }
0x12d: {  	v8 =	vsub.s32 v14, v1;
	v41 =	vadd.s32 v27, v19;
	v29 =	vsel vm6, $0x1, v4;
	(xrf0) =	vadd.scan.msk.s32 $0xffff, v23  }
0x12e: {  	vm9 =	vlt.u32 v44, $0x40000000;
	(xrf0) =	vadd.scan.msk.s32 $0xffff, v29;
	v29 =	vadd.s32 v41, v22;
	v22 =	vmpcnt.ones.xlane vm3  }
0x12f: {  	vm11 =	vlt.u32 v20, $0x40000000;
	v20 =	vxor.u32 v37, v25;
	v17 =	vsel vm8, $0x1388, v4  }
0x130: {  	v52 =	vsel vm8, $0x1400, v4;
	v19 =	vand.u32 $0x3FFF, v31;
	v17 =	vadd.s32 v21, v17  }
0x131: {  	v43 =	vld.idx.msk [tilespmem:v28+s18+$0x0], $0xffff;
	v54 =	vxor.u32 v34, v24;
	v18 =	vxor.u32 v12, v33;
	v23, _, _ =	vpop (xrf0);
	v26 =	vadd.s32 v29, v26  }
0x132: {  	v16 =	vld.idx.msk [tilespmem:v30+s18+$0x0], $0xffff;
	v32 =	vadd.s32 v21, v52;
	vm8 =	vlt.u32 v18, $0x40000000;
	v46 =	vadd.s32 v26, v22;
	v22, _, _ =	vpop (xrf0)  }
0x133: {  	v18 =	vand.u32 $0x3FFF, v37;
	v37 =	vld.idx.msk [tilespmem:v14+s18+$0x0], $0xffff;
	v14 =	vsel vm9, $0x1388, v4;
	v53 =	vsel vm8, $0x1400, v4;
	v24, _, _ =	vpop (xrf0)  }
0x134: {  	v45 =	vadd.s32 v15, v53;
	v22 =	vadd.s32 v22, v46;
	v21 =	vadd.s32 v24, v26;
	v47, _, _ =	vpop (xrf0)  }
0x135: {  	v49 =	vld [tilespmem:s20+$0x30];
	v29 =	vadd.s32 v36, v29;
	v22 =	vadd.s32 $0xFFFFFFFF, v22;
	v24 =	vadd.s32 $0xFFFFFFFF, v21;
	v30, _, _ =	vpop (xrf0)  }
0x136: {  	v26 =	vshll.u32 v22, $0x1;
	v30 =	vadd.s32 v30, v27;
	v27 =	vshll.u32 v24, $0x1  }
0x137: {  	v48 =	vand.u32 $0xFFFFFF80, v26;
	v26 =	vand.u32 $0xFFFFFF80, v27;
	v27 =	vxor.u32 v16, v43  }
0x138: {  	(xrf0) =	vadd.scan.msk.s32 $0xffff, v56;
	vm10 =	vlt.u32 v27, $0x40000000;
	v27 =	vadd.s32 $0xFFFFFFFF, v29;
	v29 =	vsel vm9, $0x1400, v4  }
0x139: {  	v33 =	vsel vm8, $0x1388, v4;
	v28 =	vsel vm10, $0x1400, v4;
	v25 =	vadd.s32 v38, v29  }
0x13a: {  	vm8 =	vlt.u32 v54, $0x40000000;
	v29 =	vsel vm11, $0x1400, v4;
	v58 =	vadd.s32 v57, v28  }
0x13b: {  	[tilespmem:v32+s14+$0x0] =	vst.idx.add.f32.msk vm1, v5;
	v21 =	vand.u32 $0x3F, v22;
	v28 =	vsel vm8, $0x1400, v4;
	v60 =	vadd.s32 v13, v29  }
0x13c: {  	v32 =	vsel vm11, $0x1388, v4;
	[tilespmem:v45+s14+$0x0] =	vst.idx.add.f32.msk vm6, v5;
	v21 =	vor.u32 v21, v48;
	v59 =	vadd.s32 v10, v28  }
0x13d: {  	v31 =	vshll.u32 v27, $0x1;
	v38 =	vadd.s32 v38, v14;
	v63 =	vsel vm10, $0x1388, v4;
	v29 =	vld.idx.msk [tilespmem:v49+s18+$0x0], $0xffff  }
0x13e: {  	v61, _, _ =	vpop (xrf0);
	v28 =	vsel vm8, $0x1388, v4;
	vm8 =	vlt.u32 v20, $0x40000000;
	v20 =	vadd.s32 $0xFFFFFFFF, v39;
	[tilespmem:v25+s14+$0x0] =	vst.idx.add.f32.msk vm7, v5  }
0x13f: {  	v34 =	vand.u32 $0xFFFFFF80, v31;
	v31 =	vadd.s32 v46, v35;
	v35 =	vadd.s32 v61, v41;
	[tilespmem:v58+s14+$0x0] =	vst.idx.add.f32.msk vm4, v5  }
0x140: {  	v41 =	vand.u32 $0x3FFF, v40;
	v36 =	vadd.s32 v47, v31;
	v62 =	vshll.u32 v20, $0x1;
	[tilespmem:v60+s14+$0x0] =	vst.idx.add.f32.msk vm0, v5  }
0x141: {  	v14 =	vadd.s32 v31, v42;
	v31 =	vand.u32 $0xFFFFFF80, v62;
	v25 =	vand.u32 $0x3F, v20;
	[tilespmem:v59+s14+$0x0] =	vst.idx.add.f32.msk vm3, v5  }
0x142: {  	s22 =	simm.s32 $0x0;
	s23 =	simm.s32 $0x3040;
	v39 =	vsel vm8, $0x1400, v4;
	v40 =	vor.u32 v25, v31;
	v25 =	vadd.s32 v57, v63;
	[tilespmem:v24+s7+$0x0] =	vst.idx.msk vm3, v55  }
.LBB2_7:
0x143: {  	v31 =	vld [tilespmem:s23+$0xFFFFFFD0];
	s22 =	sadd.s32 $0x8, s22;
	v23 =	vadd.s32 v23, v7;
	[tilespmem:v20+s7+$0x0] =	vst.idx.msk vm7, v41;
	v33 =	vadd.s32 v15, v33;
	s20 =	sadd.s32 $0x80, s20;
	v7 =	vmov v14  }
0x144: {  	v39 =	vadd.s32 v9, v39;
	v20 =	vld [tilespmem:s23+$0x30];
	p0 =	slt.u32 s22, $0x70;
	v41 =	vadd.s32 $0xFFFFFFFF, v23;
	v23 =	vxor.u32 v29, v37  }
0x145: {  	v11 =	vand.u32 $0x3FFF, v11;
	v15 =	vld [tilespmem:s23+$0xFFFFFFE0];
	v37 =	vshll.u32 v41, $0x1;
	vm9 =	vlt.u32 v23, $0x40000000  }
0x146: {  	v30 =	vadd.s32 $0xFFFFFFFF, v30;
	v42 =	vand.u32 $0x3F, v41;
	v23 =	vld [tilespmem:s20+$0xFFFFFFD0];
	v37 =	vand.u32 $0xFFFFFF80, v37  }
0x147: {  	v43 =	vld [tilespmem:s20+$0x0];
	v37 =	vor.u32 v42, v37;
	[tilespmem:v40+s16+$0x0] =	vst.idx.msk vm7, v38;
	v38 =	vand.u32 $0x3F, v30;
	v40 =	vshll.u32 v30, $0x1  }
0x148: {  	v42 =	vld [tilespmem:s20+$0xFFFFFFC0];
	v40 =	vand.u32 $0xFFFFFF80, v40;
	[tilespmem:v27+s7+$0x0] =	vst.idx.msk vm0, v19;
	v19 =	vand.u32 $0x3F, v24;
	v24 =	vsel vm9, $0x1400, v4  }
0x149: {  	v44 =	vld [tilespmem:s20+$0xFFFFFFE0];
	[tilespmem:v41+s7+$0x0] =	vst.idx.msk vm1, v11;
	v11 =	vor.u32 v38, v40;
	v19 =	vor.u32 v19, v26;
	v26 =	vsel vm8, $0x1388, v4  }
0x14a: {  	v12 =	vand.u32 $0x3FFF, v12;
	v9 =	vadd.s32 v9, v26;
	[tilespmem:v39+s14+$0x0] =	vst.idx.add.f32.msk vm5, v5;
	v26 =	vadd.s32 v8, v24  }
0x14b: {  	v38 =	vld [tilespmem:s23+$0xFFFFFFC0];
	[tilespmem:v30+s7+$0x0] =	vst.idx.msk vm6, v12;
	v12 =	vadd.s32 v13, v32;
	v13 =	vand.u32 $0x3F, v27;
	v30 =	vsel vm9, $0x1388, v4  }
0x14c: {  	v32 =	vld [tilespmem:s20+$0x10];
	[tilespmem:v37+s16+$0x0] =	vst.idx.msk vm1, v17;
	v13 =	vor.u32 v13, v34  }
0x14d: {  	v10 =	vadd.s32 v10, v28;
	v17 =	vand.u32 $0x3FFF, v29;
	v24 =	vld [tilespmem:s20+$0xFFFFFFF0];
	[tilespmem:v22+s7+$0x0] =	vst.idx.msk vm5, v18  }
0x14e: {  	v22 =	vadd.s32 $0xFFFFFFFF, v36;
	v18 =	vld [tilespmem:s23+$0x0];
	[tilespmem:v11+s16+$0x0] =	vst.idx.msk vm6, v33;
	v11 =	vand.u32 $0x3FFF, v16;
	v16 =	vadd.s32 $0xFFFFFFFF, v35  }
0x14f: {  	s21 =	simm.s32 $0x0;
	v27 =	vld [tilespmem:s23+$0x20];
	v28 =	vshll.u32 v16, $0x1;
	[tilespmem:v19+s16+$0x0] =	vst.idx.msk vm3, v10;
	v10 =	vand.u32 $0x3F, v22;
	v19 =	vshll.u32 v22, $0x1  }
0x150: {  	v29 =	vand.u32 $0x3F, v16;
	vm1 =	vgt.s32 v38, $0x1387;
	v33 =	vld [tilespmem:s20+$0x20];
	[tilespmem:v21+s16+$0x0] =	vst.idx.msk vm5, v9;
	v9 =	vand.u32 $0xFFFFFF80, v19  }
0x151: {  	v8 =	vadd.s32 v8, v30;
	v19 =	vsel vm1, $0x1, v4;
	v21 =	vld [tilespmem:s23+$0x10];
	[tilespmem:v13+s16+$0x0] =	vst.idx.msk vm0, v12;
	v9 =	vor.u32 v10, v9  }
0x152: {  	v30 =	vsub.s32 v38, v1;
	v10 =	vand.u32 $0xFFFFFF80, v28;
	vm1 =	veq.s32 v0, v19;
	[tilespmem:v26+s14+$0x0] =	vst.idx.add.f32.msk vm2, v5  }
0x153: {  	vm0 =	vgt.s32 v31, $0x1387;
	v10 =	vor.u32 v29, v10;
	v28 =	vld.idx.msk [tilespmem:v43+s21+$0x0], $0xffff;
	vm3 =	vgt.s32 v18, $0x1387;
	[tilespmem:v16+s7+$0x0] =	vst.idx.msk vm4, v11  }
0x154: {  	v11 =	vsel vm0, $0x1, v4;
	v12 =	vsel vm3, $0x1, v4;
	v29 =	vld.idx.msk [tilespmem:v32+s21+$0x0], $0xffff;
	vm3 =	vgt.s32 v27, $0x1387;
	[tilespmem:v22+s7+$0x0] =	vst.idx.msk vm2, v17  }
0x155: {  	vm7 =	veq.s32 v0, v11;
	v13 =	vld.idx.msk [tilespmem:v38+s21+$0x0], $0xffff;
	vm0 =	veq.s32 v0, v12;
	v12 =	vsel vm3, $0x1, v4  }
0x156: {  	v11 =	vld.idx.msk [tilespmem:v42+s21+$0x0], $0xffff;
	v16 =	vsel vm0, $0x1, v4;
	v22 =	vmpcnt.ones.xlane vm0;
	vm3 =	vgt.s32 v21, $0x1387;
	[tilespmem:v9+s16+$0x0] =	vst.idx.msk vm2, v8  }
0x157: {  	vm2 =	vgt.s32 v15, $0x1387;
	v9 =	vsub.s32 v27, v1;
	v34 =	vld [tilespmem:s23+$0xFFFFFFF0];
	v8 =	vsel vm3, $0x1, v4;
	(xrf0) =	vadd.scan.msk.s32 $0xffff, v16  }
0x158: {  	v16 =	vsel vm7, $0x1, v4;
	v17 =	vsel vm2, $0x1, v4;
	vm3 =	veq.s32 v0, v8;
	v32 =	vld.idx.msk [tilespmem:v33+s21+$0x0], $0xffff;
	[tilespmem:v10+s16+$0x0] =	vst.idx.msk vm4, v25  }
0x159: {  	vm2 =	vgt.s32 v20, $0x1387;
	v8 =	vsel vm1, $0x1, v4;
	v26 =	vld.idx.msk [tilespmem:v21+s21+$0x0], $0xffff;
	v19 =	vsel vm3, $0x1, v4;
	(xrf0) =	vadd.scan.msk.s32 $0xffff, v16  }
0x15a: {  	vm6 =	veq.s32 v0, v17;
	v10 =	vsub.s32 v21, v1;
	v17 =	vsel vm2, $0x1, v4;
	v16 =	vld.idx.msk [tilespmem:v15+s21+$0x0], $0xffff;
	(xrf0) =	vadd.scan.msk.s32 $0xffff, v8  }
0x15b: {  	vm5 =	veq.s32 v0, v12;
	v21 =	vmpcnt.ones.xlane vm7;
	v35 =	vld.idx.msk [tilespmem:v18+s21+$0x0], $0xffff  }
0x15c: {  	v36 =	vmpcnt.ones.xlane vm5;
	v15 =	vsub.s32 v15, v1;
	v12 =	vld.idx.msk [tilespmem:v44+s21+$0x0], $0xffff;
	vm4 =	vgt.s32 v34, $0x1387  }
0x15d: {  	v38 =	vsub.s32 v31, v1;
	v8 =	vxor.u32 v11, v13;
	v13 =	vmpcnt.ones.xlane vm1;
	v25 =	vld.idx.msk [tilespmem:v23+s21+$0x0], $0xffff;
	v37, _, _ =	vpop (xrf0)  }
0x15e: {  	vm2 =	veq.s32 v0, v17;
	vm8 =	vlt.u32 v8, $0x40000000;
	v8 =	vsub.s32 v20, v1  }
0x15f: {  	v13 =	vadd.s32 v14, v13;
	v14 =	vmpcnt.ones.xlane vm6;
	v17 =	vsel vm4, $0x1, v4;
	v23, _, _ =	vpop (xrf0)  }
0x160: {  	v33 =	vsel vm5, $0x1, v4;
	v21 =	vadd.s32 v13, v21;
	v31 =	vld.idx.msk [tilespmem:v31+s21+$0x0], $0xffff;
	v39 =	vadd.s32 v23, v13;
	v23, _, _ =	vpop (xrf0)  }
0x161: {  	vm4 =	veq.s32 v0, v17;
	v14 =	vadd.s32 v21, v14;
	v13 =	vsub.s32 v18, v1;
	(xrf0) =	vadd.scan.msk.s32 $0xffff, v33  }
0x162: {  	v17 =	vsel vm2, $0x1, v4;
	v18 =	vmpcnt.ones.xlane vm4;
	v16 =	vxor.u32 v12, v16;
	(xrf0) =	vadd.scan.msk.s32 $0xffff, v19  }
0x163: {  	v40 =	vsel vm6, $0x1, v4;
	v33 =	vsel vm8, $0x1388, v4;
	v19 =	vand.u32 $0x3FFF, v28;
	(xrf0) =	vadd.scan.msk.s32 $0xffff, v17  }
0x164: {  	v42 =	vmpcnt.ones.xlane vm2;
	v41 =	vsel vm8, $0x1400, v4;
	vm8 =	vlt.u32 v16, $0x40000000;
	(xrf0) =	vadd.scan.msk.s32 $0xffff, v40  }
0x165: {  	v17 =	vadd.s32 v30, v33;
	v33 =	vmpcnt.ones.xlane vm3;
	v40 =	vadd.s32 v14, v18  }
0x166: {  	v16 =	vsel vm8, $0x1400, v4;
	v18 =	vand.u32 $0x3FFF, v32;
	v22 =	vadd.s32 v40, v22;
	v43 =	vld.idx.msk [tilespmem:v34+s21+$0x0], $0xffff  }
0x167: {  	v44 =	vadd.s32 v15, v16;
	v31 =	vxor.u32 v25, v31;
	v45 =	vadd.s32 v22, v33;
	v16 =	vld.idx.msk [tilespmem:v24+s21+$0x0], $0xffff;
	v24, _, _ =	vpop (xrf0)  }
0x168: {  	vm9 =	vlt.u32 v31, $0x40000000;
	v31 =	vxor.u32 v29, v26;
	v24 =	vadd.s32 v24, v45;
	v26, _, _ =	vpop (xrf0)  }
0x169: {  	v41 =	vadd.s32 v30, v41;
	v26 =	vadd.s32 v26, v22;
	v22 =	vadd.s32 $0xFFFFFFFF, v24;
	v46, _, _ =	vpop (xrf0)  }
0x16a: {  	v24 =	vadd.s32 $0xFFFFFFFF, v26;
	v47 =	vand.u32 $0x3F, v22;
	v26 =	vshll.u32 v22, $0x1;
	v30, _, _ =	vpop (xrf0)  }
0x16b: {  	v30 =	vadd.s32 v30, v21;
	v21 =	vshll.u32 v24, $0x1;
	v48 =	vand.u32 $0xFFFFFF80, v26;
	v49 =	vld [tilespmem:s20+$0x30]  }
0x16c: {  	v33 =	vsel vm8, $0x1388, v4;
	v26 =	vand.u32 $0xFFFFFF80, v21;
	v50 =	vld.idx.msk [tilespmem:v27+s21+$0x0], $0xffff;
	v21 =	vor.u32 v47, v48  }
0x16d: {  	v37 =	vadd.s32 v37, v40;
	v40 =	vand.u32 $0x3FFF, v29;
	v27 =	vxor.u32 v16, v43;
	[tilespmem:v44+s14+$0x0] =	vst.idx.add.f32.msk vm6, v5  }
0x16e: {  	v29 =	vsel vm4, $0x1, v4;
	vm10 =	vlt.u32 v27, $0x40000000;
	v27 =	vadd.s32 $0xFFFFFFFF, v37;
	[tilespmem:v41+s14+$0x0] =	vst.idx.add.f32.msk vm1, v5  }
0x16f: {  	vm8 =	vlt.u32 v31, $0x40000000;
	v43 =	vsub.s32 v34, v1;
	v34 =	vsel vm10, $0x1400, v4;
	(xrf0) =	vadd.scan.msk.s32 $0xffff, v29  }
0x170: {  	v29 =	vsel vm9, $0x1400, v4;
	v31 =	vadd.s32 v43, v34;
	v34 =	vsel vm8, $0x1400, v4  }
0x171: {  	v28 =	vxor.u32 v28, v35;
	v35 =	vshll.u32 v27, $0x1;
	v41 =	vadd.s32 v10, v34  }
0x172: {  	vm11 =	vlt.u32 v28, $0x40000000;
	v28 =	vsel vm8, $0x1388, v4;
	v44 =	vxor.u32 v32, v50  }
0x173: {  	v47 =	vadd.s32 v38, v29;
	v29 =	vsel vm11, $0x1400, v4;
	v32 =	vsel vm11, $0x1388, v4;
	v37 =	vld.idx.msk [tilespmem:v20+s21+$0x0], $0xffff  }
0x174: {  	v34 =	vand.u32 $0xFFFFFF80, v35;
	v48 =	vadd.s32 v13, v29;
	vm8 =	vlt.u32 v44, $0x40000000;
	v29 =	vld.idx.msk [tilespmem:v49+s21+$0x0], $0xffff  }
.Ltmp6:
0x175: {  	v44 =	vsel vm9, $0x1388, v4;
	v20 =	vadd.s32 $0xFFFFFFFF, v39;
	[tilespmem:v31+s14+$0x0] =	vst.idx.add.f32.msk vm4, v5;
	v31 =	vadd.s32 v45, v36;
	v35, _, _ =	vpop (xrf0);
	(pc) =	sbr.rel @p0 .LBB2_7-.Ltmp6, $4  }
0x176: {  	v39 =	vsel vm8, $0x1400, v4;
	v35 =	vadd.s32 v35, v14;
	[tilespmem:v41+s14+$0x0] =	vst.idx.add.f32.msk vm3, v5;
	v36 =	vadd.s32 v46, v31  }
0x177: {  	v38 =	vadd.s32 v38, v44;
	v41 =	vshll.u32 v20, $0x1;
	v14 =	vadd.s32 v31, v42;
	[tilespmem:v24+s7+$0x0] =	vst.idx.msk vm3, v40  }
0x178: {  	v31 =	vand.u32 $0x3F, v20;
	v42 =	vsel vm10, $0x1388, v4;
	v40 =	vand.u32 $0xFFFFFF80, v41;
	[tilespmem:v47+s14+$0x0] =	vst.idx.add.f32.msk vm7, v5  }
0x179: {  	s23 =	sadd.s32 $0x80, s23;
	v41 =	vand.u32 $0x3FFF, v25;
	v25 =	vadd.s32 v43, v42;
	v40 =	vor.u32 v31, v40;
	[tilespmem:v48+s14+$0x0] =	vst.idx.add.f32.msk vm0, v5  }
0x17a: {  	_ =	sdelay $0x1  }
0x17b: {  	v7 =	vadd.s32 v23, v7  }
0x17c: {  	v7 =	vadd.s32 $0xFFFFFFFF, v7  }
0x17d: {  	v47 =	vadd.s32 v9, v39;
	v30 =	vadd.s32 $0xFFFFFFFF, v30;
	v11 =	vand.u32 $0x3FFF, v11  }
0x17e: {  	[tilespmem:v20+s7+$0x0] =	vst.idx.msk vm7, v41;
	v51 =	vand.u32 $0x3F, v24;
	v49 =	vshll.u32 v30, $0x1;
	v31 =	vshll.u32 v7, $0x1  }
0x17f: {  	[tilespmem:v27+s7+$0x0] =	vst.idx.msk vm0, v19;
	v50 =	vand.u32 $0x3F, v30;
	v48 =	vand.u32 $0x3F, v7;
	v31 =	vand.u32 $0xFFFFFF80, v31  }
0x180: {  	[tilespmem:v40+s16+$0x0] =	vst.idx.msk vm7, v38;
	v19 =	vor.u32 v51, v26;
	v20 =	vor.u32 v48, v31;
	v31 =	vand.u32 $0xFFFFFF80, v49  }
0x181: {  	[tilespmem:v7+s7+$0x0] =	vst.idx.msk vm1, v11;
	v7 =	vor.u32 v50, v31  }
0x182: {  	v15 =	vadd.s32 v15, v33;
	v52 =	vxor.u32 v29, v37;
	v12 =	vand.u32 $0x3FFF, v12;
	[tilespmem:v47+s14+$0x0] =	vst.idx.add.f32.msk vm5, v5  }
0x183: {  	v53 =	vsel vm8, $0x1388, v4;
	vm15 =	vlt.u32 v52, $0x40000000;
	[tilespmem:v30+s7+$0x0] =	vst.idx.msk vm6, v12;
	v12 =	vand.u32 $0x3F, v27  }
0x184: {  	v10 =	vadd.s32 v10, v28;
	v54 =	vsel vm15, $0x1400, v4;
	v56 =	vor.u32 v12, v34;
	[tilespmem:v22+s7+$0x0] =	vst.idx.msk vm5, v18  }
0x185: {  	v13 =	vadd.s32 v13, v32;
	v57 =	vadd.s32 $0xFFFFFFFF, v36;
	v12 =	vadd.s32 v8, v54;
	[tilespmem:v19+s16+$0x0] =	vst.idx.msk vm3, v10  }
0x186: {  	v55 =	vadd.s32 v9, v53;
	[tilespmem:v7+s16+$0x0] =	vst.idx.msk vm6, v15;
	v7 =	vadd.s32 $0xFFFFFFFF, v35;
	v15 =	vshll.u32 v57, $0x1  }
0x187: {  	v59 =	vand.u32 $0x3F, v57;
	[tilespmem:v21+s16+$0x0] =	vst.idx.msk vm5, v55;
	v58 =	vshll.u32 v7, $0x1;
	v15 =	vand.u32 $0xFFFFFF80, v15  }
0x188: {  	[tilespmem:v20+s16+$0x0] =	vst.idx.msk vm1, v17;
	v60 =	vand.u32 $0x3F, v7;
	v61 =	vor.u32 v59, v15;
	v62 =	vand.u32 $0xFFFFFF80, v58  }
0x189: {  	[tilespmem:v56+s16+$0x0] =	vst.idx.msk vm0, v13;
	v10 =	vor.u32 v60, v62  }
0x18a: {  	[tilespmem:v12+s14+$0x0] =	vst.idx.add.f32.msk vm2, v5;
	v13 =	vand.u32 $0x3FFF, v29  }
0x18b: {  	v63 =	vand.u32 $0x3FFF, v16;
	v12 =	vsel vm15, $0x1388, v4;
	[tilespmem:v57+s7+$0x0] =	vst.idx.msk vm2, v13  }
0x18c: {  	[tilespmem:v7+s7+$0x0] =	vst.idx.msk vm4, v63;
	v7 =	vadd.s32 v8, v12  }
0x18d: {  	[tilespmem:v61+s16+$0x0] =	vst.idx.msk vm2, v7  }
0x18e: {  	[tilespmem:v10+s16+$0x0] =	vst.idx.msk vm4, v25  }
.LBB2_9:
0x18f: {  	s9 =	sshra.s32 s21, $0x2  }
0x190: {  	v7 =	vld [tilespmem:s9+$0x3700]  }
0x191: {  	v8 =	vld [tilespmem:s9+$0x2F00];
	_ =	sdelay $0x3  }
0x192: {  	vm0 =	vgt.s32 v7, $0x1387  }
0x193: {  	v9 =	vsel vm0, $0x1, v4  }
0x194: {  	vm0 =	veq.s32 v0, v9  }
0x195: {  	v9 =	vsel vm0, $0x1, v4  }
0x196: {  	v8 =	vld.idx.msk [tilespmem:v8+s4+$0x0], $0xffff;
	(xrf0) =	vadd.scan.msk.s32 $0xffff, v9  }
0x197: {  	v60 =	vld.idx.msk [tilespmem:v7+s4+$0x0], $0xffff;
	_ =	sdelay $0x4  }
0x198: {  	v9 =	vxor.u32 v8, v60;
	v10, _, _ =	vpop (xrf0)  }
0x199: {  	vm1 =	vlt.u32 v9, $0x40000000;
	v61 =	vadd.s32 v10, v14  }
0x19a: {  	v7 =	vsub.s32 v7, v1;
	v62 =	vsel vm1, $0x1400, v4;
	v9 =	vadd.s32 $0xFFFFFFFF, v61  }
0x19b: {  	v10 =	vadd.s32 v7, v62;
	v11 =	vshll.u32 v9, $0x1  }
0x19c: {  	v12 =	vand.u32 $0x3F, v9;
	v11 =	vand.u32 $0xFFFFFF80, v11  }
0x19d: {  	p0 =	sne.s32 s21, $0x100;
	v11 =	vor.u32 v12, v11  }
.Ltmp7:
0x19e: {  	_ = 	snop;
	(pc) =	sbr.rel @p0 .LBB2_9-.Ltmp7, $4  }
0x19f: {  	_ = 	snop  }
0x1a0: {  	v63 =	vmpcnt.ones.xlane vm0;
	v8 =	vand.u32 $0x3FFF, v8;
	v12 =	vsel vm1, $0x1388, v4;
	[tilespmem:v10+s14+$0x0] =	vst.idx.add.f32.msk vm0, v5  }
0x1a1: {  	v7 =	vadd.s32 v7, v12;
	[tilespmem:v9+s7+$0x0] =	vst.idx.msk vm0, v8  }
0x1a2: {  	s21 =	sadd.s32 $0x40, s21;
	v14 =	vadd.s32 v14, v63;
	[tilespmem:v11+s16+$0x0] =	vst.idx.msk vm0, v7  }
0x1a3: {  	v7 =	vxor.u32 $0x80000000, v14  }
0x1a4: {  	(xrf0) =	vmax.scan.msk.u32 $0xffff, v7;
	_ =	sdelay $0x5  }
0x1a5: {  	v7, _, _ =	vpop (xrf0)  }
0x1a6: {  	(v2sf) =	vpush v7, $0xF;
	_ =	sdelay $0x7  }
0x1a7: {  	v7 =	vadd.s32 v3, v14  }
0x1a8: {  	v9 =	vor.u32 $0x10, v3;
	v8 =	vshll.u32 v7, $0x1  }
0x1a9: {  	v9 =	vadd.s32 v9, v14;
	v10 =	vand.u32 $0x3F, v7;
	v8 =	vand.u32 $0xFFFFFF80, v8  }
0x1aa: {  	v11 =	vor.u32 $0x20, v3;
	v60 =	vshll.u32 v9, $0x1;
	v8 =	vor.u32 v10, v8  }
0x1ab: {  	v11 =	vadd.s32 v11, v14;
	v12 =	vand.u32 $0x3F, v9;
	v10 =	vand.u32 $0xFFFFFF80, v60  }
0x1ac: {  	v13 =	vor.u32 $0x30, v3;
	v61 =	vshll.u32 v11, $0x1;
	v10 =	vor.u32 v12, v10  }
0x1ad: {  	v13 =	vadd.s32 v13, v14;
	v62 =	vand.u32 $0x3F, v11;
	v12 =	vand.u32 $0xFFFFFF80, v61  }
0x1ae: {  	v63 =	vshll.u32 v13, $0x1;
	[tilespmem:v7+s7+$0x0] =	vst.idx.msk $0xffff, v4;
	v7 =	vor.u32 v62, v12;
	s9 =	spop (v2sf)  }
0x1af: {  	v12 =	vand.u32 $0xFFFFFF80, v63;
	[tilespmem:v8+s16+$0x0] =	vst.idx.msk $0xffff, v6;
	v8 =	vand.u32 $0x3F, v13;
	s9 =	sadd.s32 $0x8000003F, s9  }
0x1b0: {  	[tilespmem:v9+s7+$0x0] =	vst.idx.msk $0xffff, v4;
	v8 =	vor.u32 v8, v12;
	p0 =	slt.s32 s9, $0x40  }
.Ltmp8:
0x1b1: {  	[tilespmem:v10+s16+$0x0] =	vst.idx.msk $0xffff, v6;
	(pc) =	sbr.rel @p0 .LBB2_18-.Ltmp8, $4  }
0x1b2: {  	[tilespmem:v11+s7+$0x0] =	vst.idx.msk $0xffff, v4  }
0x1b3: {  	[tilespmem:v7+s16+$0x0] =	vst.idx.msk $0xffff, v6  }
0x1b4: {  	[tilespmem:v13+s7+$0x0] =	vst.idx.msk $0xffff, v4  }
0x1b5: {  	[tilespmem:v8+s16+$0x0] =	vst.idx.msk $0xffff, v6  }
0x1b6: {  	[tilespmem:s31], [sflag:$0x1] =	stream.indirect.gather [hbm4b:s2+s1], $0x80, s7, s1, $0xb8;
	[tilespmem:$0x1F500] =	vst v63  }
0x1b7: {  	s20 =	sshra.s32 s9, $0x1F;
	p0 =	slt.u32 s9, $0x80  }
0x1b8: {  	s20 =	sshrl.u32 s20, $0x1A;
	s21 =	simm.s32 @!p0 $0x37C0  }
0x1b9: {  	s22 =	simm.s32 @!p0 $0x9C00;
	s20 =	sadd.s32 s20, s9;
	s9 =	simm.s32 @!p0 $0x40  }
0x1ba: {  	[tilespmem:s22], [sflag:$0x2] =	stream.indirect.gather @!p0 [hbm4b:s2+s9], $0x80, s21, s9, $0xb8;
	[tilespmem:$0x1F500] =	vst v63  }
0x1bb: {  	s20 =	sshra.s32 s20, $0x6  }
0x1bc: {  	p0 =	sne.s32 s20, $0x1  }
.Ltmp9:
0x1bd: {  	_ = 	snop;
	(pc) =	sbr.rel @!p0 .LBB2_12-.Ltmp9, $4  }
0x1be: {  	_ = 	snop  }
0x1bf: {  	s29 =	simm.s32 $0x0  }
0x1c0: {  	s28 =	simm.s32 $0x3800;
	s23 =	simm.s32 $0x2;
	p1 =	por $0x0, $0x0  }
0x1c1: {  	s21 =	simm.s32 $0x4000;
	s22 =	simm.s32 $0x1;
	s9 =	sand.u32 $0x1, s29  }
0x1c2: {  	p1 =	seq.s32 s9, $0x1  }
0x1c3: {  	s9 =	simm.s32 @p1 $0x2  }
0x1c4: {  	p0 =	sle.s32 @p1 s20, $0x2;
	_ =	swait.ge @p1 [sflag:s9], $0x2000  }
0x1c5: {  	s24 =	simm.s32 @p1 $0x3;
	s23 =	simm.s32 @p1 $0x9C00;
	[sflag:s9] =	ssyncset.done @p1 $0x0  }
0x1c6: {  	p2 =	sle.s32 @!p1 s20, $0x2;
	[sflag:s9] =	ssyncadd.s32 @p1 $0xFFFFE000;
	s9 =	simm.s32 @p1 $0x40  }
0x1c7: {  	[spmem:s3] =	stream.indirect.scatter.add.f32 @p1 [tilespmem:s23], [sflag:$0x3], $0x80, s21, s9, $0xb8;
	[tilespmem:$0x1F500] =	vst v63  }
0x1c8: {  	s29 =	simm.s32 @!p1 $0x3;
	p0 =	por p0, !p1;
	_ =	swait.ge @p1 [sflag:s24], $0x2000  }
0x1c9: {  	s26 =	simm.s32 @!p1 $0x7C00;
	s25 =	simm.s32 @!p0 $0x9C00;
	[sflag:s24] =	ssyncset.done @p1 $0x0  }
0x1ca: {  	s9 =	simm.s32 @!p1 $0x1;
	[sflag:s24] =	ssyncadd.s32 @p1 $0xFFFFE000;
	s24 =	simm.s32 @!p0 $0x40  }
0x1cb: {  	[tilespmem:s25], [sflag:$0x2] =	stream.indirect.gather @!p0 [hbm4b:s2+s24], $0x80, s28, s24, $0xb8;
	[tilespmem:$0x1F500] =	vst v63  }
0x1cc: {  	p3 =	por p1, p1;
	s23 =	simm.s32 $0x3;
	_ =	swait.ge @!p1 [sflag:s9], $0x2000  }
0x1cd: {  	p0 =	por p2, p1;
	p2 =	sne.s32 s20, $0x2;
	[sflag:s9] =	ssyncset.done @!p1 $0x0  }
.Ltmp10:
0x1ce: {  	[sflag:s9] =	ssyncadd.s32 @!p1 $0xFFFFE000;
	s9 =	simm.s32 @!p1 $0x40;
	(pc) =	sbr.rel @!p2 .LBB2_14-.Ltmp10, $4  }
0x1cf: {  	[spmem:s3] =	stream.indirect.scatter.add.f32 @!p1 [tilespmem:s26], [sflag:$0x3], $0x80, s21, s9, $0xb8;
	[tilespmem:$0x1F500] =	vst v63  }
0x1d0: {  	s24 =	simm.s32 $0x2;
	s25 =	simm.s32 @!p0 $0x40;
	s26 =	simm.s32 @!p0 $0x7C00  }
0x1d1: {  	s21 =	simm.s32 $0x4080;
	s9 =	sand.u32 $0x1, s22;
	_ =	swait.ge @!p1 [sflag:s29], $0x2000  }
0x1d2: {  	s22 =	simm.s32 $0x3840;
	p1 =	por $0x1, $0x1;
	[sflag:s29] =	ssyncset.done @!p3 $0x0  }
.LBB2_15:
0x1d3: {  	s10 =	sadd.s32 $0x2, s24  }
0x1d4: {  	p2 =	seq.s32 s9, $0x1;
	s9 =	smov.u32 s24;
	s24 =	sadd.s32 $0x1, s24  }
0x1d5: {  	p4 =	sge.s32 @p2 s23, s20;
	s11 =	simm.s32 @p2 $0x2;
	[sflag:s29] =	ssyncadd.s32 @!p3 $0xFFFFE000  }
0x1d6: {  	[tilespmem:s26], [sflag:$0x1] =	stream.indirect.gather @!p0 [hbm4b:s2+s25], $0x80, s28, s25, $0xb8;
	[tilespmem:$0x1F500] =	vst v63  }
0x1d7: {  	p3 =	por p4, !p2;
	p0 =	sge.s32 @!p2 s23, s20;
	_ =	swait.ge @p2 [sflag:s11], $0x2000  }
0x1d8: {  	s23 =	simm.s32 @p2 $0x3;
	p0 =	por p0, p2;
	[sflag:s11] =	ssyncset.done @p2 $0x0  }
0x1d9: {  	s25 =	simm.s32 @p2 $0x9C00;
	[sflag:s11] =	ssyncadd.s32 @p2 $0xFFFFE000;
	s11 =	simm.s32 @p2 $0x40  }
0x1da: {  	[spmem:s3] =	stream.indirect.scatter.add.f32 @p2 [tilespmem:s25], [sflag:$0x3], $0x80, s21, s11, $0xb8;
	[tilespmem:$0x1F500] =	vst v63  }
0x1db: {  	s26 =	simm.s32 @!p0 $0x7C00;
	s25 =	simm.s32 @!p0 $0x40;
	_ =	swait.ge @p2 [sflag:s23], $0x2000  }
0x1dc: {  	p4 =	sne.s32 s20, s24;
	s11 =	simm.s32 @!p2 $0x1;
	[sflag:s23] =	ssyncset.done @p2 $0x0  }
0x1dd: {  	s28 =	simm.s32 @!p3 $0x9C00;
	[sflag:s23] =	ssyncadd.s32 @p2 $0xFFFFE000;
	s23 =	simm.s32 @!p3 $0x40  }
0x1de: {  	[tilespmem:s28], [sflag:$0x2] =	stream.indirect.gather @!p3 [hbm4b:s2+s23], $0x80, s22, s23, $0xb8;
	[tilespmem:$0x1F500] =	vst v63  }
0x1df: {  	s23 =	smov.u32 s10;
	s28 =	smov.u32 s22;
	_ =	swait.ge @!p2 [sflag:s11], $0x2000  }
.Ltmp11:
0x1e0: {  	s29 =	simm.s32 @!p2 $0x3;
	[sflag:s11] =	ssyncset.done @!p2 $0x0;
	(pc) =	sbr.rel @p4 .LBB2_15-.Ltmp11, $4  }
0x1e1: {  	s10 =	simm.s32 @!p2 $0x40;
	[sflag:s11] =	ssyncadd.s32 @!p2 $0xFFFFE000;
	s11 =	simm.s32 @!p2 $0x7C00  }
0x1e2: {  	[spmem:s3] =	stream.indirect.scatter.add.f32 @!p2 [tilespmem:s11], [sflag:$0x3], $0x80, s21, s10, $0xb8;
	[tilespmem:$0x1F500] =	vst v63  }
0x1e3: {  	p3 =	por p2, p2;
	s21 =	sadd.s32 $0x80, s21;
	_ =	swait.ge @!p2 [sflag:s29], $0x2000  }
0x1e4: {  	s9 =	sand.u32 $0x1, s9;
	s22 =	sadd.s32 $0x40, s22;
	[sflag:s29] =	ssyncset.done @!p3 $0x0  }
.Ltmp12:
0x1e5: {  	(pc) =	sbr.rel .LBB2_17-.Ltmp12, $2  }
0x1e6: {  	_ =	sdelay $0x2  }
0x1e7: {  	s24 =	smov.u32 s28;
	s28 =	smov.u32 s22  }
.LBB2_14:
.Ltmp13:
0x1e8: {  	(pc) =	sbr.rel .LBB2_17-.Ltmp13, $2  }
0x1e9: {  	_ =	sdelay $0x2  }
0x1ea: {  	s24 =	simm.s32 $0x3800;
	s28 =	simm.s32 $0x3840  }
.LBB2_20:
0x1eb: {  	_ =	sfence.sel $0x180000  }
0x1ec: {  	[bflag:$0x0] =	sbarrier.arrive $0xFFFF  }
0x1ed: {  	_ =	strace $0x90000047  }
0x1ee: {  	s0 =	stileid.u32;
	[bflag:$0x2] =	sbarrier.arrive $0xFFFF  }
0x1ef: {  	p0 =	sne.s32 s0, $0x0;
	s0 =	rddreg [dreg:$0x3]  }
0x1f0: {  	s0 =	sadd.s32 @!p0 $0x100000, s0  }
0x1f1: {  	[sflag:s0] =	ssyncadd.tile.s32 @!p0 $0x1;
	_ =	shalt  }
.Lfunc_end2:
_tile_overlayer_lowered:
.L_overlay_start_2:
0x1f2: {  	(tag) =	ssettag $0x2  }
0x1f3: {  	s0 =	rddreg [dreg:$0x0];
	s2 =	stileid.u32  }
0x1f4: {  	s1 =	rddreg [dreg:$0x1];
	p0 =	sne.s32 s2, $0x0  }
0x1f5: {  	s3 =	rddreg [dreg:$0x2];
	[bflag:$0x3] =	sbarrier.arrive $0xFFFF;
	s2 =	simm.s32 @!p0 $0x1C03  }
0x1f6: {  	[timem:s3], [sflag:s2] =	dma.local @!p0 [hbm:s0], s1  }
0x1f7: {  	s0 =	simm.s32 @!p0 $0x3  }
0x1f8: {  	_ =	swait.ge @!p0 [sflag:s0], s1  }
0x1f9: {  	s1 =	ssub.s32 @!p0 $0x0, s1;
	[sflag:s0] =	ssyncset.done @!p0 $0x0  }
0x1fa: {  	[sflag:s0] =	ssyncadd.s32 @!p0 s1  }
0x1fb: {  	[bflag:$0x3] =	sbarrier.arrive $0xFFFF  }
0x1fc: {  	_ =	shalt  }

// kernel: kernel.9.cloned.1.call-start
scs
__scs_entry_jumppad:
0x0: {  	(pc) =	sbr.rel $0x88, $3  }
0x1: {  	(tag) =	ssettag $0x0;
	lr =	simm.s32 $0x1  }
0x2: {  	[smem:$0x3F97] =	sst lr;
	_ =	strace $0xD0000000  }
0x3: {  	_ = 	snop  }
0x4: {  	_ = 	snop  }
0x5: {  	_ = 	snop  }
0x6: {  	_ = 	snop  }
0x7: {  	_ = 	snop  }
__scs_overlays_trampoline_lowered:
0x8: {  	[smem:$0x3FA6] =	sst s0  }
0x9: {  	[smem:$0x3FA7] =	sst s1  }
0xa: {  	[smem:$0x3FA8] =	sst s2  }
0xb: {  	[smem:$0x3FA9] =	sst s3  }
0xc: {  	[smem:$0x3FAA] =	sst s4  }
0xd: {  	[smem:$0x3FAB] =	sst s5  }
0xe: {  	[smem:$0x3FAC] =	sst s6  }
0xf: {  	[smem:$0x3FAD] =	sst s7  }
0x10: {  	[smem:$0x3FAE] =	sst s8  }
0x11: {  	[smem:$0x3FAF] =	sst s9;
	s0 =	simm.s32 @!p0 $0x0  }
0x12: {  	s1 =	sld [smem:$0x3F95];
	s0 =	simm.s32 @p0 $0x1  }
0x13: {  	[smem:$0x3FB0] =	sst s0;
	s0 =	simm.s32 @!p1 $0x0  }
0x14: {  	s2 =	sld [smem:$0x3F94];
	s0 =	simm.s32 @p1 $0x1  }
0x15: {  	[smem:$0x3FB1] =	sst s0;
	s0 =	simm.s32 @!p2 $0x0  }
0x16: {  	s3 =	sld [smem:$0x3FDB];
	s0 =	simm.s32 @p2 $0x1  }
0x17: {  	s4 =	simm.s32 $0x1BF5;
	[smem:$0x3FB3] =	sst s0  }
0x18: {  	s0 =	sld [smem:$0x3F96];
	_ =	swait.ge [sflag:s4], $0x0  }
0x19: {  	s7 =	sld [smem:$0x3F97]  }
0x1a: {  	s8 =	sadd.s32 $0xFFFFE003, lr  }
0x1b: {  	s9 =	sadd.s32 $0xFFFFFEF7, lr;
	s5 =	simm.s32 $0xFFFFFFFF;
	p2 =	slt.u32 s8, $0xFFFFF086  }
0x1c: {  	p1 =	slt.u32 s9, $0xF7A;
	s5 =	simm.s32 @!p2 $0x0  }
0x1d: {  	s5 =	simm.s32 @p1 $0x1;
	p0 =	seq.s32 s7, s2  }
0x1e: {  	s7 =	smul.u32 @!p0 $0xF7A, s2;
	p2 =	seq.s32 @!p0 s5, $0x0  }
0x1f: {  	s9 =	smul.u32 $0xF7A, s1;
	s8 =	simm.s32 @!p0 $0x1BF5;
	p2 =	por !p2, p0  }
0x20: {  	[sflag:s8] =	ssyncset.s32 @!p0 $0xFFFFF086;
	s6 =	sadd.s32 @!p0 s3, s7;
	s7 =	simm.s32 @!p0 $0x108  }
0x21: {  	s3 =	sadd.s32 s3, s9;
	s6 =	sadd.s32 @!p0 $0x88, s6;
	s7 =	simm.s32 @p2 $0x1082  }
0x22: {  	[simem:s7], [sflag:s8] =	dma.local @!p0 [hbm:s6], $0xF7A  }
0x23: {  	s9 =	sor.u32 $0xD0000000, s2;
	s6 =	simm.s32 $0x108;
	_ =	swait.ge @!p0 [sflag:s8], $0x0  }
0x24: {  	s3 =	sadd.s32 $0x88, s3;
	s6 =	simm.s32 @!p1 $0x1082;
	[sflag:s4] =	ssyncset.s32 $0xFFFFF086  }
0x25: {  	[simem:s6], [sflag:s4] =	dma.local [hbm:s3], $0xF7A  }
0x26: {  	[smem:$0x3F97] =	sst s1;
	(tag) =	ssettag s2;
	_ =	strace s9  }
0x27: {  	s1 =	sld [smem:$0x3FA7]  }
0x28: {  	s2 =	sld [smem:$0x3FA8]  }
0x29: {  	s4 =	sld [smem:$0x3FAA]  }
0x2a: {  	p0 =	seq.s32 s5, $0x0;
	s5 =	sld [smem:$0x3FAB]  }
0x2b: {  	s6 =	sld [smem:$0x3FAC]  }
0x2c: {  	s7 =	sld [smem:$0x3FAD]  }
0x2d: {  	s3 =	simm.s32 $0x108;
	s8 =	sld [smem:$0x3FAE]  }
0x2e: {  	s3 =	simm.s32 @!p0 $0x1082;
	s9 =	sld [smem:$0x3FAF]  }
0x2f: {  	lr =	sadd.s32 s0, s3;
	s0 =	sld [smem:$0x3FA6]  }
0x30: {  	s3 =	sld [smem:$0x3FA9]  }
0x31: {  	[smem:$0x3FB2] =	sst s10  }
0x32: {  	s10 =	sld [smem:$0x3FB0];
	_ =	sdelay $0x3  }
0x33: {  	p0 =	seq.s32 s10, $0x1;
	s10 =	sld [smem:$0x3FB2];
	_ =	sdelay $0x3  }
0x34: {  	[smem:$0x3FB2] =	sst s10  }
0x35: {  	s10 =	sld [smem:$0x3FB1];
	_ =	sdelay $0x3  }
0x36: {  	p1 =	seq.s32 s10, $0x1;
	s10 =	sld [smem:$0x3FB2];
	_ =	sdelay $0x3  }
0x37: {  	[smem:$0x3FB2] =	sst s10  }
0x38: {  	s10 =	sld [smem:$0x3FB3]  }
0x39: {  	_ = 	snop;
	(pc) =	sbr.ind lr, $3  }
0x3a: {  	_ = 	snop  }
0x3b: {  	_ = 	snop  }
0x3c: {  	p2 =	seq.s32 s10, $0x1;
	s10 =	sld [smem:$0x3FB2]  }
0x3d: {  	_ =	shalt  }
0x3e: {  	_ =	shalt  }
0x3f: {  	_ =	shalt  }
0x40: {  	_ =	shalt  }
0x41: {  	_ =	shalt  }
0x42: {  	_ =	shalt  }
0x43: {  	_ =	shalt  }
0x44: {  	_ =	shalt  }
0x45: {  	_ =	shalt  }
0x46: {  	_ =	shalt  }
0x47: {  	_ =	shalt  }
0x48: {  	_ =	shalt  }
0x49: {  	_ =	shalt  }
0x4a: {  	_ =	shalt  }
0x4b: {  	_ =	shalt  }
0x4c: {  	_ =	shalt  }
0x4d: {  	_ =	shalt  }
0x4e: {  	_ =	shalt  }
0x4f: {  	_ =	shalt  }
0x50: {  	_ =	shalt  }
0x51: {  	_ =	shalt  }
0x52: {  	_ =	shalt  }
0x53: {  	_ =	shalt  }
0x54: {  	_ =	shalt  }
0x55: {  	_ =	shalt  }
0x56: {  	_ =	shalt  }
0x57: {  	_ =	shalt  }
0x58: {  	_ =	shalt  }
0x59: {  	_ =	shalt  }
0x5a: {  	_ =	shalt  }
0x5b: {  	_ =	shalt  }
0x5c: {  	_ =	shalt  }
0x5d: {  	_ =	shalt  }
0x5e: {  	_ =	shalt  }
0x5f: {  	_ =	shalt  }
0x60: {  	_ =	shalt  }
0x61: {  	_ =	shalt  }
0x62: {  	_ =	shalt  }
0x63: {  	_ =	shalt  }
0x64: {  	_ =	shalt  }
0x65: {  	_ =	shalt  }
0x66: {  	_ =	shalt  }
0x67: {  	_ =	shalt  }
0x68: {  	_ =	shalt  }
0x69: {  	_ =	shalt  }
0x6a: {  	_ =	shalt  }
0x6b: {  	_ =	shalt  }
0x6c: {  	_ =	shalt  }
0x6d: {  	_ =	shalt  }
0x6e: {  	_ =	shalt  }
0x6f: {  	_ =	shalt  }
0x70: {  	_ =	shalt  }
0x71: {  	_ =	shalt  }
0x72: {  	_ =	shalt  }
0x73: {  	_ =	shalt  }
0x74: {  	_ =	shalt  }
0x75: {  	_ =	shalt  }
0x76: {  	_ =	shalt  }
0x77: {  	_ =	shalt  }
0x78: {  	_ =	shalt  }
0x79: {  	_ =	shalt  }
0x7a: {  	_ =	shalt  }
0x7b: {  	_ =	shalt  }
0x7c: {  	_ =	shalt  }
0x7d: {  	_ =	shalt  }
0x7e: {  	_ =	shalt  }
0x7f: {  	_ =	shalt  }
0x80: {  	_ =	shalt  }
0x81: {  	_ =	shalt  }
0x82: {  	_ =	shalt  }
0x83: {  	_ =	shalt  }
0x84: {  	_ =	shalt  }
0x85: {  	_ =	shalt  }
0x86: {  	_ =	shalt  }
0x87: {  	_ =	shalt  }
.Lfunc_end0:
.L_simem_size_0:
called_computation.1_lowered:
.L_overlay_start_0:
0x88: {  	s2 =	sld [smem:$0x3FD9]  }
0x89: {  	s3 =	sld [smem:$0x3FFE];
	_ =	sdelay $0x1  }
0x8a: {  	s1 =	srdreg.scid  }
0x8b: {  	s0 =	sand.u32 $0x1, s1  }
0x8c: {  	s16 =	sshll.u32 s0, $0xA;
	s2 =	sadd.s32 s3, s2  }
0x8d: {  	s2 =	sadd.s32 s2, s16  }
0x8e: {  	[smem:$0x3FBE] =	sst s2  }
0x8f: {  	_ = 	snop  }
0x90: {  	(tm) =	ssettm $0x1  }
0x91: {  	s17 =	sld [smem:$0x3FFB];
	_ =	sdelay $0x3  }
0x92: {  	_ =	strace s17  }
0x93: {  	s2 =	sld [smem:$0x3FFC];
	_ =	sdelay $0x3  }
0x94: {  	_ =	strace s2  }
0x95: {  	s2 =	sld [smem:$0x3FFD];
	_ =	sdelay $0x3  }
0x96: {  	_ =	strace s2  }
0x97: {  	_ =	strace $0x8FFFFFFF  }
0x98: {  	s18 =	sld [smem:$0x3FDB];
	_ =	sdelay $0x1  }
0x99: {  	s19 =	simm.s32 $_scs_section_size  }
0x9a: {  	s4 =	simm.s32 $_size__tile_overlayer_lowered;
	s5 =	simm.s32 $_tile_overlayer_lowered  }
0x9b: {  	s22 =	simm.s32 $0x1BFF;
	s21 =	sshll.u32 s5, $0x1;
	s2 =	sadd.s32 s19, s18  }
0x9c: {  	s6 =	simm.s32 $0x0;
	s20 =	sshll.u32 s4, $0x1;
	s4 =	sadd.s32 s21, s2  }
0x9d: {  	[timem:s6], [sflag:s22] =	dma.local [hbm:s4], s20  }
0x9e: {  	_ =	swait.ge [sflag:s22], s20  }
0x9f: {  	s3 =	ssub.s32 $0x0, s20;
	[sflag:s22] =	ssyncset.done $0x0  }
0xa0: {  	[sflag:s22] =	ssyncadd.s32 s3;
	_ =	sdelay $0x1  }
0xa1: {  	s23 =	simm.s32 $0x1B8B  }
0xa2: {  	_ =	swait.ge [sflag:s23], $0x1  }
0xa3: {  	[sflag:s23] =	ssyncset.done $0x0  }
0xa4: {  	s25 =	simm.s32 $0x1B8E;
	s24 =	sld [smem:$0x3FFE];
	[sflag:s23] =	ssyncadd.s32 $0xFFFFFFFF  }
0xa5: {  	s26 =	simm.s32 $execute0_lowered;
	[smem:$0x3FD2] =	sst s25  }
0xa6: {  	s4 =	sshll.u32 s26, $0x1;
	_ =	strace $0x80000049;
	[dreg:$0x1] =	wrdreg $0xFFFFFFFF  }
0xa7: {  	s28 =	simm.s32 $_size_execute0_lowered;
	s2 =	sadd.s32 s2, s4;
	[dreg:$0x0] =	wrdreg $0x0  }
0xa8: {  	s4 =	sshll.u32 s28, $0x1;
	[dreg:$0x2] =	wrdreg s2  }
0xa9: {  	[dreg:$0x3] =	wrdreg s4  }
0xaa: {  	[dreg:$0x4] =	wrdreg $0xC0  }
0xab: {  	_ =	task [dreg:s6], $0x5FFFF  }
0xac: {  	[dreg:$0x1] =	wrdreg $0xFFFFFFFF  }
0xad: {  	[dreg:$0x0] =	wrdreg $0x60  }
0xae: {  	[dreg:$0x2] =	wrdreg s24  }
0xaf: {  	[dreg:$0x3] =	wrdreg $0x165000  }
0xb0: {  	[dreg:$0x4] =	wrdreg $0x9  }
0xb1: {  	_ =	task.clear_ibuf [dreg:s6], $0x5FFFF;
	_ =	strace $0x90000049  }
0xb2: {  	s29 =	simm.s32 $0x9;
	_ =	strace $0x8000004B  }
0xb3: {  	_ =	swait.ge [sflag:s29], $0x1  }
0xb4: {  	[sflag:s29] =	ssyncadd.s32 $0xFFFFFFFF  }
0xb5: {  	_ =	strace $0x9000004B  }
0xb6: {  	_ =	sfence  }
0xb7: {  	s30 =	sld [smem:$0x0];
	_ =	sdelay $0x2  }
0xb8: {  	s31 =	sshll.u32 s1, $0xD;
	s1 =	sshrl.u32 s1, $0x2  }
0xb9: {  	s3 =	sand.u32 $0x4000, s31;
	s1 =	sadd.s32 s1, s30  }
0xba: {  	s0 =	sor.u32 s3, s0;
	s1 =	sshll.u32 s1, $0x11  }
0xbb: {  	s0 =	sor.u32 s1, s0  }
0xbc: {  	s0 =	sadd.s32 $0x8F2B, s0  }
0xbd: {  	[sflag:s0] =	ssyncadd.remote.s32 $0x1  }
0xbe: {  	_ =	sfence.sel $0xFFFF  }
0xbf: {  	[dreg:$0x0] =	wrdreg $0xFFFFFFFF;
	(pc) =	sbr.abs _section_cstart, $3  }
0xc0: {  	[dreg:$0x1] =	wrdreg $0xFFFFFFFF  }
0xc1: {  	_ =	task.clear_ibuf [dreg:s6], $0x2FFFF;
	_ =	strace $0x9FFFFFFF  }
0xc2: {  	(tm) =	ssettm $0x7FFFFFFF  }
0xc3: {  	_ =	shalt  }
tec
execute0_lowered:
.L_overlay_start_1:
0x0: {  	(tag) =	ssettag $0x1  }
0x1: {  	s0 =	srdreg.scid;
	s11 =	stileid.u32  }
0x2: {  	s15 =	sand.u32 $0x1, s0;
	s5 =	smin.u32 s11, $0x4  }
0x3: {  	v0 =	vlaneseq.u32;
	s18 =	smul.u32 $0x1388, s15;
	s7 =	sshll.u32 s5, $0xA  }
0x4: {  	v1 =	vor.u32 s7, v0  }
0x5: {  	v2 =	vadd.s32 s18, v1  }
0x6: {  	v4 =	vimm.s32 $0x0;
	s20 =	sor.u32 $0x10, s7;
	vm0 =	vlt.u32 v1, $0x1388;
	v2 =	vshll.u32 v2, $0x3  }
0x7: {  	v3 =	vor.u32 s20, v0;
	v4 =	vsel vm0, $0xFFFFFFFF, v4;
	v1 =	vor.u32 $0x2, v2  }
0x8: {  	v2 =	vadd.s32 s18, v3;
	[tilespmem:$0x1F900] =	vst v4;
	v1 =	vnsel vm0, $0x2, v1  }
0x9: {  	s21 =	sor.u32 $0x20, s7;
	vm8 =	vlt.u32 v3, $0x1388;
	v4 =	vimm.s32 $0x0;
	[tilespmem:$0x1F910] =	vst v1;
	v1 =	vshll.u32 v2, $0x3  }
0xa: {  	v4 =	vsel vm8, $0xFFFFFFFF, v4;
	v2 =	vor.u32 s21, v0;
	v1 =	vor.u32 $0x2, v1  }
0xb: {  	[tilespmem:$0x1F920] =	vst v4;
	v3 =	vadd.s32 s18, v2;
	v1 =	vnsel vm8, $0x2, v1  }
0xc: {  	s22 =	sor.u32 $0x30, s7;
	v4 =	vimm.s32 $0x0;
	vm9 =	vlt.u32 v2, $0x1388;
	[tilespmem:$0x1F930] =	vst v1;
	v1 =	vshll.u32 v3, $0x3  }
0xd: {  	v4 =	vsel vm9, $0xFFFFFFFF, v4;
	v3 =	vor.u32 s22, v0;
	v1 =	vor.u32 $0x2, v1  }
0xe: {  	[tilespmem:$0x1F940] =	vst v4;
	v2 =	vadd.s32 s18, v3;
	v1 =	vnsel vm9, $0x2, v1  }
0xf: {  	s23 =	sor.u32 $0x40, s7;
	v4 =	vimm.s32 $0x0;
	vm10 =	vlt.u32 v3, $0x1388;
	[tilespmem:$0x1F950] =	vst v1;
	v1 =	vshll.u32 v2, $0x3  }
0x10: {  	v4 =	vsel vm10, $0xFFFFFFFF, v4;
	v2 =	vor.u32 s23, v0;
	v1 =	vor.u32 $0x2, v1  }
0x11: {  	[tilespmem:$0x1F960] =	vst v4;
	v3 =	vadd.s32 s18, v2;
	v1 =	vnsel vm10, $0x2, v1  }
0x12: {  	s24 =	sor.u32 $0x50, s7;
	v4 =	vimm.s32 $0x0;
	vm11 =	vlt.u32 v2, $0x1388;
	[tilespmem:$0x1F970] =	vst v1;
	v1 =	vshll.u32 v3, $0x3  }
0x13: {  	v4 =	vsel vm11, $0xFFFFFFFF, v4;
	v3 =	vor.u32 s24, v0;
	v1 =	vor.u32 $0x2, v1  }
0x14: {  	[tilespmem:$0x1F980] =	vst v4;
	v2 =	vadd.s32 s18, v3;
	v1 =	vnsel vm11, $0x2, v1  }
0x15: {  	s25 =	sor.u32 $0x60, s7;
	v4 =	vimm.s32 $0x0;
	vm4 =	vlt.u32 v3, $0x1388;
	[tilespmem:$0x1F990] =	vst v1;
	v1 =	vshll.u32 v2, $0x3  }
0x16: {  	v4 =	vsel vm4, $0xFFFFFFFF, v4;
	v2 =	vor.u32 s25, v0;
	v1 =	vor.u32 $0x2, v1  }
0x17: {  	[tilespmem:$0x1F9A0] =	vst v4;
	v3 =	vadd.s32 s18, v2;
	v1 =	vnsel vm4, $0x2, v1  }
0x18: {  	s26 =	sor.u32 $0x70, s7;
	v4 =	vimm.s32 $0x0;
	vm5 =	vlt.u32 v2, $0x1388;
	[tilespmem:$0x1F9B0] =	vst v1;
	v1 =	vshll.u32 v3, $0x3  }
0x19: {  	v4 =	vsel vm5, $0xFFFFFFFF, v4;
	v3 =	vor.u32 s26, v0;
	v1 =	vor.u32 $0x2, v1  }
0x1a: {  	[tilespmem:$0x1F9C0] =	vst v4;
	v2 =	vadd.s32 s18, v3;
	v1 =	vnsel vm5, $0x2, v1  }
0x1b: {  	s28 =	sor.u32 $0x80, s7;
	v4 =	vimm.s32 $0x0;
	vm6 =	vlt.u32 v3, $0x1388;
	[tilespmem:$0x1F9D0] =	vst v1;
	v1 =	vshll.u32 v2, $0x3  }
0x1c: {  	v4 =	vsel vm6, $0xFFFFFFFF, v4;
	v2 =	vor.u32 s28, v0;
	v1 =	vor.u32 $0x2, v1  }
0x1d: {  	[tilespmem:$0x1F9E0] =	vst v4;
	v3 =	vadd.s32 s18, v2;
	v1 =	vnsel vm6, $0x2, v1  }
0x1e: {  	s29 =	sor.u32 $0x90, s7;
	v4 =	vimm.s32 $0x0;
	vm7 =	vlt.u32 v2, $0x1388;
	[tilespmem:$0x1F9F0] =	vst v1;
	v1 =	vshll.u32 v3, $0x3  }
0x1f: {  	v4 =	vsel vm7, $0xFFFFFFFF, v4;
	v3 =	vor.u32 s29, v0;
	v1 =	vor.u32 $0x2, v1  }
0x20: {  	[tilespmem:$0x1FA00] =	vst v4;
	v2 =	vadd.s32 s18, v3;
	v1 =	vnsel vm7, $0x2, v1  }
0x21: {  	s30 =	sor.u32 $0xA0, s7;
	v4 =	vimm.s32 $0x0;
	vm8 =	vlt.u32 v3, $0x1388;
	[tilespmem:$0x1FA10] =	vst v1;
	v1 =	vshll.u32 v2, $0x3  }
0x22: {  	v4 =	vsel vm8, $0xFFFFFFFF, v4;
	v2 =	vor.u32 s30, v0;
	v1 =	vor.u32 $0x2, v1  }
0x23: {  	[tilespmem:$0x1FA20] =	vst v4;
	v3 =	vadd.s32 s18, v2;
	v1 =	vnsel vm8, $0x2, v1  }
0x24: {  	s31 =	sor.u32 $0xB0, s7;
	v4 =	vimm.s32 $0x0;
	vm9 =	vlt.u32 v2, $0x1388;
	[tilespmem:$0x1FA30] =	vst v1;
	v1 =	vshll.u32 v3, $0x3  }
0x25: {  	v4 =	vsel vm9, $0xFFFFFFFF, v4;
	v3 =	vor.u32 s31, v0;
	v1 =	vor.u32 $0x2, v1  }
0x26: {  	[tilespmem:$0x1FA40] =	vst v4;
	v2 =	vadd.s32 s18, v3;
	v1 =	vnsel vm9, $0x2, v1  }
0x27: {  	s1 =	sor.u32 $0xC0, s7;
	v4 =	vimm.s32 $0x0;
	vm10 =	vlt.u32 v3, $0x1388;
	[tilespmem:$0x1FA50] =	vst v1;
	v1 =	vshll.u32 v2, $0x3  }
0x28: {  	v4 =	vsel vm10, $0xFFFFFFFF, v4;
	v2 =	vor.u32 s1, v0;
	v1 =	vor.u32 $0x2, v1  }
0x29: {  	[tilespmem:$0x1FA60] =	vst v4;
	v3 =	vadd.s32 s18, v2;
	v1 =	vnsel vm10, $0x2, v1  }
0x2a: {  	s2 =	sor.u32 $0xD0, s7;
	v4 =	vimm.s32 $0x0;
	vm11 =	vlt.u32 v2, $0x1388;
	[tilespmem:$0x1FA70] =	vst v1;
	v1 =	vshll.u32 v3, $0x3  }
0x2b: {  	v4 =	vsel vm11, $0xFFFFFFFF, v4;
	v3 =	vor.u32 s2, v0;
	v1 =	vor.u32 $0x2, v1  }
0x2c: {  	[tilespmem:$0x1FA80] =	vst v4;
	v2 =	vadd.s32 s18, v3;
	v1 =	vnsel vm11, $0x2, v1  }
0x2d: {  	s3 =	sor.u32 $0xE0, s7;
	v4 =	vimm.s32 $0x0;
	vm4 =	vlt.u32 v3, $0x1388;
	[tilespmem:$0x1FA90] =	vst v1;
	v1 =	vshll.u32 v2, $0x3  }
0x2e: {  	v4 =	vsel vm4, $0xFFFFFFFF, v4;
	v2 =	vor.u32 s3, v0;
	v1 =	vor.u32 $0x2, v1  }
0x2f: {  	[tilespmem:$0x1FAA0] =	vst v4;
	v3 =	vadd.s32 s18, v2;
	v1 =	vnsel vm4, $0x2, v1  }
0x30: {  	s4 =	sor.u32 $0xF0, s7;
	v4 =	vimm.s32 $0x0;
	vm5 =	vlt.u32 v2, $0x1388;
	[tilespmem:$0x1FAB0] =	vst v1;
	v1 =	vshll.u32 v3, $0x3  }
0x31: {  	v4 =	vsel vm5, $0xFFFFFFFF, v4;
	v3 =	vor.u32 s4, v0;
	v1 =	vor.u32 $0x2, v1  }
0x32: {  	s6 =	sor.u32 $0x100, s7;
	[tilespmem:$0x1FAC0] =	vst v4;
	v2 =	vadd.s32 s18, v3;
	v1 =	vnsel vm5, $0x2, v1  }
0x33: {  	v4 =	vimm.s32 $0x0;
	[tilespmem:$0x1FAD0] =	vst v1;
	v1 =	vshll.u32 v2, $0x3;
	v2 =	vor.u32 s6, v0  }
0x34: {  	vm6 =	vlt.u32 v3, $0x1388;
	v1 =	vor.u32 $0x2, v1;
	v3 =	vadd.s32 s18, v2  }
0x35: {  	vm7 =	vlt.u32 v2, $0x1388;
	v2 =	vimm.s32 $0x0;
	v1 =	vnsel vm6, $0x2, v1  }
0x36: {  	s8 =	sor.u32 $0x110, s7;
	s9 =	sor.u32 $0x120, s7;
	v4 =	vsel vm6, $0xFFFFFFFF, v4;
	v2 =	vsel vm7, $0xFFFFFFFF, v2;
	[tilespmem:$0x1FAF0] =	vst v1  }
0x37: {  	v1 =	vshll.u32 v3, $0x3;
	v3 =	vor.u32 s8, v0;
	[tilespmem:$0x1FB00] =	vst v2;
	v2 =	vor.u32 s9, v0  }
0x38: {  	[tilespmem:$0x1FAE0] =	vst v4;
	v1 =	vor.u32 $0x2, v1;
	v4 =	vadd.s32 s18, v3;
	vm8 =	vlt.u32 v3, $0x1388  }
0x39: {  	v3 =	vimm.s32 $0x0;
	vm9 =	vlt.u32 v2, $0x1388;
	v1 =	vnsel vm7, $0x2, v1  }
0x3a: {  	s10 =	sor.u32 $0x130, s7;
	v3 =	vsel vm8, $0xFFFFFFFF, v3;
	[tilespmem:$0x1FB10] =	vst v1;
	v1 =	vshll.u32 v4, $0x3;
	v4 =	vadd.s32 s18, v2  }
0x3b: {  	[tilespmem:$0x1FB20] =	vst v3;
	v3 =	vor.u32 s10, v0;
	v2 =	vimm.s32 $0x0;
	v1 =	vor.u32 $0x2, v1  }
0x3c: {  	v2 =	vsel vm9, $0xFFFFFFFF, v2;
	vm10 =	vlt.u32 v3, $0x1388;
	v1 =	vnsel vm8, $0x2, v1  }
0x3d: {  	[tilespmem:$0x1FB30] =	vst v1;
	v1 =	vshll.u32 v4, $0x3;
	v4 =	vadd.s32 s18, v3;
	v3 =	vimm.s32 $0x0  }
0x3e: {  	s12 =	sor.u32 $0x140, s7;
	[tilespmem:$0x1FB40] =	vst v2;
	v1 =	vor.u32 $0x2, v1;
	v3 =	vsel vm10, $0xFFFFFFFF, v3  }
0x3f: {  	s13 =	sor.u32 $0x150, s7;
	v2 =	vor.u32 s12, v0;
	v1 =	vnsel vm9, $0x2, v1;
	[tilespmem:$0x1FB60] =	vst v3  }
0x40: {  	vm11 =	vlt.u32 v2, $0x1388;
	v3 =	vor.u32 s13, v0;
	[tilespmem:$0x1FB50] =	vst v1;
	v1 =	vshll.u32 v4, $0x3  }
0x41: {  	v4 =	vadd.s32 s18, v2;
	v2 =	vimm.s32 $0x0;
	v1 =	vor.u32 $0x2, v1  }
0x42: {  	vm4 =	vlt.u32 v3, $0x1388;
	v2 =	vsel vm11, $0xFFFFFFFF, v2;
	v1 =	vnsel vm10, $0x2, v1  }
0x43: {  	[tilespmem:$0x1FB70] =	vst v1;
	v1 =	vshll.u32 v4, $0x3;
	v4 =	vadd.s32 s18, v3;
	v3 =	vimm.s32 $0x0  }
0x44: {  	s14 =	sor.u32 $0x160, s7;
	[tilespmem:$0x1FB80] =	vst v2;
	v1 =	vor.u32 $0x2, v1;
	v3 =	vsel vm4, $0xFFFFFFFF, v3  }
0x45: {  	s16 =	sor.u32 $0x170, s7;
	v2 =	vor.u32 s14, v0;
	v1 =	vnsel vm11, $0x2, v1;
	[tilespmem:$0x1FBA0] =	vst v3  }
0x46: {  	vm5 =	vlt.u32 v2, $0x1388;
	v3 =	vor.u32 s16, v0;
	[tilespmem:$0x1FB90] =	vst v1;
	v1 =	vshll.u32 v4, $0x3  }
0x47: {  	v4 =	vadd.s32 s18, v2;
	v2 =	vimm.s32 $0x0;
	v1 =	vor.u32 $0x2, v1  }
0x48: {  	vm6 =	vlt.u32 v3, $0x1388;
	v2 =	vsel vm5, $0xFFFFFFFF, v2;
	v1 =	vnsel vm4, $0x2, v1  }
0x49: {  	[tilespmem:$0x1FBB0] =	vst v1;
	v1 =	vshll.u32 v4, $0x3;
	v4 =	vadd.s32 s18, v3;
	v3 =	vimm.s32 $0x0  }
0x4a: {  	s17 =	sor.u32 $0x180, s7;
	[tilespmem:$0x1FBC0] =	vst v2;
	v1 =	vor.u32 $0x2, v1;
	v3 =	vsel vm6, $0xFFFFFFFF, v3  }
0x4b: {  	s19 =	sor.u32 $0x190, s7;
	v2 =	vor.u32 s17, v0;
	v1 =	vnsel vm5, $0x2, v1;
	[tilespmem:$0x1FBE0] =	vst v3  }
0x4c: {  	vm7 =	vlt.u32 v2, $0x1388;
	v3 =	vor.u32 s19, v0;
	[tilespmem:$0x1FBD0] =	vst v1;
	v1 =	vshll.u32 v4, $0x3  }
0x4d: {  	v4 =	vadd.s32 s18, v2;
	v2 =	vimm.s32 $0x0;
	v1 =	vor.u32 $0x2, v1  }
0x4e: {  	vm8 =	vlt.u32 v3, $0x1388;
	v2 =	vsel vm7, $0xFFFFFFFF, v2;
	v1 =	vnsel vm6, $0x2, v1  }
0x4f: {  	[tilespmem:$0x1FBF0] =	vst v1;
	v1 =	vshll.u32 v4, $0x3;
	v4 =	vadd.s32 s18, v3;
	v3 =	vimm.s32 $0x0  }
0x50: {  	s20 =	sor.u32 $0x1A0, s7;
	[tilespmem:$0x1FC00] =	vst v2;
	v1 =	vor.u32 $0x2, v1;
	v3 =	vsel vm8, $0xFFFFFFFF, v3  }
0x51: {  	s21 =	sor.u32 $0x1B0, s7;
	v2 =	vor.u32 s20, v0;
	v1 =	vnsel vm7, $0x2, v1;
	[tilespmem:$0x1FC20] =	vst v3  }
0x52: {  	vm9 =	vlt.u32 v2, $0x1388;
	v3 =	vor.u32 s21, v0;
	[tilespmem:$0x1FC10] =	vst v1;
	v1 =	vshll.u32 v4, $0x3  }
0x53: {  	v4 =	vadd.s32 s18, v2;
	v2 =	vimm.s32 $0x0;
	v1 =	vor.u32 $0x2, v1  }
0x54: {  	vm10 =	vlt.u32 v3, $0x1388;
	v2 =	vsel vm9, $0xFFFFFFFF, v2;
	v1 =	vnsel vm8, $0x2, v1  }
0x55: {  	[tilespmem:$0x1FC30] =	vst v1;
	v1 =	vshll.u32 v4, $0x3;
	v4 =	vadd.s32 s18, v3;
	v3 =	vimm.s32 $0x0  }
0x56: {  	s22 =	sor.u32 $0x1C0, s7;
	[tilespmem:$0x1FC40] =	vst v2;
	v1 =	vor.u32 $0x2, v1;
	v3 =	vsel vm10, $0xFFFFFFFF, v3  }
0x57: {  	s23 =	sor.u32 $0x1D0, s7;
	v2 =	vor.u32 s22, v0;
	v1 =	vnsel vm9, $0x2, v1;
	[tilespmem:$0x1FC60] =	vst v3  }
0x58: {  	vm11 =	vlt.u32 v2, $0x1388;
	v3 =	vor.u32 s23, v0;
	[tilespmem:$0x1FC50] =	vst v1;
	v1 =	vshll.u32 v4, $0x3  }
0x59: {  	v4 =	vadd.s32 s18, v2;
	v2 =	vimm.s32 $0x0;
	v1 =	vor.u32 $0x2, v1  }
0x5a: {  	vm4 =	vlt.u32 v3, $0x1388;
	v2 =	vsel vm11, $0xFFFFFFFF, v2;
	v1 =	vnsel vm10, $0x2, v1  }
0x5b: {  	[tilespmem:$0x1FC70] =	vst v1;
	v1 =	vshll.u32 v4, $0x3;
	v4 =	vadd.s32 s18, v3;
	v3 =	vimm.s32 $0x0  }
0x5c: {  	s24 =	sor.u32 $0x1E0, s7;
	[tilespmem:$0x1FC80] =	vst v2;
	v1 =	vor.u32 $0x2, v1;
	v3 =	vsel vm4, $0xFFFFFFFF, v3  }
0x5d: {  	s25 =	sor.u32 $0x1F0, s7;
	v2 =	vor.u32 s24, v0;
	v1 =	vnsel vm11, $0x2, v1;
	[tilespmem:$0x1FCA0] =	vst v3  }
0x5e: {  	vm5 =	vlt.u32 v2, $0x1388;
	v3 =	vor.u32 s25, v0;
	[tilespmem:$0x1FC90] =	vst v1;
	v1 =	vshll.u32 v4, $0x3  }
0x5f: {  	v4 =	vadd.s32 s18, v2;
	v2 =	vimm.s32 $0x0;
	v1 =	vor.u32 $0x2, v1  }
0x60: {  	vm6 =	vlt.u32 v3, $0x1388;
	v2 =	vsel vm5, $0xFFFFFFFF, v2;
	v1 =	vnsel vm4, $0x2, v1  }
0x61: {  	[tilespmem:$0x1FCB0] =	vst v1;
	v1 =	vshll.u32 v4, $0x3;
	v4 =	vadd.s32 s18, v3;
	v3 =	vimm.s32 $0x0  }
0x62: {  	s26 =	sor.u32 $0x200, s7;
	[tilespmem:$0x1FCC0] =	vst v2;
	v1 =	vor.u32 $0x2, v1;
	v3 =	vsel vm6, $0xFFFFFFFF, v3  }
0x63: {  	s28 =	sor.u32 $0x210, s7;
	v2 =	vor.u32 s26, v0;
	v1 =	vnsel vm5, $0x2, v1;
	[tilespmem:$0x1FCE0] =	vst v3  }
0x64: {  	vm7 =	vlt.u32 v2, $0x1388;
	v3 =	vor.u32 s28, v0;
	[tilespmem:$0x1FCD0] =	vst v1;
	v1 =	vshll.u32 v4, $0x3  }
0x65: {  	v4 =	vadd.s32 s18, v2;
	v2 =	vimm.s32 $0x0;
	v1 =	vor.u32 $0x2, v1  }
0x66: {  	vm8 =	vlt.u32 v3, $0x1388;
	v2 =	vsel vm7, $0xFFFFFFFF, v2;
	v1 =	vnsel vm6, $0x2, v1  }
0x67: {  	[tilespmem:$0x1FCF0] =	vst v1;
	v1 =	vshll.u32 v4, $0x3;
	v4 =	vadd.s32 s18, v3;
	v3 =	vimm.s32 $0x0  }
0x68: {  	s29 =	sor.u32 $0x220, s7;
	[tilespmem:$0x1FD00] =	vst v2;
	v1 =	vor.u32 $0x2, v1;
	v3 =	vsel vm8, $0xFFFFFFFF, v3  }
0x69: {  	s30 =	sor.u32 $0x230, s7;
	v2 =	vor.u32 s29, v0;
	v1 =	vnsel vm7, $0x2, v1;
	[tilespmem:$0x1FD20] =	vst v3  }
0x6a: {  	vm9 =	vlt.u32 v2, $0x1388;
	v3 =	vor.u32 s30, v0;
	[tilespmem:$0x1FD10] =	vst v1;
	v1 =	vshll.u32 v4, $0x3  }
0x6b: {  	v4 =	vadd.s32 s18, v2;
	v2 =	vimm.s32 $0x0;
	v1 =	vor.u32 $0x2, v1  }
0x6c: {  	vm10 =	vlt.u32 v3, $0x1388;
	v2 =	vsel vm9, $0xFFFFFFFF, v2;
	v1 =	vnsel vm8, $0x2, v1  }
0x6d: {  	[tilespmem:$0x1FD30] =	vst v1;
	v1 =	vshll.u32 v4, $0x3;
	v4 =	vadd.s32 s18, v3;
	v3 =	vimm.s32 $0x0  }
0x6e: {  	s31 =	sor.u32 $0x240, s7;
	[tilespmem:$0x1FD40] =	vst v2;
	v1 =	vor.u32 $0x2, v1;
	v3 =	vsel vm10, $0xFFFFFFFF, v3  }
0x6f: {  	s1 =	sor.u32 $0x250, s7;
	v2 =	vor.u32 s31, v0;
	v1 =	vnsel vm9, $0x2, v1;
	[tilespmem:$0x1FD60] =	vst v3  }
0x70: {  	vm11 =	vlt.u32 v2, $0x1388;
	v3 =	vor.u32 s1, v0;
	[tilespmem:$0x1FD50] =	vst v1;
	v1 =	vshll.u32 v4, $0x3  }
0x71: {  	v4 =	vadd.s32 s18, v2;
	v2 =	vimm.s32 $0x0;
	v1 =	vor.u32 $0x2, v1  }
0x72: {  	vm4 =	vlt.u32 v3, $0x1388;
	v2 =	vsel vm11, $0xFFFFFFFF, v2;
	v1 =	vnsel vm10, $0x2, v1  }
0x73: {  	[tilespmem:$0x1FD70] =	vst v1;
	v1 =	vshll.u32 v4, $0x3;
	v4 =	vadd.s32 s18, v3;
	v3 =	vimm.s32 $0x0  }
0x74: {  	s2 =	sor.u32 $0x260, s7;
	[tilespmem:$0x1FD80] =	vst v2;
	v1 =	vor.u32 $0x2, v1;
	v3 =	vsel vm4, $0xFFFFFFFF, v3  }
0x75: {  	s3 =	sor.u32 $0x270, s7;
	v2 =	vor.u32 s2, v0;
	v1 =	vnsel vm11, $0x2, v1;
	[tilespmem:$0x1FDA0] =	vst v3  }
0x76: {  	vm5 =	vlt.u32 v2, $0x1388;
	v3 =	vor.u32 s3, v0;
	[tilespmem:$0x1FD90] =	vst v1;
	v1 =	vshll.u32 v4, $0x3  }
0x77: {  	v4 =	vadd.s32 s18, v2;
	v2 =	vimm.s32 $0x0;
	v1 =	vor.u32 $0x2, v1  }
0x78: {  	vm6 =	vlt.u32 v3, $0x1388;
	v2 =	vsel vm5, $0xFFFFFFFF, v2;
	v1 =	vnsel vm4, $0x2, v1  }
0x79: {  	[tilespmem:$0x1FDB0] =	vst v1;
	v1 =	vshll.u32 v4, $0x3;
	v4 =	vadd.s32 s18, v3;
	v3 =	vimm.s32 $0x0  }
0x7a: {  	s4 =	sor.u32 $0x280, s7;
	[tilespmem:$0x1FDC0] =	vst v2;
	v1 =	vor.u32 $0x2, v1;
	v3 =	vsel vm6, $0xFFFFFFFF, v3  }
0x7b: {  	s6 =	sor.u32 $0x290, s7;
	v2 =	vor.u32 s4, v0;
	v1 =	vnsel vm5, $0x2, v1;
	[tilespmem:$0x1FDE0] =	vst v3  }
0x7c: {  	vm7 =	vlt.u32 v2, $0x1388;
	v3 =	vor.u32 s6, v0;
	[tilespmem:$0x1FDD0] =	vst v1;
	v1 =	vshll.u32 v4, $0x3  }
0x7d: {  	v4 =	vadd.s32 s18, v2;
	v2 =	vimm.s32 $0x0;
	v1 =	vor.u32 $0x2, v1  }
0x7e: {  	vm8 =	vlt.u32 v3, $0x1388;
	v2 =	vsel vm7, $0xFFFFFFFF, v2;
	v1 =	vnsel vm6, $0x2, v1  }
0x7f: {  	[tilespmem:$0x1FDF0] =	vst v1;
	v1 =	vshll.u32 v4, $0x3;
	v4 =	vadd.s32 s18, v3;
	v3 =	vimm.s32 $0x0  }
0x80: {  	s8 =	sor.u32 $0x2A0, s7;
	[tilespmem:$0x1FE00] =	vst v2;
	v1 =	vor.u32 $0x2, v1;
	v3 =	vsel vm8, $0xFFFFFFFF, v3  }
0x81: {  	s9 =	sor.u32 $0x2B0, s7;
	v2 =	vor.u32 s8, v0;
	v1 =	vnsel vm7, $0x2, v1;
	[tilespmem:$0x1FE20] =	vst v3  }
0x82: {  	vm9 =	vlt.u32 v2, $0x1388;
	v3 =	vor.u32 s9, v0;
	[tilespmem:$0x1FE10] =	vst v1;
	v1 =	vshll.u32 v4, $0x3  }
0x83: {  	v4 =	vadd.s32 s18, v2;
	v2 =	vimm.s32 $0x0;
	v1 =	vor.u32 $0x2, v1  }
0x84: {  	vm10 =	vlt.u32 v3, $0x1388;
	v2 =	vsel vm9, $0xFFFFFFFF, v2;
	v1 =	vnsel vm8, $0x2, v1  }
0x85: {  	[tilespmem:$0x1FE30] =	vst v1;
	v1 =	vshll.u32 v4, $0x3;
	v4 =	vadd.s32 s18, v3;
	v3 =	vimm.s32 $0x0  }
0x86: {  	s10 =	sor.u32 $0x2C0, s7;
	[tilespmem:$0x1FE40] =	vst v2;
	v1 =	vor.u32 $0x2, v1;
	v3 =	vsel vm10, $0xFFFFFFFF, v3  }
0x87: {  	s12 =	sor.u32 $0x2D0, s7;
	v2 =	vor.u32 s10, v0;
	v1 =	vnsel vm9, $0x2, v1;
	[tilespmem:$0x1FE60] =	vst v3  }
0x88: {  	vm11 =	vlt.u32 v2, $0x1388;
	v3 =	vor.u32 s12, v0;
	[tilespmem:$0x1FE50] =	vst v1;
	v1 =	vshll.u32 v4, $0x3  }
0x89: {  	v4 =	vadd.s32 s18, v2;
	v2 =	vimm.s32 $0x0;
	v1 =	vor.u32 $0x2, v1  }
0x8a: {  	vm4 =	vlt.u32 v3, $0x1388;
	v2 =	vsel vm11, $0xFFFFFFFF, v2;
	v1 =	vnsel vm10, $0x2, v1  }
0x8b: {  	[tilespmem:$0x1FE70] =	vst v1;
	v1 =	vshll.u32 v4, $0x3;
	v4 =	vadd.s32 s18, v3;
	v3 =	vimm.s32 $0x0  }
0x8c: {  	s13 =	sor.u32 $0x2E0, s7;
	[tilespmem:$0x1FE80] =	vst v2;
	v1 =	vor.u32 $0x2, v1;
	v3 =	vsel vm4, $0xFFFFFFFF, v3  }
0x8d: {  	s14 =	sor.u32 $0x2F0, s7;
	v2 =	vor.u32 s13, v0;
	v1 =	vnsel vm11, $0x2, v1;
	[tilespmem:$0x1FEA0] =	vst v3  }
0x8e: {  	vm5 =	vlt.u32 v2, $0x1388;
	v3 =	vor.u32 s14, v0;
	[tilespmem:$0x1FE90] =	vst v1;
	v1 =	vshll.u32 v4, $0x3  }
0x8f: {  	v4 =	vadd.s32 s18, v2;
	v2 =	vimm.s32 $0x0;
	v1 =	vor.u32 $0x2, v1  }
0x90: {  	vm6 =	vlt.u32 v3, $0x1388;
	v2 =	vsel vm5, $0xFFFFFFFF, v2;
	v1 =	vnsel vm4, $0x2, v1  }
0x91: {  	s12 =	sor.u32 $0x3F0, s7;
	[tilespmem:$0x1FEB0] =	vst v1;
	v1 =	vshll.u32 v4, $0x3;
	v4 =	vadd.s32 s18, v3;
	v3 =	vimm.s32 $0x0  }
0x92: {  	s16 =	sor.u32 $0x300, s7;
	v5 =	vor.u32 s12, v0;
	[tilespmem:$0x1FEC0] =	vst v2;
	v1 =	vor.u32 $0x2, v1;
	v3 =	vsel vm6, $0xFFFFFFFF, v3  }
0x93: {  	s17 =	sor.u32 $0x310, s7;
	v6 =	vadd.s32 s18, v5;
	v2 =	vor.u32 s16, v0;
	v1 =	vnsel vm5, $0x2, v1;
	[tilespmem:$0x1FEE0] =	vst v3  }
0x94: {  	vm7 =	vlt.u32 v2, $0x1388;
	v3 =	vor.u32 s17, v0;
	[tilespmem:$0x1FED0] =	vst v1;
	v1 =	vshll.u32 v4, $0x3  }
0x95: {  	v4 =	vadd.s32 s18, v2;
	v2 =	vimm.s32 $0x0;
	v1 =	vor.u32 $0x2, v1  }
0x96: {  	vm8 =	vlt.u32 v3, $0x1388;
	v2 =	vsel vm7, $0xFFFFFFFF, v2;
	v1 =	vnsel vm6, $0x2, v1  }
0x97: {  	[tilespmem:$0x1FEF0] =	vst v1;
	v1 =	vshll.u32 v4, $0x3;
	v4 =	vadd.s32 s18, v3;
	v3 =	vimm.s32 $0x0  }
0x98: {  	s19 =	sor.u32 $0x320, s7;
	vm15 =	vlt.u32 v5, $0x1388;
	[tilespmem:$0x1FF00] =	vst v2;
	v1 =	vor.u32 $0x2, v1;
	v3 =	vsel vm8, $0xFFFFFFFF, v3  }
0x99: {  	s20 =	sor.u32 $0x330, s7;
	v5 =	vimm.s32 $0x0;
	v2 =	vor.u32 s19, v0;
	v1 =	vnsel vm7, $0x2, v1;
	[tilespmem:$0x1FF20] =	vst v3  }
0x9a: {  	vm9 =	vlt.u32 v2, $0x1388;
	v3 =	vor.u32 s20, v0;
	[tilespmem:$0x1FF10] =	vst v1;
	v1 =	vshll.u32 v4, $0x3  }
0x9b: {  	v4 =	vadd.s32 s18, v2;
	v2 =	vimm.s32 $0x0;
	v1 =	vor.u32 $0x2, v1  }
0x9c: {  	vm10 =	vlt.u32 v3, $0x1388;
	v2 =	vsel vm9, $0xFFFFFFFF, v2;
	v1 =	vnsel vm8, $0x2, v1  }
0x9d: {  	s21 =	sor.u32 $0x340, s7;
	[tilespmem:$0x1FF30] =	vst v1;
	v1 =	vshll.u32 v4, $0x3;
	v4 =	vadd.s32 s18, v3;
	v3 =	vimm.s32 $0x0  }
0x9e: {  	s22 =	sor.u32 $0x350, s7;
	[tilespmem:$0x1FF40] =	vst v2;
	v2 =	vor.u32 s21, v0;
	v1 =	vor.u32 $0x2, v1;
	v3 =	vsel vm10, $0xFFFFFFFF, v3  }
0x9f: {  	vm11 =	vlt.u32 v2, $0x1388;
	v1 =	vnsel vm9, $0x2, v1;
	[tilespmem:$0x1FF60] =	vst v3;
	v3 =	vor.u32 s22, v0  }
0xa0: {  	[tilespmem:$0x1FF50] =	vst v1;
	v1 =	vshll.u32 v4, $0x3;
	v4 =	vadd.s32 s18, v2;
	v2 =	vimm.s32 $0x0  }
0xa1: {  	vm4 =	vlt.u32 v3, $0x1388;
	v1 =	vor.u32 $0x2, v1;
	v2 =	vsel vm11, $0xFFFFFFFF, v2  }
0xa2: {  	s23 =	sor.u32 $0x360, s7;
	v52 =	vnsel vm10, $0x2, v1;
	v1 =	vshll.u32 v4, $0x3;
	v4 =	vadd.s32 s18, v3  }
0xa3: {  	[tilespmem:$0x1FF70] =	vst v2;
	v2 =	vor.u32 s23, v0;
	v3 =	vimm.s32 $0x0;
	v1 =	vor.u32 $0x2, v1  }
0xa4: {  	v3 =	vsel vm4, $0xFFFFFFFF, v3;
	vm5 =	vlt.u32 v2, $0x1388;
	v53 =	vnsel vm11, $0x2, v1  }
0xa5: {  	s24 =	sor.u32 $0x370, s7;
	v1 =	vshll.u32 v4, $0x3;
	v4 =	vadd.s32 s18, v2;
	v2 =	vimm.s32 $0x0  }
0xa6: {  	[tilespmem:$0x1FF80] =	vst v3;
	v3 =	vor.u32 s24, v0;
	v1 =	vor.u32 $0x2, v1;
	v2 =	vsel vm5, $0xFFFFFFFF, v2  }
0xa7: {  	s25 =	sor.u32 $0x380, s7;
	vm6 =	vlt.u32 v3, $0x1388;
	v54 =	vnsel vm4, $0x2, v1;
	v1 =	vshll.u32 v4, $0x3  }
0xa8: {  	v4 =	vadd.s32 s18, v3;
	[tilespmem:$0x1FF90] =	vst v2;
	v2 =	vor.u32 s25, v0;
	v3 =	vimm.s32 $0x0  }
0xa9: {  	v1 =	vor.u32 $0x2, v1;
	v3 =	vsel vm6, $0xFFFFFFFF, v3;
	vm7 =	vlt.u32 v2, $0x1388  }
0xaa: {  	s26 =	sor.u32 $0x390, s7;
	v55 =	vnsel vm5, $0x2, v1;
	v1 =	vshll.u32 v4, $0x3;
	v4 =	vadd.s32 s18, v2  }
0xab: {  	[tilespmem:$0x1FFA0] =	vst v3;
	v3 =	vor.u32 s26, v0;
	v2 =	vimm.s32 $0x0;
	v1 =	vor.u32 $0x2, v1  }
0xac: {  	v2 =	vsel vm7, $0xFFFFFFFF, v2;
	vm8 =	vlt.u32 v3, $0x1388;
	v56 =	vnsel vm6, $0x2, v1  }
0xad: {  	s28 =	sor.u32 $0x3A0, s7;
	v1 =	vshll.u32 v4, $0x3;
	v4 =	vadd.s32 s18, v3;
	v3 =	vimm.s32 $0x0  }
0xae: {  	[tilespmem:$0x1FFB0] =	vst v2;
	v2 =	vor.u32 s28, v0;
	v1 =	vor.u32 $0x2, v1;
	v3 =	vsel vm8, $0xFFFFFFFF, v3  }
0xaf: {  	s29 =	sor.u32 $0x3B0, s7;
	vm9 =	vlt.u32 v2, $0x1388;
	v57 =	vnsel vm7, $0x2, v1;
	v1 =	vshll.u32 v4, $0x3  }
0xb0: {  	v4 =	vadd.s32 s18, v2;
	[tilespmem:$0x1FFC0] =	vst v3;
	v3 =	vor.u32 s29, v0;
	v2 =	vimm.s32 $0x0  }
0xb1: {  	v1 =	vor.u32 $0x2, v1;
	v2 =	vsel vm9, $0xFFFFFFFF, v2;
	vm10 =	vlt.u32 v3, $0x1388  }
0xb2: {  	s3 =	sor.u32 $0x3C0, s7;
	v58 =	vnsel vm8, $0x2, v1;
	v1 =	vshll.u32 v4, $0x3;
	v4 =	vadd.s32 s18, v3  }
0xb3: {  	s0 =	rddreg [dreg:$0x2];
	[tilespmem:$0x1FFD0] =	vst v2;
	v2 =	vor.u32 s3, v0;
	v3 =	vimm.s32 $0x0;
	v1 =	vor.u32 $0x2, v1  }
0xb4: {  	s1 =	rddreg [dreg:$0x1];
	s2 =	simm.s32 $0x0;
	s8 =	smul.u32 $0x6, s15;
	v3 =	vsel vm10, $0xFFFFFFFF, v3;
	vm11 =	vlt.u32 v2, $0x1388;
	v59 =	vnsel vm9, $0x2, v1  }
0xb5: {  	p0 =	sne.s32 s11, $0x0;
	s30 =	sor.u32 $0x3D0, s7;
	[smem:$0x7FF] =	sst s2;
	v1 =	vshll.u32 v4, $0x3;
	v4 =	vadd.s32 s18, v2;
	v2 =	vimm.s32 $0x0  }
0xb6: {  	s6 =	rddreg [dreg:$0x0];
	s8 =	sadd.s32 s5, s8;
	_ =	strace $0x8000004A;
	[tilespmem:$0x1FFE0] =	vst v3;
	v3 =	vor.u32 s30, v0;
	v1 =	vor.u32 $0x2, v1;
	v2 =	vsel vm11, $0xFFFFFFFF, v2  }
0xb7: {  	s4 =	sadd.s32 $0x2400, s6;
	s9 =	sor.u32 $0x3E0, s7;
	s8 =	sshll.u32 s8, $0x7;
	vm13 =	vlt.u32 v3, $0x1388;
	v60 =	vnsel vm10, $0x2, v1;
	v1 =	vshll.u32 v4, $0x3  }
0xb8: {  	s5 =	sadd.s32 $0x16000, s6;
	s8 =	sadd.s32 s8, s6;
	s10 =	ssub.s32 $0x2, s15;
	v4 =	vadd.s32 s18, v3;
	[tilespmem:$0x1FFF0] =	vst v2;
	v2 =	vor.u32 s9, v0;
	v3 =	vshll.u32 v6, $0x3  }
0xb9: {  	s8 =	sadd.s32 $0x18800, s8;
	s31 =	sshrl.u32 s10, $0x1;
	s7 =	sadd.s32 s7, s1;
	v1 =	vor.u32 $0x2, v1;
	v3 =	vor.u32 $0x2, v3;
	vm14 =	vlt.u32 v2, $0x1388  }
0xba: {  	s12 =	simm.s32 $0x14080;
	s13 =	simm.s32 $0x14880;
	s14 =	simm.s32 $0x30;
	v61 =	vnsel vm11, $0x2, v1;
	v1 =	vshll.u32 v4, $0x3;
	v4 =	vadd.s32 s18, v2  }
0xbb: {  	s16 =	simm.s32 $0x16100;
	s17 =	simm.s32 $0x0;
	s3 =	sadd.s32 $0xC200, s6;
	v2 =	vmov s15;
	v1 =	vor.u32 $0x2, v1;
	v4 =	vshll.u32 v4, $0x3  }
0xbc: {  	s6 =	smul.u32 $0x4E20, s11;
	s11 =	simm.s32 $0x13880;
	s9 =	ssub.s32 s10, s31;
	v62 =	vnsel vm13, $0x2, v1;
	v1 =	vor.u32 $0x2, v4;
	v4 =	vimm.f32 $0.0e+00  }
0xbd: {  	s10 =	simm.s32 $0x1;
	s9 =	smax.u32 s9, $0x1;
	s15 =	simm.s32 $0x16080;
	v63 =	vnsel vm14, $0x2, v1;
	v1 =	vnsel vm15, $0x2, v3;
	v3 =	vmov s18  }
.LBB2_1:
0xbe: {  	[tilespmem:s2], [sflag:$0x1] =	stream.linear.gather [hbm4b:s5+s2], $0x13880, $0x38;
	[tilespmem:$0x16680] =	vst v63  }
0xbf: {  	_ =	swait.ge [sflag:s10], $0x13880  }
0xc0: {  	[sflag:s10] =	ssyncset.done $0x0  }
0xc1: {  	s18 =	simm.s32 $0x0;
	s19 =	simm.s32 $0x200;
	[sflag:s10] =	ssyncadd.s32 $0xFFFEC780  }
.LBB2_2:
0xc2: {  	p1 =	sne.s32 s19, $0x5E00;
	[tilespmem:s18+$0x148F0] =	vst v4  }
0xc3: {  	[tilespmem:s18+$0x14880] =	vst v4  }
0xc4: {  	[tilespmem:s18+$0x14890] =	vst v4  }
.Ltmp0:
0xc5: {  	[tilespmem:s18+$0x148A0] =	vst v4;
	(pc) =	sbr.rel @p1 .LBB2_2-.Ltmp0, $4  }
0xc6: {  	[tilespmem:s18+$0x148B0] =	vst v4  }
0xc7: {  	[tilespmem:s18+$0x148C0] =	vst v4  }
0xc8: {  	[tilespmem:s18+$0x148D0] =	vst v4  }
0xc9: {  	[tilespmem:s18+$0x148E0] =	vst v4;
	s18 =	sshra.s32 s19, $0x2;
	s19 =	sadd.s32 $0x200, s19  }
0xca: {  	[tilespmem:s18+$0x148F0] =	vst v4  }
0xcb: {  	[tilespmem:s18+$0x14880] =	vst v4  }
0xcc: {  	[tilespmem:s18+$0x14890] =	vst v4  }
0xcd: {  	[tilespmem:s18+$0x148A0] =	vst v4  }
0xce: {  	[tilespmem:s18+$0x148B0] =	vst v4  }
0xcf: {  	[tilespmem:s18+$0x148C0] =	vst v4  }
0xd0: {  	[tilespmem:s18+$0x148D0] =	vst v4  }
0xd1: {  	[tilespmem:s18+$0x148E0] =	vst v4  }
0xd2: {  	v6 =	vor.u32 $0x10, v0;
	[tilespmem:$0x16080] =	vst v0  }
0xd3: {  	[tilespmem:$0x16090] =	vst v6;
	v6 =	vor.u32 $0x20, v0  }
0xd4: {  	s18 =	simm.s32 @!p0 $0x14880;
	[tilespmem:$0x160A0] =	vst v6  }
0xd5: {  	[spmem:s1] =	stream.linear.scatter @!p0 [tilespmem:s18], [sflag:$0x1], $0x1800, $0x38;
	[tilespmem:$0x16680] =	vst v63  }
0xd6: {  	s18 =	simm.s32 @!p0 $0x1  }
0xd7: {  	_ =	swait.ge @!p0 [sflag:s18], $0x1800  }
0xd8: {  	[sflag:s18] =	ssyncset.done @!p0 $0x0  }
0xd9: {  	[sflag:s18] =	ssyncadd.s32 @!p0 $0xFFFFE800  }
0xda: {  	s19 =	simm.s32 $0x0;
	s18 =	simm.s32 $0x0;
	[bflag:$0x0] =	sbarrier.arrive $0xFFFF  }
.LBB2_4:
0xdb: {  	s20 =	smul.u32 $0x7D0, s19;
	_ =	sdelay $0x1  }
0xdc: {  	s20 =	sadd.s32 s6, s20  }
0xdd: {  	s20 =	sshrl.u32 s20, $0x3  }
0xde: {  	s21 =	sadd.s32 s3, s20  }
0xdf: {  	[tilespmem:s11], [sflag:$0x1] =	stream.linear.gather [hbm4b:s21+s2], $0x7D0, $0x38;
	[tilespmem:$0x16680] =	vst v63  }
0xe0: {  	_ =	swait.ge [sflag:s10], $0x7D0  }
0xe1: {  	[sflag:s10] =	ssyncset.done $0x0  }
0xe2: {  	s20 =	sadd.s32 s4, s20;
	[sflag:s10] =	ssyncadd.s32 $0xFFFFF830  }
0xe3: {  	[tilespmem:s12], [sflag:$0x1] =	stream.linear.gather [hbm4b:s20+s2], $0x7D0, $0x38;
	[tilespmem:$0x16680] =	vst v63  }
0xe4: {  	_ =	swait.ge [sflag:s10], $0x7D0  }
0xe5: {  	[sflag:s10] =	ssyncset.done $0x0  }
0xe6: {  	s31 =	simm.s32 $0x138C0;
	[sflag:s10] =	ssyncadd.s32 $0xFFFFF830  }
0xe7: {  	s20 =	simm.s32 $0x140C0;
	v8 =	vld [tilespmem:s31+$0x30]  }
0xe8: {  	v11 =	vld [tilespmem:s20+$0x30]  }
0xe9: {  	v6 =	vld [tilespmem:s20+$0xFFFFFFC0]  }
0xea: {  	v10 =	vld [tilespmem:s31+$0xFFFFFFD0]  }
0xeb: {  	v7 =	vld [tilespmem:s20+$0xFFFFFFD0]  }
0xec: {  	v12 =	vld [tilespmem:s31+$0xFFFFFFE0]  }
0xed: {  	v16 =	vld [tilespmem:s31+$0xFFFFFFF0]  }
0xee: {  	v9 =	vld [tilespmem:s20+$0xFFFFFFF0]  }
0xef: {  	v20 =	vld [tilespmem:s31+$0x0]  }
0xf0: {  	v33 =	vld [tilespmem:s31+$0xFFFFFFC0]  }
0xf1: {  	v36 =	vld [tilespmem:s20+$0x10];
	v13 =	vshll.u32 v8, $0x3;
	v14 =	vshll.u32 v11, $0x3;
	v18 =	vshll.u32 v6, $0x3  }
0xf2: {  	vm0 =	vgt.s32 v6, $0x1387;
	v22 =	vshll.u32 v10, $0x3;
	v15 =	vor.u32 $0x5, v13  }
0xf3: {  	v8 =	vld [tilespmem:s20+$0xFFFFFFE0];
	v23 =	vshll.u32 v7, $0x3;
	v12 =	vshll.u32 v12, $0x3;
	v17 =	vor.u32 $0x5, v14  }
0xf4: {  	v16 =	vshll.u32 v16, $0x3;
	v32 =	vshll.u32 v9, $0x3;
	v20 =	vshll.u32 v20, $0x3  }
0xf5: {  	v10 =	vld [tilespmem:s20+$0x0];
	vm2 =	vgt.s32 v11, $0x1387;
	v33 =	vshll.u32 v33, $0x3;
	v19 =	vor.u32 $0x5, v18  }
0xf6: {  	v30 =	vld [tilespmem:s31+$0x10];
	vm5 =	vgt.s32 v36, $0x1387;
	v11 =	vsub.s32 v11, v3;
	v28 =	vor.u32 $0x5, v12  }
0xf7: {  	v21 =	vsel vm0, $0x1, v5;
	v24 =	vor.u32 $0x5, v22;
	vm0 =	vgt.s32 v7, $0x1387;
	v15 =	vld.idx.msk [tilespmem:v15+s18+$0x0], $0xffff  }
0xf8: {  	v25 =	vor.u32 $0x5, v23;
	v34 =	vor.u32 $0x5, v16;
	v27 =	vshll.u32 v8, $0x3;
	v17 =	vld.idx.msk [tilespmem:v17+s18+$0x0], $0xffff  }
0xf9: {  	v39 =	vld [tilespmem:s31+$0x20];
	v51 =	vor.u32 $0x5, v33;
	v26 =	vsel vm0, $0x1, v5;
	v29 =	vor.u32 $0x5, v27  }
0xfa: {  	vm0 =	vgt.s32 v8, $0x1387;
	v38 =	vshll.u32 v10, $0x3;
	vm1 =	vgt.s32 v10, $0x1387;
	v19 =	vld.idx.msk [tilespmem:v19+s18+$0x0], $0xffff  }
0xfb: {  	v31 =	vsel vm0, $0x1, v5;
	vm0 =	vgt.s32 v9, $0x1387;
	v41 =	vor.u32 $0x5, v38;
	v28 =	vld.idx.msk [tilespmem:v28+s18+$0x0], $0xffff  }
0xfc: {  	v42 =	vsel vm1, $0x1, v5;
	v37 =	vsel vm0, $0x1, v5;
	vm0 =	veq.s32 v2, v21;
	v21 =	vld [tilespmem:s20+$0x20]  }
0xfd: {  	vm1 =	veq.s32 v2, v26;
	v26 =	vshll.u32 v30, $0x3;
	vm3 =	veq.f32 v15, v17;
	v17 =	vld.idx.msk [tilespmem:v24+s18+$0x0], $0xffff  }
0xfe: {  	v40 =	vor.u32 $0x5, v20;
	v48 =	vor.u32 $0x5, v26;
	v15 =	vsel vm2, $0x1, v5;
	v24 =	vld.idx.msk [tilespmem:v29+s18+$0x0], $0xffff  }
0xff: {  	v14 =	vor.u32 $0x3, v14;
	v29 =	vshll.u32 v36, $0x3;
	vm7 =	veq.s32 v2, v15;
	v15 =	vld.idx.msk [tilespmem:v25+s18+$0x0], $0xffff  }
0x100: {  	vm2 =	veq.s32 v2, v42;
	v42 =	vld.idx.msk [tilespmem:v41+s18+$0x0], $0xffff;
	v50 =	vsel vm3, $0x1, v5;
	v43 =	vor.u32 $0x5, v29  }
0x101: {  	vm3 =	veq.s32 v2, v31;
	v31 =	vld.idx.msk [tilespmem:v34+s18+$0x0], $0xffff;
	v13 =	vor.u32 v50, v13;
	v14 =	vnsel vm7, $0x3, v14  }
0x102: {  	v35 =	vor.u32 $0x5, v32;
	v30 =	vshll.u32 v39, $0x3;
	v25 =	vld.idx.msk [tilespmem:v51+s18+$0x0], $0xffff;
	v14 =	vadd.s32 v50, v14  }
0x103: {  	v49 =	vsel vm5, $0x1, v5;
	v27 =	vor.u32 $0x3, v27;
	v44 =	vor.u32 $0x5, v30;
	v39 =	vld.idx.msk [tilespmem:v48+s18+$0x0], $0xffff  }
0x104: {  	vm4 =	veq.s32 v2, v37;
	v34 =	vshll.u32 v21, $0x3;
	vm8 =	veq.f32 v17, v15;
	v17 =	vld.idx.msk [tilespmem:v40+s18+$0x0], $0xffff  }
0x105: {  	vm6 =	vgt.s32 v21, $0x1387;
	v51 =	vor.u32 $0x3, v23;
	vm9 =	veq.f32 v28, v24;
	v48 =	vld.idx.msk [tilespmem:v43+s18+$0x0], $0xffff  }
0x106: {  	v45 =	vor.u32 $0x5, v34;
	v37 =	vnsel vm3, $0x3, v27;
	v28 =	vsel vm9, $0x1, v5;
	v13 =	vld.idx.msk [tilespmem:v13+s18+$0x0], $0xffff  }
0x107: {  	v50 =	vsel vm6, $0x1, v5;
	v46 =	vsel vm8, $0x1, v5;
	v24 =	vadd.s32 v28, v37;
	v14 =	vld.idx.msk [tilespmem:v14+s18+$0x0], $0xffff  }
0x108: {  	v15 =	vor.u32 $0x3, v18;
	v18 =	vnsel vm1, $0x3, v51;
	v47 =	vor.u32 v46, v22  }
0x109: {  	v35 =	vld.idx.msk [tilespmem:v35+s18+$0x0], $0xffff;
	vm6 =	veq.s32 v2, v49;
	vm8 =	veq.f32 v25, v19;
	v18 =	vadd.s32 v46, v18  }
0x10a: {  	vm5 =	veq.s32 v2, v50;
	v50 =	vld.idx.msk [tilespmem:v44+s18+$0x0], $0xffff;
	v15 =	vnsel vm0, $0x3, v15;
	v49 =	vsel vm8, $0x1, v5  }
0x10b: {  	v51 =	vld.idx.msk [tilespmem:v45+s18+$0x0], $0xffff;
	v15 =	vadd.s32 v49, v15;
	vm9 =	veq.f32 v17, v42;
	vm10 =	veq.f32 v39, v48  }
0x10c: {  	v23 =	vsel vm9, $0x1, v5;
	v24 =	vld.idx.msk [tilespmem:v24+s18+$0x0], $0xffff;
	v13 =	vmul.f32 v14, v13;
	v14 =	vor.u32 v49, v33  }
0x10d: {  	v43 =	vor.u32 $0x3, v29;
	v22 =	vsel vm10, $0x1, v5;
	v19 =	vld.idx.msk [tilespmem:v47+s18+$0x0], $0xffff;
	v42 =	vor.u32 v23, v20  }
0x10e: {  	vm8 =	veq.f32 v31, v35;
	v40 =	vld.idx.msk [tilespmem:v18+s18+$0x0], $0xffff;
	v20 =	vnsel vm6, $0x3, v43;
	v44 =	vor.u32 v22, v26  }
0x10f: {  	v20 =	vadd.s32 v22, v20;
	[tilespmem:v11+s13+$0x0] =	vst.idx.add.f32.msk vm7, v13;
	v11 =	vor.u32 v28, v12;
	v12 =	vor.u32 $0x3, v32  }
0x110: {  	v41 =	vor.u32 $0x3, v38;
	v15 =	vld.idx.msk [tilespmem:v15+s18+$0x0], $0xffff;
	v13 =	vsel vm8, $0x1, v5;
	v12 =	vnsel vm4, $0x3, v12  }
0x111: {  	vm11 =	veq.f32 v50, v51;
	v16 =	vor.u32 v13, v16;
	v12 =	vadd.s32 v13, v12;
	v13 =	vld.idx.msk [tilespmem:v14+s18+$0x0], $0xffff  }
0x112: {  	v46 =	vsel vm11, $0x1, v5;
	v14 =	vnsel vm2, $0x3, v41;
	v18 =	vld.idx.msk [tilespmem:v42+s18+$0x0], $0xffff  }
0x113: {  	v47 =	vor.u32 v46, v30;
	v14 =	vadd.s32 v23, v14;
	v23 =	vld.idx.msk [tilespmem:v44+s18+$0x0], $0xffff  }
0x114: {  	v45 =	vor.u32 $0x3, v34;
	v20 =	vld.idx.msk [tilespmem:v20+s18+$0x0], $0xffff  }
0x115: {  	v6 =	vsub.s32 v6, v3;
	v25 =	vnsel vm5, $0x3, v45;
	v11 =	vld.idx.msk [tilespmem:v11+s18+$0x0], $0xffff  }
0x116: {  	v48 =	vld.idx.msk [tilespmem:v12+s18+$0x0], $0xffff;
	v12 =	vadd.s32 v46, v25  }
0x117: {  	v49 =	vsub.s32 v7, v3;
	v16 =	vld.idx.msk [tilespmem:v16+s18+$0x0], $0xffff  }
0x118: {  	v50 =	vsub.s32 v8, v3;
	v51 =	vsub.s32 v9, v3;
	v9 =	vld.idx.msk [tilespmem:v47+s18+$0x0], $0xffff;
	v7 =	vmul.f32 v15, v13  }
0x119: {  	v14 =	vld.idx.msk [tilespmem:v14+s18+$0x0], $0xffff  }
0x11a: {  	v13 =	vmul.f32 v40, v19;
	[tilespmem:v6+s13+$0x0] =	vst.idx.add.f32.msk vm0, v7  }
0x11b: {  	v8 =	vsub.s32 v10, v3;
	v10 =	vmul.f32 v24, v11;
	v12 =	vld.idx.msk [tilespmem:v12+s18+$0x0], $0xffff  }
0x11c: {  	vm2 =	vmmov vm2;
	[tilespmem:v49+s13+$0x0] =	vst.idx.add.f32.msk vm1, v13;
	v15 =	vmul.f32 v48, v16  }
0x11d: {  	v7 =	vsub.s32 v36, v3;
	v6 =	vsub.s32 v21, v3;
	vm1 =	vmmov vm6;
	[tilespmem:v50+s13+$0x0] =	vst.idx.add.f32.msk vm3, v10  }
0x11e: {  	s22 =	simm.s32 $0x13940;
	s21 =	simm.s32 $0x0;
	vm0 =	vmmov vm5;
	v13 =	vmul.f32 v20, v23;
	v11 =	vmul.f32 v14, v18;
	[tilespmem:v51+s13+$0x0] =	vst.idx.add.f32.msk vm4, v15  }
.LBB2_5:
0x11f: {  	v15 =	vld [tilespmem:s22+$0x30];
	s20 =	sadd.s32 $0x80, s20  }
0x120: {  	v14 =	vmul.f32 v12, v9;
	v20 =	vld [tilespmem:s20+$0x30]  }
0x121: {  	s21 =	sadd.s32 $0x8, s21;
	v9 =	vld [tilespmem:s20+$0xFFFFFFC0]  }
0x122: {  	p1 =	slt.u32 s21, $0x70;
	v16 =	vld [tilespmem:s22+$0xFFFFFFD0]  }
0x123: {  	v10 =	vld [tilespmem:s20+$0xFFFFFFD0]  }
0x124: {  	v17 =	vld [tilespmem:s22+$0xFFFFFFE0];
	v22 =	vshll.u32 v15, $0x3  }
0x125: {  	v12 =	vld [tilespmem:s20+$0xFFFFFFE0];
	v23 =	vshll.u32 v20, $0x3;
	v18 =	vor.u32 $0x5, v22  }
0x126: {  	v24 =	vshll.u32 v9, $0x3;
	vm3 =	vgt.s32 v9, $0x1387;
	v25 =	vld [tilespmem:s22+$0xFFFFFFF0];
	v26 =	vor.u32 $0x5, v23  }
0x127: {  	v27 =	vor.u32 $0x5, v24;
	v28 =	vsel vm3, $0x1, v5;
	v21 =	vshll.u32 v16, $0x3;
	v15 =	vld [tilespmem:s20+$0xFFFFFFF0]  }
0x128: {  	v29 =	vshll.u32 v10, $0x3;
	v30 =	vor.u32 $0x5, v21;
	vm3 =	vgt.s32 v10, $0x1387;
	v31 =	vld [tilespmem:s22+$0x0]  }
0x129: {  	s23 =	simm.s32 $0x0;
	v32 =	vor.u32 $0x5, v29;
	v33 =	vsel vm3, $0x1, v5;
	v19 =	vshll.u32 v17, $0x3;
	v16 =	vld [tilespmem:s20+$0x0]  }
0x12a: {  	v34 =	vshll.u32 v12, $0x3;
	v35 =	vor.u32 $0x5, v19;
	vm3 =	vgt.s32 v12, $0x1387;
	v36 =	vld.idx.msk [tilespmem:v18+s23+$0x0], $0xffff  }
0x12b: {  	v37 =	vor.u32 $0x5, v34;
	v38 =	vsel vm3, $0x1, v5;
	v25 =	vshll.u32 v25, $0x3;
	v26 =	vld.idx.msk [tilespmem:v26+s23+$0x0], $0xffff  }
0x12c: {  	v39 =	vshll.u32 v15, $0x3;
	v40 =	vor.u32 $0x5, v25;
	vm3 =	vgt.s32 v15, $0x1387;
	v41 =	vld [tilespmem:s22+$0x10]  }
0x12d: {  	v42 =	vor.u32 $0x5, v39;
	v43 =	vsel vm3, $0x1, v5;
	v31 =	vshll.u32 v31, $0x3;
	v17 =	vld [tilespmem:s20+$0x10]  }
0x12e: {  	v44 =	vshll.u32 v16, $0x3;
	v45 =	vor.u32 $0x5, v31;
	vm4 =	vgt.s32 v16, $0x1387;
	v46 =	vld [tilespmem:s22+$0x20]  }
0x12f: {  	vm3 =	veq.s32 v2, v28;
	v28 =	vor.u32 $0x5, v44;
	v47 =	vsel vm4, $0x1, v5;
	v18 =	vld [tilespmem:s20+$0x20]  }
0x130: {  	vm6 =	vgt.s32 v20, $0x1387;
	vm5 =	veq.s32 v2, v33;
	vm4 =	veq.s32 v2, v38;
	v48 =	vld [tilespmem:s22+$0xFFFFFFC0]  }
0x131: {  	vm7 =	veq.f32 v36, v26;
	v26 =	vsel vm6, $0x1, v5;
	v27 =	vld.idx.msk [tilespmem:v27+s23+$0x0], $0xffff;
	v33 =	vshll.u32 v41, $0x3  }
0x132: {  	v23 =	vor.u32 $0x3, v23;
	v36 =	vsel vm7, $0x1, v5;
	vm10 =	veq.s32 v2, v26;
	v30 =	vld.idx.msk [tilespmem:v30+s23+$0x0], $0xffff  }
0x133: {  	v22 =	vor.u32 v36, v22;
	v23 =	vnsel vm10, $0x3, v23;
	v26 =	vld.idx.msk [tilespmem:v32+s23+$0x0], $0xffff;
	v32 =	vshll.u32 v17, $0x3  }
0x134: {  	v38 =	vshll.u32 v46, $0x3;
	v23 =	vadd.s32 v36, v23;
	v35 =	vld.idx.msk [tilespmem:v35+s23+$0x0], $0xffff;
	v41 =	vshll.u32 v18, $0x3  }
0x135: {  	v46 =	vor.u32 $0x5, v33;
	v36 =	vshll.u32 v48, $0x3;
	v37 =	vld.idx.msk [tilespmem:v37+s23+$0x0], $0xffff;
	v48 =	vor.u32 $0x5, v32  }
0x136: {  	v50 =	vor.u32 $0x5, v38;
	v51 =	vor.u32 $0x5, v41;
	v49 =	vor.u32 $0x5, v36;
	v40 =	vld.idx.msk [tilespmem:v40+s23+$0x0], $0xffff  }
0x137: {  	vm6 =	veq.s32 v2, v43;
	vm8 =	vgt.s32 v17, $0x1387;
	vm9 =	vgt.s32 v18, $0x1387;
	v42 =	vld.idx.msk [tilespmem:v42+s23+$0x0], $0xffff  }
0x138: {  	vm7 =	veq.s32 v2, v47;
	v43 =	vsel vm8, $0x1, v5;
	v47 =	vsel vm9, $0x1, v5;
	v22 =	vld.idx.msk [tilespmem:v22+s23+$0x0], $0xffff  }
0x139: {  	vm8 =	veq.s32 v2, v43;
	vm9 =	veq.s32 v2, v47;
	vm11 =	veq.f32 v30, v26;
	v23 =	vld.idx.msk [tilespmem:v23+s23+$0x0], $0xffff  }
0x13a: {  	v24 =	vor.u32 $0x3, v24;
	v26 =	vor.u32 $0x3, v29;
	v29 =	vor.u32 $0x3, v34;
	v30 =	vld.idx.msk [tilespmem:v45+s23+$0x0], $0xffff  }
0x13b: {  	vm12 =	veq.f32 v35, v37;
	v35 =	vor.u32 $0x3, v39;
	v37 =	vor.u32 $0x3, v44;
	v34 =	vld.idx.msk [tilespmem:v49+s23+$0x0], $0xffff  }
0x13c: {  	v20 =	vsub.s32 v20, v3;
	v32 =	vor.u32 $0x3, v32;
	v39 =	vor.u32 $0x3, v41;
	v28 =	vld.idx.msk [tilespmem:v28+s23+$0x0], $0xffff  }
0x13d: {  	v41 =	vsel vm11, $0x1, v5;
	v43 =	vsel vm12, $0x1, v5;
	vm11 =	veq.f32 v40, v42;
	v40 =	vld.idx.msk [tilespmem:v46+s23+$0x0], $0xffff  }
0x13e: {  	v24 =	vnsel vm3, $0x3, v24;
	v26 =	vnsel vm5, $0x3, v26;
	v42 =	vsel vm11, $0x1, v5;
	v44 =	vld.idx.msk [tilespmem:v48+s23+$0x0], $0xffff  }
0x13f: {  	v29 =	vnsel vm4, $0x3, v29;
	v35 =	vnsel vm6, $0x3, v35;
	v22 =	vmul.f32 v23, v22;
	v45 =	vld.idx.msk [tilespmem:v50+s23+$0x0], $0xffff  }
0x140: {  	v32 =	vnsel vm8, $0x3, v32;
	v39 =	vnsel vm9, $0x3, v39;
	v23 =	vnsel vm7, $0x3, v37;
	v37 =	vld.idx.msk [tilespmem:v51+s23+$0x0], $0xffff  }
0x141: {  	v21 =	vor.u32 v41, v21;
	vm11 =	veq.f32 v34, v27;
	[tilespmem:v20+s13+$0x0] =	vst.idx.add.f32.msk vm10, v22  }
0x142: {  	v20 =	vsel vm11, $0x1, v5;
	v22 =	vadd.s32 v41, v26;
	vm10 =	veq.f32 v30, v28;
	[tilespmem:v8+s13+$0x0] =	vst.idx.add.f32.msk vm2, v11  }
0x143: {  	v8 =	vor.u32 v20, v36;
	v11 =	vadd.s32 v20, v24;
	v20 =	vsel vm10, $0x1, v5;
	[tilespmem:v7+s13+$0x0] =	vst.idx.add.f32.msk vm1, v13  }
0x144: {  	v7 =	vor.u32 v43, v19;
	v13 =	vadd.s32 v43, v29;
	vm1 =	veq.f32 v40, v44  }
0x145: {  	v24 =	vadd.s32 v42, v35;
	v19 =	vor.u32 v42, v25;
	v25 =	vsel vm1, $0x1, v5;
	[tilespmem:v6+s13+$0x0] =	vst.idx.add.f32.msk vm0, v14  }
0x146: {  	vm0 =	veq.f32 v45, v37;
	v14 =	vld.idx.msk [tilespmem:v21+s23+$0x0], $0xffff;
	v21 =	vor.u32 v20, v31;
	v20 =	vadd.s32 v20, v23  }
0x147: {  	v23 =	vor.u32 v25, v33;
	v25 =	vadd.s32 v25, v32;
	v6 =	vsel vm0, $0x1, v5;
	v22 =	vld.idx.msk [tilespmem:v22+s23+$0x0], $0xffff  }
0x148: {  	v26 =	vsub.s32 v9, v3;
	v27 =	vor.u32 v6, v38;
	v28 =	vadd.s32 v6, v39;
	v9 =	vld.idx.msk [tilespmem:v8+s23+$0x0], $0xffff  }
0x149: {  	v10 =	vsub.s32 v10, v3;
	v15 =	vsub.s32 v15, v3;
	v29 =	vsub.s32 v12, v3;
	v11 =	vld.idx.msk [tilespmem:v11+s23+$0x0], $0xffff  }
0x14a: {  	v6 =	vsub.s32 v18, v3;
	v8 =	vsub.s32 v16, v3;
	v12 =	vld.idx.msk [tilespmem:v7+s23+$0x0], $0xffff;
	v7 =	vsub.s32 v17, v3  }
0x14b: {  	vm2 =	vmmov vm7;
	vm1 =	vmmov vm8;
	vm0 =	vmmov vm9;
	v13 =	vld.idx.msk [tilespmem:v13+s23+$0x0], $0xffff  }
0x14c: {  	v16 =	vld.idx.msk [tilespmem:v19+s23+$0x0], $0xffff  }
0x14d: {  	v14 =	vmul.f32 v22, v14;
	v17 =	vld.idx.msk [tilespmem:v24+s23+$0x0], $0xffff  }
0x14e: {  	v18 =	vld.idx.msk [tilespmem:v21+s23+$0x0], $0xffff  }
0x14f: {  	v11 =	vmul.f32 v11, v9;
	v19 =	vld.idx.msk [tilespmem:v20+s23+$0x0], $0xffff  }
0x150: {  	v20 =	vld.idx.msk [tilespmem:v23+s23+$0x0], $0xffff  }
0x151: {  	v13 =	vmul.f32 v13, v12;
	v21 =	vld.idx.msk [tilespmem:v25+s23+$0x0], $0xffff  }
0x152: {  	v9 =	vld.idx.msk [tilespmem:v27+s23+$0x0], $0xffff  }
.Ltmp1:
0x153: {  	v16 =	vmul.f32 v17, v16;
	v12 =	vld.idx.msk [tilespmem:v28+s23+$0x0], $0xffff;
	(pc) =	sbr.rel @p1 .LBB2_5-.Ltmp1, $4  }
0x154: {  	[tilespmem:v26+s13+$0x0] =	vst.idx.add.f32.msk vm3, v11  }
0x155: {  	v11 =	vmul.f32 v19, v18;
	[tilespmem:v10+s13+$0x0] =	vst.idx.add.f32.msk vm5, v14  }
0x156: {  	[tilespmem:v29+s13+$0x0] =	vst.idx.add.f32.msk vm4, v13  }
0x157: {  	s22 =	sadd.s32 $0x80, s22;
	v13 =	vmul.f32 v21, v20;
	[tilespmem:v15+s13+$0x0] =	vst.idx.add.f32.msk vm6, v16  }
0x158: {  	_ =	sdelay $0x4  }
0x159: {  	v9 =	vmul.f32 v12, v9;
	[tilespmem:v8+s13+$0x0] =	vst.idx.add.f32.msk vm2, v11  }
0x15a: {  	[tilespmem:v7+s13+$0x0] =	vst.idx.add.f32.msk vm1, v13  }
0x15b: {  	[tilespmem:v6+s13+$0x0] =	vst.idx.add.f32.msk vm0, v9  }
.LBB2_7:
0x15c: {  	s20 =	sshra.s32 s23, $0x2  }
0x15d: {  	v6 =	vld [tilespmem:s20+$0x14000]  }
0x15e: {  	v7 =	vld [tilespmem:s20+$0x14800];
	_ =	sdelay $0x3  }
0x15f: {  	v6 =	vshll.u32 v6, $0x3  }
0x160: {  	v8 =	vshll.u32 v7, $0x3;
	v9 =	vor.u32 $0x5, v6  }
0x161: {  	v10 =	vor.u32 $0x5, v8;
	_ =	sdelay $0x3  }
0x162: {  	v9 =	vld.idx.msk [tilespmem:v9+s2+$0x0], $0xffff  }
0x163: {  	v10 =	vld.idx.msk [tilespmem:v10+s2+$0x0], $0xffff;
	_ =	sdelay $0x3  }
0x164: {  	vm0 =	vgt.s32 v7, $0x1387  }
0x165: {  	v11 =	vsel vm0, $0x1, v5;
	vm10 =	veq.f32 v9, v10  }
0x166: {  	v8 =	vor.u32 $0x3, v8;
	vm11 =	veq.s32 v2, v11;
	v9 =	vsel vm10, $0x1, v5  }
0x167: {  	v8 =	vnsel vm11, $0x3, v8;
	v6 =	vor.u32 v9, v6  }
0x168: {  	v8 =	vadd.s32 v9, v8;
	_ =	sdelay $0x3  }
0x169: {  	v6 =	vld.idx.msk [tilespmem:v6+s2+$0x0], $0xffff  }
0x16a: {  	v8 =	vld.idx.msk [tilespmem:v8+s2+$0x0], $0xffff;
	_ =	sdelay $0x1  }
0x16b: {  	p1 =	sne.s32 s23, $0x100;
	v7 =	vsub.s32 v7, v3  }
.Ltmp2:
0x16c: {  	_ = 	snop;
	(pc) =	sbr.rel @p1 .LBB2_7-.Ltmp2, $3  }
0x16d: {  	_ = 	snop  }
0x16e: {  	v6 =	vmul.f32 v8, v6;
	_ =	sdelay $0x1  }
0x16f: {  	s23 =	sadd.s32 $0x40, s23;
	[tilespmem:v7+s13+$0x0] =	vst.idx.add.f32.msk vm11, v6  }
0x170: {  	s19 =	sadd.s32 $0x1, s19  }
0x171: {  	p1 =	sne.s32 s19, $0xA  }
.Ltmp3:
0x172: {  	_ = 	snop;
	(pc) =	sbr.rel @p1 .LBB2_4-.Ltmp3, $1  }
0x173: {  	_ =	sdelay $0x3  }
0x174: {  	[spmem:s1] =	stream.indirect.scatter.add.f32 [tilespmem:s13], [sflag:$0x1], $0x80, s15, s14, $0xb8;
	[tilespmem:$0x16680] =	vst v63  }
0x175: {  	_ =	swait.ge [sflag:s10], $0x1800  }
0x176: {  	[sflag:s10] =	ssyncset.done $0x0  }
0x177: {  	[sflag:s10] =	ssyncadd.s32 $0xFFFFE800  }
0x178: {  	[bflag:$0x0] =	sbarrier.arrive $0xFFFF  }
0x179: {  	[tilespmem:s16], [sflag:$0x1] =	stream.linear.gather [spmem:s7], $0x400, $0x38;
	[tilespmem:$0x16680] =	vst v63  }
0x17a: {  	_ =	swait.ge [sflag:s10], $0x400  }
0x17b: {  	v6 =	vld [tilespmem:$0x1F910];
	_ =	sdelay $0x5  }
0x17c: {  	[sflag:s10] =	ssyncset.done $0x0  }
0x17d: {  	v8 =	vld [tilespmem:$0x1F900];
	[sflag:s10] =	ssyncadd.s32 $0xFFFFFC00  }
0x17e: {  	v6 =	vld.idx.msk [tilespmem:v6+s2+$0x0], $0xffff  }
0x17f: {  	v7 =	vld [tilespmem:$0x16100];
	_ =	sdelay $0x2  }
0x180: {  	vm0 =	vnez.u8 v8  }
0x181: {  	v6 =	vnsel vm0, $0x0, v6  }
0x182: {  	v6 =	vadd.f32 v6, v7;
	_ =	sdelay $0x1  }
0x183: {  	[tilespmem:$0x16100] =	vst v6;
	v6 =	vld [tilespmem:$0x1F930];
	_ =	sdelay $0x6  }
0x184: {  	v32 =	vld [tilespmem:$0x1F920]  }
0x185: {  	v6 =	vld.idx.msk [tilespmem:v6+s2+$0x0], $0xffff  }
0x186: {  	v7 =	vld [tilespmem:$0x16110];
	_ =	sdelay $0x2  }
0x187: {  	vm8 =	vnez.u8 v32  }
0x188: {  	v6 =	vnsel vm8, $0x0, v6  }
0x189: {  	v6 =	vadd.f32 v6, v7;
	_ =	sdelay $0x1  }
0x18a: {  	[tilespmem:$0x16110] =	vst v6;
	v6 =	vld [tilespmem:$0x1F950];
	_ =	sdelay $0x6  }
0x18b: {  	v33 =	vld [tilespmem:$0x1F940]  }
0x18c: {  	v6 =	vld.idx.msk [tilespmem:v6+s2+$0x0], $0xffff  }
0x18d: {  	v7 =	vld [tilespmem:$0x16120];
	_ =	sdelay $0x2  }
0x18e: {  	vm9 =	vnez.u8 v33  }
0x18f: {  	v6 =	vnsel vm9, $0x0, v6  }
0x190: {  	v6 =	vadd.f32 v6, v7;
	_ =	sdelay $0x1  }
0x191: {  	[tilespmem:$0x16120] =	vst v6;
	v6 =	vld [tilespmem:$0x1F970];
	_ =	sdelay $0x6  }
0x192: {  	v34 =	vld [tilespmem:$0x1F960]  }
0x193: {  	v6 =	vld.idx.msk [tilespmem:v6+s2+$0x0], $0xffff  }
0x194: {  	v7 =	vld [tilespmem:$0x16130];
	_ =	sdelay $0x2  }
0x195: {  	vm10 =	vnez.u8 v34  }
0x196: {  	v6 =	vnsel vm10, $0x0, v6  }
0x197: {  	v6 =	vadd.f32 v6, v7;
	_ =	sdelay $0x1  }
0x198: {  	[tilespmem:$0x16130] =	vst v6;
	v6 =	vld [tilespmem:$0x1F990];
	_ =	sdelay $0x6  }
0x199: {  	v35 =	vld [tilespmem:$0x1F980]  }
0x19a: {  	v6 =	vld.idx.msk [tilespmem:v6+s2+$0x0], $0xffff  }
0x19b: {  	v7 =	vld [tilespmem:$0x16140];
	_ =	sdelay $0x2  }
0x19c: {  	vm11 =	vnez.u8 v35  }
0x19d: {  	v6 =	vnsel vm11, $0x0, v6  }
0x19e: {  	v6 =	vadd.f32 v6, v7;
	_ =	sdelay $0x1  }
0x19f: {  	[tilespmem:$0x16140] =	vst v6;
	v6 =	vld [tilespmem:$0x1F9B0];
	_ =	sdelay $0x6  }
0x1a0: {  	v36 =	vld [tilespmem:$0x1F9A0]  }
0x1a1: {  	v6 =	vld.idx.msk [tilespmem:v6+s2+$0x0], $0xffff  }
0x1a2: {  	v7 =	vld [tilespmem:$0x16150];
	_ =	sdelay $0x2  }
0x1a3: {  	vm4 =	vnez.u8 v36  }
0x1a4: {  	v6 =	vnsel vm4, $0x0, v6  }
0x1a5: {  	v6 =	vadd.f32 v6, v7;
	_ =	sdelay $0x1  }
0x1a6: {  	[tilespmem:$0x16150] =	vst v6;
	v6 =	vld [tilespmem:$0x1F9D0];
	_ =	sdelay $0x6  }
0x1a7: {  	v37 =	vld [tilespmem:$0x1F9C0]  }
0x1a8: {  	v6 =	vld.idx.msk [tilespmem:v6+s2+$0x0], $0xffff  }
0x1a9: {  	v7 =	vld [tilespmem:$0x16160];
	_ =	sdelay $0x2  }
0x1aa: {  	vm5 =	vnez.u8 v37  }
0x1ab: {  	v6 =	vnsel vm5, $0x0, v6  }
0x1ac: {  	v6 =	vadd.f32 v6, v7;
	_ =	sdelay $0x1  }
0x1ad: {  	[tilespmem:$0x16160] =	vst v6;
	v6 =	vld [tilespmem:$0x1F9F0];
	_ =	sdelay $0x6  }
0x1ae: {  	v38 =	vld [tilespmem:$0x1F9E0]  }
0x1af: {  	v6 =	vld.idx.msk [tilespmem:v6+s2+$0x0], $0xffff  }
0x1b0: {  	v7 =	vld [tilespmem:$0x16170];
	_ =	sdelay $0x2  }
0x1b1: {  	vm6 =	vnez.u8 v38  }
0x1b2: {  	v6 =	vnsel vm6, $0x0, v6  }
0x1b3: {  	v6 =	vadd.f32 v6, v7;
	_ =	sdelay $0x1  }
0x1b4: {  	[tilespmem:$0x16170] =	vst v6;
	v6 =	vld [tilespmem:$0x1FA10];
	_ =	sdelay $0x6  }
0x1b5: {  	v39 =	vld [tilespmem:$0x1FA00]  }
0x1b6: {  	v6 =	vld.idx.msk [tilespmem:v6+s2+$0x0], $0xffff  }
0x1b7: {  	v7 =	vld [tilespmem:$0x16180];
	_ =	sdelay $0x2  }
0x1b8: {  	vm7 =	vnez.u8 v39  }
0x1b9: {  	v6 =	vnsel vm7, $0x0, v6  }
0x1ba: {  	v6 =	vadd.f32 v6, v7;
	_ =	sdelay $0x1  }
0x1bb: {  	[tilespmem:$0x16180] =	vst v6;
	v6 =	vld [tilespmem:$0x1FA30];
	_ =	sdelay $0x6  }
0x1bc: {  	v40 =	vld [tilespmem:$0x1FA20]  }
0x1bd: {  	v6 =	vld.idx.msk [tilespmem:v6+s2+$0x0], $0xffff  }
0x1be: {  	v7 =	vld [tilespmem:$0x16190];
	_ =	sdelay $0x2  }
0x1bf: {  	vm8 =	vnez.u8 v40  }
0x1c0: {  	v6 =	vnsel vm8, $0x0, v6  }
0x1c1: {  	v6 =	vadd.f32 v6, v7;
	_ =	sdelay $0x1  }
0x1c2: {  	[tilespmem:$0x16190] =	vst v6;
	v6 =	vld [tilespmem:$0x1FA50];
	_ =	sdelay $0x6  }
0x1c3: {  	v41 =	vld [tilespmem:$0x1FA40]  }
0x1c4: {  	v6 =	vld.idx.msk [tilespmem:v6+s2+$0x0], $0xffff  }
0x1c5: {  	v7 =	vld [tilespmem:$0x161A0];
	_ =	sdelay $0x2  }
0x1c6: {  	vm9 =	vnez.u8 v41  }
0x1c7: {  	v6 =	vnsel vm9, $0x0, v6  }
0x1c8: {  	v6 =	vadd.f32 v6, v7;
	_ =	sdelay $0x1  }
0x1c9: {  	[tilespmem:$0x161A0] =	vst v6;
	v6 =	vld [tilespmem:$0x1FA70];
	_ =	sdelay $0x6  }
0x1ca: {  	v42 =	vld [tilespmem:$0x1FA60]  }
0x1cb: {  	v6 =	vld.idx.msk [tilespmem:v6+s2+$0x0], $0xffff  }
0x1cc: {  	v7 =	vld [tilespmem:$0x161B0];
	_ =	sdelay $0x2  }
0x1cd: {  	vm10 =	vnez.u8 v42  }
0x1ce: {  	v6 =	vnsel vm10, $0x0, v6  }
0x1cf: {  	v6 =	vadd.f32 v6, v7;
	_ =	sdelay $0x1  }
0x1d0: {  	[tilespmem:$0x161B0] =	vst v6;
	v6 =	vld [tilespmem:$0x1FA90];
	_ =	sdelay $0x6  }
0x1d1: {  	v43 =	vld [tilespmem:$0x1FA80]  }
0x1d2: {  	v6 =	vld.idx.msk [tilespmem:v6+s2+$0x0], $0xffff  }
0x1d3: {  	v7 =	vld [tilespmem:$0x161C0];
	_ =	sdelay $0x2  }
0x1d4: {  	vm11 =	vnez.u8 v43  }
0x1d5: {  	v6 =	vnsel vm11, $0x0, v6  }
0x1d6: {  	v6 =	vadd.f32 v6, v7;
	_ =	sdelay $0x1  }
0x1d7: {  	[tilespmem:$0x161C0] =	vst v6;
	v6 =	vld [tilespmem:$0x1FAB0];
	_ =	sdelay $0x6  }
0x1d8: {  	v44 =	vld [tilespmem:$0x1FAA0]  }
0x1d9: {  	v6 =	vld.idx.msk [tilespmem:v6+s2+$0x0], $0xffff  }
0x1da: {  	v7 =	vld [tilespmem:$0x161D0];
	_ =	sdelay $0x2  }
0x1db: {  	vm4 =	vnez.u8 v44  }
0x1dc: {  	v6 =	vnsel vm4, $0x0, v6  }
0x1dd: {  	v6 =	vadd.f32 v6, v7;
	_ =	sdelay $0x1  }
0x1de: {  	[tilespmem:$0x161D0] =	vst v6;
	v6 =	vld [tilespmem:$0x1FAD0];
	_ =	sdelay $0x6  }
0x1df: {  	v45 =	vld [tilespmem:$0x1FAC0]  }
0x1e0: {  	v6 =	vld.idx.msk [tilespmem:v6+s2+$0x0], $0xffff  }
0x1e1: {  	v7 =	vld [tilespmem:$0x161E0];
	_ =	sdelay $0x2  }
0x1e2: {  	vm5 =	vnez.u8 v45  }
0x1e3: {  	v6 =	vnsel vm5, $0x0, v6  }
0x1e4: {  	v6 =	vadd.f32 v6, v7;
	_ =	sdelay $0x1  }
0x1e5: {  	[tilespmem:$0x161E0] =	vst v6;
	v6 =	vld [tilespmem:$0x1FAF0];
	_ =	sdelay $0x6  }
0x1e6: {  	v46 =	vld [tilespmem:$0x1FAE0]  }
0x1e7: {  	v6 =	vld.idx.msk [tilespmem:v6+s2+$0x0], $0xffff  }
0x1e8: {  	v7 =	vld [tilespmem:$0x161F0];
	_ =	sdelay $0x2  }
0x1e9: {  	vm6 =	vnez.u8 v46  }
0x1ea: {  	v6 =	vnsel vm6, $0x0, v6  }
0x1eb: {  	v6 =	vadd.f32 v6, v7;
	_ =	sdelay $0x1  }
0x1ec: {  	[tilespmem:$0x161F0] =	vst v6;
	v6 =	vld [tilespmem:$0x1FB10];
	_ =	sdelay $0x6  }
0x1ed: {  	v47 =	vld [tilespmem:$0x1FB00]  }
0x1ee: {  	v6 =	vld.idx.msk [tilespmem:v6+s2+$0x0], $0xffff  }
0x1ef: {  	v7 =	vld [tilespmem:$0x16200];
	_ =	sdelay $0x2  }
0x1f0: {  	vm7 =	vnez.u8 v47  }
0x1f1: {  	v6 =	vnsel vm7, $0x0, v6  }
0x1f2: {  	v6 =	vadd.f32 v6, v7;
	_ =	sdelay $0x1  }
0x1f3: {  	[tilespmem:$0x16200] =	vst v6;
	v6 =	vld [tilespmem:$0x1FB30];
	_ =	sdelay $0x6  }
0x1f4: {  	v48 =	vld [tilespmem:$0x1FB20]  }
0x1f5: {  	v6 =	vld.idx.msk [tilespmem:v6+s2+$0x0], $0xffff  }
0x1f6: {  	v7 =	vld [tilespmem:$0x16210];
	_ =	sdelay $0x2  }
0x1f7: {  	vm8 =	vnez.u8 v48  }
0x1f8: {  	v6 =	vnsel vm8, $0x0, v6  }
0x1f9: {  	v6 =	vadd.f32 v6, v7;
	_ =	sdelay $0x1  }
0x1fa: {  	[tilespmem:$0x16210] =	vst v6;
	v6 =	vld [tilespmem:$0x1FB50];
	_ =	sdelay $0x6  }
0x1fb: {  	v49 =	vld [tilespmem:$0x1FB40]  }
0x1fc: {  	v6 =	vld.idx.msk [tilespmem:v6+s2+$0x0], $0xffff  }
0x1fd: {  	v7 =	vld [tilespmem:$0x16220];
	_ =	sdelay $0x2  }
0x1fe: {  	vm9 =	vnez.u8 v49  }
0x1ff: {  	v6 =	vnsel vm9, $0x0, v6  }
0x200: {  	v6 =	vadd.f32 v6, v7;
	_ =	sdelay $0x1  }
0x201: {  	[tilespmem:$0x16220] =	vst v6;
	v6 =	vld [tilespmem:$0x1FB70];
	_ =	sdelay $0x6  }
0x202: {  	v50 =	vld [tilespmem:$0x1FB60]  }
0x203: {  	v6 =	vld.idx.msk [tilespmem:v6+s2+$0x0], $0xffff  }
0x204: {  	v7 =	vld [tilespmem:$0x16230];
	_ =	sdelay $0x2  }
0x205: {  	vm10 =	vnez.u8 v50  }
0x206: {  	v6 =	vnsel vm10, $0x0, v6  }
0x207: {  	v6 =	vadd.f32 v6, v7;
	_ =	sdelay $0x1  }
0x208: {  	[tilespmem:$0x16230] =	vst v6;
	v6 =	vld [tilespmem:$0x1FB90];
	_ =	sdelay $0x6  }
0x209: {  	v51 =	vld [tilespmem:$0x1FB80]  }
0x20a: {  	v6 =	vld.idx.msk [tilespmem:v6+s2+$0x0], $0xffff  }
0x20b: {  	v7 =	vld [tilespmem:$0x16240];
	_ =	sdelay $0x2  }
0x20c: {  	vm11 =	vnez.u8 v51  }
0x20d: {  	v6 =	vnsel vm11, $0x0, v6  }
0x20e: {  	v6 =	vadd.f32 v6, v7;
	_ =	sdelay $0x1  }
0x20f: {  	[tilespmem:$0x16240] =	vst v6;
	v6 =	vld [tilespmem:$0x1FBB0];
	_ =	sdelay $0x6  }
0x210: {  	v12 =	vld [tilespmem:$0x1FBA0]  }
0x211: {  	v6 =	vld.idx.msk [tilespmem:v6+s2+$0x0], $0xffff  }
0x212: {  	v7 =	vld [tilespmem:$0x16250];
	_ =	sdelay $0x2  }
0x213: {  	vm4 =	vnez.u8 v12  }
0x214: {  	v6 =	vnsel vm4, $0x0, v6  }
0x215: {  	v6 =	vadd.f32 v6, v7;
	_ =	sdelay $0x1  }
0x216: {  	[tilespmem:$0x16250] =	vst v6;
	v6 =	vld [tilespmem:$0x1FBD0];
	_ =	sdelay $0x6  }
0x217: {  	v13 =	vld [tilespmem:$0x1FBC0]  }
0x218: {  	v6 =	vld.idx.msk [tilespmem:v6+s2+$0x0], $0xffff  }
0x219: {  	v7 =	vld [tilespmem:$0x16260];
	_ =	sdelay $0x2  }
0x21a: {  	vm5 =	vnez.u8 v13  }
0x21b: {  	v6 =	vnsel vm5, $0x0, v6  }
0x21c: {  	v6 =	vadd.f32 v6, v7;
	_ =	sdelay $0x1  }
0x21d: {  	[tilespmem:$0x16260] =	vst v6;
	v6 =	vld [tilespmem:$0x1FBF0];
	_ =	sdelay $0x6  }
0x21e: {  	v14 =	vld [tilespmem:$0x1FBE0]  }
0x21f: {  	v6 =	vld.idx.msk [tilespmem:v6+s2+$0x0], $0xffff  }
0x220: {  	v7 =	vld [tilespmem:$0x16270];
	_ =	sdelay $0x2  }
0x221: {  	vm6 =	vnez.u8 v14  }
0x222: {  	v6 =	vnsel vm6, $0x0, v6  }
0x223: {  	v6 =	vadd.f32 v6, v7;
	_ =	sdelay $0x1  }
0x224: {  	[tilespmem:$0x16270] =	vst v6;
	v6 =	vld [tilespmem:$0x1FC10];
	_ =	sdelay $0x6  }
0x225: {  	v15 =	vld [tilespmem:$0x1FC00]  }
0x226: {  	v6 =	vld.idx.msk [tilespmem:v6+s2+$0x0], $0xffff  }
0x227: {  	v7 =	vld [tilespmem:$0x16280];
	_ =	sdelay $0x2  }
0x228: {  	vm7 =	vnez.u8 v15  }
0x229: {  	v6 =	vnsel vm7, $0x0, v6  }
0x22a: {  	v6 =	vadd.f32 v6, v7;
	_ =	sdelay $0x1  }
0x22b: {  	[tilespmem:$0x16280] =	vst v6;
	v6 =	vld [tilespmem:$0x1FC30];
	_ =	sdelay $0x6  }
0x22c: {  	v16 =	vld [tilespmem:$0x1FC20]  }
0x22d: {  	v6 =	vld.idx.msk [tilespmem:v6+s2+$0x0], $0xffff  }
0x22e: {  	v7 =	vld [tilespmem:$0x16290];
	_ =	sdelay $0x2  }
0x22f: {  	vm8 =	vnez.u8 v16  }
0x230: {  	v6 =	vnsel vm8, $0x0, v6  }
0x231: {  	v6 =	vadd.f32 v6, v7;
	_ =	sdelay $0x1  }
0x232: {  	[tilespmem:$0x16290] =	vst v6;
	v6 =	vld [tilespmem:$0x1FC50];
	_ =	sdelay $0x6  }
0x233: {  	v17 =	vld [tilespmem:$0x1FC40]  }
0x234: {  	v6 =	vld.idx.msk [tilespmem:v6+s2+$0x0], $0xffff  }
0x235: {  	v7 =	vld [tilespmem:$0x162A0];
	_ =	sdelay $0x2  }
0x236: {  	vm9 =	vnez.u8 v17  }
0x237: {  	v6 =	vnsel vm9, $0x0, v6  }
0x238: {  	v6 =	vadd.f32 v6, v7;
	_ =	sdelay $0x1  }
0x239: {  	[tilespmem:$0x162A0] =	vst v6;
	v6 =	vld [tilespmem:$0x1FC70];
	_ =	sdelay $0x6  }
0x23a: {  	v18 =	vld [tilespmem:$0x1FC60]  }
0x23b: {  	v6 =	vld.idx.msk [tilespmem:v6+s2+$0x0], $0xffff  }
0x23c: {  	v7 =	vld [tilespmem:$0x162B0];
	_ =	sdelay $0x2  }
0x23d: {  	vm10 =	vnez.u8 v18  }
0x23e: {  	v6 =	vnsel vm10, $0x0, v6  }
0x23f: {  	v6 =	vadd.f32 v6, v7;
	_ =	sdelay $0x1  }
0x240: {  	[tilespmem:$0x162B0] =	vst v6;
	v6 =	vld [tilespmem:$0x1FC90];
	_ =	sdelay $0x6  }
0x241: {  	v19 =	vld [tilespmem:$0x1FC80]  }
0x242: {  	v6 =	vld.idx.msk [tilespmem:v6+s2+$0x0], $0xffff  }
0x243: {  	v7 =	vld [tilespmem:$0x162C0];
	_ =	sdelay $0x2  }
0x244: {  	vm11 =	vnez.u8 v19  }
0x245: {  	v6 =	vnsel vm11, $0x0, v6  }
0x246: {  	v6 =	vadd.f32 v6, v7;
	_ =	sdelay $0x1  }
0x247: {  	[tilespmem:$0x162C0] =	vst v6;
	v6 =	vld [tilespmem:$0x1FCB0];
	_ =	sdelay $0x6  }
0x248: {  	v20 =	vld [tilespmem:$0x1FCA0]  }
0x249: {  	v6 =	vld.idx.msk [tilespmem:v6+s2+$0x0], $0xffff  }
0x24a: {  	v7 =	vld [tilespmem:$0x162D0];
	_ =	sdelay $0x2  }
0x24b: {  	vm4 =	vnez.u8 v20  }
0x24c: {  	v6 =	vnsel vm4, $0x0, v6  }
0x24d: {  	v6 =	vadd.f32 v6, v7;
	_ =	sdelay $0x1  }
0x24e: {  	[tilespmem:$0x162D0] =	vst v6;
	v6 =	vld [tilespmem:$0x1FCD0];
	_ =	sdelay $0x6  }
0x24f: {  	v21 =	vld [tilespmem:$0x1FCC0]  }
0x250: {  	v6 =	vld.idx.msk [tilespmem:v6+s2+$0x0], $0xffff  }
0x251: {  	v7 =	vld [tilespmem:$0x162E0];
	_ =	sdelay $0x2  }
0x252: {  	vm5 =	vnez.u8 v21  }
0x253: {  	v6 =	vnsel vm5, $0x0, v6  }
0x254: {  	v6 =	vadd.f32 v6, v7;
	_ =	sdelay $0x1  }
0x255: {  	[tilespmem:$0x162E0] =	vst v6;
	v6 =	vld [tilespmem:$0x1FCF0];
	_ =	sdelay $0x6  }
0x256: {  	v22 =	vld [tilespmem:$0x1FCE0]  }
0x257: {  	v6 =	vld.idx.msk [tilespmem:v6+s2+$0x0], $0xffff  }
0x258: {  	v7 =	vld [tilespmem:$0x162F0];
	_ =	sdelay $0x2  }
0x259: {  	vm6 =	vnez.u8 v22  }
0x25a: {  	v6 =	vnsel vm6, $0x0, v6  }
0x25b: {  	v6 =	vadd.f32 v6, v7;
	_ =	sdelay $0x1  }
0x25c: {  	[tilespmem:$0x162F0] =	vst v6;
	v6 =	vld [tilespmem:$0x1FD10];
	_ =	sdelay $0x6  }
0x25d: {  	v23 =	vld [tilespmem:$0x1FD00]  }
0x25e: {  	v6 =	vld.idx.msk [tilespmem:v6+s2+$0x0], $0xffff  }
0x25f: {  	v7 =	vld [tilespmem:$0x16300];
	_ =	sdelay $0x2  }
0x260: {  	vm7 =	vnez.u8 v23  }
0x261: {  	v6 =	vnsel vm7, $0x0, v6  }
0x262: {  	v6 =	vadd.f32 v6, v7;
	_ =	sdelay $0x1  }
0x263: {  	[tilespmem:$0x16300] =	vst v6;
	v6 =	vld [tilespmem:$0x1FD30];
	_ =	sdelay $0x6  }
0x264: {  	v24 =	vld [tilespmem:$0x1FD20]  }
0x265: {  	v6 =	vld.idx.msk [tilespmem:v6+s2+$0x0], $0xffff  }
0x266: {  	v7 =	vld [tilespmem:$0x16310];
	_ =	sdelay $0x2  }
0x267: {  	vm8 =	vnez.u8 v24  }
0x268: {  	v6 =	vnsel vm8, $0x0, v6  }
0x269: {  	v6 =	vadd.f32 v6, v7;
	_ =	sdelay $0x1  }
0x26a: {  	[tilespmem:$0x16310] =	vst v6;
	v6 =	vld [tilespmem:$0x1FD50];
	_ =	sdelay $0x6  }
0x26b: {  	v25 =	vld [tilespmem:$0x1FD40]  }
0x26c: {  	v6 =	vld.idx.msk [tilespmem:v6+s2+$0x0], $0xffff  }
0x26d: {  	v7 =	vld [tilespmem:$0x16320];
	_ =	sdelay $0x2  }
0x26e: {  	vm9 =	vnez.u8 v25  }
0x26f: {  	v6 =	vnsel vm9, $0x0, v6  }
0x270: {  	v6 =	vadd.f32 v6, v7;
	_ =	sdelay $0x1  }
0x271: {  	[tilespmem:$0x16320] =	vst v6;
	v6 =	vld [tilespmem:$0x1FD70];
	_ =	sdelay $0x6  }
0x272: {  	v26 =	vld [tilespmem:$0x1FD60]  }
0x273: {  	v6 =	vld.idx.msk [tilespmem:v6+s2+$0x0], $0xffff  }
0x274: {  	v7 =	vld [tilespmem:$0x16330];
	_ =	sdelay $0x2  }
0x275: {  	vm10 =	vnez.u8 v26  }
0x276: {  	v6 =	vnsel vm10, $0x0, v6  }
0x277: {  	v6 =	vadd.f32 v6, v7;
	_ =	sdelay $0x1  }
0x278: {  	[tilespmem:$0x16330] =	vst v6;
	v6 =	vld [tilespmem:$0x1FD90];
	_ =	sdelay $0x6  }
0x279: {  	v27 =	vld [tilespmem:$0x1FD80]  }
0x27a: {  	v6 =	vld.idx.msk [tilespmem:v6+s2+$0x0], $0xffff  }
0x27b: {  	v7 =	vld [tilespmem:$0x16340];
	_ =	sdelay $0x2  }
0x27c: {  	vm11 =	vnez.u8 v27  }
0x27d: {  	v6 =	vnsel vm11, $0x0, v6  }
0x27e: {  	v6 =	vadd.f32 v6, v7;
	_ =	sdelay $0x1  }
0x27f: {  	[tilespmem:$0x16340] =	vst v6;
	v6 =	vld [tilespmem:$0x1FDB0];
	_ =	sdelay $0x6  }
0x280: {  	v28 =	vld [tilespmem:$0x1FDA0]  }
0x281: {  	v6 =	vld.idx.msk [tilespmem:v6+s2+$0x0], $0xffff  }
0x282: {  	v7 =	vld [tilespmem:$0x16350];
	_ =	sdelay $0x2  }
0x283: {  	vm4 =	vnez.u8 v28  }
0x284: {  	v6 =	vnsel vm4, $0x0, v6  }
0x285: {  	v6 =	vadd.f32 v6, v7;
	_ =	sdelay $0x1  }
0x286: {  	[tilespmem:$0x16350] =	vst v6;
	v6 =	vld [tilespmem:$0x1FDD0];
	_ =	sdelay $0x6  }
0x287: {  	v29 =	vld [tilespmem:$0x1FDC0]  }
0x288: {  	v6 =	vld.idx.msk [tilespmem:v6+s2+$0x0], $0xffff  }
0x289: {  	v7 =	vld [tilespmem:$0x16360];
	_ =	sdelay $0x2  }
0x28a: {  	vm5 =	vnez.u8 v29  }
0x28b: {  	v6 =	vnsel vm5, $0x0, v6  }
0x28c: {  	v6 =	vadd.f32 v6, v7;
	_ =	sdelay $0x1  }
0x28d: {  	[tilespmem:$0x16360] =	vst v6;
	v6 =	vld [tilespmem:$0x1FDF0];
	_ =	sdelay $0x6  }
0x28e: {  	v30 =	vld [tilespmem:$0x1FDE0]  }
0x28f: {  	v6 =	vld.idx.msk [tilespmem:v6+s2+$0x0], $0xffff  }
0x290: {  	v7 =	vld [tilespmem:$0x16370];
	_ =	sdelay $0x2  }
0x291: {  	vm6 =	vnez.u8 v30  }
0x292: {  	v6 =	vnsel vm6, $0x0, v6  }
0x293: {  	v6 =	vadd.f32 v6, v7;
	_ =	sdelay $0x1  }
0x294: {  	[tilespmem:$0x16370] =	vst v6;
	v6 =	vld [tilespmem:$0x1FE10];
	_ =	sdelay $0x6  }
0x295: {  	v31 =	vld [tilespmem:$0x1FE00]  }
0x296: {  	v6 =	vld.idx.msk [tilespmem:v6+s2+$0x0], $0xffff  }
0x297: {  	v7 =	vld [tilespmem:$0x16380];
	_ =	sdelay $0x2  }
0x298: {  	vm7 =	vnez.u8 v31  }
0x299: {  	v6 =	vnsel vm7, $0x0, v6  }
0x29a: {  	v6 =	vadd.f32 v6, v7;
	_ =	sdelay $0x1  }
0x29b: {  	[tilespmem:$0x16380] =	vst v6;
	v6 =	vld [tilespmem:$0x1FE30];
	_ =	sdelay $0x6  }
0x29c: {  	v32 =	vld [tilespmem:$0x1FE20]  }
0x29d: {  	v6 =	vld.idx.msk [tilespmem:v6+s2+$0x0], $0xffff  }
0x29e: {  	v7 =	vld [tilespmem:$0x16390];
	_ =	sdelay $0x2  }
0x29f: {  	vm8 =	vnez.u8 v32  }
0x2a0: {  	v6 =	vnsel vm8, $0x0, v6  }
0x2a1: {  	v6 =	vadd.f32 v6, v7;
	_ =	sdelay $0x1  }
0x2a2: {  	[tilespmem:$0x16390] =	vst v6;
	v6 =	vld [tilespmem:$0x1FE50];
	_ =	sdelay $0x6  }
0x2a3: {  	v33 =	vld [tilespmem:$0x1FE40]  }
0x2a4: {  	v6 =	vld.idx.msk [tilespmem:v6+s2+$0x0], $0xffff  }
0x2a5: {  	v7 =	vld [tilespmem:$0x163A0];
	_ =	sdelay $0x2  }
0x2a6: {  	vm9 =	vnez.u8 v33  }
0x2a7: {  	v6 =	vnsel vm9, $0x0, v6  }
0x2a8: {  	v6 =	vadd.f32 v6, v7;
	_ =	sdelay $0x1  }
0x2a9: {  	[tilespmem:$0x163A0] =	vst v6;
	v6 =	vld [tilespmem:$0x1FE70];
	_ =	sdelay $0x6  }
0x2aa: {  	v34 =	vld [tilespmem:$0x1FE60]  }
0x2ab: {  	v6 =	vld.idx.msk [tilespmem:v6+s2+$0x0], $0xffff  }
0x2ac: {  	v7 =	vld [tilespmem:$0x163B0];
	_ =	sdelay $0x2  }
0x2ad: {  	vm10 =	vnez.u8 v34  }
0x2ae: {  	v6 =	vnsel vm10, $0x0, v6  }
0x2af: {  	v6 =	vadd.f32 v6, v7;
	_ =	sdelay $0x1  }
0x2b0: {  	[tilespmem:$0x163B0] =	vst v6;
	v6 =	vld [tilespmem:$0x1FE90];
	_ =	sdelay $0x6  }
0x2b1: {  	v35 =	vld [tilespmem:$0x1FE80]  }
0x2b2: {  	v6 =	vld.idx.msk [tilespmem:v6+s2+$0x0], $0xffff  }
0x2b3: {  	v7 =	vld [tilespmem:$0x163C0];
	_ =	sdelay $0x2  }
0x2b4: {  	vm11 =	vnez.u8 v35  }
0x2b5: {  	v6 =	vnsel vm11, $0x0, v6  }
0x2b6: {  	v6 =	vadd.f32 v6, v7;
	_ =	sdelay $0x1  }
0x2b7: {  	[tilespmem:$0x163C0] =	vst v6;
	v6 =	vld [tilespmem:$0x1FEB0];
	_ =	sdelay $0x6  }
0x2b8: {  	v36 =	vld [tilespmem:$0x1FEA0]  }
0x2b9: {  	v6 =	vld.idx.msk [tilespmem:v6+s2+$0x0], $0xffff  }
0x2ba: {  	v7 =	vld [tilespmem:$0x163D0];
	_ =	sdelay $0x2  }
0x2bb: {  	vm4 =	vnez.u8 v36  }
0x2bc: {  	v6 =	vnsel vm4, $0x0, v6  }
0x2bd: {  	v6 =	vadd.f32 v6, v7;
	_ =	sdelay $0x1  }
0x2be: {  	[tilespmem:$0x163D0] =	vst v6;
	v6 =	vld [tilespmem:$0x1FED0];
	_ =	sdelay $0x6  }
0x2bf: {  	v37 =	vld [tilespmem:$0x1FEC0]  }
0x2c0: {  	v6 =	vld.idx.msk [tilespmem:v6+s2+$0x0], $0xffff  }
0x2c1: {  	v7 =	vld [tilespmem:$0x163E0];
	_ =	sdelay $0x2  }
0x2c2: {  	vm5 =	vnez.u8 v37  }
0x2c3: {  	v6 =	vnsel vm5, $0x0, v6  }
0x2c4: {  	v6 =	vadd.f32 v6, v7;
	_ =	sdelay $0x1  }
0x2c5: {  	[tilespmem:$0x163E0] =	vst v6;
	v6 =	vld [tilespmem:$0x1FEF0];
	_ =	sdelay $0x6  }
0x2c6: {  	v38 =	vld [tilespmem:$0x1FEE0]  }
0x2c7: {  	v6 =	vld.idx.msk [tilespmem:v6+s2+$0x0], $0xffff  }
0x2c8: {  	v7 =	vld [tilespmem:$0x163F0];
	_ =	sdelay $0x2  }
0x2c9: {  	vm6 =	vnez.u8 v38  }
0x2ca: {  	v6 =	vnsel vm6, $0x0, v6  }
0x2cb: {  	v6 =	vadd.f32 v6, v7;
	_ =	sdelay $0x1  }
0x2cc: {  	[tilespmem:$0x163F0] =	vst v6;
	v6 =	vld [tilespmem:$0x1FF10];
	_ =	sdelay $0x6  }
0x2cd: {  	v39 =	vld [tilespmem:$0x1FF00]  }
0x2ce: {  	v6 =	vld.idx.msk [tilespmem:v6+s2+$0x0], $0xffff  }
0x2cf: {  	v7 =	vld [tilespmem:$0x16400];
	_ =	sdelay $0x2  }
0x2d0: {  	vm7 =	vnez.u8 v39  }
0x2d1: {  	v6 =	vnsel vm7, $0x0, v6  }
0x2d2: {  	v6 =	vadd.f32 v6, v7;
	_ =	sdelay $0x1  }
0x2d3: {  	[tilespmem:$0x16400] =	vst v6;
	v6 =	vld [tilespmem:$0x1FF30];
	_ =	sdelay $0x6  }
0x2d4: {  	v40 =	vld [tilespmem:$0x1FF20]  }
0x2d5: {  	v6 =	vld.idx.msk [tilespmem:v6+s2+$0x0], $0xffff  }
0x2d6: {  	v7 =	vld [tilespmem:$0x16410];
	_ =	sdelay $0x2  }
0x2d7: {  	vm8 =	vnez.u8 v40  }
0x2d8: {  	v6 =	vnsel vm8, $0x0, v6  }
0x2d9: {  	v6 =	vadd.f32 v6, v7;
	_ =	sdelay $0x1  }
0x2da: {  	[tilespmem:$0x16410] =	vst v6;
	v6 =	vld [tilespmem:$0x1FF50];
	_ =	sdelay $0x6  }
0x2db: {  	v41 =	vld [tilespmem:$0x1FF40]  }
0x2dc: {  	v6 =	vld.idx.msk [tilespmem:v6+s2+$0x0], $0xffff  }
0x2dd: {  	v7 =	vld [tilespmem:$0x16420];
	_ =	sdelay $0x2  }
0x2de: {  	vm9 =	vnez.u8 v41  }
0x2df: {  	v6 =	vnsel vm9, $0x0, v6  }
0x2e0: {  	v6 =	vadd.f32 v6, v7;
	_ =	sdelay $0x1  }
0x2e1: {  	v42 =	vld [tilespmem:$0x1FF60];
	[tilespmem:$0x16420] =	vst v6  }
0x2e2: {  	v6 =	vld.idx.msk [tilespmem:v52+s2+$0x0], $0xffff  }
0x2e3: {  	v7 =	vld [tilespmem:$0x16430];
	_ =	sdelay $0x2  }
0x2e4: {  	vm10 =	vnez.u8 v42  }
0x2e5: {  	v6 =	vnsel vm10, $0x0, v6  }
0x2e6: {  	v6 =	vadd.f32 v6, v7;
	_ =	sdelay $0x1  }
0x2e7: {  	v43 =	vld [tilespmem:$0x1FF70];
	[tilespmem:$0x16430] =	vst v6  }
0x2e8: {  	v6 =	vld.idx.msk [tilespmem:v53+s2+$0x0], $0xffff  }
0x2e9: {  	v7 =	vld [tilespmem:$0x16440];
	_ =	sdelay $0x2  }
0x2ea: {  	vm11 =	vnez.u8 v43  }
0x2eb: {  	v6 =	vnsel vm11, $0x0, v6  }
0x2ec: {  	v6 =	vadd.f32 v6, v7;
	_ =	sdelay $0x1  }
0x2ed: {  	v44 =	vld [tilespmem:$0x1FF80];
	[tilespmem:$0x16440] =	vst v6  }
0x2ee: {  	v6 =	vld.idx.msk [tilespmem:v54+s2+$0x0], $0xffff  }
0x2ef: {  	v7 =	vld [tilespmem:$0x16450];
	_ =	sdelay $0x2  }
0x2f0: {  	vm4 =	vnez.u8 v44  }
0x2f1: {  	v6 =	vnsel vm4, $0x0, v6  }
0x2f2: {  	v6 =	vadd.f32 v6, v7;
	_ =	sdelay $0x1  }
0x2f3: {  	v45 =	vld [tilespmem:$0x1FF90];
	[tilespmem:$0x16450] =	vst v6  }
0x2f4: {  	v6 =	vld.idx.msk [tilespmem:v55+s2+$0x0], $0xffff  }
0x2f5: {  	v7 =	vld [tilespmem:$0x16460];
	_ =	sdelay $0x2  }
0x2f6: {  	vm5 =	vnez.u8 v45  }
0x2f7: {  	v6 =	vnsel vm5, $0x0, v6  }
0x2f8: {  	v6 =	vadd.f32 v6, v7;
	_ =	sdelay $0x1  }
0x2f9: {  	v46 =	vld [tilespmem:$0x1FFA0];
	[tilespmem:$0x16460] =	vst v6  }
0x2fa: {  	v6 =	vld.idx.msk [tilespmem:v56+s2+$0x0], $0xffff  }
0x2fb: {  	v7 =	vld [tilespmem:$0x16470];
	_ =	sdelay $0x2  }
0x2fc: {  	vm6 =	vnez.u8 v46  }
0x2fd: {  	v6 =	vnsel vm6, $0x0, v6  }
0x2fe: {  	v6 =	vadd.f32 v6, v7;
	_ =	sdelay $0x1  }
0x2ff: {  	v47 =	vld [tilespmem:$0x1FFB0];
	[tilespmem:$0x16470] =	vst v6  }
0x300: {  	v6 =	vld.idx.msk [tilespmem:v57+s2+$0x0], $0xffff  }
0x301: {  	v7 =	vld [tilespmem:$0x16480];
	_ =	sdelay $0x2  }
0x302: {  	vm7 =	vnez.u8 v47  }
0x303: {  	v6 =	vnsel vm7, $0x0, v6  }
0x304: {  	v6 =	vadd.f32 v6, v7;
	_ =	sdelay $0x1  }
0x305: {  	v48 =	vld [tilespmem:$0x1FFC0];
	[tilespmem:$0x16480] =	vst v6  }
0x306: {  	v6 =	vld.idx.msk [tilespmem:v58+s2+$0x0], $0xffff  }
0x307: {  	v7 =	vld [tilespmem:$0x16490];
	_ =	sdelay $0x2  }
0x308: {  	vm8 =	vnez.u8 v48  }
0x309: {  	v6 =	vnsel vm8, $0x0, v6  }
0x30a: {  	v6 =	vadd.f32 v6, v7;
	_ =	sdelay $0x1  }
0x30b: {  	v49 =	vld [tilespmem:$0x1FFD0];
	[tilespmem:$0x16490] =	vst v6  }
0x30c: {  	v6 =	vld.idx.msk [tilespmem:v59+s2+$0x0], $0xffff  }
0x30d: {  	v7 =	vld [tilespmem:$0x164A0];
	_ =	sdelay $0x2  }
0x30e: {  	vm9 =	vnez.u8 v49  }
0x30f: {  	v6 =	vnsel vm9, $0x0, v6  }
0x310: {  	v6 =	vadd.f32 v6, v7;
	_ =	sdelay $0x1  }
0x311: {  	v50 =	vld [tilespmem:$0x1FFE0];
	[tilespmem:$0x164A0] =	vst v6  }
0x312: {  	v6 =	vld.idx.msk [tilespmem:v60+s2+$0x0], $0xffff  }
0x313: {  	v7 =	vld [tilespmem:$0x164B0];
	_ =	sdelay $0x2  }
0x314: {  	vm10 =	vnez.u8 v50  }
0x315: {  	v6 =	vnsel vm10, $0x0, v6  }
0x316: {  	v6 =	vadd.f32 v6, v7;
	_ =	sdelay $0x1  }
0x317: {  	v51 =	vld [tilespmem:$0x1FFF0];
	[tilespmem:$0x164B0] =	vst v6  }
0x318: {  	v6 =	vld.idx.msk [tilespmem:v61+s2+$0x0], $0xffff  }
0x319: {  	v7 =	vld [tilespmem:$0x164C0];
	_ =	sdelay $0x2  }
0x31a: {  	vm11 =	vnez.u8 v51  }
0x31b: {  	v6 =	vnsel vm11, $0x0, v6  }
0x31c: {  	v6 =	vadd.f32 v6, v7;
	_ =	sdelay $0x1  }
0x31d: {  	[tilespmem:$0x164C0] =	vst v6  }
0x31e: {  	v6 =	vld.idx.msk [tilespmem:v62+s2+$0x0], $0xffff  }
0x31f: {  	v7 =	vld [tilespmem:$0x164D0];
	_ =	sdelay $0x3  }
0x320: {  	v6 =	vnsel vm13, $0x0, v6  }
0x321: {  	v6 =	vadd.f32 v6, v7;
	_ =	sdelay $0x1  }
0x322: {  	[tilespmem:$0x164D0] =	vst v6  }
0x323: {  	v6 =	vld.idx.msk [tilespmem:v63+s2+$0x0], $0xffff  }
0x324: {  	v7 =	vld [tilespmem:$0x164E0];
	_ =	sdelay $0x3  }
0x325: {  	v6 =	vnsel vm14, $0x0, v6  }
0x326: {  	v6 =	vadd.f32 v6, v7;
	_ =	sdelay $0x1  }
0x327: {  	[tilespmem:$0x164E0] =	vst v6  }
0x328: {  	v6 =	vld.idx.msk [tilespmem:v1+s2+$0x0], $0xffff  }
0x329: {  	v7 =	vld [tilespmem:$0x164F0];
	_ =	sdelay $0x3  }
0x32a: {  	v6 =	vnsel vm15, $0x0, v6  }
0x32b: {  	s17 =	sadd.s32 $0x1, s17;
	v6 =	vadd.f32 v6, v7  }
0x32c: {  	p1 =	sne.s32 s17, s9  }
.Ltmp4:
0x32d: {  	[tilespmem:$0x164F0] =	vst v6;
	(pc) =	sbr.rel @p1 .LBB2_1-.Ltmp4, $4  }
0x32e: {  	[hbm4b:s8+s2] =	stream.linear.scatter [tilespmem:s16], [sflag:$0x1], $0x400, $0x38;
	[tilespmem:$0x16680] =	vst v63  }
0x32f: {  	_ =	swait.ge [sflag:s10], $0x400  }
0x330: {  	[sflag:s10] =	ssyncset.done $0x0  }
0x331: {  	[sflag:s10] =	ssyncadd.s32 $0xFFFFFC00  }
0x332: {  	_ =	sfence.sel $0x180000  }
0x333: {  	[bflag:$0x0] =	sbarrier.arrive $0xFFFF  }
0x334: {  	_ =	strace $0x9000004A  }
0x335: {  	s0 =	sadd.s32 @!p0 $0x100000, s0;
	[bflag:$0x2] =	sbarrier.arrive $0xFFFF  }
0x336: {  	[sflag:s0] =	ssyncadd.tile.s32 @!p0 $0x1;
	_ =	shalt  }
.Lfunc_end2:
_tile_overlayer_lowered:
.L_overlay_start_2:
0x337: {  	(tag) =	ssettag $0x2  }
0x338: {  	s0 =	rddreg [dreg:$0x0];
	s2 =	stileid.u32  }
0x339: {  	s1 =	rddreg [dreg:$0x1];
	p0 =	sne.s32 s2, $0x0  }
0x33a: {  	s3 =	rddreg [dreg:$0x2];
	[bflag:$0x3] =	sbarrier.arrive $0xFFFF;
	s2 =	simm.s32 @!p0 $0x1C01  }
0x33b: {  	[timem:s3], [sflag:s2] =	dma.local @!p0 [hbm:s0], s1  }
0x33c: {  	s0 =	simm.s32 @!p0 $0x1  }
0x33d: {  	_ =	swait.ge @!p0 [sflag:s0], s1  }
0x33e: {  	s1 =	ssub.s32 @!p0 $0x0, s1;
	[sflag:s0] =	ssyncset.done @!p0 $0x0  }
0x33f: {  	[sflag:s0] =	ssyncadd.s32 @!p0 s1  }
0x340: {  	[bflag:$0x3] =	sbarrier.arrive $0xFFFF  }
0x341: {  	_ =	shalt  }

</sc_bundles>
